<compile_context>
chip_gen: v7x
topology: tpu7x:2x2x1
jax: 0.10.2.dev20260603
libtpu: 0.0.44.dev20260713+nightly
codegen_flags: <defaults>
</compile_context>

<pallas_src>
import jax
import jax.numpy as jnp
from jax import lax
from jax.experimental import pallas as pl
from jax.experimental.pallas import tpu as pltpu
from jax.experimental.pallas import tpu_sc as plsc

N_NODES = 10000
N_GRAPHS = 500
BN_EPS = 1e-5
BN_SCALE = (1.0 + BN_EPS) ** -0.5

NC = 2
NS = 16
NW = NC * NS
CH = 128

K_EDGE = 80
N_ACC = 10112


def _make_edge_scatter(d, n_acc):
  mesh = plsc.VectorSubcoreMesh(core_axis_name="c", subcore_axis_name="s")
  z_per = n_acc // NS
  assert K_EDGE % 4 == 0 and z_per % 8 == 0

  def body(table_hbm, src_hbm, dst_hbm, zeros_hbm, out_hbm,
           src_v, dst_v, b0, b1, b2, b3, acc,
           g0, g1, g2, g3, s0, s1, s2, s3):
    c = lax.axis_index("c")
    s = lax.axis_index("s")
    wid = s * NC + c
    bufs = (b0, b1, b2, b3)
    gsems = (g0, g1, g2, g3)
    ssems = (s0, s1, s2, s3)

    pltpu.sync_copy(zeros_hbm.at[pl.ds(s * z_per, z_per)],
                    acc.at[pl.ds(s * z_per, z_per)])
    pltpu.sync_copy(src_hbm.at[wid], src_v)
    pltpu.sync_copy(dst_hbm.at[wid], dst_v)
    plsc.subcore_barrier()

    def gather(k, j):
      pltpu.async_copy(table_hbm.at[src_v.at[k]], bufs[j], gsems[j])

    def scatter(k, j):
      pltpu.async_copy(bufs[j], acc.at[dst_v.at[k]], ssems[j], add=True)

    def wait_gather(k, j):
      pltpu.make_async_copy(table_hbm.at[src_v.at[k]], bufs[j],
                            gsems[j]).wait()

    def wait_scatter(k, j):
      pltpu.make_async_copy(bufs[j], acc.at[dst_v.at[k]], ssems[j]).wait()

    gather(0, 0)
    gather(1, 1)

    def step(m, carry):
      base = 4 * m
      for j in range(4):
        k = base + j
        jn = (j + 2) % 4

        @pl.when(k - 2 >= 0)
        def _():
          wait_scatter(k - 2, jn)

        @pl.when(k + 2 < K_EDGE)
        def _():
          gather(k + 2, jn)

        wait_gather(k, j)
        scatter(k, j)
      return carry

    lax.fori_loop(0, K_EDGE // 4, step, 0)
    wait_scatter(K_EDGE - 2, 2)
    wait_scatter(K_EDGE - 1, 3)
    plsc.subcore_barrier()

    pltpu.sync_copy(acc.at[pl.ds(s * z_per, z_per)],
                    out_hbm.at[c, pl.ds(s * z_per, z_per)])

  return pl.kernel(
      body,
      out_type=jax.ShapeDtypeStruct((NC, n_acc, d), jnp.float32),
      mesh=mesh,
      compiler_params=pltpu.CompilerParams(use_tc_tiling_on_sc=False),
      scratch_types=[
          pltpu.VMEM((K_EDGE, CH), jnp.int32),
          pltpu.VMEM((K_EDGE, CH), jnp.int32),
          pltpu.VMEM((CH, d), jnp.float32),
          pltpu.VMEM((CH, d), jnp.float32),
          pltpu.VMEM((CH, d), jnp.float32),
          pltpu.VMEM((CH, d), jnp.float32),
          pltpu.VMEM_SHARED((n_acc, d), jnp.float32),
          pltpu.SemaphoreType.DMA,
          pltpu.SemaphoreType.DMA,
          pltpu.SemaphoreType.DMA,
          pltpu.SemaphoreType.DMA,
          pltpu.SemaphoreType.DMA,
          pltpu.SemaphoreType.DMA,
          pltpu.SemaphoreType.DMA,
          pltpu.SemaphoreType.DMA,
      ],
  )


def _make_hist(d, n_acc):
  mesh = plsc.VectorSubcoreMesh(core_axis_name="c", subcore_axis_name="s")
  z_per = n_acc // NS
  assert z_per % 8 == 0

  def body(ones_hbm, dst_hbm, zeros_hbm, out_hbm,
           dst_v, rows_v, acc, s0, s1, s2, s3):
    c = lax.axis_index("c")
    s = lax.axis_index("s")
    wid = s * NC + c
    ssems = (s0, s1, s2, s3)

    pltpu.sync_copy(zeros_hbm.at[pl.ds(s * z_per, z_per)],
                    acc.at[pl.ds(s * z_per, z_per)])
    pltpu.sync_copy(dst_hbm.at[wid], dst_v)
    pltpu.sync_copy(ones_hbm, rows_v)
    plsc.subcore_barrier()

    def scatter(k, jj):
      pltpu.async_copy(rows_v, acc.at[dst_v.at[k]], ssems[jj], add=True)

    def wait_scatter(k, jj):
      pltpu.make_async_copy(rows_v, acc.at[dst_v.at[k]], ssems[jj]).wait()

    scatter(0, 0)
    scatter(1, 1)
    scatter(2, 2)

    def step(m, carry):
      base = 4 * m
      for j in range(4):
        k = base + j

        @pl.when(k + 3 < K_EDGE)
        def _():
          scatter(k + 3, (j + 3) % 4)

        wait_scatter(k, j)
      return carry

    lax.fori_loop(0, K_EDGE // 4, step, 0)
    plsc.subcore_barrier()
    pltpu.sync_copy(acc.at[pl.ds(s * z_per, z_per)],
                    out_hbm.at[c, pl.ds(s * z_per, z_per)])

  return pl.kernel(
      body,
      out_type=jax.ShapeDtypeStruct((NC, n_acc, d), jnp.float32),
      mesh=mesh,
      compiler_params=pltpu.CompilerParams(use_tc_tiling_on_sc=False),
      scratch_types=[
          pltpu.VMEM((K_EDGE, CH), jnp.int32),
          pltpu.VMEM((CH, d), jnp.float32),
          pltpu.VMEM_SHARED((n_acc, d), jnp.float32),
          pltpu.SemaphoreType.DMA,
          pltpu.SemaphoreType.DMA,
          pltpu.SemaphoreType.DMA,
          pltpu.SemaphoreType.DMA,
      ],
  )


def _dinv_from_deg(deg_ref):
  cnt = deg_ref[0, :N_NODES, 0:1] + deg_ref[1, :N_NODES, 0:1]
  return lax.rsqrt(cnt + 1.0)


def _tc_a(x_ref, w_ref, deg_ref, g1_ref):
  dinv = _dinv_from_deg(deg_ref)
  t = jnp.dot(x_ref[...], w_ref[...], preferred_element_type=jnp.float32)
  g1_ref[:N_NODES, :] = t * dinv
  g1_ref[N_NODES:, :] = jnp.zeros((N_ACC - N_NODES, 64), jnp.float32)


def _tc_b(s1_ref, g1_ref, deg_ref, b1_ref, ga1_ref, be1_ref, g2_ref):
  dinv = _dinv_from_deg(deg_ref)
  u = dinv * (s1_ref[0, :N_NODES, :] + s1_ref[1, :N_NODES, :]
              + g1_ref[:N_NODES, :]) + b1_ref[...]
  t = u * (BN_SCALE * ga1_ref[...]) + be1_ref[...]
  h1 = jnp.where(t >= 0, t, 0.02 * t)
  g2_ref[:N_NODES, :] = h1 * dinv
  g2_ref[N_NODES:, :] = jnp.zeros((N_ACC - N_NODES, 64), jnp.float32)


def _tc_c(s2_ref, g2_ref, deg_ref, w2_ref, b2_ref, ga2_ref, be2_ref,
          h2_ref, g3a_ref, g3b_ref):
  dinv = _dinv_from_deg(deg_ref)
  v = dinv * (s2_ref[0, :N_NODES, :] + s2_ref[1, :N_NODES, :]
              + g2_ref[:N_NODES, :])
  h2 = (jnp.dot(v, w2_ref[...], preferred_element_type=jnp.float32)
        + b2_ref[...]) * (BN_SCALE * ga2_ref[...]) + be2_ref[...]
  h2_ref[...] = h2
  g3 = h2 * dinv
  g3a_ref[:N_NODES, :] = g3[:, :64]
  g3b_ref[:N_NODES, :] = g3[:, 64:]
  g3a_ref[N_NODES:, :] = jnp.zeros((N_ACC - N_NODES, 64), jnp.float32)
  g3b_ref[N_NODES:, :] = jnp.zeros((N_ACC - N_NODES, 64), jnp.float32)


def _tc_d(s3a_ref, s3b_ref, g3a_ref, g3b_ref, deg_ref, w3_ref, b3_ref,
          emb_ref):
  cnt = deg_ref[0, :, 0:1] + deg_ref[1, :, 0:1]
  dinv = lax.rsqrt(cnt + 1.0)
  wa = s3a_ref[0] + s3a_ref[1] + g3a_ref[...]
  wb = s3b_ref[0] + s3b_ref[1] + g3b_ref[...]
  w = dinv * jnp.concatenate([wa, wb], axis=1)
  emb_ref[...] = jnp.dot(w, w3_ref[...],
                         preferred_element_type=jnp.float32) + b3_ref[...]


def _tc_pool(nblk):
  def body(binds_ref, h2_ref, rep_ref, cnt_s):
    i = pl.program_id(0)
    gids = lax.broadcasted_iota(jnp.int32, (1, N_GRAPHS), 1)
    oh = (binds_ref[...] == gids).astype(jnp.float32)
    bs = lax.dot_general(oh, h2_ref[...], (((0,), (0,)), ((), ())),
                         preferred_element_type=jnp.float32)
    bc = jnp.sum(oh, axis=0)[:, None]

    @pl.when(i == 0)
    def _():
      rep_ref[...] = bs
      cnt_s[...] = bc

    @pl.when(i > 0)
    def _():
      rep_ref[...] += bs
      cnt_s[...] += bc

    @pl.when(i == nblk - 1)
    def _():
      rep_ref[...] = rep_ref[...] / jnp.maximum(cnt_s[...], 1.0)

  return body


def _pad_chunks(a, fill):
  total = NW * K_EDGE * CH
  a = jnp.concatenate(
      [a, jnp.full((total - a.shape[0],), fill, dtype=jnp.int32)])
  return a.reshape(NW, K_EDGE, CH)


@jax.jit
def kernel(x, edge_index, binds, W1, b1, g1, be1, W2, b2, g2, be2, W3, b3):
  f32 = jnp.float32
  src = _pad_chunks(edge_index[0].astype(jnp.int32), 0)
  dst = _pad_chunks(edge_index[1].astype(jnp.int32), N_NODES)

  ones_h = jnp.ones((CH, 8), f32)
  zeros64 = jnp.zeros((N_ACC, 64), f32)
  zeros_h = jnp.zeros((N_ACC, 8), f32)

  deg_k = _make_hist(8, N_ACC)
  scat64 = _make_edge_scatter(64, N_ACC)

  deg = deg_k(ones_h, dst, zeros_h)

  g1v = pl.pallas_call(
      _tc_a, out_shape=jax.ShapeDtypeStruct((N_ACC, 64), f32),
  )(x, W1, deg)

  S1 = scat64(g1v, src, dst, zeros64)

  g2v = pl.pallas_call(
      _tc_b, out_shape=jax.ShapeDtypeStruct((N_ACC, 64), f32),
  )(S1, g1v, deg, b1.reshape(1, 64), g1.reshape(1, 64), be1.reshape(1, 64))

  S2 = scat64(g2v, src, dst, zeros64)

  h2, g3a, g3b = pl.pallas_call(
      _tc_c, out_shape=(jax.ShapeDtypeStruct((N_NODES, 128), f32),
                        jax.ShapeDtypeStruct((N_ACC, 64), f32),
                        jax.ShapeDtypeStruct((N_ACC, 64), f32)),
  )(S2, g2v, deg, W2, b2.reshape(1, 128), g2.reshape(1, 128),
    be2.reshape(1, 128))

  S3a = scat64(g3a, src, dst, zeros64)
  S3b = scat64(g3b, src, dst, zeros64)

  B = 2000
  x_emb = pl.pallas_call(
      _tc_d,
      grid=(N_NODES // B,),
      in_specs=[
          pl.BlockSpec((2, B, 64), lambda i: (0, i, 0)),
          pl.BlockSpec((2, B, 64), lambda i: (0, i, 0)),
          pl.BlockSpec((B, 64), lambda i: (i, 0)),
          pl.BlockSpec((B, 64), lambda i: (i, 0)),
          pl.BlockSpec((2, B, 8), lambda i: (0, i, 0)),
          pl.BlockSpec((128, 256), lambda i: (0, 0)),
          pl.BlockSpec((1, 256), lambda i: (0, 0)),
      ],
      out_specs=pl.BlockSpec((B, 256), lambda i: (i, 0)),
      out_shape=jax.ShapeDtypeStruct((N_NODES, 256), f32),
  )(S3a, S3b, g3a, g3b, deg, W3, b3.reshape(1, 256))

  PB = 2000
  x_rep = pl.pallas_call(
      _tc_pool(N_NODES // PB),
      grid=(N_NODES // PB,),
      in_specs=[
          pl.BlockSpec((PB, 1), lambda i: (i, 0)),
          pl.BlockSpec((PB, 128), lambda i: (i, 0)),
      ],
      out_specs=pl.BlockSpec((N_GRAPHS, 128), lambda i: (0, 0)),
      out_shape=jax.ShapeDtypeStruct((N_GRAPHS, 128), f32),
      scratch_shapes=[pltpu.VMEM((N_GRAPHS, 1), f32)],
  )(binds.astype(jnp.int32).reshape(N_NODES, 1), h2)

  return (x_rep, x_emb)

# --- scband reference (transcript-rebuilt; emitter-appended) ---
"""Pipeline reference for scband-gcn-80041010528418 (READ-ONLY COPY).

The authoritative reference and input builder live on the scoring server;
editing this copy changes nothing except your own understanding.
"""

import jax, jax.numpy as jnp
import numpy as np

N_NODES = 10000
N_EDGES = 320000
D_IN = 128
REP_DIM = 128
N_GRAPHS = 500
BN_EPS = 1e-5


def gcn_conv(x, edge_index, W, b, num_nodes):
    # GCNConv: out = D^{-1/2} (A + I) D^{-1/2} X W + b
    src = edge_index[0]
    dst = edge_index[1]
    loop = jnp.arange(num_nodes, dtype=edge_index.dtype)
    src = jnp.concatenate([src, loop])
    dst = jnp.concatenate([dst, loop])
    deg = jnp.zeros((num_nodes,), dtype=x.dtype).at[dst].add(1.0)
    dinv = jnp.where(deg > 0, deg ** -0.5, 0.0)
    norm = dinv[src] * dinv[dst]
    h = x @ W
    msg = h[src] * norm[:, None]
    out = jnp.zeros((num_nodes, W.shape[1]), dtype=x.dtype).at[dst].add(msg)
    return out + b


def batchnorm_eval(x, gamma, beta):
    # eval-mode BatchNorm1d with running_mean=0, running_var=1
    return (x / jnp.sqrt(1.0 + BN_EPS)) * gamma + beta


def leaky_relu(x, slope=0.02):
    return jnp.where(x >= 0, x, slope * x)


def global_mean_pool(x, binds, num_graphs):
    sums = jax.ops.segment_sum(x, binds, num_segments=num_graphs)
    cnts = jax.ops.segment_sum(jnp.ones((x.shape[0],), dtype=x.dtype), binds, num_segments=num_graphs)
    return sums / jnp.clip(cnts, 1.0)[:, None]


def setup_inputs(seed: int = 0) -> dict:
    key = jax.random.key(seed)
    ks = jax.random.split(key, 16)
    x = jax.random.normal(ks[0], (N_NODES, D_IN), dtype=jnp.float32)
    edge_index = jax.random.randint(ks[1], (2, N_EDGES), 0, N_NODES, dtype=jnp.int64 if jax.config.jax_enable_x64 else jnp.int32)
    binds = jnp.sort(jax.random.randint(ks[2], (N_NODES,), 0, N_GRAPHS, dtype=jnp.int32))
    d1 = REP_DIM // 2  # 64
    d2 = REP_DIM      # 128
    d3 = REP_DIM * 2  # 256
    W1 = jax.random.normal(ks[3], (D_IN, d1), dtype=jnp.float32) * (1.0 / np.sqrt(D_IN))
    b1 = jnp.zeros((d1,), dtype=jnp.float32)
    g1 = jnp.ones((d1,), dtype=jnp.float32)
    be1 = jnp.zeros((d1,), dtype=jnp.float32)
    W2 = jax.random.normal(ks[4], (d1, d2), dtype=jnp.float32) * (1.0 / np.sqrt(d1))
    b2 = jnp.zeros((d2,), dtype=jnp.float32)
    g2 = jnp.ones((d2,), dtype=jnp.float32)
    be2 = jnp.zeros((d2,), dtype=jnp.float32)
    W3 = jax.random.normal(ks[5], (d2, d3), dtype=jnp.float32) * (1.0 / np.sqrt(d2))
    b3 = jnp.zeros((d3,), dtype=jnp.float32)
    return {"x": x, "edge_index": edge_index, "binds": binds,
            "W1": W1, "b1": b1, "g1": g1, "be1": be1,
            "W2": W2, "b2": b2, "g2": g2, "be2": be2,
            "W3": W3, "b3": b3}


def reference(x, edge_index, binds, W1, b1, g1, be1, W2, b2, g2, be2, W3, b3):
    h = gcn_conv(x, edge_index, W1, b1, N_NODES)
    h = leaky_relu(batchnorm_eval(h, g1, be1))
    # dropout in eval mode -> identity
    h = batchnorm_eval(gcn_conv(h, edge_index, W2, b2, N_NODES), g2, be2)
    x_rep = global_mean_pool(h, binds, N_GRAPHS)
    x_emb = gcn_conv(h, edge_index, W3, b3, N_NODES)
    return (x_rep, x_emb)

if __name__ == "__main__":
    import jax
    _d = setup_inputs()
    print(jax.jit(kernel)(*tuple(_d.values())))

</pallas_src>

<mosaic_0001>
#map = affine_map<(d0, d1) -> (0, 0)>
#map1 = affine_map<(d0, d1) -> (0, 0, 0)>
module attributes {stable_mosaic.version = 14 : i64} {
  func.func @body(%arg0: i32, %arg1: i32, %arg2: memref<10112x64xf32, #tpu.memory_space<hbm>>, %arg3: memref<32x80x128xi32, #tpu.memory_space<hbm>>, %arg4: memref<32x80x128xi32, #tpu.memory_space<hbm>>, %arg5: memref<10112x64xf32, #tpu.memory_space<hbm>>, %arg6: memref<2x10112x64xf32, #tpu.memory_space<hbm>>, %arg7: memref<80x128xi32, #tpu.memory_space<vmem>>, %arg8: memref<80x128xi32, #tpu.memory_space<vmem>>, %arg9: memref<128x64xf32, #tpu.memory_space<vmem>>, %arg10: memref<128x64xf32, #tpu.memory_space<vmem>>, %arg11: memref<128x64xf32, #tpu.memory_space<vmem>>, %arg12: memref<128x64xf32, #tpu.memory_space<vmem>>, %arg13: memref<10112x64xf32, #tpu.memory_space<vmem_shared>>, %arg14: memref<!tpu.dma_semaphore, #tpu.memory_space<semaphore_mem>>, %arg15: memref<!tpu.dma_semaphore, #tpu.memory_space<semaphore_mem>>, %arg16: memref<!tpu.dma_semaphore, #tpu.memory_space<semaphore_mem>>, %arg17: memref<!tpu.dma_semaphore, #tpu.memory_space<semaphore_mem>>, %arg18: memref<!tpu.dma_semaphore, #tpu.memory_space<semaphore_mem>>, %arg19: memref<!tpu.dma_semaphore, #tpu.memory_space<semaphore_mem>>, %arg20: memref<!tpu.dma_semaphore, #tpu.memory_space<semaphore_mem>>, %arg21: memref<!tpu.dma_semaphore, #tpu.memory_space<semaphore_mem>>) attributes {dimension_semantics = [#tpu.dimension_semantics<core_parallel>, #tpu.dimension_semantics<subcore_parallel>], iteration_bounds = array<i64: 2, 16>, scalar_prefetch = 0 : i64, scratch_operands = 15 : i64, tpu.core_type = #tpu.core_type<sc_vector_subcore>, window_params = [{transform_indices = #map}, {transform_indices = #map1}, {transform_indices = #map1}, {transform_indices = #map}, {transform_indices = #map1}]} {
    %mul3A = arith.constant 2 : i32
    %mul3A_0 = arith.muli %arg1, %mul3A : i32
    %add3A = arith.addi %mul3A_0, %arg0 : i32
    %mul3A_1 = arith.constant 632 : i32
    %mul3A_2 = arith.muli %arg1, %mul3A_1 : i32
    %mul3A_3 = arith.constant 632 : i32
    %mul3A_4 = arith.muli %arg1, %mul3A_3 : i32
    "tpu.region"() ({
      %run_scoped3A = tpu.sem_alloc : memref<!tpu.dma_semaphore, #tpu.memory_space<semaphore_mem>>
      %dma_start3A_41 = arith.constant 0 : i32
      %dma_start3A_42 = tpu.memref_slice %arg13[%mul3A_4, %dma_start3A_41] : memref<10112x64xf32, #tpu.memory_space<vmem_shared>> -> memref<632x64xf32, #tpu.memory_space<vmem_shared>>
      %dma_start3A_43 = arith.constant 0 : i32
      %dma_start3A_44 = tpu.memref_slice %arg5[%mul3A_2, %dma_start3A_43] : memref<10112x64xf32, #tpu.memory_space<hbm>> -> memref<632x64xf32, #tpu.memory_space<hbm>>
      tpu.enqueue_dma source(%dma_start3A_44 : memref<632x64xf32, #tpu.memory_space<hbm>>) target(%dma_start3A_42 : memref<632x64xf32, #tpu.memory_space<vmem_shared>>) target_semaphore(%run_scoped3A : memref<!tpu.dma_semaphore, #tpu.memory_space<semaphore_mem>>)
      %dma_wait3A_45 = arith.constant 0 : i32
      %dma_wait3A_46 = tpu.memref_slice %arg13[%mul3A_4, %dma_wait3A_45] : memref<10112x64xf32, #tpu.memory_space<vmem_shared>> -> memref<632x64xf32, #tpu.memory_space<vmem_shared>>
      %dma_wait3A_47 = arith.constant 0 : i32
      %dma_wait3A_48 = tpu.memref_slice %arg5[%mul3A_2, %dma_wait3A_47] : memref<10112x64xf32, #tpu.memory_space<hbm>> -> memref<632x64xf32, #tpu.memory_space<hbm>>
      tpu.wait_dma2 semaphore(%run_scoped3A : memref<!tpu.dma_semaphore, #tpu.memory_space<semaphore_mem>>) src(%dma_wait3A_48 : memref<632x64xf32, #tpu.memory_space<hbm>>) dst(%dma_wait3A_46 : memref<632x64xf32, #tpu.memory_space<vmem_shared>>)
      tpu.yield
    }) : () -> ()
    "tpu.region"() ({
      %run_scoped3A = tpu.sem_alloc : memref<!tpu.dma_semaphore, #tpu.memory_space<semaphore_mem>>
      %dma_start3A_41 = arith.constant 0 : i32
      %dma_start3A_42 = arith.constant 0 : i32
      %dma_start3A_43 = tpu.memref_slice %arg3[%add3A, %dma_start3A_41, %dma_start3A_42] : memref<32x80x128xi32, #tpu.memory_space<hbm>> -> memref<1x80x128xi32, #tpu.memory_space<hbm>>
      %dma_start3A_44 = tpu.memref_squeeze %dma_start3A_43 : memref<1x80x128xi32, #tpu.memory_space<hbm>> -> memref<80x128xi32, #tpu.memory_space<hbm>>
      %dma_start3A_45 = arith.constant 0 : i32
      %dma_start3A_46 = arith.constant 0 : i32
      %dma_start3A_47 = tpu.memref_slice %arg3[%add3A, %dma_start3A_45, %dma_start3A_46] : memref<32x80x128xi32, #tpu.memory_space<hbm>> -> memref<1x80x128xi32, #tpu.memory_space<hbm>>
      %dma_start3A_48 = tpu.memref_squeeze %dma_start3A_47 : memref<1x80x128xi32, #tpu.memory_space<hbm>> -> memref<80x128xi32, #tpu.memory_space<hbm>>
      tpu.enqueue_dma source(%dma_start3A_48 : memref<80x128xi32, #tpu.memory_space<hbm>>) target(%arg7 : memref<80x128xi32, #tpu.memory_space<vmem>>) target_semaphore(%run_scoped3A : memref<!tpu.dma_semaphore, #tpu.memory_space<semaphore_mem>>)
      %dma_wait3A_49 = arith.constant 0 : i32
      %dma_wait3A_50 = arith.constant 0 : i32
      %dma_wait3A_51 = tpu.memref_slice %arg3[%add3A, %dma_wait3A_49, %dma_wait3A_50] : memref<32x80x128xi32, #tpu.memory_space<hbm>> -> memref<1x80x128xi32, #tpu.memory_space<hbm>>
      %dma_wait3A_52 = tpu.memref_squeeze %dma_wait3A_51 : memref<1x80x128xi32, #tpu.memory_space<hbm>> -> memref<80x128xi32, #tpu.memory_space<hbm>>
      %dma_wait3A_53 = arith.constant 0 : i32
      %dma_wait3A_54 = arith.constant 0 : i32
      %dma_wait3A_55 = tpu.memref_slice %arg3[%add3A, %dma_wait3A_53, %dma_wait3A_54] : memref<32x80x128xi32, #tpu.memory_space<hbm>> -> memref<1x80x128xi32, #tpu.memory_space<hbm>>
      %dma_wait3A_56 = tpu.memref_squeeze %dma_wait3A_55 : memref<1x80x128xi32, #tpu.memory_space<hbm>> -> memref<80x128xi32, #tpu.memory_space<hbm>>
      tpu.wait_dma2 semaphore(%run_scoped3A : memref<!tpu.dma_semaphore, #tpu.memory_space<semaphore_mem>>) src(%dma_wait3A_56 : memref<80x128xi32, #tpu.memory_space<hbm>>) dst(%arg7 : memref<80x128xi32, #tpu.memory_space<vmem>>)
      tpu.yield
    }) : () -> ()
    "tpu.region"() ({
      %run_scoped3A = tpu.sem_alloc : memref<!tpu.dma_semaphore, #tpu.memory_space<semaphore_mem>>
      %dma_start3A_41 = arith.constant 0 : i32
      %dma_start3A_42 = arith.constant 0 : i32
      %dma_start3A_43 = tpu.memref_slice %arg4[%add3A, %dma_start3A_41, %dma_start3A_42] : memref<32x80x128xi32, #tpu.memory_space<hbm>> -> memref<1x80x128xi32, #tpu.memory_space<hbm>>
      %dma_start3A_44 = tpu.memref_squeeze %dma_start3A_43 : memref<1x80x128xi32, #tpu.memory_space<hbm>> -> memref<80x128xi32, #tpu.memory_space<hbm>>
      %dma_start3A_45 = arith.constant 0 : i32
      %dma_start3A_46 = arith.constant 0 : i32
      %dma_start3A_47 = tpu.memref_slice %arg4[%add3A, %dma_start3A_45, %dma_start3A_46] : memref<32x80x128xi32, #tpu.memory_space<hbm>> -> memref<1x80x128xi32, #tpu.memory_space<hbm>>
      %dma_start3A_48 = tpu.memref_squeeze %dma_start3A_47 : memref<1x80x128xi32, #tpu.memory_space<hbm>> -> memref<80x128xi32, #tpu.memory_space<hbm>>
      tpu.enqueue_dma source(%dma_start3A_48 : memref<80x128xi32, #tpu.memory_space<hbm>>) target(%arg8 : memref<80x128xi32, #tpu.memory_space<vmem>>) target_semaphore(%run_scoped3A : memref<!tpu.dma_semaphore, #tpu.memory_space<semaphore_mem>>)
      %dma_wait3A_49 = arith.constant 0 : i32
      %dma_wait3A_50 = arith.constant 0 : i32
      %dma_wait3A_51 = tpu.memref_slice %arg4[%add3A, %dma_wait3A_49, %dma_wait3A_50] : memref<32x80x128xi32, #tpu.memory_space<hbm>> -> memref<1x80x128xi32, #tpu.memory_space<hbm>>
      %dma_wait3A_52 = tpu.memref_squeeze %dma_wait3A_51 : memref<1x80x128xi32, #tpu.memory_space<hbm>> -> memref<80x128xi32, #tpu.memory_space<hbm>>
      %dma_wait3A_53 = arith.constant 0 : i32
      %dma_wait3A_54 = arith.constant 0 : i32
      %dma_wait3A_55 = tpu.memref_slice %arg4[%add3A, %dma_wait3A_53, %dma_wait3A_54] : memref<32x80x128xi32, #tpu.memory_space<hbm>> -> memref<1x80x128xi32, #tpu.memory_space<hbm>>
      %dma_wait3A_56 = tpu.memref_squeeze %dma_wait3A_55 : memref<1x80x128xi32, #tpu.memory_space<hbm>> -> memref<80x128xi32, #tpu.memory_space<hbm>>
      tpu.wait_dma2 semaphore(%run_scoped3A : memref<!tpu.dma_semaphore, #tpu.memory_space<semaphore_mem>>) src(%dma_wait3A_56 : memref<80x128xi32, #tpu.memory_space<hbm>>) dst(%arg8 : memref<80x128xi32, #tpu.memory_space<vmem>>)
      tpu.yield
    }) : () -> ()
    %barrier3A = arith.constant 0 : index
    tpu.barrier barrier_id(%barrier3A)
    %dma_start3A = arith.constant 0 : i32
    %dma_start3A_5 = arith.constant 0 : i32
    %dma_start3A_6 = tpu.memref_slice %arg7[%dma_start3A, %dma_start3A_5] : memref<80x128xi32, #tpu.memory_space<vmem>> -> memref<1x128xi32, #tpu.memory_space<vmem>>
    %dma_start3A_7 = tpu.memref_squeeze %dma_start3A_6 : memref<1x128xi32, #tpu.memory_space<vmem>> -> memref<128xi32, #tpu.memory_space<vmem>>
    %dma_start3A_8 = arith.constant 0 : i32
    %dma_start3A_9 = arith.constant 0 : i32
    %dma_start3A_10 = tpu.memref_slice %arg2[%dma_start3A_8, %dma_start3A_9] : memref<10112x64xf32, #tpu.memory_space<hbm>> -> memref<10112x64xf32, #tpu.memory_space<hbm>>
    tpu.enqueue_indirect_dma source(%dma_start3A_10 : memref<10112x64xf32, #tpu.memory_space<hbm>>) target(%arg9 : memref<128x64xf32, #tpu.memory_space<vmem>>) offsets(%dma_start3A_7 : memref<128xi32, #tpu.memory_space<vmem>>) semaphore(%arg14 : memref<!tpu.dma_semaphore, #tpu.memory_space<semaphore_mem>>)
    %dma_start3A_11 = arith.constant 1 : i32
    %dma_start3A_12 = arith.constant 0 : i32
    %dma_start3A_13 = tpu.memref_slice %arg7[%dma_start3A_11, %dma_start3A_12] : memref<80x128xi32, #tpu.memory_space<vmem>> -> memref<1x128xi32, #tpu.memory_space<vmem>>
    %dma_start3A_14 = tpu.memref_squeeze %dma_start3A_13 : memref<1x128xi32, #tpu.memory_space<vmem>> -> memref<128xi32, #tpu.memory_space<vmem>>
    %dma_start3A_15 = arith.constant 0 : i32
    %dma_start3A_16 = arith.constant 0 : i32
    %dma_start3A_17 = tpu.memref_slice %arg2[%dma_start3A_15, %dma_start3A_16] : memref<10112x64xf32, #tpu.memory_space<hbm>> -> memref<10112x64xf32, #tpu.memory_space<hbm>>
    tpu.enqueue_indirect_dma source(%dma_start3A_17 : memref<10112x64xf32, #tpu.memory_space<hbm>>) target(%arg10 : memref<128x64xf32, #tpu.memory_space<vmem>>) offsets(%dma_start3A_14 : memref<128xi32, #tpu.memory_space<vmem>>) semaphore(%arg15 : memref<!tpu.dma_semaphore, #tpu.memory_space<semaphore_mem>>)
    %scan3A = arith.constant 0 : i32
    %scan3A_18 = arith.constant 0 : i32
    %scan3A_19 = arith.constant 20 : i32
    %scan3A_20 = arith.addi %scan3A_18, %scan3A_19 : i32
    %scan3A_21 = arith.constant 1 : i32
    scf.for %scan3A_41 = %scan3A_18 to %scan3A_20 step %scan3A_21  : i32 {
      %mul3A_42 = arith.constant 4 : i32
      %mul3A_43 = arith.muli %mul3A_42, %scan3A_41 : i32
      %add3A_44 = arith.constant 0 : i32
      %add3A_45 = arith.addi %mul3A_43, %add3A_44 : i32
      %sub3A = arith.constant 2 : i32
      %sub3A_46 = arith.subi %add3A_45, %sub3A : i32
      %ge3A = arith.constant 0 : i32
      %ge3A_47 = arith.cmpi sge, %sub3A_46, %ge3A : i32
      %convert_element_type3A = arith.extui %ge3A_47 : i1 to i32
      %cond3A = arith.constant 0 : i32
      %cond3A_48 = arith.cmpi ne, %convert_element_type3A, %cond3A : i32
      scf.if %cond3A_48 {
        %sub3A_151 = arith.constant 2 : i32
        %sub3A_152 = arith.subi %add3A_45, %sub3A_151 : i32
        %dma_wait3A_153 = arith.constant 0 : i32
        %dma_wait3A_154 = tpu.memref_slice %arg8[%sub3A_152, %dma_wait3A_153] : memref<80x128xi32, #tpu.memory_space<vmem>> -> memref<1x128xi32, #tpu.memory_space<vmem>>
        %dma_wait3A_155 = tpu.memref_squeeze %dma_wait3A_154 : memref<1x128xi32, #tpu.memory_space<vmem>> -> memref<128xi32, #tpu.memory_space<vmem>>
        %dma_wait3A_156 = arith.constant 0 : i32
        %dma_wait3A_157 = arith.constant 0 : i32
        %dma_wait3A_158 = tpu.memref_slice %arg13[%dma_wait3A_156, %dma_wait3A_157] : memref<10112x64xf32, #tpu.memory_space<vmem_shared>> -> memref<10112x64xf32, #tpu.memory_space<vmem_shared>>
        tpu.wait_indirect_dma semaphore(%arg20 : memref<!tpu.dma_semaphore, #tpu.memory_space<semaphore_mem>>) src(%arg11 : memref<128x64xf32, #tpu.memory_space<vmem>>) dst(%dma_wait3A_158 : memref<10112x64xf32, #tpu.memory_space<vmem_shared>>)
      } else {
      }
      %add3A_49 = arith.constant 2 : i32
      %add3A_50 = arith.addi %add3A_45, %add3A_49 : i32
      %lt3A = arith.constant 80 : i32
      %lt3A_51 = arith.cmpi slt, %add3A_50, %lt3A : i32
      %convert_element_type3A_52 = arith.extui %lt3A_51 : i1 to i32
      %cond3A_53 = arith.constant 0 : i32
      %cond3A_54 = arith.cmpi ne, %convert_element_type3A_52, %cond3A_53 : i32
      scf.if %cond3A_54 {
        %add3A_151 = arith.constant 2 : i32
        %add3A_152 = arith.addi %add3A_45, %add3A_151 : i32
        %dma_start3A_153 = arith.constant 0 : i32
        %dma_start3A_154 = tpu.memref_slice %arg7[%add3A_152, %dma_start3A_153] : memref<80x128xi32, #tpu.memory_space<vmem>> -> memref<1x128xi32, #tpu.memory_space<vmem>>
        %dma_start3A_155 = tpu.memref_squeeze %dma_start3A_154 : memref<1x128xi32, #tpu.memory_space<vmem>> -> memref<128xi32, #tpu.memory_space<vmem>>
        %dma_start3A_156 = arith.constant 0 : i32
        %dma_start3A_157 = arith.constant 0 : i32
        %dma_start3A_158 = tpu.memref_slice %arg2[%dma_start3A_156, %dma_start3A_157] : memref<10112x64xf32, #tpu.memory_space<hbm>> -> memref<10112x64xf32, #tpu.memory_space<hbm>>
        tpu.enqueue_indirect_dma source(%dma_start3A_158 : memref<10112x64xf32, #tpu.memory_space<hbm>>) target(%arg11 : memref<128x64xf32, #tpu.memory_space<vmem>>) offsets(%dma_start3A_155 : memref<128xi32, #tpu.memory_space<vmem>>) semaphore(%arg16 : memref<!tpu.dma_semaphore, #tpu.memory_space<semaphore_mem>>)
      } else {
      }
      %dma_wait3A_55 = arith.constant 0 : i32
      %dma_wait3A_56 = tpu.memref_slice %arg7[%add3A_45, %dma_wait3A_55] : memref<80x128xi32, #tpu.memory_space<vmem>> -> memref<1x128xi32, #tpu.memory_space<vmem>>
      %dma_wait3A_57 = tpu.memref_squeeze %dma_wait3A_56 : memref<1x128xi32, #tpu.memory_space<vmem>> -> memref<128xi32, #tpu.memory_space<vmem>>
      %dma_wait3A_58 = arith.constant 0 : i32
      %dma_wait3A_59 = arith.constant 0 : i32
      %dma_wait3A_60 = tpu.memref_slice %arg2[%dma_wait3A_58, %dma_wait3A_59] : memref<10112x64xf32, #tpu.memory_space<hbm>> -> memref<10112x64xf32, #tpu.memory_space<hbm>>
      tpu.wait_indirect_dma semaphore(%arg14 : memref<!tpu.dma_semaphore, #tpu.memory_space<semaphore_mem>>) src(%dma_wait3A_60 : memref<10112x64xf32, #tpu.memory_space<hbm>>) dst(%arg9 : memref<128x64xf32, #tpu.memory_space<vmem>>)
      %dma_start3A_61 = arith.constant 0 : i32
      %dma_start3A_62 = tpu.memref_slice %arg8[%add3A_45, %dma_start3A_61] : memref<80x128xi32, #tpu.memory_space<vmem>> -> memref<1x128xi32, #tpu.memory_space<vmem>>
      %dma_start3A_63 = tpu.memref_squeeze %dma_start3A_62 : memref<1x128xi32, #tpu.memory_space<vmem>> -> memref<128xi32, #tpu.memory_space<vmem>>
      %dma_start3A_64 = arith.constant 0 : i32
      %dma_start3A_65 = arith.constant 0 : i32
      %dma_start3A_66 = tpu.memref_slice %arg13[%dma_start3A_64, %dma_start3A_65] : memref<10112x64xf32, #tpu.memory_space<vmem_shared>> -> memref<10112x64xf32, #tpu.memory_space<vmem_shared>>
      tpu.enqueue_indirect_dma source(%arg9 : memref<128x64xf32, #tpu.memory_space<vmem>>) target(%dma_start3A_66 : memref<10112x64xf32, #tpu.memory_space<vmem_shared>>) offsets(%dma_start3A_63 : memref<128xi32, #tpu.memory_space<vmem>>) semaphore(%arg18 : memref<!tpu.dma_semaphore, #tpu.memory_space<semaphore_mem>>) {add = true}
      %add3A_67 = arith.constant 1 : i32
      %add3A_68 = arith.addi %mul3A_43, %add3A_67 : i32
      %sub3A_69 = arith.constant 2 : i32
      %sub3A_70 = arith.subi %add3A_68, %sub3A_69 : i32
      %ge3A_71 = arith.constant 0 : i32
      %ge3A_72 = arith.cmpi sge, %sub3A_70, %ge3A_71 : i32
      %convert_element_type3A_73 = arith.extui %ge3A_72 : i1 to i32
      %cond3A_74 = arith.constant 0 : i32
      %cond3A_75 = arith.cmpi ne, %convert_element_type3A_73, %cond3A_74 : i32
      scf.if %cond3A_75 {
        %sub3A_151 = arith.constant 2 : i32
        %sub3A_152 = arith.subi %add3A_68, %sub3A_151 : i32
        %dma_wait3A_153 = arith.constant 0 : i32
        %dma_wait3A_154 = tpu.memref_slice %arg8[%sub3A_152, %dma_wait3A_153] : memref<80x128xi32, #tpu.memory_space<vmem>> -> memref<1x128xi32, #tpu.memory_space<vmem>>
        %dma_wait3A_155 = tpu.memref_squeeze %dma_wait3A_154 : memref<1x128xi32, #tpu.memory_space<vmem>> -> memref<128xi32, #tpu.memory_space<vmem>>
        %dma_wait3A_156 = arith.constant 0 : i32
        %dma_wait3A_157 = arith.constant 0 : i32
        %dma_wait3A_158 = tpu.memref_slice %arg13[%dma_wait3A_156, %dma_wait3A_157] : memref<10112x64xf32, #tpu.memory_space<vmem_shared>> -> memref<10112x64xf32, #tpu.memory_space<vmem_shared>>
        tpu.wait_indirect_dma semaphore(%arg21 : memref<!tpu.dma_semaphore, #tpu.memory_space<semaphore_mem>>) src(%arg12 : memref<128x64xf32, #tpu.memory_space<vmem>>) dst(%dma_wait3A_158 : memref<10112x64xf32, #tpu.memory_space<vmem_shared>>)
      } else {
      }
      %add3A_76 = arith.constant 2 : i32
      %add3A_77 = arith.addi %add3A_68, %add3A_76 : i32
      %lt3A_78 = arith.constant 80 : i32
      %lt3A_79 = arith.cmpi slt, %add3A_77, %lt3A_78 : i32
      %convert_element_type3A_80 = arith.extui %lt3A_79 : i1 to i32
      %cond3A_81 = arith.constant 0 : i32
      %cond3A_82 = arith.cmpi ne, %convert_element_type3A_80, %cond3A_81 : i32
      scf.if %cond3A_82 {
        %add3A_151 = arith.constant 2 : i32
        %add3A_152 = arith.addi %add3A_68, %add3A_151 : i32
        %dma_start3A_153 = arith.constant 0 : i32
        %dma_start3A_154 = tpu.memref_slice %arg7[%add3A_152, %dma_start3A_153] : memref<80x128xi32, #tpu.memory_space<vmem>> -> memref<1x128xi32, #tpu.memory_space<vmem>>
        %dma_start3A_155 = tpu.memref_squeeze %dma_start3A_154 : memref<1x128xi32, #tpu.memory_space<vmem>> -> memref<128xi32, #tpu.memory_space<vmem>>
        %dma_start3A_156 = arith.constant 0 : i32
        %dma_start3A_157 = arith.constant 0 : i32
        %dma_start3A_158 = tpu.memref_slice %arg2[%dma_start3A_156, %dma_start3A_157] : memref<10112x64xf32, #tpu.memory_space<hbm>> -> memref<10112x64xf32, #tpu.memory_space<hbm>>
        tpu.enqueue_indirect_dma source(%dma_start3A_158 : memref<10112x64xf32, #tpu.memory_space<hbm>>) target(%arg12 : memref<128x64xf32, #tpu.memory_space<vmem>>) offsets(%dma_start3A_155 : memref<128xi32, #tpu.memory_space<vmem>>) semaphore(%arg17 : memref<!tpu.dma_semaphore, #tpu.memory_space<semaphore_mem>>)
      } else {
      }
      %dma_wait3A_83 = arith.constant 0 : i32
      %dma_wait3A_84 = tpu.memref_slice %arg7[%add3A_68, %dma_wait3A_83] : memref<80x128xi32, #tpu.memory_space<vmem>> -> memref<1x128xi32, #tpu.memory_space<vmem>>
      %dma_wait3A_85 = tpu.memref_squeeze %dma_wait3A_84 : memref<1x128xi32, #tpu.memory_space<vmem>> -> memref<128xi32, #tpu.memory_space<vmem>>
      %dma_wait3A_86 = arith.constant 0 : i32
      %dma_wait3A_87 = arith.constant 0 : i32
      %dma_wait3A_88 = tpu.memref_slice %arg2[%dma_wait3A_86, %dma_wait3A_87] : memref<10112x64xf32, #tpu.memory_space<hbm>> -> memref<10112x64xf32, #tpu.memory_space<hbm>>
      tpu.wait_indirect_dma semaphore(%arg15 : memref<!tpu.dma_semaphore, #tpu.memory_space<semaphore_mem>>) src(%dma_wait3A_88 : memref<10112x64xf32, #tpu.memory_space<hbm>>) dst(%arg10 : memref<128x64xf32, #tpu.memory_space<vmem>>)
      %dma_start3A_89 = arith.constant 0 : i32
      %dma_start3A_90 = tpu.memref_slice %arg8[%add3A_68, %dma_start3A_89] : memref<80x128xi32, #tpu.memory_space<vmem>> -> memref<1x128xi32, #tpu.memory_space<vmem>>
      %dma_start3A_91 = tpu.memref_squeeze %dma_start3A_90 : memref<1x128xi32, #tpu.memory_space<vmem>> -> memref<128xi32, #tpu.memory_space<vmem>>
      %dma_start3A_92 = arith.constant 0 : i32
      %dma_start3A_93 = arith.constant 0 : i32
      %dma_start3A_94 = tpu.memref_slice %arg13[%dma_start3A_92, %dma_start3A_93] : memref<10112x64xf32, #tpu.memory_space<vmem_shared>> -> memref<10112x64xf32, #tpu.memory_space<vmem_shared>>
      tpu.enqueue_indirect_dma source(%arg10 : memref<128x64xf32, #tpu.memory_space<vmem>>) target(%dma_start3A_94 : memref<10112x64xf32, #tpu.memory_space<vmem_shared>>) offsets(%dma_start3A_91 : memref<128xi32, #tpu.memory_space<vmem>>) semaphore(%arg19 : memref<!tpu.dma_semaphore, #tpu.memory_space<semaphore_mem>>) {add = true}
      %add3A_95 = arith.constant 2 : i32
      %add3A_96 = arith.addi %mul3A_43, %add3A_95 : i32
      %sub3A_97 = arith.constant 2 : i32
      %sub3A_98 = arith.subi %add3A_96, %sub3A_97 : i32
      %ge3A_99 = arith.constant 0 : i32
      %ge3A_100 = arith.cmpi sge, %sub3A_98, %ge3A_99 : i32
      %convert_element_type3A_101 = arith.extui %ge3A_100 : i1 to i32
      %cond3A_102 = arith.constant 0 : i32
      %cond3A_103 = arith.cmpi ne, %convert_element_type3A_101, %cond3A_102 : i32
      scf.if %cond3A_103 {
        %sub3A_151 = arith.constant 2 : i32
        %sub3A_152 = arith.subi %add3A_96, %sub3A_151 : i32
        %dma_wait3A_153 = arith.constant 0 : i32
        %dma_wait3A_154 = tpu.memref_slice %arg8[%sub3A_152, %dma_wait3A_153] : memref<80x128xi32, #tpu.memory_space<vmem>> -> memref<1x128xi32, #tpu.memory_space<vmem>>
        %dma_wait3A_155 = tpu.memref_squeeze %dma_wait3A_154 : memref<1x128xi32, #tpu.memory_space<vmem>> -> memref<128xi32, #tpu.memory_space<vmem>>
        %dma_wait3A_156 = arith.constant 0 : i32
        %dma_wait3A_157 = arith.constant 0 : i32
        %dma_wait3A_158 = tpu.memref_slice %arg13[%dma_wait3A_156, %dma_wait3A_157] : memref<10112x64xf32, #tpu.memory_space<vmem_shared>> -> memref<10112x64xf32, #tpu.memory_space<vmem_shared>>
        tpu.wait_indirect_dma semaphore(%arg18 : memref<!tpu.dma_semaphore, #tpu.memory_space<semaphore_mem>>) src(%arg9 : memref<128x64xf32, #tpu.memory_space<vmem>>) dst(%dma_wait3A_158 : memref<10112x64xf32, #tpu.memory_space<vmem_shared>>)
      } else {
      }
      %add3A_104 = arith.constant 2 : i32
      %add3A_105 = arith.addi %add3A_96, %add3A_104 : i32
      %lt3A_106 = arith.constant 80 : i32
      %lt3A_107 = arith.cmpi slt, %add3A_105, %lt3A_106 : i32
      %convert_element_type3A_108 = arith.extui %lt3A_107 : i1 to i32
      %cond3A_109 = arith.constant 0 : i32
      %cond3A_110 = arith.cmpi ne, %convert_element_type3A_108, %cond3A_109 : i32
      scf.if %cond3A_110 {
        %add3A_151 = arith.constant 2 : i32
        %add3A_152 = arith.addi %add3A_96, %add3A_151 : i32
        %dma_start3A_153 = arith.constant 0 : i32
        %dma_start3A_154 = tpu.memref_slice %arg7[%add3A_152, %dma_start3A_153] : memref<80x128xi32, #tpu.memory_space<vmem>> -> memref<1x128xi32, #tpu.memory_space<vmem>>
        %dma_start3A_155 = tpu.memref_squeeze %dma_start3A_154 : memref<1x128xi32, #tpu.memory_space<vmem>> -> memref<128xi32, #tpu.memory_space<vmem>>
        %dma_start3A_156 = arith.constant 0 : i32
        %dma_start3A_157 = arith.constant 0 : i32
        %dma_start3A_158 = tpu.memref_slice %arg2[%dma_start3A_156, %dma_start3A_157] : memref<10112x64xf32, #tpu.memory_space<hbm>> -> memref<10112x64xf32, #tpu.memory_space<hbm>>
        tpu.enqueue_indirect_dma source(%dma_start3A_158 : memref<10112x64xf32, #tpu.memory_space<hbm>>) target(%arg9 : memref<128x64xf32, #tpu.memory_space<vmem>>) offsets(%dma_start3A_155 : memref<128xi32, #tpu.memory_space<vmem>>) semaphore(%arg14 : memref<!tpu.dma_semaphore, #tpu.memory_space<semaphore_mem>>)
      } else {
      }
      %dma_wait3A_111 = arith.constant 0 : i32
      %dma_wait3A_112 = tpu.memref_slice %arg7[%add3A_96, %dma_wait3A_111] : memref<80x128xi32, #tpu.memory_space<vmem>> -> memref<1x128xi32, #tpu.memory_space<vmem>>
      %dma_wait3A_113 = tpu.memref_squeeze %dma_wait3A_112 : memref<1x128xi32, #tpu.memory_space<vmem>> -> memref<128xi32, #tpu.memory_space<vmem>>
      %dma_wait3A_114 = arith.constant 0 : i32
      %dma_wait3A_115 = arith.constant 0 : i32
      %dma_wait3A_116 = tpu.memref_slice %arg2[%dma_wait3A_114, %dma_wait3A_115] : memref<10112x64xf32, #tpu.memory_space<hbm>> -> memref<10112x64xf32, #tpu.memory_space<hbm>>
      tpu.wait_indirect_dma semaphore(%arg16 : memref<!tpu.dma_semaphore, #tpu.memory_space<semaphore_mem>>) src(%dma_wait3A_116 : memref<10112x64xf32, #tpu.memory_space<hbm>>) dst(%arg11 : memref<128x64xf32, #tpu.memory_space<vmem>>)
      %dma_start3A_117 = arith.constant 0 : i32
      %dma_start3A_118 = tpu.memref_slice %arg8[%add3A_96, %dma_start3A_117] : memref<80x128xi32, #tpu.memory_space<vmem>> -> memref<1x128xi32, #tpu.memory_space<vmem>>
      %dma_start3A_119 = tpu.memref_squeeze %dma_start3A_118 : memref<1x128xi32, #tpu.memory_space<vmem>> -> memref<128xi32, #tpu.memory_space<vmem>>
      %dma_start3A_120 = arith.constant 0 : i32
      %dma_start3A_121 = arith.constant 0 : i32
      %dma_start3A_122 = tpu.memref_slice %arg13[%dma_start3A_120, %dma_start3A_121] : memref<10112x64xf32, #tpu.memory_space<vmem_shared>> -> memref<10112x64xf32, #tpu.memory_space<vmem_shared>>
      tpu.enqueue_indirect_dma source(%arg11 : memref<128x64xf32, #tpu.memory_space<vmem>>) target(%dma_start3A_122 : memref<10112x64xf32, #tpu.memory_space<vmem_shared>>) offsets(%dma_start3A_119 : memref<128xi32, #tpu.memory_space<vmem>>) semaphore(%arg20 : memref<!tpu.dma_semaphore, #tpu.memory_space<semaphore_mem>>) {add = true}
      %add3A_123 = arith.constant 3 : i32
      %add3A_124 = arith.addi %mul3A_43, %add3A_123 : i32
      %sub3A_125 = arith.constant 2 : i32
      %sub3A_126 = arith.subi %add3A_124, %sub3A_125 : i32
      %ge3A_127 = arith.constant 0 : i32
      %ge3A_128 = arith.cmpi sge, %sub3A_126, %ge3A_127 : i32
      %convert_element_type3A_129 = arith.extui %ge3A_128 : i1 to i32
      %cond3A_130 = arith.constant 0 : i32
      %cond3A_131 = arith.cmpi ne, %convert_element_type3A_129, %cond3A_130 : i32
      scf.if %cond3A_131 {
        %sub3A_151 = arith.constant 2 : i32
        %sub3A_152 = arith.subi %add3A_124, %sub3A_151 : i32
        %dma_wait3A_153 = arith.constant 0 : i32
        %dma_wait3A_154 = tpu.memref_slice %arg8[%sub3A_152, %dma_wait3A_153] : memref<80x128xi32, #tpu.memory_space<vmem>> -> memref<1x128xi32, #tpu.memory_space<vmem>>
        %dma_wait3A_155 = tpu.memref_squeeze %dma_wait3A_154 : memref<1x128xi32, #tpu.memory_space<vmem>> -> memref<128xi32, #tpu.memory_space<vmem>>
        %dma_wait3A_156 = arith.constant 0 : i32
        %dma_wait3A_157 = arith.constant 0 : i32
        %dma_wait3A_158 = tpu.memref_slice %arg13[%dma_wait3A_156, %dma_wait3A_157] : memref<10112x64xf32, #tpu.memory_space<vmem_shared>> -> memref<10112x64xf32, #tpu.memory_space<vmem_shared>>
        tpu.wait_indirect_dma semaphore(%arg19 : memref<!tpu.dma_semaphore, #tpu.memory_space<semaphore_mem>>) src(%arg10 : memref<128x64xf32, #tpu.memory_space<vmem>>) dst(%dma_wait3A_158 : memref<10112x64xf32, #tpu.memory_space<vmem_shared>>)
      } else {
      }
      %add3A_132 = arith.constant 2 : i32
      %add3A_133 = arith.addi %add3A_124, %add3A_132 : i32
      %lt3A_134 = arith.constant 80 : i32
      %lt3A_135 = arith.cmpi slt, %add3A_133, %lt3A_134 : i32
      %convert_element_type3A_136 = arith.extui %lt3A_135 : i1 to i32
      %cond3A_137 = arith.constant 0 : i32
      %cond3A_138 = arith.cmpi ne, %convert_element_type3A_136, %cond3A_137 : i32
      scf.if %cond3A_138 {
        %add3A_151 = arith.constant 2 : i32
        %add3A_152 = arith.addi %add3A_124, %add3A_151 : i32
        %dma_start3A_153 = arith.constant 0 : i32
        %dma_start3A_154 = tpu.memref_slice %arg7[%add3A_152, %dma_start3A_153] : memref<80x128xi32, #tpu.memory_space<vmem>> -> memref<1x128xi32, #tpu.memory_space<vmem>>
        %dma_start3A_155 = tpu.memref_squeeze %dma_start3A_154 : memref<1x128xi32, #tpu.memory_space<vmem>> -> memref<128xi32, #tpu.memory_space<vmem>>
        %dma_start3A_156 = arith.constant 0 : i32
        %dma_start3A_157 = arith.constant 0 : i32
        %dma_start3A_158 = tpu.memref_slice %arg2[%dma_start3A_156, %dma_start3A_157] : memref<10112x64xf32, #tpu.memory_space<hbm>> -> memref<10112x64xf32, #tpu.memory_space<hbm>>
        tpu.enqueue_indirect_dma source(%dma_start3A_158 : memref<10112x64xf32, #tpu.memory_space<hbm>>) target(%arg10 : memref<128x64xf32, #tpu.memory_space<vmem>>) offsets(%dma_start3A_155 : memref<128xi32, #tpu.memory_space<vmem>>) semaphore(%arg15 : memref<!tpu.dma_semaphore, #tpu.memory_space<semaphore_mem>>)
      } else {
      }
      %dma_wait3A_139 = arith.constant 0 : i32
      %dma_wait3A_140 = tpu.memref_slice %arg7[%add3A_124, %dma_wait3A_139] : memref<80x128xi32, #tpu.memory_space<vmem>> -> memref<1x128xi32, #tpu.memory_space<vmem>>
      %dma_wait3A_141 = tpu.memref_squeeze %dma_wait3A_140 : memref<1x128xi32, #tpu.memory_space<vmem>> -> memref<128xi32, #tpu.memory_space<vmem>>
      %dma_wait3A_142 = arith.constant 0 : i32
      %dma_wait3A_143 = arith.constant 0 : i32
      %dma_wait3A_144 = tpu.memref_slice %arg2[%dma_wait3A_142, %dma_wait3A_143] : memref<10112x64xf32, #tpu.memory_space<hbm>> -> memref<10112x64xf32, #tpu.memory_space<hbm>>
      tpu.wait_indirect_dma semaphore(%arg17 : memref<!tpu.dma_semaphore, #tpu.memory_space<semaphore_mem>>) src(%dma_wait3A_144 : memref<10112x64xf32, #tpu.memory_space<hbm>>) dst(%arg12 : memref<128x64xf32, #tpu.memory_space<vmem>>)
      %dma_start3A_145 = arith.constant 0 : i32
      %dma_start3A_146 = tpu.memref_slice %arg8[%add3A_124, %dma_start3A_145] : memref<80x128xi32, #tpu.memory_space<vmem>> -> memref<1x128xi32, #tpu.memory_space<vmem>>
      %dma_start3A_147 = tpu.memref_squeeze %dma_start3A_146 : memref<1x128xi32, #tpu.memory_space<vmem>> -> memref<128xi32, #tpu.memory_space<vmem>>
      %dma_start3A_148 = arith.constant 0 : i32
      %dma_start3A_149 = arith.constant 0 : i32
      %dma_start3A_150 = tpu.memref_slice %arg13[%dma_start3A_148, %dma_start3A_149] : memref<10112x64xf32, #tpu.memory_space<vmem_shared>> -> memref<10112x64xf32, #tpu.memory_space<vmem_shared>>
      tpu.enqueue_indirect_dma source(%arg12 : memref<128x64xf32, #tpu.memory_space<vmem>>) target(%dma_start3A_150 : memref<10112x64xf32, #tpu.memory_space<vmem_shared>>) offsets(%dma_start3A_147 : memref<128xi32, #tpu.memory_space<vmem>>) semaphore(%arg21 : memref<!tpu.dma_semaphore, #tpu.memory_space<semaphore_mem>>) {add = true}
    }
    %scan3A_22 = arith.constant 20 : i32
    %dma_wait3A = arith.constant 78 : i32
    %dma_wait3A_23 = arith.constant 0 : i32
    %dma_wait3A_24 = tpu.memref_slice %arg8[%dma_wait3A, %dma_wait3A_23] : memref<80x128xi32, #tpu.memory_space<vmem>> -> memref<1x128xi32, #tpu.memory_space<vmem>>
    %dma_wait3A_25 = tpu.memref_squeeze %dma_wait3A_24 : memref<1x128xi32, #tpu.memory_space<vmem>> -> memref<128xi32, #tpu.memory_space<vmem>>
    %dma_wait3A_26 = arith.constant 0 : i32
    %dma_wait3A_27 = arith.constant 0 : i32
    %dma_wait3A_28 = tpu.memref_slice %arg13[%dma_wait3A_26, %dma_wait3A_27] : memref<10112x64xf32, #tpu.memory_space<vmem_shared>> -> memref<10112x64xf32, #tpu.memory_space<vmem_shared>>
    tpu.wait_indirect_dma semaphore(%arg20 : memref<!tpu.dma_semaphore, #tpu.memory_space<semaphore_mem>>) src(%arg11 : memref<128x64xf32, #tpu.memory_space<vmem>>) dst(%dma_wait3A_28 : memref<10112x64xf32, #tpu.memory_space<vmem_shared>>)
    %dma_wait3A_29 = arith.constant 79 : i32
    %dma_wait3A_30 = arith.constant 0 : i32
    %dma_wait3A_31 = tpu.memref_slice %arg8[%dma_wait3A_29, %dma_wait3A_30] : memref<80x128xi32, #tpu.memory_space<vmem>> -> memref<1x128xi32, #tpu.memory_space<vmem>>
    %dma_wait3A_32 = tpu.memref_squeeze %dma_wait3A_31 : memref<1x128xi32, #tpu.memory_space<vmem>> -> memref<128xi32, #tpu.memory_space<vmem>>
    %dma_wait3A_33 = arith.constant 0 : i32
    %dma_wait3A_34 = arith.constant 0 : i32
    %dma_wait3A_35 = tpu.memref_slice %arg13[%dma_wait3A_33, %dma_wait3A_34] : memref<10112x64xf32, #tpu.memory_space<vmem_shared>> -> memref<10112x64xf32, #tpu.memory_space<vmem_shared>>
    tpu.wait_indirect_dma semaphore(%arg21 : memref<!tpu.dma_semaphore, #tpu.memory_space<semaphore_mem>>) src(%arg12 : memref<128x64xf32, #tpu.memory_space<vmem>>) dst(%dma_wait3A_35 : memref<10112x64xf32, #tpu.memory_space<vmem_shared>>)
    %barrier3A_36 = arith.constant 0 : index
    tpu.barrier barrier_id(%barrier3A_36)
    %mul3A_37 = arith.constant 632 : i32
    %mul3A_38 = arith.muli %arg1, %mul3A_37 : i32
    %mul3A_39 = arith.constant 632 : i32
    %mul3A_40 = arith.muli %arg1, %mul3A_39 : i32
    "tpu.region"() ({
      %run_scoped3A = tpu.sem_alloc : memref<!tpu.dma_semaphore, #tpu.memory_space<semaphore_mem>>
      %dma_start3A_41 = arith.constant 0 : i32
      %dma_start3A_42 = tpu.memref_slice %arg6[%arg0, %mul3A_40, %dma_start3A_41] : memref<2x10112x64xf32, #tpu.memory_space<hbm>> -> memref<1x632x64xf32, #tpu.memory_space<hbm>>
      %dma_start3A_43 = tpu.memref_squeeze %dma_start3A_42 : memref<1x632x64xf32, #tpu.memory_space<hbm>> -> memref<632x64xf32, #tpu.memory_space<hbm>>
      %dma_start3A_44 = arith.constant 0 : i32
      %dma_start3A_45 = tpu.memref_slice %arg13[%mul3A_38, %dma_start3A_44] : memref<10112x64xf32, #tpu.memory_space<vmem_shared>> -> memref<632x64xf32, #tpu.memory_space<vmem_shared>>
      tpu.enqueue_dma source(%dma_start3A_45 : memref<632x64xf32, #tpu.memory_space<vmem_shared>>) target(%dma_start3A_43 : memref<632x64xf32, #tpu.memory_space<hbm>>) target_semaphore(%run_scoped3A : memref<!tpu.dma_semaphore, #tpu.memory_space<semaphore_mem>>)
      %dma_wait3A_46 = arith.constant 0 : i32
      %dma_wait3A_47 = tpu.memref_slice %arg6[%arg0, %mul3A_40, %dma_wait3A_46] : memref<2x10112x64xf32, #tpu.memory_space<hbm>> -> memref<1x632x64xf32, #tpu.memory_space<hbm>>
      %dma_wait3A_48 = tpu.memref_squeeze %dma_wait3A_47 : memref<1x632x64xf32, #tpu.memory_space<hbm>> -> memref<632x64xf32, #tpu.memory_space<hbm>>
      %dma_wait3A_49 = arith.constant 0 : i32
      %dma_wait3A_50 = tpu.memref_slice %arg13[%mul3A_38, %dma_wait3A_49] : memref<10112x64xf32, #tpu.memory_space<vmem_shared>> -> memref<632x64xf32, #tpu.memory_space<vmem_shared>>
      tpu.wait_dma2 semaphore(%run_scoped3A : memref<!tpu.dma_semaphore, #tpu.memory_space<semaphore_mem>>) src(%dma_wait3A_50 : memref<632x64xf32, #tpu.memory_space<vmem_shared>>) dst(%dma_wait3A_48 : memref<632x64xf32, #tpu.memory_space<hbm>>)
      tpu.yield
    }) : () -> ()
    return
  }
}

#map = affine_map<(d0, d1) -> (0, 0)>
#map1 = affine_map<(d0, d1) -> (0, 0, 0)>
module attributes {stable_mosaic.version = 14 : i64} {
  func.func @body(%arg0: i32, %arg1: i32, %arg2: memref<128x8xf32, #tpu.memory_space<hbm>>, %arg3: memref<32x80x128xi32, #tpu.memory_space<hbm>>, %arg4: memref<10112x8xf32, #tpu.memory_space<hbm>>, %arg5: memref<2x10112x8xf32, #tpu.memory_space<hbm>>, %arg6: memref<80x128xi32, #tpu.memory_space<vmem>>, %arg7: memref<128x8xf32, #tpu.memory_space<vmem>>, %arg8: memref<10112x8xf32, #tpu.memory_space<vmem_shared>>, %arg9: memref<!tpu.dma_semaphore, #tpu.memory_space<semaphore_mem>>, %arg10: memref<!tpu.dma_semaphore, #tpu.memory_space<semaphore_mem>>, %arg11: memref<!tpu.dma_semaphore, #tpu.memory_space<semaphore_mem>>, %arg12: memref<!tpu.dma_semaphore, #tpu.memory_space<semaphore_mem>>) attributes {dimension_semantics = [#tpu.dimension_semantics<core_parallel>, #tpu.dimension_semantics<subcore_parallel>], iteration_bounds = array<i64: 2, 16>, scalar_prefetch = 0 : i64, scratch_operands = 7 : i64, tpu.core_type = #tpu.core_type<sc_vector_subcore>, window_params = [{transform_indices = #map}, {transform_indices = #map1}, {transform_indices = #map}, {transform_indices = #map1}]} {
    %mul3A = arith.constant 2 : i32
    %mul3A_0 = arith.muli %arg1, %mul3A : i32
    %add3A = arith.addi %mul3A_0, %arg0 : i32
    %mul3A_1 = arith.constant 632 : i32
    %mul3A_2 = arith.muli %arg1, %mul3A_1 : i32
    %mul3A_3 = arith.constant 632 : i32
    %mul3A_4 = arith.muli %arg1, %mul3A_3 : i32
    "tpu.region"() ({
      %run_scoped3A = tpu.sem_alloc : memref<!tpu.dma_semaphore, #tpu.memory_space<semaphore_mem>>
      %dma_start3A_35 = arith.constant 0 : i32
      %dma_start3A_36 = tpu.memref_slice %arg8[%mul3A_4, %dma_start3A_35] : memref<10112x8xf32, #tpu.memory_space<vmem_shared>> -> memref<632x8xf32, #tpu.memory_space<vmem_shared>>
      %dma_start3A_37 = arith.constant 0 : i32
      %dma_start3A_38 = tpu.memref_slice %arg4[%mul3A_2, %dma_start3A_37] : memref<10112x8xf32, #tpu.memory_space<hbm>> -> memref<632x8xf32, #tpu.memory_space<hbm>>
      tpu.enqueue_dma source(%dma_start3A_38 : memref<632x8xf32, #tpu.memory_space<hbm>>) target(%dma_start3A_36 : memref<632x8xf32, #tpu.memory_space<vmem_shared>>) target_semaphore(%run_scoped3A : memref<!tpu.dma_semaphore, #tpu.memory_space<semaphore_mem>>)
      %dma_wait3A = arith.constant 0 : i32
      %dma_wait3A_39 = tpu.memref_slice %arg8[%mul3A_4, %dma_wait3A] : memref<10112x8xf32, #tpu.memory_space<vmem_shared>> -> memref<632x8xf32, #tpu.memory_space<vmem_shared>>
      %dma_wait3A_40 = arith.constant 0 : i32
      %dma_wait3A_41 = tpu.memref_slice %arg4[%mul3A_2, %dma_wait3A_40] : memref<10112x8xf32, #tpu.memory_space<hbm>> -> memref<632x8xf32, #tpu.memory_space<hbm>>
      tpu.wait_dma2 semaphore(%run_scoped3A : memref<!tpu.dma_semaphore, #tpu.memory_space<semaphore_mem>>) src(%dma_wait3A_41 : memref<632x8xf32, #tpu.memory_space<hbm>>) dst(%dma_wait3A_39 : memref<632x8xf32, #tpu.memory_space<vmem_shared>>)
      tpu.yield
    }) : () -> ()
    "tpu.region"() ({
      %run_scoped3A = tpu.sem_alloc : memref<!tpu.dma_semaphore, #tpu.memory_space<semaphore_mem>>
      %dma_start3A_35 = arith.constant 0 : i32
      %dma_start3A_36 = arith.constant 0 : i32
      %dma_start3A_37 = tpu.memref_slice %arg3[%add3A, %dma_start3A_35, %dma_start3A_36] : memref<32x80x128xi32, #tpu.memory_space<hbm>> -> memref<1x80x128xi32, #tpu.memory_space<hbm>>
      %dma_start3A_38 = tpu.memref_squeeze %dma_start3A_37 : memref<1x80x128xi32, #tpu.memory_space<hbm>> -> memref<80x128xi32, #tpu.memory_space<hbm>>
      %dma_start3A_39 = arith.constant 0 : i32
      %dma_start3A_40 = arith.constant 0 : i32
      %dma_start3A_41 = tpu.memref_slice %arg3[%add3A, %dma_start3A_39, %dma_start3A_40] : memref<32x80x128xi32, #tpu.memory_space<hbm>> -> memref<1x80x128xi32, #tpu.memory_space<hbm>>
      %dma_start3A_42 = tpu.memref_squeeze %dma_start3A_41 : memref<1x80x128xi32, #tpu.memory_space<hbm>> -> memref<80x128xi32, #tpu.memory_space<hbm>>
      tpu.enqueue_dma source(%dma_start3A_42 : memref<80x128xi32, #tpu.memory_space<hbm>>) target(%arg6 : memref<80x128xi32, #tpu.memory_space<vmem>>) target_semaphore(%run_scoped3A : memref<!tpu.dma_semaphore, #tpu.memory_space<semaphore_mem>>)
      %dma_wait3A = arith.constant 0 : i32
      %dma_wait3A_43 = arith.constant 0 : i32
      %dma_wait3A_44 = tpu.memref_slice %arg3[%add3A, %dma_wait3A, %dma_wait3A_43] : memref<32x80x128xi32, #tpu.memory_space<hbm>> -> memref<1x80x128xi32, #tpu.memory_space<hbm>>
      %dma_wait3A_45 = tpu.memref_squeeze %dma_wait3A_44 : memref<1x80x128xi32, #tpu.memory_space<hbm>> -> memref<80x128xi32, #tpu.memory_space<hbm>>
      %dma_wait3A_46 = arith.constant 0 : i32
      %dma_wait3A_47 = arith.constant 0 : i32
      %dma_wait3A_48 = tpu.memref_slice %arg3[%add3A, %dma_wait3A_46, %dma_wait3A_47] : memref<32x80x128xi32, #tpu.memory_space<hbm>> -> memref<1x80x128xi32, #tpu.memory_space<hbm>>
      %dma_wait3A_49 = tpu.memref_squeeze %dma_wait3A_48 : memref<1x80x128xi32, #tpu.memory_space<hbm>> -> memref<80x128xi32, #tpu.memory_space<hbm>>
      tpu.wait_dma2 semaphore(%run_scoped3A : memref<!tpu.dma_semaphore, #tpu.memory_space<semaphore_mem>>) src(%dma_wait3A_49 : memref<80x128xi32, #tpu.memory_space<hbm>>) dst(%arg6 : memref<80x128xi32, #tpu.memory_space<vmem>>)
      tpu.yield
    }) : () -> ()
    "tpu.region"() ({
      %run_scoped3A = tpu.sem_alloc : memref<!tpu.dma_semaphore, #tpu.memory_space<semaphore_mem>>
      tpu.enqueue_dma source(%arg2 : memref<128x8xf32, #tpu.memory_space<hbm>>) target(%arg7 : memref<128x8xf32, #tpu.memory_space<vmem>>) target_semaphore(%run_scoped3A : memref<!tpu.dma_semaphore, #tpu.memory_space<semaphore_mem>>)
      tpu.wait_dma2 semaphore(%run_scoped3A : memref<!tpu.dma_semaphore, #tpu.memory_space<semaphore_mem>>) src(%arg2 : memref<128x8xf32, #tpu.memory_space<hbm>>) dst(%arg7 : memref<128x8xf32, #tpu.memory_space<vmem>>)
      tpu.yield
    }) : () -> ()
    %barrier3A = arith.constant 0 : index
    tpu.barrier barrier_id(%barrier3A)
    %dma_start3A = arith.constant 0 : i32
    %dma_start3A_5 = arith.constant 0 : i32
    %dma_start3A_6 = tpu.memref_slice %arg6[%dma_start3A, %dma_start3A_5] : memref<80x128xi32, #tpu.memory_space<vmem>> -> memref<1x128xi32, #tpu.memory_space<vmem>>
    %dma_start3A_7 = tpu.memref_squeeze %dma_start3A_6 : memref<1x128xi32, #tpu.memory_space<vmem>> -> memref<128xi32, #tpu.memory_space<vmem>>
    %dma_start3A_8 = arith.constant 0 : i32
    %dma_start3A_9 = arith.constant 0 : i32
    %dma_start3A_10 = tpu.memref_slice %arg8[%dma_start3A_8, %dma_start3A_9] : memref<10112x8xf32, #tpu.memory_space<vmem_shared>> -> memref<10112x8xf32, #tpu.memory_space<vmem_shared>>
    tpu.enqueue_indirect_dma source(%arg7 : memref<128x8xf32, #tpu.memory_space<vmem>>) target(%dma_start3A_10 : memref<10112x8xf32, #tpu.memory_space<vmem_shared>>) offsets(%dma_start3A_7 : memref<128xi32, #tpu.memory_space<vmem>>) semaphore(%arg9 : memref<!tpu.dma_semaphore, #tpu.memory_space<semaphore_mem>>) {add = true}
    %dma_start3A_11 = arith.constant 1 : i32
    %dma_start3A_12 = arith.constant 0 : i32
    %dma_start3A_13 = tpu.memref_slice %arg6[%dma_start3A_11, %dma_start3A_12] : memref<80x128xi32, #tpu.memory_space<vmem>> -> memref<1x128xi32, #tpu.memory_space<vmem>>
    %dma_start3A_14 = tpu.memref_squeeze %dma_start3A_13 : memref<1x128xi32, #tpu.memory_space<vmem>> -> memref<128xi32, #tpu.memory_space<vmem>>
    %dma_start3A_15 = arith.constant 0 : i32
    %dma_start3A_16 = arith.constant 0 : i32
    %dma_start3A_17 = tpu.memref_slice %arg8[%dma_start3A_15, %dma_start3A_16] : memref<10112x8xf32, #tpu.memory_space<vmem_shared>> -> memref<10112x8xf32, #tpu.memory_space<vmem_shared>>
    tpu.enqueue_indirect_dma source(%arg7 : memref<128x8xf32, #tpu.memory_space<vmem>>) target(%dma_start3A_17 : memref<10112x8xf32, #tpu.memory_space<vmem_shared>>) offsets(%dma_start3A_14 : memref<128xi32, #tpu.memory_space<vmem>>) semaphore(%arg10 : memref<!tpu.dma_semaphore, #tpu.memory_space<semaphore_mem>>) {add = true}
    %dma_start3A_18 = arith.constant 2 : i32
    %dma_start3A_19 = arith.constant 0 : i32
    %dma_start3A_20 = tpu.memref_slice %arg6[%dma_start3A_18, %dma_start3A_19] : memref<80x128xi32, #tpu.memory_space<vmem>> -> memref<1x128xi32, #tpu.memory_space<vmem>>
    %dma_start3A_21 = tpu.memref_squeeze %dma_start3A_20 : memref<1x128xi32, #tpu.memory_space<vmem>> -> memref<128xi32, #tpu.memory_space<vmem>>
    %dma_start3A_22 = arith.constant 0 : i32
    %dma_start3A_23 = arith.constant 0 : i32
    %dma_start3A_24 = tpu.memref_slice %arg8[%dma_start3A_22, %dma_start3A_23] : memref<10112x8xf32, #tpu.memory_space<vmem_shared>> -> memref<10112x8xf32, #tpu.memory_space<vmem_shared>>
    tpu.enqueue_indirect_dma source(%arg7 : memref<128x8xf32, #tpu.memory_space<vmem>>) target(%dma_start3A_24 : memref<10112x8xf32, #tpu.memory_space<vmem_shared>>) offsets(%dma_start3A_21 : memref<128xi32, #tpu.memory_space<vmem>>) semaphore(%arg11 : memref<!tpu.dma_semaphore, #tpu.memory_space<semaphore_mem>>) {add = true}
    %scan3A = arith.constant 0 : i32
    %scan3A_25 = arith.constant 0 : i32
    %scan3A_26 = arith.constant 20 : i32
    %scan3A_27 = arith.addi %scan3A_25, %scan3A_26 : i32
    %scan3A_28 = arith.constant 1 : i32
    scf.for %scan3A_35 = %scan3A_25 to %scan3A_27 step %scan3A_28  : i32 {
      %mul3A_36 = arith.constant 4 : i32
      %mul3A_37 = arith.muli %mul3A_36, %scan3A_35 : i32
      %add3A_38 = arith.constant 0 : i32
      %add3A_39 = arith.addi %mul3A_37, %add3A_38 : i32
      %add3A_40 = arith.constant 3 : i32
      %add3A_41 = arith.addi %add3A_39, %add3A_40 : i32
      %lt3A = arith.constant 80 : i32
      %lt3A_42 = arith.cmpi slt, %add3A_41, %lt3A : i32
      %convert_element_type3A = arith.extui %lt3A_42 : i1 to i32
      %cond3A = arith.constant 0 : i32
      %cond3A_43 = arith.cmpi ne, %convert_element_type3A, %cond3A : i32
      scf.if %cond3A_43 {
        %add3A_94 = arith.constant 3 : i32
        %add3A_95 = arith.addi %add3A_39, %add3A_94 : i32
        %dma_start3A_96 = arith.constant 0 : i32
        %dma_start3A_97 = tpu.memref_slice %arg6[%add3A_95, %dma_start3A_96] : memref<80x128xi32, #tpu.memory_space<vmem>> -> memref<1x128xi32, #tpu.memory_space<vmem>>
        %dma_start3A_98 = tpu.memref_squeeze %dma_start3A_97 : memref<1x128xi32, #tpu.memory_space<vmem>> -> memref<128xi32, #tpu.memory_space<vmem>>
        %dma_start3A_99 = arith.constant 0 : i32
        %dma_start3A_100 = arith.constant 0 : i32
        %dma_start3A_101 = tpu.memref_slice %arg8[%dma_start3A_99, %dma_start3A_100] : memref<10112x8xf32, #tpu.memory_space<vmem_shared>> -> memref<10112x8xf32, #tpu.memory_space<vmem_shared>>
        tpu.enqueue_indirect_dma source(%arg7 : memref<128x8xf32, #tpu.memory_space<vmem>>) target(%dma_start3A_101 : memref<10112x8xf32, #tpu.memory_space<vmem_shared>>) offsets(%dma_start3A_98 : memref<128xi32, #tpu.memory_space<vmem>>) semaphore(%arg12 : memref<!tpu.dma_semaphore, #tpu.memory_space<semaphore_mem>>) {add = true}
      } else {
      }
      %dma_wait3A = arith.constant 0 : i32
      %dma_wait3A_44 = tpu.memref_slice %arg6[%add3A_39, %dma_wait3A] : memref<80x128xi32, #tpu.memory_space<vmem>> -> memref<1x128xi32, #tpu.memory_space<vmem>>
      %dma_wait3A_45 = tpu.memref_squeeze %dma_wait3A_44 : memref<1x128xi32, #tpu.memory_space<vmem>> -> memref<128xi32, #tpu.memory_space<vmem>>
      %dma_wait3A_46 = arith.constant 0 : i32
      %dma_wait3A_47 = arith.constant 0 : i32
      %dma_wait3A_48 = tpu.memref_slice %arg8[%dma_wait3A_46, %dma_wait3A_47] : memref<10112x8xf32, #tpu.memory_space<vmem_shared>> -> memref<10112x8xf32, #tpu.memory_space<vmem_shared>>
      tpu.wait_indirect_dma semaphore(%arg9 : memref<!tpu.dma_semaphore, #tpu.memory_space<semaphore_mem>>) src(%arg7 : memref<128x8xf32, #tpu.memory_space<vmem>>) dst(%dma_wait3A_48 : memref<10112x8xf32, #tpu.memory_space<vmem_shared>>)
      %add3A_49 = arith.constant 1 : i32
      %add3A_50 = arith.addi %mul3A_37, %add3A_49 : i32
      %add3A_51 = arith.constant 3 : i32
      %add3A_52 = arith.addi %add3A_50, %add3A_51 : i32
      %lt3A_53 = arith.constant 80 : i32
      %lt3A_54 = arith.cmpi slt, %add3A_52, %lt3A_53 : i32
      %convert_element_type3A_55 = arith.extui %lt3A_54 : i1 to i32
      %cond3A_56 = arith.constant 0 : i32
      %cond3A_57 = arith.cmpi ne, %convert_element_type3A_55, %cond3A_56 : i32
      scf.if %cond3A_57 {
        %add3A_94 = arith.constant 3 : i32
        %add3A_95 = arith.addi %add3A_50, %add3A_94 : i32
        %dma_start3A_96 = arith.constant 0 : i32
        %dma_start3A_97 = tpu.memref_slice %arg6[%add3A_95, %dma_start3A_96] : memref<80x128xi32, #tpu.memory_space<vmem>> -> memref<1x128xi32, #tpu.memory_space<vmem>>
        %dma_start3A_98 = tpu.memref_squeeze %dma_start3A_97 : memref<1x128xi32, #tpu.memory_space<vmem>> -> memref<128xi32, #tpu.memory_space<vmem>>
        %dma_start3A_99 = arith.constant 0 : i32
        %dma_start3A_100 = arith.constant 0 : i32
        %dma_start3A_101 = tpu.memref_slice %arg8[%dma_start3A_99, %dma_start3A_100] : memref<10112x8xf32, #tpu.memory_space<vmem_shared>> -> memref<10112x8xf32, #tpu.memory_space<vmem_shared>>
        tpu.enqueue_indirect_dma source(%arg7 : memref<128x8xf32, #tpu.memory_space<vmem>>) target(%dma_start3A_101 : memref<10112x8xf32, #tpu.memory_space<vmem_shared>>) offsets(%dma_start3A_98 : memref<128xi32, #tpu.memory_space<vmem>>) semaphore(%arg9 : memref<!tpu.dma_semaphore, #tpu.memory_space<semaphore_mem>>) {add = true}
      } else {
      }
      %dma_wait3A_58 = arith.constant 0 : i32
      %dma_wait3A_59 = tpu.memref_slice %arg6[%add3A_50, %dma_wait3A_58] : memref<80x128xi32, #tpu.memory_space<vmem>> -> memref<1x128xi32, #tpu.memory_space<vmem>>
      %dma_wait3A_60 = tpu.memref_squeeze %dma_wait3A_59 : memref<1x128xi32, #tpu.memory_space<vmem>> -> memref<128xi32, #tpu.memory_space<vmem>>
      %dma_wait3A_61 = arith.constant 0 : i32
      %dma_wait3A_62 = arith.constant 0 : i32
      %dma_wait3A_63 = tpu.memref_slice %arg8[%dma_wait3A_61, %dma_wait3A_62] : memref<10112x8xf32, #tpu.memory_space<vmem_shared>> -> memref<10112x8xf32, #tpu.memory_space<vmem_shared>>
      tpu.wait_indirect_dma semaphore(%arg10 : memref<!tpu.dma_semaphore, #tpu.memory_space<semaphore_mem>>) src(%arg7 : memref<128x8xf32, #tpu.memory_space<vmem>>) dst(%dma_wait3A_63 : memref<10112x8xf32, #tpu.memory_space<vmem_shared>>)
      %add3A_64 = arith.constant 2 : i32
      %add3A_65 = arith.addi %mul3A_37, %add3A_64 : i32
      %add3A_66 = arith.constant 3 : i32
      %add3A_67 = arith.addi %add3A_65, %add3A_66 : i32
      %lt3A_68 = arith.constant 80 : i32
      %lt3A_69 = arith.cmpi slt, %add3A_67, %lt3A_68 : i32
      %convert_element_type3A_70 = arith.extui %lt3A_69 : i1 to i32
      %cond3A_71 = arith.constant 0 : i32
      %cond3A_72 = arith.cmpi ne, %convert_element_type3A_70, %cond3A_71 : i32
      scf.if %cond3A_72 {
        %add3A_94 = arith.constant 3 : i32
        %add3A_95 = arith.addi %add3A_65, %add3A_94 : i32
        %dma_start3A_96 = arith.constant 0 : i32
        %dma_start3A_97 = tpu.memref_slice %arg6[%add3A_95, %dma_start3A_96] : memref<80x128xi32, #tpu.memory_space<vmem>> -> memref<1x128xi32, #tpu.memory_space<vmem>>
        %dma_start3A_98 = tpu.memref_squeeze %dma_start3A_97 : memref<1x128xi32, #tpu.memory_space<vmem>> -> memref<128xi32, #tpu.memory_space<vmem>>
        %dma_start3A_99 = arith.constant 0 : i32
        %dma_start3A_100 = arith.constant 0 : i32
        %dma_start3A_101 = tpu.memref_slice %arg8[%dma_start3A_99, %dma_start3A_100] : memref<10112x8xf32, #tpu.memory_space<vmem_shared>> -> memref<10112x8xf32, #tpu.memory_space<vmem_shared>>
        tpu.enqueue_indirect_dma source(%arg7 : memref<128x8xf32, #tpu.memory_space<vmem>>) target(%dma_start3A_101 : memref<10112x8xf32, #tpu.memory_space<vmem_shared>>) offsets(%dma_start3A_98 : memref<128xi32, #tpu.memory_space<vmem>>) semaphore(%arg10 : memref<!tpu.dma_semaphore, #tpu.memory_space<semaphore_mem>>) {add = true}
      } else {
      }
      %dma_wait3A_73 = arith.constant 0 : i32
      %dma_wait3A_74 = tpu.memref_slice %arg6[%add3A_65, %dma_wait3A_73] : memref<80x128xi32, #tpu.memory_space<vmem>> -> memref<1x128xi32, #tpu.memory_space<vmem>>
      %dma_wait3A_75 = tpu.memref_squeeze %dma_wait3A_74 : memref<1x128xi32, #tpu.memory_space<vmem>> -> memref<128xi32, #tpu.memory_space<vmem>>
      %dma_wait3A_76 = arith.constant 0 : i32
      %dma_wait3A_77 = arith.constant 0 : i32
      %dma_wait3A_78 = tpu.memref_slice %arg8[%dma_wait3A_76, %dma_wait3A_77] : memref<10112x8xf32, #tpu.memory_space<vmem_shared>> -> memref<10112x8xf32, #tpu.memory_space<vmem_shared>>
      tpu.wait_indirect_dma semaphore(%arg11 : memref<!tpu.dma_semaphore, #tpu.memory_space<semaphore_mem>>) src(%arg7 : memref<128x8xf32, #tpu.memory_space<vmem>>) dst(%dma_wait3A_78 : memref<10112x8xf32, #tpu.memory_space<vmem_shared>>)
      %add3A_79 = arith.constant 3 : i32
      %add3A_80 = arith.addi %mul3A_37, %add3A_79 : i32
      %add3A_81 = arith.constant 3 : i32
      %add3A_82 = arith.addi %add3A_80, %add3A_81 : i32
      %lt3A_83 = arith.constant 80 : i32
      %lt3A_84 = arith.cmpi slt, %add3A_82, %lt3A_83 : i32
      %convert_element_type3A_85 = arith.extui %lt3A_84 : i1 to i32
      %cond3A_86 = arith.constant 0 : i32
      %cond3A_87 = arith.cmpi ne, %convert_element_type3A_85, %cond3A_86 : i32
      scf.if %cond3A_87 {
        %add3A_94 = arith.constant 3 : i32
        %add3A_95 = arith.addi %add3A_80, %add3A_94 : i32
        %dma_start3A_96 = arith.constant 0 : i32
        %dma_start3A_97 = tpu.memref_slice %arg6[%add3A_95, %dma_start3A_96] : memref<80x128xi32, #tpu.memory_space<vmem>> -> memref<1x128xi32, #tpu.memory_space<vmem>>
        %dma_start3A_98 = tpu.memref_squeeze %dma_start3A_97 : memref<1x128xi32, #tpu.memory_space<vmem>> -> memref<128xi32, #tpu.memory_space<vmem>>
        %dma_start3A_99 = arith.constant 0 : i32
        %dma_start3A_100 = arith.constant 0 : i32
        %dma_start3A_101 = tpu.memref_slice %arg8[%dma_start3A_99, %dma_start3A_100] : memref<10112x8xf32, #tpu.memory_space<vmem_shared>> -> memref<10112x8xf32, #tpu.memory_space<vmem_shared>>
        tpu.enqueue_indirect_dma source(%arg7 : memref<128x8xf32, #tpu.memory_space<vmem>>) target(%dma_start3A_101 : memref<10112x8xf32, #tpu.memory_space<vmem_shared>>) offsets(%dma_start3A_98 : memref<128xi32, #tpu.memory_space<vmem>>) semaphore(%arg11 : memref<!tpu.dma_semaphore, #tpu.memory_space<semaphore_mem>>) {add = true}
      } else {
      }
      %dma_wait3A_88 = arith.constant 0 : i32
      %dma_wait3A_89 = tpu.memref_slice %arg6[%add3A_80, %dma_wait3A_88] : memref<80x128xi32, #tpu.memory_space<vmem>> -> memref<1x128xi32, #tpu.memory_space<vmem>>
      %dma_wait3A_90 = tpu.memref_squeeze %dma_wait3A_89 : memref<1x128xi32, #tpu.memory_space<vmem>> -> memref<128xi32, #tpu.memory_space<vmem>>
      %dma_wait3A_91 = arith.constant 0 : i32
      %dma_wait3A_92 = arith.constant 0 : i32
      %dma_wait3A_93 = tpu.memref_slice %arg8[%dma_wait3A_91, %dma_wait3A_92] : memref<10112x8xf32, #tpu.memory_space<vmem_shared>> -> memref<10112x8xf32, #tpu.memory_space<vmem_shared>>
      tpu.wait_indirect_dma semaphore(%arg12 : memref<!tpu.dma_semaphore, #tpu.memory_space<semaphore_mem>>) src(%arg7 : memref<128x8xf32, #tpu.memory_space<vmem>>) dst(%dma_wait3A_93 : memref<10112x8xf32, #tpu.memory_space<vmem_shared>>)
    }
    %scan3A_29 = arith.constant 20 : i32
    %barrier3A_30 = arith.constant 0 : index
    tpu.barrier barrier_id(%barrier3A_30)
    %mul3A_31 = arith.constant 632 : i32
    %mul3A_32 = arith.muli %arg1, %mul3A_31 : i32
    %mul3A_33 = arith.constant 632 : i32
    %mul3A_34 = arith.muli %arg1, %mul3A_33 : i32
    "tpu.region"() ({
      %run_scoped3A = tpu.sem_alloc : memref<!tpu.dma_semaphore, #tpu.memory_space<semaphore_mem>>
      %dma_start3A_35 = arith.constant 0 : i32
      %dma_start3A_36 = tpu.memref_slice %arg5[%arg0, %mul3A_34, %dma_start3A_35] : memref<2x10112x8xf32, #tpu.memory_space<hbm>> -> memref<1x632x8xf32, #tpu.memory_space<hbm>>
      %dma_start3A_37 = tpu.memref_squeeze %dma_start3A_36 : memref<1x632x8xf32, #tpu.memory_space<hbm>> -> memref<632x8xf32, #tpu.memory_space<hbm>>
      %dma_start3A_38 = arith.constant 0 : i32
      %dma_start3A_39 = tpu.memref_slice %arg8[%mul3A_32, %dma_start3A_38] : memref<10112x8xf32, #tpu.memory_space<vmem_shared>> -> memref<632x8xf32, #tpu.memory_space<vmem_shared>>
      tpu.enqueue_dma source(%dma_start3A_39 : memref<632x8xf32, #tpu.memory_space<vmem_shared>>) target(%dma_start3A_37 : memref<632x8xf32, #tpu.memory_space<hbm>>) target_semaphore(%run_scoped3A : memref<!tpu.dma_semaphore, #tpu.memory_space<semaphore_mem>>)
      %dma_wait3A = arith.constant 0 : i32
      %dma_wait3A_40 = tpu.memref_slice %arg5[%arg0, %mul3A_34, %dma_wait3A] : memref<2x10112x8xf32, #tpu.memory_space<hbm>> -> memref<1x632x8xf32, #tpu.memory_space<hbm>>
      %dma_wait3A_41 = tpu.memref_squeeze %dma_wait3A_40 : memref<1x632x8xf32, #tpu.memory_space<hbm>> -> memref<632x8xf32, #tpu.memory_space<hbm>>
      %dma_wait3A_42 = arith.constant 0 : i32
      %dma_wait3A_43 = tpu.memref_slice %arg8[%mul3A_32, %dma_wait3A_42] : memref<10112x8xf32, #tpu.memory_space<vmem_shared>> -> memref<632x8xf32, #tpu.memory_space<vmem_shared>>
      tpu.wait_dma2 semaphore(%run_scoped3A : memref<!tpu.dma_semaphore, #tpu.memory_space<semaphore_mem>>) src(%dma_wait3A_43 : memref<632x8xf32, #tpu.memory_space<vmem_shared>>) dst(%dma_wait3A_41 : memref<632x8xf32, #tpu.memory_space<hbm>>)
      tpu.yield
    }) : () -> ()
    return
  }
}

#map = affine_map<(d0, d1) -> (0, 0)>
#map1 = affine_map<(d0, d1) -> (0, 0, 0)>
module attributes {stable_mosaic.version = 14 : i64} {
  func.func @body(%arg0: i32, %arg1: i32, %arg2: memref<10112x64xf32, #tpu.memory_space<hbm>>, %arg3: memref<32x80x128xi32, #tpu.memory_space<hbm>>, %arg4: memref<32x80x128xi32, #tpu.memory_space<hbm>>, %arg5: memref<10112x64xf32, #tpu.memory_space<hbm>>, %arg6: memref<2x10112x64xf32, #tpu.memory_space<hbm>>, %arg7: memref<80x128xi32, #tpu.memory_space<vmem>>, %arg8: memref<80x128xi32, #tpu.memory_space<vmem>>, %arg9: memref<128x64xf32, #tpu.memory_space<vmem>>, %arg10: memref<128x64xf32, #tpu.memory_space<vmem>>, %arg11: memref<128x64xf32, #tpu.memory_space<vmem>>, %arg12: memref<128x64xf32, #tpu.memory_space<vmem>>, %arg13: memref<10112x64xf32, #tpu.memory_space<vmem_shared>>, %arg14: memref<!tpu.dma_semaphore, #tpu.memory_space<semaphore_mem>>, %arg15: memref<!tpu.dma_semaphore, #tpu.memory_space<semaphore_mem>>, %arg16: memref<!tpu.dma_semaphore, #tpu.memory_space<semaphore_mem>>, %arg17: memref<!tpu.dma_semaphore, #tpu.memory_space<semaphore_mem>>, %arg18: memref<!tpu.dma_semaphore, #tpu.memory_space<semaphore_mem>>, %arg19: memref<!tpu.dma_semaphore, #tpu.memory_space<semaphore_mem>>, %arg20: memref<!tpu.dma_semaphore, #tpu.memory_space<semaphore_mem>>, %arg21: memref<!tpu.dma_semaphore, #tpu.memory_space<semaphore_mem>>) attributes {dimension_semantics = [#tpu.dimension_semantics<core_parallel>, #tpu.dimension_semantics<subcore_parallel>], iteration_bounds = array<i64: 2, 16>, scalar_prefetch = 0 : i64, scratch_operands = 15 : i64, tpu.core_type = #tpu.core_type<sc_vector_subcore>, window_params = [{transform_indices = #map}, {transform_indices = #map1}, {transform_indices = #map1}, {transform_indices = #map}, {transform_indices = #map1}]} {
    %mul3A = arith.constant 2 : i32
    %mul3A_0 = arith.muli %arg1, %mul3A : i32
    %add3A = arith.addi %mul3A_0, %arg0 : i32
    %mul3A_1 = arith.constant 632 : i32
    %mul3A_2 = arith.muli %arg1, %mul3A_1 : i32
    %mul3A_3 = arith.constant 632 : i32
    %mul3A_4 = arith.muli %arg1, %mul3A_3 : i32
    "tpu.region"() ({
      %run_scoped3A = tpu.sem_alloc : memref<!tpu.dma_semaphore, #tpu.memory_space<semaphore_mem>>
      %dma_start3A_41 = arith.constant 0 : i32
      %dma_start3A_42 = tpu.memref_slice %arg13[%mul3A_4, %dma_start3A_41] : memref<10112x64xf32, #tpu.memory_space<vmem_shared>> -> memref<632x64xf32, #tpu.memory_space<vmem_shared>>
      %dma_start3A_43 = arith.constant 0 : i32
      %dma_start3A_44 = tpu.memref_slice %arg5[%mul3A_2, %dma_start3A_43] : memref<10112x64xf32, #tpu.memory_space<hbm>> -> memref<632x64xf32, #tpu.memory_space<hbm>>
      tpu.enqueue_dma source(%dma_start3A_44 : memref<632x64xf32, #tpu.memory_space<hbm>>) target(%dma_start3A_42 : memref<632x64xf32, #tpu.memory_space<vmem_shared>>) target_semaphore(%run_scoped3A : memref<!tpu.dma_semaphore, #tpu.memory_space<semaphore_mem>>)
      %dma_wait3A_45 = arith.constant 0 : i32
      %dma_wait3A_46 = tpu.memref_slice %arg13[%mul3A_4, %dma_wait3A_45] : memref<10112x64xf32, #tpu.memory_space<vmem_shared>> -> memref<632x64xf32, #tpu.memory_space<vmem_shared>>
      %dma_wait3A_47 = arith.constant 0 : i32
      %dma_wait3A_48 = tpu.memref_slice %arg5[%mul3A_2, %dma_wait3A_47] : memref<10112x64xf32, #tpu.memory_space<hbm>> -> memref<632x64xf32, #tpu.memory_space<hbm>>
      tpu.wait_dma2 semaphore(%run_scoped3A : memref<!tpu.dma_semaphore, #tpu.memory_space<semaphore_mem>>) src(%dma_wait3A_48 : memref<632x64xf32, #tpu.memory_space<hbm>>) dst(%dma_wait3A_46 : memref<632x64xf32, #tpu.memory_space<vmem_shared>>)
      tpu.yield
    }) : () -> ()
    "tpu.region"() ({
      %run_scoped3A = tpu.sem_alloc : memref<!tpu.dma_semaphore, #tpu.memory_space<semaphore_mem>>
      %dma_start3A_41 = arith.constant 0 : i32
      %dma_start3A_42 = arith.constant 0 : i32
      %dma_start3A_43 = tpu.memref_slice %arg3[%add3A, %dma_start3A_41, %dma_start3A_42] : memref<32x80x128xi32, #tpu.memory_space<hbm>> -> memref<1x80x128xi32, #tpu.memory_space<hbm>>
      %dma_start3A_44 = tpu.memref_squeeze %dma_start3A_43 : memref<1x80x128xi32, #tpu.memory_space<hbm>> -> memref<80x128xi32, #tpu.memory_space<hbm>>
      %dma_start3A_45 = arith.constant 0 : i32
      %dma_start3A_46 = arith.constant 0 : i32
      %dma_start3A_47 = tpu.memref_slice %arg3[%add3A, %dma_start3A_45, %dma_start3A_46] : memref<32x80x128xi32, #tpu.memory_space<hbm>> -> memref<1x80x128xi32, #tpu.memory_space<hbm>>
      %dma_start3A_48 = tpu.memref_squeeze %dma_start3A_47 : memref<1x80x128xi32, #tpu.memory_space<hbm>> -> memref<80x128xi32, #tpu.memory_space<hbm>>
      tpu.enqueue_dma source(%dma_start3A_48 : memref<80x128xi32, #tpu.memory_space<hbm>>) target(%arg7 : memref<80x128xi32, #tpu.memory_space<vmem>>) target_semaphore(%run_scoped3A : memref<!tpu.dma_semaphore, #tpu.memory_space<semaphore_mem>>)
      %dma_wait3A_49 = arith.constant 0 : i32
      %dma_wait3A_50 = arith.constant 0 : i32
      %dma_wait3A_51 = tpu.memref_slice %arg3[%add3A, %dma_wait3A_49, %dma_wait3A_50] : memref<32x80x128xi32, #tpu.memory_space<hbm>> -> memref<1x80x128xi32, #tpu.memory_space<hbm>>
      %dma_wait3A_52 = tpu.memref_squeeze %dma_wait3A_51 : memref<1x80x128xi32, #tpu.memory_space<hbm>> -> memref<80x128xi32, #tpu.memory_space<hbm>>
      %dma_wait3A_53 = arith.constant 0 : i32
      %dma_wait3A_54 = arith.constant 0 : i32
      %dma_wait3A_55 = tpu.memref_slice %arg3[%add3A, %dma_wait3A_53, %dma_wait3A_54] : memref<32x80x128xi32, #tpu.memory_space<hbm>> -> memref<1x80x128xi32, #tpu.memory_space<hbm>>
      %dma_wait3A_56 = tpu.memref_squeeze %dma_wait3A_55 : memref<1x80x128xi32, #tpu.memory_space<hbm>> -> memref<80x128xi32, #tpu.memory_space<hbm>>
      tpu.wait_dma2 semaphore(%run_scoped3A : memref<!tpu.dma_semaphore, #tpu.memory_space<semaphore_mem>>) src(%dma_wait3A_56 : memref<80x128xi32, #tpu.memory_space<hbm>>) dst(%arg7 : memref<80x128xi32, #tpu.memory_space<vmem>>)
      tpu.yield
    }) : () -> ()
    "tpu.region"() ({
      %run_scoped3A = tpu.sem_alloc : memref<!tpu.dma_semaphore, #tpu.memory_space<semaphore_mem>>
      %dma_start3A_41 = arith.constant 0 : i32
      %dma_start3A_42 = arith.constant 0 : i32
      %dma_start3A_43 = tpu.memref_slice %arg4[%add3A, %dma_start3A_41, %dma_start3A_42] : memref<32x80x128xi32, #tpu.memory_space<hbm>> -> memref<1x80x128xi32, #tpu.memory_space<hbm>>
      %dma_start3A_44 = tpu.memref_squeeze %dma_start3A_43 : memref<1x80x128xi32, #tpu.memory_space<hbm>> -> memref<80x128xi32, #tpu.memory_space<hbm>>
      %dma_start3A_45 = arith.constant 0 : i32
      %dma_start3A_46 = arith.constant 0 : i32
      %dma_start3A_47 = tpu.memref_slice %arg4[%add3A, %dma_start3A_45, %dma_start3A_46] : memref<32x80x128xi32, #tpu.memory_space<hbm>> -> memref<1x80x128xi32, #tpu.memory_space<hbm>>
      %dma_start3A_48 = tpu.memref_squeeze %dma_start3A_47 : memref<1x80x128xi32, #tpu.memory_space<hbm>> -> memref<80x128xi32, #tpu.memory_space<hbm>>
      tpu.enqueue_dma source(%dma_start3A_48 : memref<80x128xi32, #tpu.memory_space<hbm>>) target(%arg8 : memref<80x128xi32, #tpu.memory_space<vmem>>) target_semaphore(%run_scoped3A : memref<!tpu.dma_semaphore, #tpu.memory_space<semaphore_mem>>)
      %dma_wait3A_49 = arith.constant 0 : i32
      %dma_wait3A_50 = arith.constant 0 : i32
      %dma_wait3A_51 = tpu.memref_slice %arg4[%add3A, %dma_wait3A_49, %dma_wait3A_50] : memref<32x80x128xi32, #tpu.memory_space<hbm>> -> memref<1x80x128xi32, #tpu.memory_space<hbm>>
      %dma_wait3A_52 = tpu.memref_squeeze %dma_wait3A_51 : memref<1x80x128xi32, #tpu.memory_space<hbm>> -> memref<80x128xi32, #tpu.memory_space<hbm>>
      %dma_wait3A_53 = arith.constant 0 : i32
      %dma_wait3A_54 = arith.constant 0 : i32
      %dma_wait3A_55 = tpu.memref_slice %arg4[%add3A, %dma_wait3A_53, %dma_wait3A_54] : memref<32x80x128xi32, #tpu.memory_space<hbm>> -> memref<1x80x128xi32, #tpu.memory_space<hbm>>
      %dma_wait3A_56 = tpu.memref_squeeze %dma_wait3A_55 : memref<1x80x128xi32, #tpu.memory_space<hbm>> -> memref<80x128xi32, #tpu.memory_space<hbm>>
      tpu.wait_dma2 semaphore(%run_scoped3A : memref<!tpu.dma_semaphore, #tpu.memory_space<semaphore_mem>>) src(%dma_wait3A_56 : memref<80x128xi32, #tpu.memory_space<hbm>>) dst(%arg8 : memref<80x128xi32, #tpu.memory_space<vmem>>)
      tpu.yield
    }) : () -> ()
    %barrier3A = arith.constant 0 : index
    tpu.barrier barrier_id(%barrier3A)
    %dma_start3A = arith.constant 0 : i32
    %dma_start3A_5 = arith.constant 0 : i32
    %dma_start3A_6 = tpu.memref_slice %arg7[%dma_start3A, %dma_start3A_5] : memref<80x128xi32, #tpu.memory_space<vmem>> -> memref<1x128xi32, #tpu.memory_space<vmem>>
    %dma_start3A_7 = tpu.memref_squeeze %dma_start3A_6 : memref<1x128xi32, #tpu.memory_space<vmem>> -> memref<128xi32, #tpu.memory_space<vmem>>
    %dma_start3A_8 = arith.constant 0 : i32
    %dma_start3A_9 = arith.constant 0 : i32
    %dma_start3A_10 = tpu.memref_slice %arg2[%dma_start3A_8, %dma_start3A_9] : memref<10112x64xf32, #tpu.memory_space<hbm>> -> memref<10112x64xf32, #tpu.memory_space<hbm>>
    tpu.enqueue_indirect_dma source(%dma_start3A_10 : memref<10112x64xf32, #tpu.memory_space<hbm>>) target(%arg9 : memref<128x64xf32, #tpu.memory_space<vmem>>) offsets(%dma_start3A_7 : memref<128xi32, #tpu.memory_space<vmem>>) semaphore(%arg14 : memref<!tpu.dma_semaphore, #tpu.memory_space<semaphore_mem>>)
    %dma_start3A_11 = arith.constant 1 : i32
    %dma_start3A_12 = arith.constant 0 : i32
    %dma_start3A_13 = tpu.memref_slice %arg7[%dma_start3A_11, %dma_start3A_12] : memref<80x128xi32, #tpu.memory_space<vmem>> -> memref<1x128xi32, #tpu.memory_space<vmem>>
    %dma_start3A_14 = tpu.memref_squeeze %dma_start3A_13 : memref<1x128xi32, #tpu.memory_space<vmem>> -> memref<128xi32, #tpu.memory_space<vmem>>
    %dma_start3A_15 = arith.constant 0 : i32
    %dma_start3A_16 = arith.constant 0 : i32
    %dma_start3A_17 = tpu.memref_slice %arg2[%dma_start3A_15, %dma_start3A_16] : memref<10112x64xf32, #tpu.memory_space<hbm>> -> memref<10112x64xf32, #tpu.memory_space<hbm>>
    tpu.enqueue_indirect_dma source(%dma_start3A_17 : memref<10112x64xf32, #tpu.memory_space<hbm>>) target(%arg10 : memref<128x64xf32, #tpu.memory_space<vmem>>) offsets(%dma_start3A_14 : memref<128xi32, #tpu.memory_space<vmem>>) semaphore(%arg15 : memref<!tpu.dma_semaphore, #tpu.memory_space<semaphore_mem>>)
    %scan3A = arith.constant 0 : i32
    %scan3A_18 = arith.constant 0 : i32
    %scan3A_19 = arith.constant 20 : i32
    %scan3A_20 = arith.addi %scan3A_18, %scan3A_19 : i32
    %scan3A_21 = arith.constant 1 : i32
    scf.for %scan3A_41 = %scan3A_18 to %scan3A_20 step %scan3A_21  : i32 {
      %mul3A_42 = arith.constant 4 : i32
      %mul3A_43 = arith.muli %mul3A_42, %scan3A_41 : i32
      %add3A_44 = arith.constant 0 : i32
      %add3A_45 = arith.addi %mul3A_43, %add3A_44 : i32
      %sub3A = arith.constant 2 : i32
      %sub3A_46 = arith.subi %add3A_45, %sub3A : i32
      %ge3A = arith.constant 0 : i32
      %ge3A_47 = arith.cmpi sge, %sub3A_46, %ge3A : i32
      %convert_element_type3A = arith.extui %ge3A_47 : i1 to i32
      %cond3A = arith.constant 0 : i32
      %cond3A_48 = arith.cmpi ne, %convert_element_type3A, %cond3A : i32
      scf.if %cond3A_48 {
        %sub3A_151 = arith.constant 2 : i32
        %sub3A_152 = arith.subi %add3A_45, %sub3A_151 : i32
        %dma_wait3A_153 = arith.constant 0 : i32
        %dma_wait3A_154 = tpu.memref_slice %arg8[%sub3A_152, %dma_wait3A_153] : memref<80x128xi32, #tpu.memory_space<vmem>> -> memref<1x128xi32, #tpu.memory_space<vmem>>
        %dma_wait3A_155 = tpu.memref_squeeze %dma_wait3A_154 : memref<1x128xi32, #tpu.memory_space<vmem>> -> memref<128xi32, #tpu.memory_space<vmem>>
        %dma_wait3A_156 = arith.constant 0 : i32
        %dma_wait3A_157 = arith.constant 0 : i32
        %dma_wait3A_158 = tpu.memref_slice %arg13[%dma_wait3A_156, %dma_wait3A_157] : memref<10112x64xf32, #tpu.memory_space<vmem_shared>> -> memref<10112x64xf32, #tpu.memory_space<vmem_shared>>
        tpu.wait_indirect_dma semaphore(%arg20 : memref<!tpu.dma_semaphore, #tpu.memory_space<semaphore_mem>>) src(%arg11 : memref<128x64xf32, #tpu.memory_space<vmem>>) dst(%dma_wait3A_158 : memref<10112x64xf32, #tpu.memory_space<vmem_shared>>)
      } else {
      }
      %add3A_49 = arith.constant 2 : i32
      %add3A_50 = arith.addi %add3A_45, %add3A_49 : i32
      %lt3A = arith.constant 80 : i32
      %lt3A_51 = arith.cmpi slt, %add3A_50, %lt3A : i32
      %convert_element_type3A_52 = arith.extui %lt3A_51 : i1 to i32
      %cond3A_53 = arith.constant 0 : i32
      %cond3A_54 = arith.cmpi ne, %convert_element_type3A_52, %cond3A_53 : i32
      scf.if %cond3A_54 {
        %add3A_151 = arith.constant 2 : i32
        %add3A_152 = arith.addi %add3A_45, %add3A_151 : i32
        %dma_start3A_153 = arith.constant 0 : i32
        %dma_start3A_154 = tpu.memref_slice %arg7[%add3A_152, %dma_start3A_153] : memref<80x128xi32, #tpu.memory_space<vmem>> -> memref<1x128xi32, #tpu.memory_space<vmem>>
        %dma_start3A_155 = tpu.memref_squeeze %dma_start3A_154 : memref<1x128xi32, #tpu.memory_space<vmem>> -> memref<128xi32, #tpu.memory_space<vmem>>
        %dma_start3A_156 = arith.constant 0 : i32
        %dma_start3A_157 = arith.constant 0 : i32
        %dma_start3A_158 = tpu.memref_slice %arg2[%dma_start3A_156, %dma_start3A_157] : memref<10112x64xf32, #tpu.memory_space<hbm>> -> memref<10112x64xf32, #tpu.memory_space<hbm>>
        tpu.enqueue_indirect_dma source(%dma_start3A_158 : memref<10112x64xf32, #tpu.memory_space<hbm>>) target(%arg11 : memref<128x64xf32, #tpu.memory_space<vmem>>) offsets(%dma_start3A_155 : memref<128xi32, #tpu.memory_space<vmem>>) semaphore(%arg16 : memref<!tpu.dma_semaphore, #tpu.memory_space<semaphore_mem>>)
      } else {
      }
      %dma_wait3A_55 = arith.constant 0 : i32
      %dma_wait3A_56 = tpu.memref_slice %arg7[%add3A_45, %dma_wait3A_55] : memref<80x128xi32, #tpu.memory_space<vmem>> -> memref<1x128xi32, #tpu.memory_space<vmem>>
      %dma_wait3A_57 = tpu.memref_squeeze %dma_wait3A_56 : memref<1x128xi32, #tpu.memory_space<vmem>> -> memref<128xi32, #tpu.memory_space<vmem>>
      %dma_wait3A_58 = arith.constant 0 : i32
      %dma_wait3A_59 = arith.constant 0 : i32
      %dma_wait3A_60 = tpu.memref_slice %arg2[%dma_wait3A_58, %dma_wait3A_59] : memref<10112x64xf32, #tpu.memory_space<hbm>> -> memref<10112x64xf32, #tpu.memory_space<hbm>>
      tpu.wait_indirect_dma semaphore(%arg14 : memref<!tpu.dma_semaphore, #tpu.memory_space<semaphore_mem>>) src(%dma_wait3A_60 : memref<10112x64xf32, #tpu.memory_space<hbm>>) dst(%arg9 : memref<128x64xf32, #tpu.memory_space<vmem>>)
      %dma_start3A_61 = arith.constant 0 : i32
      %dma_start3A_62 = tpu.memref_slice %arg8[%add3A_45, %dma_start3A_61] : memref<80x128xi32, #tpu.memory_space<vmem>> -> memref<1x128xi32, #tpu.memory_space<vmem>>
      %dma_start3A_63 = tpu.memref_squeeze %dma_start3A_62 : memref<1x128xi32, #tpu.memory_space<vmem>> -> memref<128xi32, #tpu.memory_space<vmem>>
      %dma_start3A_64 = arith.constant 0 : i32
      %dma_start3A_65 = arith.constant 0 : i32
      %dma_start3A_66 = tpu.memref_slice %arg13[%dma_start3A_64, %dma_start3A_65] : memref<10112x64xf32, #tpu.memory_space<vmem_shared>> -> memref<10112x64xf32, #tpu.memory_space<vmem_shared>>
      tpu.enqueue_indirect_dma source(%arg9 : memref<128x64xf32, #tpu.memory_space<vmem>>) target(%dma_start3A_66 : memref<10112x64xf32, #tpu.memory_space<vmem_shared>>) offsets(%dma_start3A_63 : memref<128xi32, #tpu.memory_space<vmem>>) semaphore(%arg18 : memref<!tpu.dma_semaphore, #tpu.memory_space<semaphore_mem>>) {add = true}
      %add3A_67 = arith.constant 1 : i32
      %add3A_68 = arith.addi %mul3A_43, %add3A_67 : i32
      %sub3A_69 = arith.constant 2 : i32
      %sub3A_70 = arith.subi %add3A_68, %sub3A_69 : i32
      %ge3A_71 = arith.constant 0 : i32
      %ge3A_72 = arith.cmpi sge, %sub3A_70, %ge3A_71 : i32
      %convert_element_type3A_73 = arith.extui %ge3A_72 : i1 to i32
      %cond3A_74 = arith.constant 0 : i32
      %cond3A_75 = arith.cmpi ne, %convert_element_type3A_73, %cond3A_74 : i32
      scf.if %cond3A_75 {
        %sub3A_151 = arith.constant 2 : i32
        %sub3A_152 = arith.subi %add3A_68, %sub3A_151 : i32
        %dma_wait3A_153 = arith.constant 0 : i32
        %dma_wait3A_154 = tpu.memref_slice %arg8[%sub3A_152, %dma_wait3A_153] : memref<80x128xi32, #tpu.memory_space<vmem>> -> memref<1x128xi32, #tpu.memory_space<vmem>>
        %dma_wait3A_155 = tpu.memref_squeeze %dma_wait3A_154 : memref<1x128xi32, #tpu.memory_space<vmem>> -> memref<128xi32, #tpu.memory_space<vmem>>
        %dma_wait3A_156 = arith.constant 0 : i32
        %dma_wait3A_157 = arith.constant 0 : i32
        %dma_wait3A_158 = tpu.memref_slice %arg13[%dma_wait3A_156, %dma_wait3A_157] : memref<10112x64xf32, #tpu.memory_space<vmem_shared>> -> memref<10112x64xf32, #tpu.memory_space<vmem_shared>>
        tpu.wait_indirect_dma semaphore(%arg21 : memref<!tpu.dma_semaphore, #tpu.memory_space<semaphore_mem>>) src(%arg12 : memref<128x64xf32, #tpu.memory_space<vmem>>) dst(%dma_wait3A_158 : memref<10112x64xf32, #tpu.memory_space<vmem_shared>>)
      } else {
      }
      %add3A_76 = arith.constant 2 : i32
      %add3A_77 = arith.addi %add3A_68, %add3A_76 : i32
      %lt3A_78 = arith.constant 80 : i32
      %lt3A_79 = arith.cmpi slt, %add3A_77, %lt3A_78 : i32
      %convert_element_type3A_80 = arith.extui %lt3A_79 : i1 to i32
      %cond3A_81 = arith.constant 0 : i32
      %cond3A_82 = arith.cmpi ne, %convert_element_type3A_80, %cond3A_81 : i32
      scf.if %cond3A_82 {
        %add3A_151 = arith.constant 2 : i32
        %add3A_152 = arith.addi %add3A_68, %add3A_151 : i32
        %dma_start3A_153 = arith.constant 0 : i32
        %dma_start3A_154 = tpu.memref_slice %arg7[%add3A_152, %dma_start3A_153] : memref<80x128xi32, #tpu.memory_space<vmem>> -> memref<1x128xi32, #tpu.memory_space<vmem>>
        %dma_start3A_155 = tpu.memref_squeeze %dma_start3A_154 : memref<1x128xi32, #tpu.memory_space<vmem>> -> memref<128xi32, #tpu.memory_space<vmem>>
        %dma_start3A_156 = arith.constant 0 : i32
        %dma_start3A_157 = arith.constant 0 : i32
        %dma_start3A_158 = tpu.memref_slice %arg2[%dma_start3A_156, %dma_start3A_157] : memref<10112x64xf32, #tpu.memory_space<hbm>> -> memref<10112x64xf32, #tpu.memory_space<hbm>>
        tpu.enqueue_indirect_dma source(%dma_start3A_158 : memref<10112x64xf32, #tpu.memory_space<hbm>>) target(%arg12 : memref<128x64xf32, #tpu.memory_space<vmem>>) offsets(%dma_start3A_155 : memref<128xi32, #tpu.memory_space<vmem>>) semaphore(%arg17 : memref<!tpu.dma_semaphore, #tpu.memory_space<semaphore_mem>>)
      } else {
      }
      %dma_wait3A_83 = arith.constant 0 : i32
      %dma_wait3A_84 = tpu.memref_slice %arg7[%add3A_68, %dma_wait3A_83] : memref<80x128xi32, #tpu.memory_space<vmem>> -> memref<1x128xi32, #tpu.memory_space<vmem>>
      %dma_wait3A_85 = tpu.memref_squeeze %dma_wait3A_84 : memref<1x128xi32, #tpu.memory_space<vmem>> -> memref<128xi32, #tpu.memory_space<vmem>>
      %dma_wait3A_86 = arith.constant 0 : i32
      %dma_wait3A_87 = arith.constant 0 : i32
      %dma_wait3A_88 = tpu.memref_slice %arg2[%dma_wait3A_86, %dma_wait3A_87] : memref<10112x64xf32, #tpu.memory_space<hbm>> -> memref<10112x64xf32, #tpu.memory_space<hbm>>
      tpu.wait_indirect_dma semaphore(%arg15 : memref<!tpu.dma_semaphore, #tpu.memory_space<semaphore_mem>>) src(%dma_wait3A_88 : memref<10112x64xf32, #tpu.memory_space<hbm>>) dst(%arg10 : memref<128x64xf32, #tpu.memory_space<vmem>>)
      %dma_start3A_89 = arith.constant 0 : i32
      %dma_start3A_90 = tpu.memref_slice %arg8[%add3A_68, %dma_start3A_89] : memref<80x128xi32, #tpu.memory_space<vmem>> -> memref<1x128xi32, #tpu.memory_space<vmem>>
      %dma_start3A_91 = tpu.memref_squeeze %dma_start3A_90 : memref<1x128xi32, #tpu.memory_space<vmem>> -> memref<128xi32, #tpu.memory_space<vmem>>
      %dma_start3A_92 = arith.constant 0 : i32
      %dma_start3A_93 = arith.constant 0 : i32
      %dma_start3A_94 = tpu.memref_slice %arg13[%dma_start3A_92, %dma_start3A_93] : memref<10112x64xf32, #tpu.memory_space<vmem_shared>> -> memref<10112x64xf32, #tpu.memory_space<vmem_shared>>
      tpu.enqueue_indirect_dma source(%arg10 : memref<128x64xf32, #tpu.memory_space<vmem>>) target(%dma_start3A_94 : memref<10112x64xf32, #tpu.memory_space<vmem_shared>>) offsets(%dma_start3A_91 : memref<128xi32, #tpu.memory_space<vmem>>) semaphore(%arg19 : memref<!tpu.dma_semaphore, #tpu.memory_space<semaphore_mem>>) {add = true}
      %add3A_95 = arith.constant 2 : i32
      %add3A_96 = arith.addi %mul3A_43, %add3A_95 : i32
      %sub3A_97 = arith.constant 2 : i32
      %sub3A_98 = arith.subi %add3A_96, %sub3A_97 : i32
      %ge3A_99 = arith.constant 0 : i32
      %ge3A_100 = arith.cmpi sge, %sub3A_98, %ge3A_99 : i32
      %convert_element_type3A_101 = arith.extui %ge3A_100 : i1 to i32
      %cond3A_102 = arith.constant 0 : i32
      %cond3A_103 = arith.cmpi ne, %convert_element_type3A_101, %cond3A_102 : i32
      scf.if %cond3A_103 {
        %sub3A_151 = arith.constant 2 : i32
        %sub3A_152 = arith.subi %add3A_96, %sub3A_151 : i32
        %dma_wait3A_153 = arith.constant 0 : i32
        %dma_wait3A_154 = tpu.memref_slice %arg8[%sub3A_152, %dma_wait3A_153] : memref<80x128xi32, #tpu.memory_space<vmem>> -> memref<1x128xi32, #tpu.memory_space<vmem>>
        %dma_wait3A_155 = tpu.memref_squeeze %dma_wait3A_154 : memref<1x128xi32, #tpu.memory_space<vmem>> -> memref<128xi32, #tpu.memory_space<vmem>>
        %dma_wait3A_156 = arith.constant 0 : i32
        %dma_wait3A_157 = arith.constant 0 : i32
        %dma_wait3A_158 = tpu.memref_slice %arg13[%dma_wait3A_156, %dma_wait3A_157] : memref<10112x64xf32, #tpu.memory_space<vmem_shared>> -> memref<10112x64xf32, #tpu.memory_space<vmem_shared>>
        tpu.wait_indirect_dma semaphore(%arg18 : memref<!tpu.dma_semaphore, #tpu.memory_space<semaphore_mem>>) src(%arg9 : memref<128x64xf32, #tpu.memory_space<vmem>>) dst(%dma_wait3A_158 : memref<10112x64xf32, #tpu.memory_space<vmem_shared>>)
      } else {
      }
      %add3A_104 = arith.constant 2 : i32
      %add3A_105 = arith.addi %add3A_96, %add3A_104 : i32
      %lt3A_106 = arith.constant 80 : i32
      %lt3A_107 = arith.cmpi slt, %add3A_105, %lt3A_106 : i32
      %convert_element_type3A_108 = arith.extui %lt3A_107 : i1 to i32
      %cond3A_109 = arith.constant 0 : i32
      %cond3A_110 = arith.cmpi ne, %convert_element_type3A_108, %cond3A_109 : i32
      scf.if %cond3A_110 {
        %add3A_151 = arith.constant 2 : i32
        %add3A_152 = arith.addi %add3A_96, %add3A_151 : i32
        %dma_start3A_153 = arith.constant 0 : i32
        %dma_start3A_154 = tpu.memref_slice %arg7[%add3A_152, %dma_start3A_153] : memref<80x128xi32, #tpu.memory_space<vmem>> -> memref<1x128xi32, #tpu.memory_space<vmem>>
        %dma_start3A_155 = tpu.memref_squeeze %dma_start3A_154 : memref<1x128xi32, #tpu.memory_space<vmem>> -> memref<128xi32, #tpu.memory_space<vmem>>
        %dma_start3A_156 = arith.constant 0 : i32
        %dma_start3A_157 = arith.constant 0 : i32
        %dma_start3A_158 = tpu.memref_slice %arg2[%dma_start3A_156, %dma_start3A_157] : memref<10112x64xf32, #tpu.memory_space<hbm>> -> memref<10112x64xf32, #tpu.memory_space<hbm>>
        tpu.enqueue_indirect_dma source(%dma_start3A_158 : memref<10112x64xf32, #tpu.memory_space<hbm>>) target(%arg9 : memref<128x64xf32, #tpu.memory_space<vmem>>) offsets(%dma_start3A_155 : memref<128xi32, #tpu.memory_space<vmem>>) semaphore(%arg14 : memref<!tpu.dma_semaphore, #tpu.memory_space<semaphore_mem>>)
      } else {
      }
      %dma_wait3A_111 = arith.constant 0 : i32
      %dma_wait3A_112 = tpu.memref_slice %arg7[%add3A_96, %dma_wait3A_111] : memref<80x128xi32, #tpu.memory_space<vmem>> -> memref<1x128xi32, #tpu.memory_space<vmem>>
      %dma_wait3A_113 = tpu.memref_squeeze %dma_wait3A_112 : memref<1x128xi32, #tpu.memory_space<vmem>> -> memref<128xi32, #tpu.memory_space<vmem>>
      %dma_wait3A_114 = arith.constant 0 : i32
      %dma_wait3A_115 = arith.constant 0 : i32
      %dma_wait3A_116 = tpu.memref_slice %arg2[%dma_wait3A_114, %dma_wait3A_115] : memref<10112x64xf32, #tpu.memory_space<hbm>> -> memref<10112x64xf32, #tpu.memory_space<hbm>>
      tpu.wait_indirect_dma semaphore(%arg16 : memref<!tpu.dma_semaphore, #tpu.memory_space<semaphore_mem>>) src(%dma_wait3A_116 : memref<10112x64xf32, #tpu.memory_space<hbm>>) dst(%arg11 : memref<128x64xf32, #tpu.memory_space<vmem>>)
      %dma_start3A_117 = arith.constant 0 : i32
      %dma_start3A_118 = tpu.memref_slice %arg8[%add3A_96, %dma_start3A_117] : memref<80x128xi32, #tpu.memory_space<vmem>> -> memref<1x128xi32, #tpu.memory_space<vmem>>
      %dma_start3A_119 = tpu.memref_squeeze %dma_start3A_118 : memref<1x128xi32, #tpu.memory_space<vmem>> -> memref<128xi32, #tpu.memory_space<vmem>>
      %dma_start3A_120 = arith.constant 0 : i32
      %dma_start3A_121 = arith.constant 0 : i32
      %dma_start3A_122 = tpu.memref_slice %arg13[%dma_start3A_120, %dma_start3A_121] : memref<10112x64xf32, #tpu.memory_space<vmem_shared>> -> memref<10112x64xf32, #tpu.memory_space<vmem_shared>>
      tpu.enqueue_indirect_dma source(%arg11 : memref<128x64xf32, #tpu.memory_space<vmem>>) target(%dma_start3A_122 : memref<10112x64xf32, #tpu.memory_space<vmem_shared>>) offsets(%dma_start3A_119 : memref<128xi32, #tpu.memory_space<vmem>>) semaphore(%arg20 : memref<!tpu.dma_semaphore, #tpu.memory_space<semaphore_mem>>) {add = true}
      %add3A_123 = arith.constant 3 : i32
      %add3A_124 = arith.addi %mul3A_43, %add3A_123 : i32
      %sub3A_125 = arith.constant 2 : i32
      %sub3A_126 = arith.subi %add3A_124, %sub3A_125 : i32
      %ge3A_127 = arith.constant 0 : i32
      %ge3A_128 = arith.cmpi sge, %sub3A_126, %ge3A_127 : i32
      %convert_element_type3A_129 = arith.extui %ge3A_128 : i1 to i32
      %cond3A_130 = arith.constant 0 : i32
      %cond3A_131 = arith.cmpi ne, %convert_element_type3A_129, %cond3A_130 : i32
      scf.if %cond3A_131 {
        %sub3A_151 = arith.constant 2 : i32
        %sub3A_152 = arith.subi %add3A_124, %sub3A_151 : i32
        %dma_wait3A_153 = arith.constant 0 : i32
        %dma_wait3A_154 = tpu.memref_slice %arg8[%sub3A_152, %dma_wait3A_153] : memref<80x128xi32, #tpu.memory_space<vmem>> -> memref<1x128xi32, #tpu.memory_space<vmem>>
        %dma_wait3A_155 = tpu.memref_squeeze %dma_wait3A_154 : memref<1x128xi32, #tpu.memory_space<vmem>> -> memref<128xi32, #tpu.memory_space<vmem>>
        %dma_wait3A_156 = arith.constant 0 : i32
        %dma_wait3A_157 = arith.constant 0 : i32
        %dma_wait3A_158 = tpu.memref_slice %arg13[%dma_wait3A_156, %dma_wait3A_157] : memref<10112x64xf32, #tpu.memory_space<vmem_shared>> -> memref<10112x64xf32, #tpu.memory_space<vmem_shared>>
        tpu.wait_indirect_dma semaphore(%arg19 : memref<!tpu.dma_semaphore, #tpu.memory_space<semaphore_mem>>) src(%arg10 : memref<128x64xf32, #tpu.memory_space<vmem>>) dst(%dma_wait3A_158 : memref<10112x64xf32, #tpu.memory_space<vmem_shared>>)
      } else {
      }
      %add3A_132 = arith.constant 2 : i32
      %add3A_133 = arith.addi %add3A_124, %add3A_132 : i32
      %lt3A_134 = arith.constant 80 : i32
      %lt3A_135 = arith.cmpi slt, %add3A_133, %lt3A_134 : i32
      %convert_element_type3A_136 = arith.extui %lt3A_135 : i1 to i32
      %cond3A_137 = arith.constant 0 : i32
      %cond3A_138 = arith.cmpi ne, %convert_element_type3A_136, %cond3A_137 : i32
      scf.if %cond3A_138 {
        %add3A_151 = arith.constant 2 : i32
        %add3A_152 = arith.addi %add3A_124, %add3A_151 : i32
        %dma_start3A_153 = arith.constant 0 : i32
        %dma_start3A_154 = tpu.memref_slice %arg7[%add3A_152, %dma_start3A_153] : memref<80x128xi32, #tpu.memory_space<vmem>> -> memref<1x128xi32, #tpu.memory_space<vmem>>
        %dma_start3A_155 = tpu.memref_squeeze %dma_start3A_154 : memref<1x128xi32, #tpu.memory_space<vmem>> -> memref<128xi32, #tpu.memory_space<vmem>>
        %dma_start3A_156 = arith.constant 0 : i32
        %dma_start3A_157 = arith.constant 0 : i32
        %dma_start3A_158 = tpu.memref_slice %arg2[%dma_start3A_156, %dma_start3A_157] : memref<10112x64xf32, #tpu.memory_space<hbm>> -> memref<10112x64xf32, #tpu.memory_space<hbm>>
        tpu.enqueue_indirect_dma source(%dma_start3A_158 : memref<10112x64xf32, #tpu.memory_space<hbm>>) target(%arg10 : memref<128x64xf32, #tpu.memory_space<vmem>>) offsets(%dma_start3A_155 : memref<128xi32, #tpu.memory_space<vmem>>) semaphore(%arg15 : memref<!tpu.dma_semaphore, #tpu.memory_space<semaphore_mem>>)
      } else {
      }
      %dma_wait3A_139 = arith.constant 0 : i32
      %dma_wait3A_140 = tpu.memref_slice %arg7[%add3A_124, %dma_wait3A_139] : memref<80x128xi32, #tpu.memory_space<vmem>> -> memref<1x128xi32, #tpu.memory_space<vmem>>
      %dma_wait3A_141 = tpu.memref_squeeze %dma_wait3A_140 : memref<1x128xi32, #tpu.memory_space<vmem>> -> memref<128xi32, #tpu.memory_space<vmem>>
      %dma_wait3A_142 = arith.constant 0 : i32
      %dma_wait3A_143 = arith.constant 0 : i32
      %dma_wait3A_144 = tpu.memref_slice %arg2[%dma_wait3A_142, %dma_wait3A_143] : memref<10112x64xf32, #tpu.memory_space<hbm>> -> memref<10112x64xf32, #tpu.memory_space<hbm>>
      tpu.wait_indirect_dma semaphore(%arg17 : memref<!tpu.dma_semaphore, #tpu.memory_space<semaphore_mem>>) src(%dma_wait3A_144 : memref<10112x64xf32, #tpu.memory_space<hbm>>) dst(%arg12 : memref<128x64xf32, #tpu.memory_space<vmem>>)
      %dma_start3A_145 = arith.constant 0 : i32
      %dma_start3A_146 = tpu.memref_slice %arg8[%add3A_124, %dma_start3A_145] : memref<80x128xi32, #tpu.memory_space<vmem>> -> memref<1x128xi32, #tpu.memory_space<vmem>>
      %dma_start3A_147 = tpu.memref_squeeze %dma_start3A_146 : memref<1x128xi32, #tpu.memory_space<vmem>> -> memref<128xi32, #tpu.memory_space<vmem>>
      %dma_start3A_148 = arith.constant 0 : i32
      %dma_start3A_149 = arith.constant 0 : i32
      %dma_start3A_150 = tpu.memref_slice %arg13[%dma_start3A_148, %dma_start3A_149] : memref<10112x64xf32, #tpu.memory_space<vmem_shared>> -> memref<10112x64xf32, #tpu.memory_space<vmem_shared>>
      tpu.enqueue_indirect_dma source(%arg12 : memref<128x64xf32, #tpu.memory_space<vmem>>) target(%dma_start3A_150 : memref<10112x64xf32, #tpu.memory_space<vmem_shared>>) offsets(%dma_start3A_147 : memref<128xi32, #tpu.memory_space<vmem>>) semaphore(%arg21 : memref<!tpu.dma_semaphore, #tpu.memory_space<semaphore_mem>>) {add = true}
    }
    %scan3A_22 = arith.constant 20 : i32
    %dma_wait3A = arith.constant 78 : i32
    %dma_wait3A_23 = arith.constant 0 : i32
    %dma_wait3A_24 = tpu.memref_slice %arg8[%dma_wait3A, %dma_wait3A_23] : memref<80x128xi32, #tpu.memory_space<vmem>> -> memref<1x128xi32, #tpu.memory_space<vmem>>
    %dma_wait3A_25 = tpu.memref_squeeze %dma_wait3A_24 : memref<1x128xi32, #tpu.memory_space<vmem>> -> memref<128xi32, #tpu.memory_space<vmem>>
    %dma_wait3A_26 = arith.constant 0 : i32
    %dma_wait3A_27 = arith.constant 0 : i32
    %dma_wait3A_28 = tpu.memref_slice %arg13[%dma_wait3A_26, %dma_wait3A_27] : memref<10112x64xf32, #tpu.memory_space<vmem_shared>> -> memref<10112x64xf32, #tpu.memory_space<vmem_shared>>
    tpu.wait_indirect_dma semaphore(%arg20 : memref<!tpu.dma_semaphore, #tpu.memory_space<semaphore_mem>>) src(%arg11 : memref<128x64xf32, #tpu.memory_space<vmem>>) dst(%dma_wait3A_28 : memref<10112x64xf32, #tpu.memory_space<vmem_shared>>)
    %dma_wait3A_29 = arith.constant 79 : i32
    %dma_wait3A_30 = arith.constant 0 : i32
    %dma_wait3A_31 = tpu.memref_slice %arg8[%dma_wait3A_29, %dma_wait3A_30] : memref<80x128xi32, #tpu.memory_space<vmem>> -> memref<1x128xi32, #tpu.memory_space<vmem>>
    %dma_wait3A_32 = tpu.memref_squeeze %dma_wait3A_31 : memref<1x128xi32, #tpu.memory_space<vmem>> -> memref<128xi32, #tpu.memory_space<vmem>>
    %dma_wait3A_33 = arith.constant 0 : i32
    %dma_wait3A_34 = arith.constant 0 : i32
    %dma_wait3A_35 = tpu.memref_slice %arg13[%dma_wait3A_33, %dma_wait3A_34] : memref<10112x64xf32, #tpu.memory_space<vmem_shared>> -> memref<10112x64xf32, #tpu.memory_space<vmem_shared>>
    tpu.wait_indirect_dma semaphore(%arg21 : memref<!tpu.dma_semaphore, #tpu.memory_space<semaphore_mem>>) src(%arg12 : memref<128x64xf32, #tpu.memory_space<vmem>>) dst(%dma_wait3A_35 : memref<10112x64xf32, #tpu.memory_space<vmem_shared>>)
    %barrier3A_36 = arith.constant 0 : index
    tpu.barrier barrier_id(%barrier3A_36)
    %mul3A_37 = arith.constant 632 : i32
    %mul3A_38 = arith.muli %arg1, %mul3A_37 : i32
    %mul3A_39 = arith.constant 632 : i32
    %mul3A_40 = arith.muli %arg1, %mul3A_39 : i32
    "tpu.region"() ({
      %run_scoped3A = tpu.sem_alloc : memref<!tpu.dma_semaphore, #tpu.memory_space<semaphore_mem>>
      %dma_start3A_41 = arith.constant 0 : i32
      %dma_start3A_42 = tpu.memref_slice %arg6[%arg0, %mul3A_40, %dma_start3A_41] : memref<2x10112x64xf32, #tpu.memory_space<hbm>> -> memref<1x632x64xf32, #tpu.memory_space<hbm>>
      %dma_start3A_43 = tpu.memref_squeeze %dma_start3A_42 : memref<1x632x64xf32, #tpu.memory_space<hbm>> -> memref<632x64xf32, #tpu.memory_space<hbm>>
      %dma_start3A_44 = arith.constant 0 : i32
      %dma_start3A_45 = tpu.memref_slice %arg13[%mul3A_38, %dma_start3A_44] : memref<10112x64xf32, #tpu.memory_space<vmem_shared>> -> memref<632x64xf32, #tpu.memory_space<vmem_shared>>
      tpu.enqueue_dma source(%dma_start3A_45 : memref<632x64xf32, #tpu.memory_space<vmem_shared>>) target(%dma_start3A_43 : memref<632x64xf32, #tpu.memory_space<hbm>>) target_semaphore(%run_scoped3A : memref<!tpu.dma_semaphore, #tpu.memory_space<semaphore_mem>>)
      %dma_wait3A_46 = arith.constant 0 : i32
      %dma_wait3A_47 = tpu.memref_slice %arg6[%arg0, %mul3A_40, %dma_wait3A_46] : memref<2x10112x64xf32, #tpu.memory_space<hbm>> -> memref<1x632x64xf32, #tpu.memory_space<hbm>>
      %dma_wait3A_48 = tpu.memref_squeeze %dma_wait3A_47 : memref<1x632x64xf32, #tpu.memory_space<hbm>> -> memref<632x64xf32, #tpu.memory_space<hbm>>
      %dma_wait3A_49 = arith.constant 0 : i32
      %dma_wait3A_50 = tpu.memref_slice %arg13[%mul3A_38, %dma_wait3A_49] : memref<10112x64xf32, #tpu.memory_space<vmem_shared>> -> memref<632x64xf32, #tpu.memory_space<vmem_shared>>
      tpu.wait_dma2 semaphore(%run_scoped3A : memref<!tpu.dma_semaphore, #tpu.memory_space<semaphore_mem>>) src(%dma_wait3A_50 : memref<632x64xf32, #tpu.memory_space<vmem_shared>>) dst(%dma_wait3A_48 : memref<632x64xf32, #tpu.memory_space<hbm>>)
      tpu.yield
    }) : () -> ()
    return
  }
}

#map = affine_map<(d0, d1) -> (0, 0)>
#map1 = affine_map<(d0, d1) -> (0, 0, 0)>
module attributes {stable_mosaic.version = 14 : i64} {
  func.func @body(%arg0: i32, %arg1: i32, %arg2: memref<10112x64xf32, #tpu.memory_space<hbm>>, %arg3: memref<32x80x128xi32, #tpu.memory_space<hbm>>, %arg4: memref<32x80x128xi32, #tpu.memory_space<hbm>>, %arg5: memref<10112x64xf32, #tpu.memory_space<hbm>>, %arg6: memref<2x10112x64xf32, #tpu.memory_space<hbm>>, %arg7: memref<80x128xi32, #tpu.memory_space<vmem>>, %arg8: memref<80x128xi32, #tpu.memory_space<vmem>>, %arg9: memref<128x64xf32, #tpu.memory_space<vmem>>, %arg10: memref<128x64xf32, #tpu.memory_space<vmem>>, %arg11: memref<128x64xf32, #tpu.memory_space<vmem>>, %arg12: memref<128x64xf32, #tpu.memory_space<vmem>>, %arg13: memref<10112x64xf32, #tpu.memory_space<vmem_shared>>, %arg14: memref<!tpu.dma_semaphore, #tpu.memory_space<semaphore_mem>>, %arg15: memref<!tpu.dma_semaphore, #tpu.memory_space<semaphore_mem>>, %arg16: memref<!tpu.dma_semaphore, #tpu.memory_space<semaphore_mem>>, %arg17: memref<!tpu.dma_semaphore, #tpu.memory_space<semaphore_mem>>, %arg18: memref<!tpu.dma_semaphore, #tpu.memory_space<semaphore_mem>>, %arg19: memref<!tpu.dma_semaphore, #tpu.memory_space<semaphore_mem>>, %arg20: memref<!tpu.dma_semaphore, #tpu.memory_space<semaphore_mem>>, %arg21: memref<!tpu.dma_semaphore, #tpu.memory_space<semaphore_mem>>) attributes {dimension_semantics = [#tpu.dimension_semantics<core_parallel>, #tpu.dimension_semantics<subcore_parallel>], iteration_bounds = array<i64: 2, 16>, scalar_prefetch = 0 : i64, scratch_operands = 15 : i64, tpu.core_type = #tpu.core_type<sc_vector_subcore>, window_params = [{transform_indices = #map}, {transform_indices = #map1}, {transform_indices = #map1}, {transform_indices = #map}, {transform_indices = #map1}]} {
    %mul3A = arith.constant 2 : i32
    %mul3A_0 = arith.muli %arg1, %mul3A : i32
    %add3A = arith.addi %mul3A_0, %arg0 : i32
    %mul3A_1 = arith.constant 632 : i32
    %mul3A_2 = arith.muli %arg1, %mul3A_1 : i32
    %mul3A_3 = arith.constant 632 : i32
    %mul3A_4 = arith.muli %arg1, %mul3A_3 : i32
    "tpu.region"() ({
      %run_scoped3A = tpu.sem_alloc : memref<!tpu.dma_semaphore, #tpu.memory_space<semaphore_mem>>
      %dma_start3A_41 = arith.constant 0 : i32
      %dma_start3A_42 = tpu.memref_slice %arg13[%mul3A_4, %dma_start3A_41] : memref<10112x64xf32, #tpu.memory_space<vmem_shared>> -> memref<632x64xf32, #tpu.memory_space<vmem_shared>>
      %dma_start3A_43 = arith.constant 0 : i32
      %dma_start3A_44 = tpu.memref_slice %arg5[%mul3A_2, %dma_start3A_43] : memref<10112x64xf32, #tpu.memory_space<hbm>> -> memref<632x64xf32, #tpu.memory_space<hbm>>
      tpu.enqueue_dma source(%dma_start3A_44 : memref<632x64xf32, #tpu.memory_space<hbm>>) target(%dma_start3A_42 : memref<632x64xf32, #tpu.memory_space<vmem_shared>>) target_semaphore(%run_scoped3A : memref<!tpu.dma_semaphore, #tpu.memory_space<semaphore_mem>>)
      %dma_wait3A_45 = arith.constant 0 : i32
      %dma_wait3A_46 = tpu.memref_slice %arg13[%mul3A_4, %dma_wait3A_45] : memref<10112x64xf32, #tpu.memory_space<vmem_shared>> -> memref<632x64xf32, #tpu.memory_space<vmem_shared>>
      %dma_wait3A_47 = arith.constant 0 : i32
      %dma_wait3A_48 = tpu.memref_slice %arg5[%mul3A_2, %dma_wait3A_47] : memref<10112x64xf32, #tpu.memory_space<hbm>> -> memref<632x64xf32, #tpu.memory_space<hbm>>
      tpu.wait_dma2 semaphore(%run_scoped3A : memref<!tpu.dma_semaphore, #tpu.memory_space<semaphore_mem>>) src(%dma_wait3A_48 : memref<632x64xf32, #tpu.memory_space<hbm>>) dst(%dma_wait3A_46 : memref<632x64xf32, #tpu.memory_space<vmem_shared>>)
      tpu.yield
    }) : () -> ()
    "tpu.region"() ({
      %run_scoped3A = tpu.sem_alloc : memref<!tpu.dma_semaphore, #tpu.memory_space<semaphore_mem>>
      %dma_start3A_41 = arith.constant 0 : i32
      %dma_start3A_42 = arith.constant 0 : i32
      %dma_start3A_43 = tpu.memref_slice %arg3[%add3A, %dma_start3A_41, %dma_start3A_42] : memref<32x80x128xi32, #tpu.memory_space<hbm>> -> memref<1x80x128xi32, #tpu.memory_space<hbm>>
      %dma_start3A_44 = tpu.memref_squeeze %dma_start3A_43 : memref<1x80x128xi32, #tpu.memory_space<hbm>> -> memref<80x128xi32, #tpu.memory_space<hbm>>
      %dma_start3A_45 = arith.constant 0 : i32
      %dma_start3A_46 = arith.constant 0 : i32
      %dma_start3A_47 = tpu.memref_slice %arg3[%add3A, %dma_start3A_45, %dma_start3A_46] : memref<32x80x128xi32, #tpu.memory_space<hbm>> -> memref<1x80x128xi32, #tpu.memory_space<hbm>>
      %dma_start3A_48 = tpu.memref_squeeze %dma_start3A_47 : memref<1x80x128xi32, #tpu.memory_space<hbm>> -> memref<80x128xi32, #tpu.memory_space<hbm>>
      tpu.enqueue_dma source(%dma_start3A_48 : memref<80x128xi32, #tpu.memory_space<hbm>>) target(%arg7 : memref<80x128xi32, #tpu.memory_space<vmem>>) target_semaphore(%run_scoped3A : memref<!tpu.dma_semaphore, #tpu.memory_space<semaphore_mem>>)
      %dma_wait3A_49 = arith.constant 0 : i32
      %dma_wait3A_50 = arith.constant 0 : i32
      %dma_wait3A_51 = tpu.memref_slice %arg3[%add3A, %dma_wait3A_49, %dma_wait3A_50] : memref<32x80x128xi32, #tpu.memory_space<hbm>> -> memref<1x80x128xi32, #tpu.memory_space<hbm>>
      %dma_wait3A_52 = tpu.memref_squeeze %dma_wait3A_51 : memref<1x80x128xi32, #tpu.memory_space<hbm>> -> memref<80x128xi32, #tpu.memory_space<hbm>>
      %dma_wait3A_53 = arith.constant 0 : i32
      %dma_wait3A_54 = arith.constant 0 : i32
      %dma_wait3A_55 = tpu.memref_slice %arg3[%add3A, %dma_wait3A_53, %dma_wait3A_54] : memref<32x80x128xi32, #tpu.memory_space<hbm>> -> memref<1x80x128xi32, #tpu.memory_space<hbm>>
      %dma_wait3A_56 = tpu.memref_squeeze %dma_wait3A_55 : memref<1x80x128xi32, #tpu.memory_space<hbm>> -> memref<80x128xi32, #tpu.memory_space<hbm>>
      tpu.wait_dma2 semaphore(%run_scoped3A : memref<!tpu.dma_semaphore, #tpu.memory_space<semaphore_mem>>) src(%dma_wait3A_56 : memref<80x128xi32, #tpu.memory_space<hbm>>) dst(%arg7 : memref<80x128xi32, #tpu.memory_space<vmem>>)
      tpu.yield
    }) : () -> ()
    "tpu.region"() ({
      %run_scoped3A = tpu.sem_alloc : memref<!tpu.dma_semaphore, #tpu.memory_space<semaphore_mem>>
      %dma_start3A_41 = arith.constant 0 : i32
      %dma_start3A_42 = arith.constant 0 : i32
      %dma_start3A_43 = tpu.memref_slice %arg4[%add3A, %dma_start3A_41, %dma_start3A_42] : memref<32x80x128xi32, #tpu.memory_space<hbm>> -> memref<1x80x128xi32, #tpu.memory_space<hbm>>
      %dma_start3A_44 = tpu.memref_squeeze %dma_start3A_43 : memref<1x80x128xi32, #tpu.memory_space<hbm>> -> memref<80x128xi32, #tpu.memory_space<hbm>>
      %dma_start3A_45 = arith.constant 0 : i32
      %dma_start3A_46 = arith.constant 0 : i32
      %dma_start3A_47 = tpu.memref_slice %arg4[%add3A, %dma_start3A_45, %dma_start3A_46] : memref<32x80x128xi32, #tpu.memory_space<hbm>> -> memref<1x80x128xi32, #tpu.memory_space<hbm>>
      %dma_start3A_48 = tpu.memref_squeeze %dma_start3A_47 : memref<1x80x128xi32, #tpu.memory_space<hbm>> -> memref<80x128xi32, #tpu.memory_space<hbm>>
      tpu.enqueue_dma source(%dma_start3A_48 : memref<80x128xi32, #tpu.memory_space<hbm>>) target(%arg8 : memref<80x128xi32, #tpu.memory_space<vmem>>) target_semaphore(%run_scoped3A : memref<!tpu.dma_semaphore, #tpu.memory_space<semaphore_mem>>)
      %dma_wait3A_49 = arith.constant 0 : i32
      %dma_wait3A_50 = arith.constant 0 : i32
      %dma_wait3A_51 = tpu.memref_slice %arg4[%add3A, %dma_wait3A_49, %dma_wait3A_50] : memref<32x80x128xi32, #tpu.memory_space<hbm>> -> memref<1x80x128xi32, #tpu.memory_space<hbm>>
      %dma_wait3A_52 = tpu.memref_squeeze %dma_wait3A_51 : memref<1x80x128xi32, #tpu.memory_space<hbm>> -> memref<80x128xi32, #tpu.memory_space<hbm>>
      %dma_wait3A_53 = arith.constant 0 : i32
      %dma_wait3A_54 = arith.constant 0 : i32
      %dma_wait3A_55 = tpu.memref_slice %arg4[%add3A, %dma_wait3A_53, %dma_wait3A_54] : memref<32x80x128xi32, #tpu.memory_space<hbm>> -> memref<1x80x128xi32, #tpu.memory_space<hbm>>
      %dma_wait3A_56 = tpu.memref_squeeze %dma_wait3A_55 : memref<1x80x128xi32, #tpu.memory_space<hbm>> -> memref<80x128xi32, #tpu.memory_space<hbm>>
      tpu.wait_dma2 semaphore(%run_scoped3A : memref<!tpu.dma_semaphore, #tpu.memory_space<semaphore_mem>>) src(%dma_wait3A_56 : memref<80x128xi32, #tpu.memory_space<hbm>>) dst(%arg8 : memref<80x128xi32, #tpu.memory_space<vmem>>)
      tpu.yield
    }) : () -> ()
    %barrier3A = arith.constant 0 : index
    tpu.barrier barrier_id(%barrier3A)
    %dma_start3A = arith.constant 0 : i32
    %dma_start3A_5 = arith.constant 0 : i32
    %dma_start3A_6 = tpu.memref_slice %arg7[%dma_start3A, %dma_start3A_5] : memref<80x128xi32, #tpu.memory_space<vmem>> -> memref<1x128xi32, #tpu.memory_space<vmem>>
    %dma_start3A_7 = tpu.memref_squeeze %dma_start3A_6 : memref<1x128xi32, #tpu.memory_space<vmem>> -> memref<128xi32, #tpu.memory_space<vmem>>
    %dma_start3A_8 = arith.constant 0 : i32
    %dma_start3A_9 = arith.constant 0 : i32
    %dma_start3A_10 = tpu.memref_slice %arg2[%dma_start3A_8, %dma_start3A_9] : memref<10112x64xf32, #tpu.memory_space<hbm>> -> memref<10112x64xf32, #tpu.memory_space<hbm>>
    tpu.enqueue_indirect_dma source(%dma_start3A_10 : memref<10112x64xf32, #tpu.memory_space<hbm>>) target(%arg9 : memref<128x64xf32, #tpu.memory_space<vmem>>) offsets(%dma_start3A_7 : memref<128xi32, #tpu.memory_space<vmem>>) semaphore(%arg14 : memref<!tpu.dma_semaphore, #tpu.memory_space<semaphore_mem>>)
    %dma_start3A_11 = arith.constant 1 : i32
    %dma_start3A_12 = arith.constant 0 : i32
    %dma_start3A_13 = tpu.memref_slice %arg7[%dma_start3A_11, %dma_start3A_12] : memref<80x128xi32, #tpu.memory_space<vmem>> -> memref<1x128xi32, #tpu.memory_space<vmem>>
    %dma_start3A_14 = tpu.memref_squeeze %dma_start3A_13 : memref<1x128xi32, #tpu.memory_space<vmem>> -> memref<128xi32, #tpu.memory_space<vmem>>
    %dma_start3A_15 = arith.constant 0 : i32
    %dma_start3A_16 = arith.constant 0 : i32
    %dma_start3A_17 = tpu.memref_slice %arg2[%dma_start3A_15, %dma_start3A_16] : memref<10112x64xf32, #tpu.memory_space<hbm>> -> memref<10112x64xf32, #tpu.memory_space<hbm>>
    tpu.enqueue_indirect_dma source(%dma_start3A_17 : memref<10112x64xf32, #tpu.memory_space<hbm>>) target(%arg10 : memref<128x64xf32, #tpu.memory_space<vmem>>) offsets(%dma_start3A_14 : memref<128xi32, #tpu.memory_space<vmem>>) semaphore(%arg15 : memref<!tpu.dma_semaphore, #tpu.memory_space<semaphore_mem>>)
    %scan3A = arith.constant 0 : i32
    %scan3A_18 = arith.constant 0 : i32
    %scan3A_19 = arith.constant 20 : i32
    %scan3A_20 = arith.addi %scan3A_18, %scan3A_19 : i32
    %scan3A_21 = arith.constant 1 : i32
    scf.for %scan3A_41 = %scan3A_18 to %scan3A_20 step %scan3A_21  : i32 {
      %mul3A_42 = arith.constant 4 : i32
      %mul3A_43 = arith.muli %mul3A_42, %scan3A_41 : i32
      %add3A_44 = arith.constant 0 : i32
      %add3A_45 = arith.addi %mul3A_43, %add3A_44 : i32
      %sub3A = arith.constant 2 : i32
      %sub3A_46 = arith.subi %add3A_45, %sub3A : i32
      %ge3A = arith.constant 0 : i32
      %ge3A_47 = arith.cmpi sge, %sub3A_46, %ge3A : i32
      %convert_element_type3A = arith.extui %ge3A_47 : i1 to i32
      %cond3A = arith.constant 0 : i32
      %cond3A_48 = arith.cmpi ne, %convert_element_type3A, %cond3A : i32
      scf.if %cond3A_48 {
        %sub3A_151 = arith.constant 2 : i32
        %sub3A_152 = arith.subi %add3A_45, %sub3A_151 : i32
        %dma_wait3A_153 = arith.constant 0 : i32
        %dma_wait3A_154 = tpu.memref_slice %arg8[%sub3A_152, %dma_wait3A_153] : memref<80x128xi32, #tpu.memory_space<vmem>> -> memref<1x128xi32, #tpu.memory_space<vmem>>
        %dma_wait3A_155 = tpu.memref_squeeze %dma_wait3A_154 : memref<1x128xi32, #tpu.memory_space<vmem>> -> memref<128xi32, #tpu.memory_space<vmem>>
        %dma_wait3A_156 = arith.constant 0 : i32
        %dma_wait3A_157 = arith.constant 0 : i32
        %dma_wait3A_158 = tpu.memref_slice %arg13[%dma_wait3A_156, %dma_wait3A_157] : memref<10112x64xf32, #tpu.memory_space<vmem_shared>> -> memref<10112x64xf32, #tpu.memory_space<vmem_shared>>
        tpu.wait_indirect_dma semaphore(%arg20 : memref<!tpu.dma_semaphore, #tpu.memory_space<semaphore_mem>>) src(%arg11 : memref<128x64xf32, #tpu.memory_space<vmem>>) dst(%dma_wait3A_158 : memref<10112x64xf32, #tpu.memory_space<vmem_shared>>)
      } else {
      }
      %add3A_49 = arith.constant 2 : i32
      %add3A_50 = arith.addi %add3A_45, %add3A_49 : i32
      %lt3A = arith.constant 80 : i32
      %lt3A_51 = arith.cmpi slt, %add3A_50, %lt3A : i32
      %convert_element_type3A_52 = arith.extui %lt3A_51 : i1 to i32
      %cond3A_53 = arith.constant 0 : i32
      %cond3A_54 = arith.cmpi ne, %convert_element_type3A_52, %cond3A_53 : i32
      scf.if %cond3A_54 {
        %add3A_151 = arith.constant 2 : i32
        %add3A_152 = arith.addi %add3A_45, %add3A_151 : i32
        %dma_start3A_153 = arith.constant 0 : i32
        %dma_start3A_154 = tpu.memref_slice %arg7[%add3A_152, %dma_start3A_153] : memref<80x128xi32, #tpu.memory_space<vmem>> -> memref<1x128xi32, #tpu.memory_space<vmem>>
        %dma_start3A_155 = tpu.memref_squeeze %dma_start3A_154 : memref<1x128xi32, #tpu.memory_space<vmem>> -> memref<128xi32, #tpu.memory_space<vmem>>
        %dma_start3A_156 = arith.constant 0 : i32
        %dma_start3A_157 = arith.constant 0 : i32
        %dma_start3A_158 = tpu.memref_slice %arg2[%dma_start3A_156, %dma_start3A_157] : memref<10112x64xf32, #tpu.memory_space<hbm>> -> memref<10112x64xf32, #tpu.memory_space<hbm>>
        tpu.enqueue_indirect_dma source(%dma_start3A_158 : memref<10112x64xf32, #tpu.memory_space<hbm>>) target(%arg11 : memref<128x64xf32, #tpu.memory_space<vmem>>) offsets(%dma_start3A_155 : memref<128xi32, #tpu.memory_space<vmem>>) semaphore(%arg16 : memref<!tpu.dma_semaphore, #tpu.memory_space<semaphore_mem>>)
      } else {
      }
      %dma_wait3A_55 = arith.constant 0 : i32
      %dma_wait3A_56 = tpu.memref_slice %arg7[%add3A_45, %dma_wait3A_55] : memref<80x128xi32, #tpu.memory_space<vmem>> -> memref<1x128xi32, #tpu.memory_space<vmem>>
      %dma_wait3A_57 = tpu.memref_squeeze %dma_wait3A_56 : memref<1x128xi32, #tpu.memory_space<vmem>> -> memref<128xi32, #tpu.memory_space<vmem>>
      %dma_wait3A_58 = arith.constant 0 : i32
      %dma_wait3A_59 = arith.constant 0 : i32
      %dma_wait3A_60 = tpu.memref_slice %arg2[%dma_wait3A_58, %dma_wait3A_59] : memref<10112x64xf32, #tpu.memory_space<hbm>> -> memref<10112x64xf32, #tpu.memory_space<hbm>>
      tpu.wait_indirect_dma semaphore(%arg14 : memref<!tpu.dma_semaphore, #tpu.memory_space<semaphore_mem>>) src(%dma_wait3A_60 : memref<10112x64xf32, #tpu.memory_space<hbm>>) dst(%arg9 : memref<128x64xf32, #tpu.memory_space<vmem>>)
      %dma_start3A_61 = arith.constant 0 : i32
      %dma_start3A_62 = tpu.memref_slice %arg8[%add3A_45, %dma_start3A_61] : memref<80x128xi32, #tpu.memory_space<vmem>> -> memref<1x128xi32, #tpu.memory_space<vmem>>
      %dma_start3A_63 = tpu.memref_squeeze %dma_start3A_62 : memref<1x128xi32, #tpu.memory_space<vmem>> -> memref<128xi32, #tpu.memory_space<vmem>>
      %dma_start3A_64 = arith.constant 0 : i32
      %dma_start3A_65 = arith.constant 0 : i32
      %dma_start3A_66 = tpu.memref_slice %arg13[%dma_start3A_64, %dma_start3A_65] : memref<10112x64xf32, #tpu.memory_space<vmem_shared>> -> memref<10112x64xf32, #tpu.memory_space<vmem_shared>>
      tpu.enqueue_indirect_dma source(%arg9 : memref<128x64xf32, #tpu.memory_space<vmem>>) target(%dma_start3A_66 : memref<10112x64xf32, #tpu.memory_space<vmem_shared>>) offsets(%dma_start3A_63 : memref<128xi32, #tpu.memory_space<vmem>>) semaphore(%arg18 : memref<!tpu.dma_semaphore, #tpu.memory_space<semaphore_mem>>) {add = true}
      %add3A_67 = arith.constant 1 : i32
      %add3A_68 = arith.addi %mul3A_43, %add3A_67 : i32
      %sub3A_69 = arith.constant 2 : i32
      %sub3A_70 = arith.subi %add3A_68, %sub3A_69 : i32
      %ge3A_71 = arith.constant 0 : i32
      %ge3A_72 = arith.cmpi sge, %sub3A_70, %ge3A_71 : i32
      %convert_element_type3A_73 = arith.extui %ge3A_72 : i1 to i32
      %cond3A_74 = arith.constant 0 : i32
      %cond3A_75 = arith.cmpi ne, %convert_element_type3A_73, %cond3A_74 : i32
      scf.if %cond3A_75 {
        %sub3A_151 = arith.constant 2 : i32
        %sub3A_152 = arith.subi %add3A_68, %sub3A_151 : i32
        %dma_wait3A_153 = arith.constant 0 : i32
        %dma_wait3A_154 = tpu.memref_slice %arg8[%sub3A_152, %dma_wait3A_153] : memref<80x128xi32, #tpu.memory_space<vmem>> -> memref<1x128xi32, #tpu.memory_space<vmem>>
        %dma_wait3A_155 = tpu.memref_squeeze %dma_wait3A_154 : memref<1x128xi32, #tpu.memory_space<vmem>> -> memref<128xi32, #tpu.memory_space<vmem>>
        %dma_wait3A_156 = arith.constant 0 : i32
        %dma_wait3A_157 = arith.constant 0 : i32
        %dma_wait3A_158 = tpu.memref_slice %arg13[%dma_wait3A_156, %dma_wait3A_157] : memref<10112x64xf32, #tpu.memory_space<vmem_shared>> -> memref<10112x64xf32, #tpu.memory_space<vmem_shared>>
        tpu.wait_indirect_dma semaphore(%arg21 : memref<!tpu.dma_semaphore, #tpu.memory_space<semaphore_mem>>) src(%arg12 : memref<128x64xf32, #tpu.memory_space<vmem>>) dst(%dma_wait3A_158 : memref<10112x64xf32, #tpu.memory_space<vmem_shared>>)
      } else {
      }
      %add3A_76 = arith.constant 2 : i32
      %add3A_77 = arith.addi %add3A_68, %add3A_76 : i32
      %lt3A_78 = arith.constant 80 : i32
      %lt3A_79 = arith.cmpi slt, %add3A_77, %lt3A_78 : i32
      %convert_element_type3A_80 = arith.extui %lt3A_79 : i1 to i32
      %cond3A_81 = arith.constant 0 : i32
      %cond3A_82 = arith.cmpi ne, %convert_element_type3A_80, %cond3A_81 : i32
      scf.if %cond3A_82 {
        %add3A_151 = arith.constant 2 : i32
        %add3A_152 = arith.addi %add3A_68, %add3A_151 : i32
        %dma_start3A_153 = arith.constant 0 : i32
        %dma_start3A_154 = tpu.memref_slice %arg7[%add3A_152, %dma_start3A_153] : memref<80x128xi32, #tpu.memory_space<vmem>> -> memref<1x128xi32, #tpu.memory_space<vmem>>
        %dma_start3A_155 = tpu.memref_squeeze %dma_start3A_154 : memref<1x128xi32, #tpu.memory_space<vmem>> -> memref<128xi32, #tpu.memory_space<vmem>>
        %dma_start3A_156 = arith.constant 0 : i32
        %dma_start3A_157 = arith.constant 0 : i32
        %dma_start3A_158 = tpu.memref_slice %arg2[%dma_start3A_156, %dma_start3A_157] : memref<10112x64xf32, #tpu.memory_space<hbm>> -> memref<10112x64xf32, #tpu.memory_space<hbm>>
        tpu.enqueue_indirect_dma source(%dma_start3A_158 : memref<10112x64xf32, #tpu.memory_space<hbm>>) target(%arg12 : memref<128x64xf32, #tpu.memory_space<vmem>>) offsets(%dma_start3A_155 : memref<128xi32, #tpu.memory_space<vmem>>) semaphore(%arg17 : memref<!tpu.dma_semaphore, #tpu.memory_space<semaphore_mem>>)
      } else {
      }
      %dma_wait3A_83 = arith.constant 0 : i32
      %dma_wait3A_84 = tpu.memref_slice %arg7[%add3A_68, %dma_wait3A_83] : memref<80x128xi32, #tpu.memory_space<vmem>> -> memref<1x128xi32, #tpu.memory_space<vmem>>
      %dma_wait3A_85 = tpu.memref_squeeze %dma_wait3A_84 : memref<1x128xi32, #tpu.memory_space<vmem>> -> memref<128xi32, #tpu.memory_space<vmem>>
      %dma_wait3A_86 = arith.constant 0 : i32
      %dma_wait3A_87 = arith.constant 0 : i32
      %dma_wait3A_88 = tpu.memref_slice %arg2[%dma_wait3A_86, %dma_wait3A_87] : memref<10112x64xf32, #tpu.memory_space<hbm>> -> memref<10112x64xf32, #tpu.memory_space<hbm>>
      tpu.wait_indirect_dma semaphore(%arg15 : memref<!tpu.dma_semaphore, #tpu.memory_space<semaphore_mem>>) src(%dma_wait3A_88 : memref<10112x64xf32, #tpu.memory_space<hbm>>) dst(%arg10 : memref<128x64xf32, #tpu.memory_space<vmem>>)
      %dma_start3A_89 = arith.constant 0 : i32
      %dma_start3A_90 = tpu.memref_slice %arg8[%add3A_68, %dma_start3A_89] : memref<80x128xi32, #tpu.memory_space<vmem>> -> memref<1x128xi32, #tpu.memory_space<vmem>>
      %dma_start3A_91 = tpu.memref_squeeze %dma_start3A_90 : memref<1x128xi32, #tpu.memory_space<vmem>> -> memref<128xi32, #tpu.memory_space<vmem>>
      %dma_start3A_92 = arith.constant 0 : i32
      %dma_start3A_93 = arith.constant 0 : i32
      %dma_start3A_94 = tpu.memref_slice %arg13[%dma_start3A_92, %dma_start3A_93] : memref<10112x64xf32, #tpu.memory_space<vmem_shared>> -> memref<10112x64xf32, #tpu.memory_space<vmem_shared>>
      tpu.enqueue_indirect_dma source(%arg10 : memref<128x64xf32, #tpu.memory_space<vmem>>) target(%dma_start3A_94 : memref<10112x64xf32, #tpu.memory_space<vmem_shared>>) offsets(%dma_start3A_91 : memref<128xi32, #tpu.memory_space<vmem>>) semaphore(%arg19 : memref<!tpu.dma_semaphore, #tpu.memory_space<semaphore_mem>>) {add = true}
      %add3A_95 = arith.constant 2 : i32
      %add3A_96 = arith.addi %mul3A_43, %add3A_95 : i32
      %sub3A_97 = arith.constant 2 : i32
      %sub3A_98 = arith.subi %add3A_96, %sub3A_97 : i32
      %ge3A_99 = arith.constant 0 : i32
      %ge3A_100 = arith.cmpi sge, %sub3A_98, %ge3A_99 : i32
      %convert_element_type3A_101 = arith.extui %ge3A_100 : i1 to i32
      %cond3A_102 = arith.constant 0 : i32
      %cond3A_103 = arith.cmpi ne, %convert_element_type3A_101, %cond3A_102 : i32
      scf.if %cond3A_103 {
        %sub3A_151 = arith.constant 2 : i32
        %sub3A_152 = arith.subi %add3A_96, %sub3A_151 : i32
        %dma_wait3A_153 = arith.constant 0 : i32
        %dma_wait3A_154 = tpu.memref_slice %arg8[%sub3A_152, %dma_wait3A_153] : memref<80x128xi32, #tpu.memory_space<vmem>> -> memref<1x128xi32, #tpu.memory_space<vmem>>
        %dma_wait3A_155 = tpu.memref_squeeze %dma_wait3A_154 : memref<1x128xi32, #tpu.memory_space<vmem>> -> memref<128xi32, #tpu.memory_space<vmem>>
        %dma_wait3A_156 = arith.constant 0 : i32
        %dma_wait3A_157 = arith.constant 0 : i32
        %dma_wait3A_158 = tpu.memref_slice %arg13[%dma_wait3A_156, %dma_wait3A_157] : memref<10112x64xf32, #tpu.memory_space<vmem_shared>> -> memref<10112x64xf32, #tpu.memory_space<vmem_shared>>
        tpu.wait_indirect_dma semaphore(%arg18 : memref<!tpu.dma_semaphore, #tpu.memory_space<semaphore_mem>>) src(%arg9 : memref<128x64xf32, #tpu.memory_space<vmem>>) dst(%dma_wait3A_158 : memref<10112x64xf32, #tpu.memory_space<vmem_shared>>)
      } else {
      }
      %add3A_104 = arith.constant 2 : i32
      %add3A_105 = arith.addi %add3A_96, %add3A_104 : i32
      %lt3A_106 = arith.constant 80 : i32
      %lt3A_107 = arith.cmpi slt, %add3A_105, %lt3A_106 : i32
      %convert_element_type3A_108 = arith.extui %lt3A_107 : i1 to i32
      %cond3A_109 = arith.constant 0 : i32
      %cond3A_110 = arith.cmpi ne, %convert_element_type3A_108, %cond3A_109 : i32
      scf.if %cond3A_110 {
        %add3A_151 = arith.constant 2 : i32
        %add3A_152 = arith.addi %add3A_96, %add3A_151 : i32
        %dma_start3A_153 = arith.constant 0 : i32
        %dma_start3A_154 = tpu.memref_slice %arg7[%add3A_152, %dma_start3A_153] : memref<80x128xi32, #tpu.memory_space<vmem>> -> memref<1x128xi32, #tpu.memory_space<vmem>>
        %dma_start3A_155 = tpu.memref_squeeze %dma_start3A_154 : memref<1x128xi32, #tpu.memory_space<vmem>> -> memref<128xi32, #tpu.memory_space<vmem>>
        %dma_start3A_156 = arith.constant 0 : i32
        %dma_start3A_157 = arith.constant 0 : i32
        %dma_start3A_158 = tpu.memref_slice %arg2[%dma_start3A_156, %dma_start3A_157] : memref<10112x64xf32, #tpu.memory_space<hbm>> -> memref<10112x64xf32, #tpu.memory_space<hbm>>
        tpu.enqueue_indirect_dma source(%dma_start3A_158 : memref<10112x64xf32, #tpu.memory_space<hbm>>) target(%arg9 : memref<128x64xf32, #tpu.memory_space<vmem>>) offsets(%dma_start3A_155 : memref<128xi32, #tpu.memory_space<vmem>>) semaphore(%arg14 : memref<!tpu.dma_semaphore, #tpu.memory_space<semaphore_mem>>)
      } else {
      }
      %dma_wait3A_111 = arith.constant 0 : i32
      %dma_wait3A_112 = tpu.memref_slice %arg7[%add3A_96, %dma_wait3A_111] : memref<80x128xi32, #tpu.memory_space<vmem>> -> memref<1x128xi32, #tpu.memory_space<vmem>>
      %dma_wait3A_113 = tpu.memref_squeeze %dma_wait3A_112 : memref<1x128xi32, #tpu.memory_space<vmem>> -> memref<128xi32, #tpu.memory_space<vmem>>
      %dma_wait3A_114 = arith.constant 0 : i32
      %dma_wait3A_115 = arith.constant 0 : i32
      %dma_wait3A_116 = tpu.memref_slice %arg2[%dma_wait3A_114, %dma_wait3A_115] : memref<10112x64xf32, #tpu.memory_space<hbm>> -> memref<10112x64xf32, #tpu.memory_space<hbm>>
      tpu.wait_indirect_dma semaphore(%arg16 : memref<!tpu.dma_semaphore, #tpu.memory_space<semaphore_mem>>) src(%dma_wait3A_116 : memref<10112x64xf32, #tpu.memory_space<hbm>>) dst(%arg11 : memref<128x64xf32, #tpu.memory_space<vmem>>)
      %dma_start3A_117 = arith.constant 0 : i32
      %dma_start3A_118 = tpu.memref_slice %arg8[%add3A_96, %dma_start3A_117] : memref<80x128xi32, #tpu.memory_space<vmem>> -> memref<1x128xi32, #tpu.memory_space<vmem>>
      %dma_start3A_119 = tpu.memref_squeeze %dma_start3A_118 : memref<1x128xi32, #tpu.memory_space<vmem>> -> memref<128xi32, #tpu.memory_space<vmem>>
      %dma_start3A_120 = arith.constant 0 : i32
      %dma_start3A_121 = arith.constant 0 : i32
      %dma_start3A_122 = tpu.memref_slice %arg13[%dma_start3A_120, %dma_start3A_121] : memref<10112x64xf32, #tpu.memory_space<vmem_shared>> -> memref<10112x64xf32, #tpu.memory_space<vmem_shared>>
      tpu.enqueue_indirect_dma source(%arg11 : memref<128x64xf32, #tpu.memory_space<vmem>>) target(%dma_start3A_122 : memref<10112x64xf32, #tpu.memory_space<vmem_shared>>) offsets(%dma_start3A_119 : memref<128xi32, #tpu.memory_space<vmem>>) semaphore(%arg20 : memref<!tpu.dma_semaphore, #tpu.memory_space<semaphore_mem>>) {add = true}
      %add3A_123 = arith.constant 3 : i32
      %add3A_124 = arith.addi %mul3A_43, %add3A_123 : i32
      %sub3A_125 = arith.constant 2 : i32
      %sub3A_126 = arith.subi %add3A_124, %sub3A_125 : i32
      %ge3A_127 = arith.constant 0 : i32
      %ge3A_128 = arith.cmpi sge, %sub3A_126, %ge3A_127 : i32
      %convert_element_type3A_129 = arith.extui %ge3A_128 : i1 to i32
      %cond3A_130 = arith.constant 0 : i32
      %cond3A_131 = arith.cmpi ne, %convert_element_type3A_129, %cond3A_130 : i32
      scf.if %cond3A_131 {
        %sub3A_151 = arith.constant 2 : i32
        %sub3A_152 = arith.subi %add3A_124, %sub3A_151 : i32
        %dma_wait3A_153 = arith.constant 0 : i32
        %dma_wait3A_154 = tpu.memref_slice %arg8[%sub3A_152, %dma_wait3A_153] : memref<80x128xi32, #tpu.memory_space<vmem>> -> memref<1x128xi32, #tpu.memory_space<vmem>>
        %dma_wait3A_155 = tpu.memref_squeeze %dma_wait3A_154 : memref<1x128xi32, #tpu.memory_space<vmem>> -> memref<128xi32, #tpu.memory_space<vmem>>
        %dma_wait3A_156 = arith.constant 0 : i32
        %dma_wait3A_157 = arith.constant 0 : i32
        %dma_wait3A_158 = tpu.memref_slice %arg13[%dma_wait3A_156, %dma_wait3A_157] : memref<10112x64xf32, #tpu.memory_space<vmem_shared>> -> memref<10112x64xf32, #tpu.memory_space<vmem_shared>>
        tpu.wait_indirect_dma semaphore(%arg19 : memref<!tpu.dma_semaphore, #tpu.memory_space<semaphore_mem>>) src(%arg10 : memref<128x64xf32, #tpu.memory_space<vmem>>) dst(%dma_wait3A_158 : memref<10112x64xf32, #tpu.memory_space<vmem_shared>>)
      } else {
      }
      %add3A_132 = arith.constant 2 : i32
      %add3A_133 = arith.addi %add3A_124, %add3A_132 : i32
      %lt3A_134 = arith.constant 80 : i32
      %lt3A_135 = arith.cmpi slt, %add3A_133, %lt3A_134 : i32
      %convert_element_type3A_136 = arith.extui %lt3A_135 : i1 to i32
      %cond3A_137 = arith.constant 0 : i32
      %cond3A_138 = arith.cmpi ne, %convert_element_type3A_136, %cond3A_137 : i32
      scf.if %cond3A_138 {
        %add3A_151 = arith.constant 2 : i32
        %add3A_152 = arith.addi %add3A_124, %add3A_151 : i32
        %dma_start3A_153 = arith.constant 0 : i32
        %dma_start3A_154 = tpu.memref_slice %arg7[%add3A_152, %dma_start3A_153] : memref<80x128xi32, #tpu.memory_space<vmem>> -> memref<1x128xi32, #tpu.memory_space<vmem>>
        %dma_start3A_155 = tpu.memref_squeeze %dma_start3A_154 : memref<1x128xi32, #tpu.memory_space<vmem>> -> memref<128xi32, #tpu.memory_space<vmem>>
        %dma_start3A_156 = arith.constant 0 : i32
        %dma_start3A_157 = arith.constant 0 : i32
        %dma_start3A_158 = tpu.memref_slice %arg2[%dma_start3A_156, %dma_start3A_157] : memref<10112x64xf32, #tpu.memory_space<hbm>> -> memref<10112x64xf32, #tpu.memory_space<hbm>>
        tpu.enqueue_indirect_dma source(%dma_start3A_158 : memref<10112x64xf32, #tpu.memory_space<hbm>>) target(%arg10 : memref<128x64xf32, #tpu.memory_space<vmem>>) offsets(%dma_start3A_155 : memref<128xi32, #tpu.memory_space<vmem>>) semaphore(%arg15 : memref<!tpu.dma_semaphore, #tpu.memory_space<semaphore_mem>>)
      } else {
      }
      %dma_wait3A_139 = arith.constant 0 : i32
      %dma_wait3A_140 = tpu.memref_slice %arg7[%add3A_124, %dma_wait3A_139] : memref<80x128xi32, #tpu.memory_space<vmem>> -> memref<1x128xi32, #tpu.memory_space<vmem>>
      %dma_wait3A_141 = tpu.memref_squeeze %dma_wait3A_140 : memref<1x128xi32, #tpu.memory_space<vmem>> -> memref<128xi32, #tpu.memory_space<vmem>>
      %dma_wait3A_142 = arith.constant 0 : i32
      %dma_wait3A_143 = arith.constant 0 : i32
      %dma_wait3A_144 = tpu.memref_slice %arg2[%dma_wait3A_142, %dma_wait3A_143] : memref<10112x64xf32, #tpu.memory_space<hbm>> -> memref<10112x64xf32, #tpu.memory_space<hbm>>
      tpu.wait_indirect_dma semaphore(%arg17 : memref<!tpu.dma_semaphore, #tpu.memory_space<semaphore_mem>>) src(%dma_wait3A_144 : memref<10112x64xf32, #tpu.memory_space<hbm>>) dst(%arg12 : memref<128x64xf32, #tpu.memory_space<vmem>>)
      %dma_start3A_145 = arith.constant 0 : i32
      %dma_start3A_146 = tpu.memref_slice %arg8[%add3A_124, %dma_start3A_145] : memref<80x128xi32, #tpu.memory_space<vmem>> -> memref<1x128xi32, #tpu.memory_space<vmem>>
      %dma_start3A_147 = tpu.memref_squeeze %dma_start3A_146 : memref<1x128xi32, #tpu.memory_space<vmem>> -> memref<128xi32, #tpu.memory_space<vmem>>
      %dma_start3A_148 = arith.constant 0 : i32
      %dma_start3A_149 = arith.constant 0 : i32
      %dma_start3A_150 = tpu.memref_slice %arg13[%dma_start3A_148, %dma_start3A_149] : memref<10112x64xf32, #tpu.memory_space<vmem_shared>> -> memref<10112x64xf32, #tpu.memory_space<vmem_shared>>
      tpu.enqueue_indirect_dma source(%arg12 : memref<128x64xf32, #tpu.memory_space<vmem>>) target(%dma_start3A_150 : memref<10112x64xf32, #tpu.memory_space<vmem_shared>>) offsets(%dma_start3A_147 : memref<128xi32, #tpu.memory_space<vmem>>) semaphore(%arg21 : memref<!tpu.dma_semaphore, #tpu.memory_space<semaphore_mem>>) {add = true}
    }
    %scan3A_22 = arith.constant 20 : i32
    %dma_wait3A = arith.constant 78 : i32
    %dma_wait3A_23 = arith.constant 0 : i32
    %dma_wait3A_24 = tpu.memref_slice %arg8[%dma_wait3A, %dma_wait3A_23] : memref<80x128xi32, #tpu.memory_space<vmem>> -> memref<1x128xi32, #tpu.memory_space<vmem>>
    %dma_wait3A_25 = tpu.memref_squeeze %dma_wait3A_24 : memref<1x128xi32, #tpu.memory_space<vmem>> -> memref<128xi32, #tpu.memory_space<vmem>>
    %dma_wait3A_26 = arith.constant 0 : i32
    %dma_wait3A_27 = arith.constant 0 : i32
    %dma_wait3A_28 = tpu.memref_slice %arg13[%dma_wait3A_26, %dma_wait3A_27] : memref<10112x64xf32, #tpu.memory_space<vmem_shared>> -> memref<10112x64xf32, #tpu.memory_space<vmem_shared>>
    tpu.wait_indirect_dma semaphore(%arg20 : memref<!tpu.dma_semaphore, #tpu.memory_space<semaphore_mem>>) src(%arg11 : memref<128x64xf32, #tpu.memory_space<vmem>>) dst(%dma_wait3A_28 : memref<10112x64xf32, #tpu.memory_space<vmem_shared>>)
    %dma_wait3A_29 = arith.constant 79 : i32
    %dma_wait3A_30 = arith.constant 0 : i32
    %dma_wait3A_31 = tpu.memref_slice %arg8[%dma_wait3A_29, %dma_wait3A_30] : memref<80x128xi32, #tpu.memory_space<vmem>> -> memref<1x128xi32, #tpu.memory_space<vmem>>
    %dma_wait3A_32 = tpu.memref_squeeze %dma_wait3A_31 : memref<1x128xi32, #tpu.memory_space<vmem>> -> memref<128xi32, #tpu.memory_space<vmem>>
    %dma_wait3A_33 = arith.constant 0 : i32
    %dma_wait3A_34 = arith.constant 0 : i32
    %dma_wait3A_35 = tpu.memref_slice %arg13[%dma_wait3A_33, %dma_wait3A_34] : memref<10112x64xf32, #tpu.memory_space<vmem_shared>> -> memref<10112x64xf32, #tpu.memory_space<vmem_shared>>
    tpu.wait_indirect_dma semaphore(%arg21 : memref<!tpu.dma_semaphore, #tpu.memory_space<semaphore_mem>>) src(%arg12 : memref<128x64xf32, #tpu.memory_space<vmem>>) dst(%dma_wait3A_35 : memref<10112x64xf32, #tpu.memory_space<vmem_shared>>)
    %barrier3A_36 = arith.constant 0 : index
    tpu.barrier barrier_id(%barrier3A_36)
    %mul3A_37 = arith.constant 632 : i32
    %mul3A_38 = arith.muli %arg1, %mul3A_37 : i32
    %mul3A_39 = arith.constant 632 : i32
    %mul3A_40 = arith.muli %arg1, %mul3A_39 : i32
    "tpu.region"() ({
      %run_scoped3A = tpu.sem_alloc : memref<!tpu.dma_semaphore, #tpu.memory_space<semaphore_mem>>
      %dma_start3A_41 = arith.constant 0 : i32
      %dma_start3A_42 = tpu.memref_slice %arg6[%arg0, %mul3A_40, %dma_start3A_41] : memref<2x10112x64xf32, #tpu.memory_space<hbm>> -> memref<1x632x64xf32, #tpu.memory_space<hbm>>
      %dma_start3A_43 = tpu.memref_squeeze %dma_start3A_42 : memref<1x632x64xf32, #tpu.memory_space<hbm>> -> memref<632x64xf32, #tpu.memory_space<hbm>>
      %dma_start3A_44 = arith.constant 0 : i32
      %dma_start3A_45 = tpu.memref_slice %arg13[%mul3A_38, %dma_start3A_44] : memref<10112x64xf32, #tpu.memory_space<vmem_shared>> -> memref<632x64xf32, #tpu.memory_space<vmem_shared>>
      tpu.enqueue_dma source(%dma_start3A_45 : memref<632x64xf32, #tpu.memory_space<vmem_shared>>) target(%dma_start3A_43 : memref<632x64xf32, #tpu.memory_space<hbm>>) target_semaphore(%run_scoped3A : memref<!tpu.dma_semaphore, #tpu.memory_space<semaphore_mem>>)
      %dma_wait3A_46 = arith.constant 0 : i32
      %dma_wait3A_47 = tpu.memref_slice %arg6[%arg0, %mul3A_40, %dma_wait3A_46] : memref<2x10112x64xf32, #tpu.memory_space<hbm>> -> memref<1x632x64xf32, #tpu.memory_space<hbm>>
      %dma_wait3A_48 = tpu.memref_squeeze %dma_wait3A_47 : memref<1x632x64xf32, #tpu.memory_space<hbm>> -> memref<632x64xf32, #tpu.memory_space<hbm>>
      %dma_wait3A_49 = arith.constant 0 : i32
      %dma_wait3A_50 = tpu.memref_slice %arg13[%mul3A_38, %dma_wait3A_49] : memref<10112x64xf32, #tpu.memory_space<vmem_shared>> -> memref<632x64xf32, #tpu.memory_space<vmem_shared>>
      tpu.wait_dma2 semaphore(%run_scoped3A : memref<!tpu.dma_semaphore, #tpu.memory_space<semaphore_mem>>) src(%dma_wait3A_50 : memref<632x64xf32, #tpu.memory_space<vmem_shared>>) dst(%dma_wait3A_48 : memref<632x64xf32, #tpu.memory_space<hbm>>)
      tpu.yield
    }) : () -> ()
    return
  }
}

#map = affine_map<(d0, d1) -> (0, 0)>
#map1 = affine_map<(d0, d1) -> (0, 0, 0)>
module attributes {stable_mosaic.version = 14 : i64} {
  func.func @body(%arg0: i32, %arg1: i32, %arg2: memref<10112x64xf32, #tpu.memory_space<hbm>>, %arg3: memref<32x80x128xi32, #tpu.memory_space<hbm>>, %arg4: memref<32x80x128xi32, #tpu.memory_space<hbm>>, %arg5: memref<10112x64xf32, #tpu.memory_space<hbm>>, %arg6: memref<2x10112x64xf32, #tpu.memory_space<hbm>>, %arg7: memref<80x128xi32, #tpu.memory_space<vmem>>, %arg8: memref<80x128xi32, #tpu.memory_space<vmem>>, %arg9: memref<128x64xf32, #tpu.memory_space<vmem>>, %arg10: memref<128x64xf32, #tpu.memory_space<vmem>>, %arg11: memref<128x64xf32, #tpu.memory_space<vmem>>, %arg12: memref<128x64xf32, #tpu.memory_space<vmem>>, %arg13: memref<10112x64xf32, #tpu.memory_space<vmem_shared>>, %arg14: memref<!tpu.dma_semaphore, #tpu.memory_space<semaphore_mem>>, %arg15: memref<!tpu.dma_semaphore, #tpu.memory_space<semaphore_mem>>, %arg16: memref<!tpu.dma_semaphore, #tpu.memory_space<semaphore_mem>>, %arg17: memref<!tpu.dma_semaphore, #tpu.memory_space<semaphore_mem>>, %arg18: memref<!tpu.dma_semaphore, #tpu.memory_space<semaphore_mem>>, %arg19: memref<!tpu.dma_semaphore, #tpu.memory_space<semaphore_mem>>, %arg20: memref<!tpu.dma_semaphore, #tpu.memory_space<semaphore_mem>>, %arg21: memref<!tpu.dma_semaphore, #tpu.memory_space<semaphore_mem>>) attributes {dimension_semantics = [#tpu.dimension_semantics<core_parallel>, #tpu.dimension_semantics<subcore_parallel>], iteration_bounds = array<i64: 2, 16>, scalar_prefetch = 0 : i64, scratch_operands = 15 : i64, tpu.core_type = #tpu.core_type<sc_vector_subcore>, window_params = [{transform_indices = #map}, {transform_indices = #map1}, {transform_indices = #map1}, {transform_indices = #map}, {transform_indices = #map1}]} {
    %mul3A = arith.constant 2 : i32
    %mul3A_0 = arith.muli %arg1, %mul3A : i32
    %add3A = arith.addi %mul3A_0, %arg0 : i32
    %mul3A_1 = arith.constant 632 : i32
    %mul3A_2 = arith.muli %arg1, %mul3A_1 : i32
    %mul3A_3 = arith.constant 632 : i32
    %mul3A_4 = arith.muli %arg1, %mul3A_3 : i32
    "tpu.region"() ({
      %run_scoped3A = tpu.sem_alloc : memref<!tpu.dma_semaphore, #tpu.memory_space<semaphore_mem>>
      %dma_start3A_41 = arith.constant 0 : i32
      %dma_start3A_42 = tpu.memref_slice %arg13[%mul3A_4, %dma_start3A_41] : memref<10112x64xf32, #tpu.memory_space<vmem_shared>> -> memref<632x64xf32, #tpu.memory_space<vmem_shared>>
      %dma_start3A_43 = arith.constant 0 : i32
      %dma_start3A_44 = tpu.memref_slice %arg5[%mul3A_2, %dma_start3A_43] : memref<10112x64xf32, #tpu.memory_space<hbm>> -> memref<632x64xf32, #tpu.memory_space<hbm>>
      tpu.enqueue_dma source(%dma_start3A_44 : memref<632x64xf32, #tpu.memory_space<hbm>>) target(%dma_start3A_42 : memref<632x64xf32, #tpu.memory_space<vmem_shared>>) target_semaphore(%run_scoped3A : memref<!tpu.dma_semaphore, #tpu.memory_space<semaphore_mem>>)
      %dma_wait3A_45 = arith.constant 0 : i32
      %dma_wait3A_46 = tpu.memref_slice %arg13[%mul3A_4, %dma_wait3A_45] : memref<10112x64xf32, #tpu.memory_space<vmem_shared>> -> memref<632x64xf32, #tpu.memory_space<vmem_shared>>
      %dma_wait3A_47 = arith.constant 0 : i32
      %dma_wait3A_48 = tpu.memref_slice %arg5[%mul3A_2, %dma_wait3A_47] : memref<10112x64xf32, #tpu.memory_space<hbm>> -> memref<632x64xf32, #tpu.memory_space<hbm>>
      tpu.wait_dma2 semaphore(%run_scoped3A : memref<!tpu.dma_semaphore, #tpu.memory_space<semaphore_mem>>) src(%dma_wait3A_48 : memref<632x64xf32, #tpu.memory_space<hbm>>) dst(%dma_wait3A_46 : memref<632x64xf32, #tpu.memory_space<vmem_shared>>)
      tpu.yield
    }) : () -> ()
    "tpu.region"() ({
      %run_scoped3A = tpu.sem_alloc : memref<!tpu.dma_semaphore, #tpu.memory_space<semaphore_mem>>
      %dma_start3A_41 = arith.constant 0 : i32
      %dma_start3A_42 = arith.constant 0 : i32
      %dma_start3A_43 = tpu.memref_slice %arg3[%add3A, %dma_start3A_41, %dma_start3A_42] : memref<32x80x128xi32, #tpu.memory_space<hbm>> -> memref<1x80x128xi32, #tpu.memory_space<hbm>>
      %dma_start3A_44 = tpu.memref_squeeze %dma_start3A_43 : memref<1x80x128xi32, #tpu.memory_space<hbm>> -> memref<80x128xi32, #tpu.memory_space<hbm>>
      %dma_start3A_45 = arith.constant 0 : i32
      %dma_start3A_46 = arith.constant 0 : i32
      %dma_start3A_47 = tpu.memref_slice %arg3[%add3A, %dma_start3A_45, %dma_start3A_46] : memref<32x80x128xi32, #tpu.memory_space<hbm>> -> memref<1x80x128xi32, #tpu.memory_space<hbm>>
      %dma_start3A_48 = tpu.memref_squeeze %dma_start3A_47 : memref<1x80x128xi32, #tpu.memory_space<hbm>> -> memref<80x128xi32, #tpu.memory_space<hbm>>
      tpu.enqueue_dma source(%dma_start3A_48 : memref<80x128xi32, #tpu.memory_space<hbm>>) target(%arg7 : memref<80x128xi32, #tpu.memory_space<vmem>>) target_semaphore(%run_scoped3A : memref<!tpu.dma_semaphore, #tpu.memory_space<semaphore_mem>>)
      %dma_wait3A_49 = arith.constant 0 : i32
      %dma_wait3A_50 = arith.constant 0 : i32
      %dma_wait3A_51 = tpu.memref_slice %arg3[%add3A, %dma_wait3A_49, %dma_wait3A_50] : memref<32x80x128xi32, #tpu.memory_space<hbm>> -> memref<1x80x128xi32, #tpu.memory_space<hbm>>
      %dma_wait3A_52 = tpu.memref_squeeze %dma_wait3A_51 : memref<1x80x128xi32, #tpu.memory_space<hbm>> -> memref<80x128xi32, #tpu.memory_space<hbm>>
      %dma_wait3A_53 = arith.constant 0 : i32
      %dma_wait3A_54 = arith.constant 0 : i32
      %dma_wait3A_55 = tpu.memref_slice %arg3[%add3A, %dma_wait3A_53, %dma_wait3A_54] : memref<32x80x128xi32, #tpu.memory_space<hbm>> -> memref<1x80x128xi32, #tpu.memory_space<hbm>>
      %dma_wait3A_56 = tpu.memref_squeeze %dma_wait3A_55 : memref<1x80x128xi32, #tpu.memory_space<hbm>> -> memref<80x128xi32, #tpu.memory_space<hbm>>
      tpu.wait_dma2 semaphore(%run_scoped3A : memref<!tpu.dma_semaphore, #tpu.memory_space<semaphore_mem>>) src(%dma_wait3A_56 : memref<80x128xi32, #tpu.memory_space<hbm>>) dst(%arg7 : memref<80x128xi32, #tpu.memory_space<vmem>>)
      tpu.yield
    }) : () -> ()
    "tpu.region"() ({
      %run_scoped3A = tpu.sem_alloc : memref<!tpu.dma_semaphore, #tpu.memory_space<semaphore_mem>>
      %dma_start3A_41 = arith.constant 0 : i32
      %dma_start3A_42 = arith.constant 0 : i32
      %dma_start3A_43 = tpu.memref_slice %arg4[%add3A, %dma_start3A_41, %dma_start3A_42] : memref<32x80x128xi32, #tpu.memory_space<hbm>> -> memref<1x80x128xi32, #tpu.memory_space<hbm>>
      %dma_start3A_44 = tpu.memref_squeeze %dma_start3A_43 : memref<1x80x128xi32, #tpu.memory_space<hbm>> -> memref<80x128xi32, #tpu.memory_space<hbm>>
      %dma_start3A_45 = arith.constant 0 : i32
      %dma_start3A_46 = arith.constant 0 : i32
      %dma_start3A_47 = tpu.memref_slice %arg4[%add3A, %dma_start3A_45, %dma_start3A_46] : memref<32x80x128xi32, #tpu.memory_space<hbm>> -> memref<1x80x128xi32, #tpu.memory_space<hbm>>
      %dma_start3A_48 = tpu.memref_squeeze %dma_start3A_47 : memref<1x80x128xi32, #tpu.memory_space<hbm>> -> memref<80x128xi32, #tpu.memory_space<hbm>>
      tpu.enqueue_dma source(%dma_start3A_48 : memref<80x128xi32, #tpu.memory_space<hbm>>) target(%arg8 : memref<80x128xi32, #tpu.memory_space<vmem>>) target_semaphore(%run_scoped3A : memref<!tpu.dma_semaphore, #tpu.memory_space<semaphore_mem>>)
      %dma_wait3A_49 = arith.constant 0 : i32
      %dma_wait3A_50 = arith.constant 0 : i32
      %dma_wait3A_51 = tpu.memref_slice %arg4[%add3A, %dma_wait3A_49, %dma_wait3A_50] : memref<32x80x128xi32, #tpu.memory_space<hbm>> -> memref<1x80x128xi32, #tpu.memory_space<hbm>>
      %dma_wait3A_52 = tpu.memref_squeeze %dma_wait3A_51 : memref<1x80x128xi32, #tpu.memory_space<hbm>> -> memref<80x128xi32, #tpu.memory_space<hbm>>
      %dma_wait3A_53 = arith.constant 0 : i32
      %dma_wait3A_54 = arith.constant 0 : i32
      %dma_wait3A_55 = tpu.memref_slice %arg4[%add3A, %dma_wait3A_53, %dma_wait3A_54] : memref<32x80x128xi32, #tpu.memory_space<hbm>> -> memref<1x80x128xi32, #tpu.memory_space<hbm>>
      %dma_wait3A_56 = tpu.memref_squeeze %dma_wait3A_55 : memref<1x80x128xi32, #tpu.memory_space<hbm>> -> memref<80x128xi32, #tpu.memory_space<hbm>>
      tpu.wait_dma2 semaphore(%run_scoped3A : memref<!tpu.dma_semaphore, #tpu.memory_space<semaphore_mem>>) src(%dma_wait3A_56 : memref<80x128xi32, #tpu.memory_space<hbm>>) dst(%arg8 : memref<80x128xi32, #tpu.memory_space<vmem>>)
      tpu.yield
    }) : () -> ()
    %barrier3A = arith.constant 0 : index
    tpu.barrier barrier_id(%barrier3A)
    %dma_start3A = arith.constant 0 : i32
    %dma_start3A_5 = arith.constant 0 : i32
    %dma_start3A_6 = tpu.memref_slice %arg7[%dma_start3A, %dma_start3A_5] : memref<80x128xi32, #tpu.memory_space<vmem>> -> memref<1x128xi32, #tpu.memory_space<vmem>>
    %dma_start3A_7 = tpu.memref_squeeze %dma_start3A_6 : memref<1x128xi32, #tpu.memory_space<vmem>> -> memref<128xi32, #tpu.memory_space<vmem>>
    %dma_start3A_8 = arith.constant 0 : i32
    %dma_start3A_9 = arith.constant 0 : i32
    %dma_start3A_10 = tpu.memref_slice %arg2[%dma_start3A_8, %dma_start3A_9] : memref<10112x64xf32, #tpu.memory_space<hbm>> -> memref<10112x64xf32, #tpu.memory_space<hbm>>
    tpu.enqueue_indirect_dma source(%dma_start3A_10 : memref<10112x64xf32, #tpu.memory_space<hbm>>) target(%arg9 : memref<128x64xf32, #tpu.memory_space<vmem>>) offsets(%dma_start3A_7 : memref<128xi32, #tpu.memory_space<vmem>>) semaphore(%arg14 : memref<!tpu.dma_semaphore, #tpu.memory_space<semaphore_mem>>)
    %dma_start3A_11 = arith.constant 1 : i32
    %dma_start3A_12 = arith.constant 0 : i32
    %dma_start3A_13 = tpu.memref_slice %arg7[%dma_start3A_11, %dma_start3A_12] : memref<80x128xi32, #tpu.memory_space<vmem>> -> memref<1x128xi32, #tpu.memory_space<vmem>>
    %dma_start3A_14 = tpu.memref_squeeze %dma_start3A_13 : memref<1x128xi32, #tpu.memory_space<vmem>> -> memref<128xi32, #tpu.memory_space<vmem>>
    %dma_start3A_15 = arith.constant 0 : i32
    %dma_start3A_16 = arith.constant 0 : i32
    %dma_start3A_17 = tpu.memref_slice %arg2[%dma_start3A_15, %dma_start3A_16] : memref<10112x64xf32, #tpu.memory_space<hbm>> -> memref<10112x64xf32, #tpu.memory_space<hbm>>
    tpu.enqueue_indirect_dma source(%dma_start3A_17 : memref<10112x64xf32, #tpu.memory_space<hbm>>) target(%arg10 : memref<128x64xf32, #tpu.memory_space<vmem>>) offsets(%dma_start3A_14 : memref<128xi32, #tpu.memory_space<vmem>>) semaphore(%arg15 : memref<!tpu.dma_semaphore, #tpu.memory_space<semaphore_mem>>)
    %scan3A = arith.constant 0 : i32
    %scan3A_18 = arith.constant 0 : i32
    %scan3A_19 = arith.constant 20 : i32
    %scan3A_20 = arith.addi %scan3A_18, %scan3A_19 : i32
    %scan3A_21 = arith.constant 1 : i32
    scf.for %scan3A_41 = %scan3A_18 to %scan3A_20 step %scan3A_21  : i32 {
      %mul3A_42 = arith.constant 4 : i32
      %mul3A_43 = arith.muli %mul3A_42, %scan3A_41 : i32
      %add3A_44 = arith.constant 0 : i32
      %add3A_45 = arith.addi %mul3A_43, %add3A_44 : i32
      %sub3A = arith.constant 2 : i32
      %sub3A_46 = arith.subi %add3A_45, %sub3A : i32
      %ge3A = arith.constant 0 : i32
      %ge3A_47 = arith.cmpi sge, %sub3A_46, %ge3A : i32
      %convert_element_type3A = arith.extui %ge3A_47 : i1 to i32
      %cond3A = arith.constant 0 : i32
      %cond3A_48 = arith.cmpi ne, %convert_element_type3A, %cond3A : i32
      scf.if %cond3A_48 {
        %sub3A_151 = arith.constant 2 : i32
        %sub3A_152 = arith.subi %add3A_45, %sub3A_151 : i32
        %dma_wait3A_153 = arith.constant 0 : i32
        %dma_wait3A_154 = tpu.memref_slice %arg8[%sub3A_152, %dma_wait3A_153] : memref<80x128xi32, #tpu.memory_space<vmem>> -> memref<1x128xi32, #tpu.memory_space<vmem>>
        %dma_wait3A_155 = tpu.memref_squeeze %dma_wait3A_154 : memref<1x128xi32, #tpu.memory_space<vmem>> -> memref<128xi32, #tpu.memory_space<vmem>>
        %dma_wait3A_156 = arith.constant 0 : i32
        %dma_wait3A_157 = arith.constant 0 : i32
        %dma_wait3A_158 = tpu.memref_slice %arg13[%dma_wait3A_156, %dma_wait3A_157] : memref<10112x64xf32, #tpu.memory_space<vmem_shared>> -> memref<10112x64xf32, #tpu.memory_space<vmem_shared>>
        tpu.wait_indirect_dma semaphore(%arg20 : memref<!tpu.dma_semaphore, #tpu.memory_space<semaphore_mem>>) src(%arg11 : memref<128x64xf32, #tpu.memory_space<vmem>>) dst(%dma_wait3A_158 : memref<10112x64xf32, #tpu.memory_space<vmem_shared>>)
      } else {
      }
      %add3A_49 = arith.constant 2 : i32
      %add3A_50 = arith.addi %add3A_45, %add3A_49 : i32
      %lt3A = arith.constant 80 : i32
      %lt3A_51 = arith.cmpi slt, %add3A_50, %lt3A : i32
      %convert_element_type3A_52 = arith.extui %lt3A_51 : i1 to i32
      %cond3A_53 = arith.constant 0 : i32
      %cond3A_54 = arith.cmpi ne, %convert_element_type3A_52, %cond3A_53 : i32
      scf.if %cond3A_54 {
        %add3A_151 = arith.constant 2 : i32
        %add3A_152 = arith.addi %add3A_45, %add3A_151 : i32
        %dma_start3A_153 = arith.constant 0 : i32
        %dma_start3A_154 = tpu.memref_slice %arg7[%add3A_152, %dma_start3A_153] : memref<80x128xi32, #tpu.memory_space<vmem>> -> memref<1x128xi32, #tpu.memory_space<vmem>>
        %dma_start3A_155 = tpu.memref_squeeze %dma_start3A_154 : memref<1x128xi32, #tpu.memory_space<vmem>> -> memref<128xi32, #tpu.memory_space<vmem>>
        %dma_start3A_156 = arith.constant 0 : i32
        %dma_start3A_157 = arith.constant 0 : i32
        %dma_start3A_158 = tpu.memref_slice %arg2[%dma_start3A_156, %dma_start3A_157] : memref<10112x64xf32, #tpu.memory_space<hbm>> -> memref<10112x64xf32, #tpu.memory_space<hbm>>
        tpu.enqueue_indirect_dma source(%dma_start3A_158 : memref<10112x64xf32, #tpu.memory_space<hbm>>) target(%arg11 : memref<128x64xf32, #tpu.memory_space<vmem>>) offsets(%dma_start3A_155 : memref<128xi32, #tpu.memory_space<vmem>>) semaphore(%arg16 : memref<!tpu.dma_semaphore, #tpu.memory_space<semaphore_mem>>)
      } else {
      }
      %dma_wait3A_55 = arith.constant 0 : i32
      %dma_wait3A_56 = tpu.memref_slice %arg7[%add3A_45, %dma_wait3A_55] : memref<80x128xi32, #tpu.memory_space<vmem>> -> memref<1x128xi32, #tpu.memory_space<vmem>>
      %dma_wait3A_57 = tpu.memref_squeeze %dma_wait3A_56 : memref<1x128xi32, #tpu.memory_space<vmem>> -> memref<128xi32, #tpu.memory_space<vmem>>
      %dma_wait3A_58 = arith.constant 0 : i32
      %dma_wait3A_59 = arith.constant 0 : i32
      %dma_wait3A_60 = tpu.memref_slice %arg2[%dma_wait3A_58, %dma_wait3A_59] : memref<10112x64xf32, #tpu.memory_space<hbm>> -> memref<10112x64xf32, #tpu.memory_space<hbm>>
      tpu.wait_indirect_dma semaphore(%arg14 : memref<!tpu.dma_semaphore, #tpu.memory_space<semaphore_mem>>) src(%dma_wait3A_60 : memref<10112x64xf32, #tpu.memory_space<hbm>>) dst(%arg9 : memref<128x64xf32, #tpu.memory_space<vmem>>)
      %dma_start3A_61 = arith.constant 0 : i32
      %dma_start3A_62 = tpu.memref_slice %arg8[%add3A_45, %dma_start3A_61] : memref<80x128xi32, #tpu.memory_space<vmem>> -> memref<1x128xi32, #tpu.memory_space<vmem>>
      %dma_start3A_63 = tpu.memref_squeeze %dma_start3A_62 : memref<1x128xi32, #tpu.memory_space<vmem>> -> memref<128xi32, #tpu.memory_space<vmem>>
      %dma_start3A_64 = arith.constant 0 : i32
      %dma_start3A_65 = arith.constant 0 : i32
      %dma_start3A_66 = tpu.memref_slice %arg13[%dma_start3A_64, %dma_start3A_65] : memref<10112x64xf32, #tpu.memory_space<vmem_shared>> -> memref<10112x64xf32, #tpu.memory_space<vmem_shared>>
      tpu.enqueue_indirect_dma source(%arg9 : memref<128x64xf32, #tpu.memory_space<vmem>>) target(%dma_start3A_66 : memref<10112x64xf32, #tpu.memory_space<vmem_shared>>) offsets(%dma_start3A_63 : memref<128xi32, #tpu.memory_space<vmem>>) semaphore(%arg18 : memref<!tpu.dma_semaphore, #tpu.memory_space<semaphore_mem>>) {add = true}
      %add3A_67 = arith.constant 1 : i32
      %add3A_68 = arith.addi %mul3A_43, %add3A_67 : i32
      %sub3A_69 = arith.constant 2 : i32
      %sub3A_70 = arith.subi %add3A_68, %sub3A_69 : i32
      %ge3A_71 = arith.constant 0 : i32
      %ge3A_72 = arith.cmpi sge, %sub3A_70, %ge3A_71 : i32
      %convert_element_type3A_73 = arith.extui %ge3A_72 : i1 to i32
      %cond3A_74 = arith.constant 0 : i32
      %cond3A_75 = arith.cmpi ne, %convert_element_type3A_73, %cond3A_74 : i32
      scf.if %cond3A_75 {
        %sub3A_151 = arith.constant 2 : i32
        %sub3A_152 = arith.subi %add3A_68, %sub3A_151 : i32
        %dma_wait3A_153 = arith.constant 0 : i32
        %dma_wait3A_154 = tpu.memref_slice %arg8[%sub3A_152, %dma_wait3A_153] : memref<80x128xi32, #tpu.memory_space<vmem>> -> memref<1x128xi32, #tpu.memory_space<vmem>>
        %dma_wait3A_155 = tpu.memref_squeeze %dma_wait3A_154 : memref<1x128xi32, #tpu.memory_space<vmem>> -> memref<128xi32, #tpu.memory_space<vmem>>
        %dma_wait3A_156 = arith.constant 0 : i32
        %dma_wait3A_157 = arith.constant 0 : i32
        %dma_wait3A_158 = tpu.memref_slice %arg13[%dma_wait3A_156, %dma_wait3A_157] : memref<10112x64xf32, #tpu.memory_space<vmem_shared>> -> memref<10112x64xf32, #tpu.memory_space<vmem_shared>>
        tpu.wait_indirect_dma semaphore(%arg21 : memref<!tpu.dma_semaphore, #tpu.memory_space<semaphore_mem>>) src(%arg12 : memref<128x64xf32, #tpu.memory_space<vmem>>) dst(%dma_wait3A_158 : memref<10112x64xf32, #tpu.memory_space<vmem_shared>>)
      } else {
      }
      %add3A_76 = arith.constant 2 : i32
      %add3A_77 = arith.addi %add3A_68, %add3A_76 : i32
      %lt3A_78 = arith.constant 80 : i32
      %lt3A_79 = arith.cmpi slt, %add3A_77, %lt3A_78 : i32
      %convert_element_type3A_80 = arith.extui %lt3A_79 : i1 to i32
      %cond3A_81 = arith.constant 0 : i32
      %cond3A_82 = arith.cmpi ne, %convert_element_type3A_80, %cond3A_81 : i32
      scf.if %cond3A_82 {
        %add3A_151 = arith.constant 2 : i32
        %add3A_152 = arith.addi %add3A_68, %add3A_151 : i32
        %dma_start3A_153 = arith.constant 0 : i32
        %dma_start3A_154 = tpu.memref_slice %arg7[%add3A_152, %dma_start3A_153] : memref<80x128xi32, #tpu.memory_space<vmem>> -> memref<1x128xi32, #tpu.memory_space<vmem>>
        %dma_start3A_155 = tpu.memref_squeeze %dma_start3A_154 : memref<1x128xi32, #tpu.memory_space<vmem>> -> memref<128xi32, #tpu.memory_space<vmem>>
        %dma_start3A_156 = arith.constant 0 : i32
        %dma_start3A_157 = arith.constant 0 : i32
        %dma_start3A_158 = tpu.memref_slice %arg2[%dma_start3A_156, %dma_start3A_157] : memref<10112x64xf32, #tpu.memory_space<hbm>> -> memref<10112x64xf32, #tpu.memory_space<hbm>>
        tpu.enqueue_indirect_dma source(%dma_start3A_158 : memref<10112x64xf32, #tpu.memory_space<hbm>>) target(%arg12 : memref<128x64xf32, #tpu.memory_space<vmem>>) offsets(%dma_start3A_155 : memref<128xi32, #tpu.memory_space<vmem>>) semaphore(%arg17 : memref<!tpu.dma_semaphore, #tpu.memory_space<semaphore_mem>>)
      } else {
      }
      %dma_wait3A_83 = arith.constant 0 : i32
      %dma_wait3A_84 = tpu.memref_slice %arg7[%add3A_68, %dma_wait3A_83] : memref<80x128xi32, #tpu.memory_space<vmem>> -> memref<1x128xi32, #tpu.memory_space<vmem>>
      %dma_wait3A_85 = tpu.memref_squeeze %dma_wait3A_84 : memref<1x128xi32, #tpu.memory_space<vmem>> -> memref<128xi32, #tpu.memory_space<vmem>>
      %dma_wait3A_86 = arith.constant 0 : i32
      %dma_wait3A_87 = arith.constant 0 : i32
      %dma_wait3A_88 = tpu.memref_slice %arg2[%dma_wait3A_86, %dma_wait3A_87] : memref<10112x64xf32, #tpu.memory_space<hbm>> -> memref<10112x64xf32, #tpu.memory_space<hbm>>
      tpu.wait_indirect_dma semaphore(%arg15 : memref<!tpu.dma_semaphore, #tpu.memory_space<semaphore_mem>>) src(%dma_wait3A_88 : memref<10112x64xf32, #tpu.memory_space<hbm>>) dst(%arg10 : memref<128x64xf32, #tpu.memory_space<vmem>>)
      %dma_start3A_89 = arith.constant 0 : i32
      %dma_start3A_90 = tpu.memref_slice %arg8[%add3A_68, %dma_start3A_89] : memref<80x128xi32, #tpu.memory_space<vmem>> -> memref<1x128xi32, #tpu.memory_space<vmem>>
      %dma_start3A_91 = tpu.memref_squeeze %dma_start3A_90 : memref<1x128xi32, #tpu.memory_space<vmem>> -> memref<128xi32, #tpu.memory_space<vmem>>
      %dma_start3A_92 = arith.constant 0 : i32
      %dma_start3A_93 = arith.constant 0 : i32
      %dma_start3A_94 = tpu.memref_slice %arg13[%dma_start3A_92, %dma_start3A_93] : memref<10112x64xf32, #tpu.memory_space<vmem_shared>> -> memref<10112x64xf32, #tpu.memory_space<vmem_shared>>
      tpu.enqueue_indirect_dma source(%arg10 : memref<128x64xf32, #tpu.memory_space<vmem>>) target(%dma_start3A_94 : memref<10112x64xf32, #tpu.memory_space<vmem_shared>>) offsets(%dma_start3A_91 : memref<128xi32, #tpu.memory_space<vmem>>) semaphore(%arg19 : memref<!tpu.dma_semaphore, #tpu.memory_space<semaphore_mem>>) {add = true}
      %add3A_95 = arith.constant 2 : i32
      %add3A_96 = arith.addi %mul3A_43, %add3A_95 : i32
      %sub3A_97 = arith.constant 2 : i32
      %sub3A_98 = arith.subi %add3A_96, %sub3A_97 : i32
      %ge3A_99 = arith.constant 0 : i32
      %ge3A_100 = arith.cmpi sge, %sub3A_98, %ge3A_99 : i32
      %convert_element_type3A_101 = arith.extui %ge3A_100 : i1 to i32
      %cond3A_102 = arith.constant 0 : i32
      %cond3A_103 = arith.cmpi ne, %convert_element_type3A_101, %cond3A_102 : i32
      scf.if %cond3A_103 {
        %sub3A_151 = arith.constant 2 : i32
        %sub3A_152 = arith.subi %add3A_96, %sub3A_151 : i32
        %dma_wait3A_153 = arith.constant 0 : i32
        %dma_wait3A_154 = tpu.memref_slice %arg8[%sub3A_152, %dma_wait3A_153] : memref<80x128xi32, #tpu.memory_space<vmem>> -> memref<1x128xi32, #tpu.memory_space<vmem>>
        %dma_wait3A_155 = tpu.memref_squeeze %dma_wait3A_154 : memref<1x128xi32, #tpu.memory_space<vmem>> -> memref<128xi32, #tpu.memory_space<vmem>>
        %dma_wait3A_156 = arith.constant 0 : i32
        %dma_wait3A_157 = arith.constant 0 : i32
        %dma_wait3A_158 = tpu.memref_slice %arg13[%dma_wait3A_156, %dma_wait3A_157] : memref<10112x64xf32, #tpu.memory_space<vmem_shared>> -> memref<10112x64xf32, #tpu.memory_space<vmem_shared>>
        tpu.wait_indirect_dma semaphore(%arg18 : memref<!tpu.dma_semaphore, #tpu.memory_space<semaphore_mem>>) src(%arg9 : memref<128x64xf32, #tpu.memory_space<vmem>>) dst(%dma_wait3A_158 : memref<10112x64xf32, #tpu.memory_space<vmem_shared>>)
      } else {
      }
      %add3A_104 = arith.constant 2 : i32
      %add3A_105 = arith.addi %add3A_96, %add3A_104 : i32
      %lt3A_106 = arith.constant 80 : i32
      %lt3A_107 = arith.cmpi slt, %add3A_105, %lt3A_106 : i32
      %convert_element_type3A_108 = arith.extui %lt3A_107 : i1 to i32
      %cond3A_109 = arith.constant 0 : i32
      %cond3A_110 = arith.cmpi ne, %convert_element_type3A_108, %cond3A_109 : i32
      scf.if %cond3A_110 {
        %add3A_151 = arith.constant 2 : i32
        %add3A_152 = arith.addi %add3A_96, %add3A_151 : i32
        %dma_start3A_153 = arith.constant 0 : i32
        %dma_start3A_154 = tpu.memref_slice %arg7[%add3A_152, %dma_start3A_153] : memref<80x128xi32, #tpu.memory_space<vmem>> -> memref<1x128xi32, #tpu.memory_space<vmem>>
        %dma_start3A_155 = tpu.memref_squeeze %dma_start3A_154 : memref<1x128xi32, #tpu.memory_space<vmem>> -> memref<128xi32, #tpu.memory_space<vmem>>
        %dma_start3A_156 = arith.constant 0 : i32
        %dma_start3A_157 = arith.constant 0 : i32
        %dma_start3A_158 = tpu.memref_slice %arg2[%dma_start3A_156, %dma_start3A_157] : memref<10112x64xf32, #tpu.memory_space<hbm>> -> memref<10112x64xf32, #tpu.memory_space<hbm>>
        tpu.enqueue_indirect_dma source(%dma_start3A_158 : memref<10112x64xf32, #tpu.memory_space<hbm>>) target(%arg9 : memref<128x64xf32, #tpu.memory_space<vmem>>) offsets(%dma_start3A_155 : memref<128xi32, #tpu.memory_space<vmem>>) semaphore(%arg14 : memref<!tpu.dma_semaphore, #tpu.memory_space<semaphore_mem>>)
      } else {
      }
      %dma_wait3A_111 = arith.constant 0 : i32
      %dma_wait3A_112 = tpu.memref_slice %arg7[%add3A_96, %dma_wait3A_111] : memref<80x128xi32, #tpu.memory_space<vmem>> -> memref<1x128xi32, #tpu.memory_space<vmem>>
      %dma_wait3A_113 = tpu.memref_squeeze %dma_wait3A_112 : memref<1x128xi32, #tpu.memory_space<vmem>> -> memref<128xi32, #tpu.memory_space<vmem>>
      %dma_wait3A_114 = arith.constant 0 : i32
      %dma_wait3A_115 = arith.constant 0 : i32
      %dma_wait3A_116 = tpu.memref_slice %arg2[%dma_wait3A_114, %dma_wait3A_115] : memref<10112x64xf32, #tpu.memory_space<hbm>> -> memref<10112x64xf32, #tpu.memory_space<hbm>>
      tpu.wait_indirect_dma semaphore(%arg16 : memref<!tpu.dma_semaphore, #tpu.memory_space<semaphore_mem>>) src(%dma_wait3A_116 : memref<10112x64xf32, #tpu.memory_space<hbm>>) dst(%arg11 : memref<128x64xf32, #tpu.memory_space<vmem>>)
      %dma_start3A_117 = arith.constant 0 : i32
      %dma_start3A_118 = tpu.memref_slice %arg8[%add3A_96, %dma_start3A_117] : memref<80x128xi32, #tpu.memory_space<vmem>> -> memref<1x128xi32, #tpu.memory_space<vmem>>
      %dma_start3A_119 = tpu.memref_squeeze %dma_start3A_118 : memref<1x128xi32, #tpu.memory_space<vmem>> -> memref<128xi32, #tpu.memory_space<vmem>>
      %dma_start3A_120 = arith.constant 0 : i32
      %dma_start3A_121 = arith.constant 0 : i32
      %dma_start3A_122 = tpu.memref_slice %arg13[%dma_start3A_120, %dma_start3A_121] : memref<10112x64xf32, #tpu.memory_space<vmem_shared>> -> memref<10112x64xf32, #tpu.memory_space<vmem_shared>>
      tpu.enqueue_indirect_dma source(%arg11 : memref<128x64xf32, #tpu.memory_space<vmem>>) target(%dma_start3A_122 : memref<10112x64xf32, #tpu.memory_space<vmem_shared>>) offsets(%dma_start3A_119 : memref<128xi32, #tpu.memory_space<vmem>>) semaphore(%arg20 : memref<!tpu.dma_semaphore, #tpu.memory_space<semaphore_mem>>) {add = true}
      %add3A_123 = arith.constant 3 : i32
      %add3A_124 = arith.addi %mul3A_43, %add3A_123 : i32
      %sub3A_125 = arith.constant 2 : i32
      %sub3A_126 = arith.subi %add3A_124, %sub3A_125 : i32
      %ge3A_127 = arith.constant 0 : i32
      %ge3A_128 = arith.cmpi sge, %sub3A_126, %ge3A_127 : i32
      %convert_element_type3A_129 = arith.extui %ge3A_128 : i1 to i32
      %cond3A_130 = arith.constant 0 : i32
      %cond3A_131 = arith.cmpi ne, %convert_element_type3A_129, %cond3A_130 : i32
      scf.if %cond3A_131 {
        %sub3A_151 = arith.constant 2 : i32
        %sub3A_152 = arith.subi %add3A_124, %sub3A_151 : i32
        %dma_wait3A_153 = arith.constant 0 : i32
        %dma_wait3A_154 = tpu.memref_slice %arg8[%sub3A_152, %dma_wait3A_153] : memref<80x128xi32, #tpu.memory_space<vmem>> -> memref<1x128xi32, #tpu.memory_space<vmem>>
        %dma_wait3A_155 = tpu.memref_squeeze %dma_wait3A_154 : memref<1x128xi32, #tpu.memory_space<vmem>> -> memref<128xi32, #tpu.memory_space<vmem>>
        %dma_wait3A_156 = arith.constant 0 : i32
        %dma_wait3A_157 = arith.constant 0 : i32
        %dma_wait3A_158 = tpu.memref_slice %arg13[%dma_wait3A_156, %dma_wait3A_157] : memref<10112x64xf32, #tpu.memory_space<vmem_shared>> -> memref<10112x64xf32, #tpu.memory_space<vmem_shared>>
        tpu.wait_indirect_dma semaphore(%arg19 : memref<!tpu.dma_semaphore, #tpu.memory_space<semaphore_mem>>) src(%arg10 : memref<128x64xf32, #tpu.memory_space<vmem>>) dst(%dma_wait3A_158 : memref<10112x64xf32, #tpu.memory_space<vmem_shared>>)
      } else {
      }
      %add3A_132 = arith.constant 2 : i32
      %add3A_133 = arith.addi %add3A_124, %add3A_132 : i32
      %lt3A_134 = arith.constant 80 : i32
      %lt3A_135 = arith.cmpi slt, %add3A_133, %lt3A_134 : i32
      %convert_element_type3A_136 = arith.extui %lt3A_135 : i1 to i32
      %cond3A_137 = arith.constant 0 : i32
      %cond3A_138 = arith.cmpi ne, %convert_element_type3A_136, %cond3A_137 : i32
      scf.if %cond3A_138 {
        %add3A_151 = arith.constant 2 : i32
        %add3A_152 = arith.addi %add3A_124, %add3A_151 : i32
        %dma_start3A_153 = arith.constant 0 : i32
        %dma_start3A_154 = tpu.memref_slice %arg7[%add3A_152, %dma_start3A_153] : memref<80x128xi32, #tpu.memory_space<vmem>> -> memref<1x128xi32, #tpu.memory_space<vmem>>
        %dma_start3A_155 = tpu.memref_squeeze %dma_start3A_154 : memref<1x128xi32, #tpu.memory_space<vmem>> -> memref<128xi32, #tpu.memory_space<vmem>>
        %dma_start3A_156 = arith.constant 0 : i32
        %dma_start3A_157 = arith.constant 0 : i32
        %dma_start3A_158 = tpu.memref_slice %arg2[%dma_start3A_156, %dma_start3A_157] : memref<10112x64xf32, #tpu.memory_space<hbm>> -> memref<10112x64xf32, #tpu.memory_space<hbm>>
        tpu.enqueue_indirect_dma source(%dma_start3A_158 : memref<10112x64xf32, #tpu.memory_space<hbm>>) target(%arg10 : memref<128x64xf32, #tpu.memory_space<vmem>>) offsets(%dma_start3A_155 : memref<128xi32, #tpu.memory_space<vmem>>) semaphore(%arg15 : memref<!tpu.dma_semaphore, #tpu.memory_space<semaphore_mem>>)
      } else {
      }
      %dma_wait3A_139 = arith.constant 0 : i32
      %dma_wait3A_140 = tpu.memref_slice %arg7[%add3A_124, %dma_wait3A_139] : memref<80x128xi32, #tpu.memory_space<vmem>> -> memref<1x128xi32, #tpu.memory_space<vmem>>
      %dma_wait3A_141 = tpu.memref_squeeze %dma_wait3A_140 : memref<1x128xi32, #tpu.memory_space<vmem>> -> memref<128xi32, #tpu.memory_space<vmem>>
      %dma_wait3A_142 = arith.constant 0 : i32
      %dma_wait3A_143 = arith.constant 0 : i32
      %dma_wait3A_144 = tpu.memref_slice %arg2[%dma_wait3A_142, %dma_wait3A_143] : memref<10112x64xf32, #tpu.memory_space<hbm>> -> memref<10112x64xf32, #tpu.memory_space<hbm>>
      tpu.wait_indirect_dma semaphore(%arg17 : memref<!tpu.dma_semaphore, #tpu.memory_space<semaphore_mem>>) src(%dma_wait3A_144 : memref<10112x64xf32, #tpu.memory_space<hbm>>) dst(%arg12 : memref<128x64xf32, #tpu.memory_space<vmem>>)
      %dma_start3A_145 = arith.constant 0 : i32
      %dma_start3A_146 = tpu.memref_slice %arg8[%add3A_124, %dma_start3A_145] : memref<80x128xi32, #tpu.memory_space<vmem>> -> memref<1x128xi32, #tpu.memory_space<vmem>>
      %dma_start3A_147 = tpu.memref_squeeze %dma_start3A_146 : memref<1x128xi32, #tpu.memory_space<vmem>> -> memref<128xi32, #tpu.memory_space<vmem>>
      %dma_start3A_148 = arith.constant 0 : i32
      %dma_start3A_149 = arith.constant 0 : i32
      %dma_start3A_150 = tpu.memref_slice %arg13[%dma_start3A_148, %dma_start3A_149] : memref<10112x64xf32, #tpu.memory_space<vmem_shared>> -> memref<10112x64xf32, #tpu.memory_space<vmem_shared>>
      tpu.enqueue_indirect_dma source(%arg12 : memref<128x64xf32, #tpu.memory_space<vmem>>) target(%dma_start3A_150 : memref<10112x64xf32, #tpu.memory_space<vmem_shared>>) offsets(%dma_start3A_147 : memref<128xi32, #tpu.memory_space<vmem>>) semaphore(%arg21 : memref<!tpu.dma_semaphore, #tpu.memory_space<semaphore_mem>>) {add = true}
    }
    %scan3A_22 = arith.constant 20 : i32
    %dma_wait3A = arith.constant 78 : i32
    %dma_wait3A_23 = arith.constant 0 : i32
    %dma_wait3A_24 = tpu.memref_slice %arg8[%dma_wait3A, %dma_wait3A_23] : memref<80x128xi32, #tpu.memory_space<vmem>> -> memref<1x128xi32, #tpu.memory_space<vmem>>
    %dma_wait3A_25 = tpu.memref_squeeze %dma_wait3A_24 : memref<1x128xi32, #tpu.memory_space<vmem>> -> memref<128xi32, #tpu.memory_space<vmem>>
    %dma_wait3A_26 = arith.constant 0 : i32
    %dma_wait3A_27 = arith.constant 0 : i32
    %dma_wait3A_28 = tpu.memref_slice %arg13[%dma_wait3A_26, %dma_wait3A_27] : memref<10112x64xf32, #tpu.memory_space<vmem_shared>> -> memref<10112x64xf32, #tpu.memory_space<vmem_shared>>
    tpu.wait_indirect_dma semaphore(%arg20 : memref<!tpu.dma_semaphore, #tpu.memory_space<semaphore_mem>>) src(%arg11 : memref<128x64xf32, #tpu.memory_space<vmem>>) dst(%dma_wait3A_28 : memref<10112x64xf32, #tpu.memory_space<vmem_shared>>)
    %dma_wait3A_29 = arith.constant 79 : i32
    %dma_wait3A_30 = arith.constant 0 : i32
    %dma_wait3A_31 = tpu.memref_slice %arg8[%dma_wait3A_29, %dma_wait3A_30] : memref<80x128xi32, #tpu.memory_space<vmem>> -> memref<1x128xi32, #tpu.memory_space<vmem>>
    %dma_wait3A_32 = tpu.memref_squeeze %dma_wait3A_31 : memref<1x128xi32, #tpu.memory_space<vmem>> -> memref<128xi32, #tpu.memory_space<vmem>>
    %dma_wait3A_33 = arith.constant 0 : i32
    %dma_wait3A_34 = arith.constant 0 : i32
    %dma_wait3A_35 = tpu.memref_slice %arg13[%dma_wait3A_33, %dma_wait3A_34] : memref<10112x64xf32, #tpu.memory_space<vmem_shared>> -> memref<10112x64xf32, #tpu.memory_space<vmem_shared>>
    tpu.wait_indirect_dma semaphore(%arg21 : memref<!tpu.dma_semaphore, #tpu.memory_space<semaphore_mem>>) src(%arg12 : memref<128x64xf32, #tpu.memory_space<vmem>>) dst(%dma_wait3A_35 : memref<10112x64xf32, #tpu.memory_space<vmem_shared>>)
    %barrier3A_36 = arith.constant 0 : index
    tpu.barrier barrier_id(%barrier3A_36)
    %mul3A_37 = arith.constant 632 : i32
    %mul3A_38 = arith.muli %arg1, %mul3A_37 : i32
    %mul3A_39 = arith.constant 632 : i32
    %mul3A_40 = arith.muli %arg1, %mul3A_39 : i32
    "tpu.region"() ({
      %run_scoped3A = tpu.sem_alloc : memref<!tpu.dma_semaphore, #tpu.memory_space<semaphore_mem>>
      %dma_start3A_41 = arith.constant 0 : i32
      %dma_start3A_42 = tpu.memref_slice %arg6[%arg0, %mul3A_40, %dma_start3A_41] : memref<2x10112x64xf32, #tpu.memory_space<hbm>> -> memref<1x632x64xf32, #tpu.memory_space<hbm>>
      %dma_start3A_43 = tpu.memref_squeeze %dma_start3A_42 : memref<1x632x64xf32, #tpu.memory_space<hbm>> -> memref<632x64xf32, #tpu.memory_space<hbm>>
      %dma_start3A_44 = arith.constant 0 : i32
      %dma_start3A_45 = tpu.memref_slice %arg13[%mul3A_38, %dma_start3A_44] : memref<10112x64xf32, #tpu.memory_space<vmem_shared>> -> memref<632x64xf32, #tpu.memory_space<vmem_shared>>
      tpu.enqueue_dma source(%dma_start3A_45 : memref<632x64xf32, #tpu.memory_space<vmem_shared>>) target(%dma_start3A_43 : memref<632x64xf32, #tpu.memory_space<hbm>>) target_semaphore(%run_scoped3A : memref<!tpu.dma_semaphore, #tpu.memory_space<semaphore_mem>>)
      %dma_wait3A_46 = arith.constant 0 : i32
      %dma_wait3A_47 = tpu.memref_slice %arg6[%arg0, %mul3A_40, %dma_wait3A_46] : memref<2x10112x64xf32, #tpu.memory_space<hbm>> -> memref<1x632x64xf32, #tpu.memory_space<hbm>>
      %dma_wait3A_48 = tpu.memref_squeeze %dma_wait3A_47 : memref<1x632x64xf32, #tpu.memory_space<hbm>> -> memref<632x64xf32, #tpu.memory_space<hbm>>
      %dma_wait3A_49 = arith.constant 0 : i32
      %dma_wait3A_50 = tpu.memref_slice %arg13[%mul3A_38, %dma_wait3A_49] : memref<10112x64xf32, #tpu.memory_space<vmem_shared>> -> memref<632x64xf32, #tpu.memory_space<vmem_shared>>
      tpu.wait_dma2 semaphore(%run_scoped3A : memref<!tpu.dma_semaphore, #tpu.memory_space<semaphore_mem>>) src(%dma_wait3A_50 : memref<632x64xf32, #tpu.memory_space<vmem_shared>>) dst(%dma_wait3A_48 : memref<632x64xf32, #tpu.memory_space<hbm>>)
      tpu.yield
    }) : () -> ()
    return
  }
}

module attributes {stable_mosaic.version = 14 : i64} {
  func.func @_tc_a(%arg0: memref<10000x128xf32, #tpu.memory_space<vmem>>, %arg1: memref<128x64xf32, #tpu.memory_space<vmem>>, %arg2: memref<2x10112x8xf32, #tpu.memory_space<vmem>>, %arg3: memref<10112x64xf32, #tpu.memory_space<vmem>>) attributes {dimension_semantics = [], scalar_prefetch = 0 : i64, scratch_operands = 0 : i64, tpu.core_type = #tpu.core_type<tc>} {
    %get3A = arith.constant 0 : index
    %get3A_0 = arith.constant 0 : index
    %get3A_1 = arith.constant 0 : index
    %get3A_2 = vector.load %arg2[%get3A, %get3A_0, %get3A_1] : memref<2x10112x8xf32, #tpu.memory_space<vmem>>, vector<1x10000x1xf32>
    %get3A_3 = vector.shape_cast %get3A_2 : vector<1x10000x1xf32> to vector<10000x1xf32>
    %get3A_4 = arith.constant 1 : index
    %get3A_5 = arith.constant 0 : index
    %get3A_6 = arith.constant 0 : index
    %get3A_7 = vector.load %arg2[%get3A_4, %get3A_5, %get3A_6] : memref<2x10112x8xf32, #tpu.memory_space<vmem>>, vector<1x10000x1xf32>
    %get3A_8 = vector.shape_cast %get3A_7 : vector<1x10000x1xf32> to vector<10000x1xf32>
    %add3A = arith.addf %get3A_3, %get3A_8 : vector<10000x1xf32>
    %add3A_9 = arith.constant 1.000000e+00 : f32
    %add3A_10 = vector.broadcast %add3A_9 : f32 to vector<10000x1xf32>
    %add3A_11 = arith.addf %add3A, %add3A_10 : vector<10000x1xf32>
    %rsqrt3A = math.rsqrt %add3A_11 : vector<10000x1xf32>
    %get3A_12 = arith.constant 0 : index
    %get3A_13 = arith.constant 0 : index
    %get3A_14 = vector.load %arg0[%get3A_12, %get3A_13] : memref<10000x128xf32, #tpu.memory_space<vmem>>, vector<10000x128xf32>
    %get3A_15 = arith.constant 0 : index
    %get3A_16 = arith.constant 0 : index
    %get3A_17 = vector.load %arg1[%get3A_15, %get3A_16] : memref<128x64xf32, #tpu.memory_space<vmem>>, vector<128x64xf32>
    %dot_general3A = arith.constant dense<0.000000e+00> : vector<10000x64xf32>
    %dot_general3A_18 = tpu.matmul %get3A_14, %get3A_17, %dot_general3A {dimension_numbers = #tpu.dot_dimension_numbers<[1], [0], [0], [1], [0, 0, 1, 1], [], []>, transpose_lhs_hint = false} : vector<10000x128xf32>, vector<128x64xf32>, vector<10000x64xf32> -> vector<10000x64xf32>
    %mul3A = vector.broadcast %rsqrt3A : vector<10000x1xf32> to vector<10000x64xf32>
    %mul3A_19 = arith.mulf %dot_general3A_18, %mul3A : vector<10000x64xf32>
    %swap3A = arith.constant 0 : index
    %swap3A_20 = arith.constant 0 : index
    %swap3A_21 = vector.load %arg3[%swap3A, %swap3A_20] : memref<10112x64xf32, #tpu.memory_space<vmem>>, vector<10000x64xf32>
    tpu.vector_store %arg3[%swap3A, %swap3A_20], %mul3A_19 {strides = array<i32>} : memref<10112x64xf32, #tpu.memory_space<vmem>>, vector<10000x64xf32>,
    %broadcast_in_dim3A = arith.constant 0.000000e+00 : f32
    %broadcast_in_dim3A_22 = vector.broadcast %broadcast_in_dim3A : f32 to vector<112x64xf32>
    %swap3A_23 = arith.constant 10000 : index
    %swap3A_24 = arith.constant 0 : index
    %swap3A_25 = vector.load %arg3[%swap3A_23, %swap3A_24] : memref<10112x64xf32, #tpu.memory_space<vmem>>, vector<112x64xf32>
    tpu.vector_store %arg3[%swap3A_23, %swap3A_24], %broadcast_in_dim3A_22 {strides = array<i32>} : memref<10112x64xf32, #tpu.memory_space<vmem>>, vector<112x64xf32>,
    return
  }
}

module attributes {stable_mosaic.version = 14 : i64} {
  func.func @_tc_b(%arg0: memref<2x10112x64xf32, #tpu.memory_space<vmem>>, %arg1: memref<10112x64xf32, #tpu.memory_space<vmem>>, %arg2: memref<2x10112x8xf32, #tpu.memory_space<vmem>>, %arg3: memref<1x64xf32, #tpu.memory_space<vmem>>, %arg4: memref<1x64xf32, #tpu.memory_space<vmem>>, %arg5: memref<1x64xf32, #tpu.memory_space<vmem>>, %arg6: memref<10112x64xf32, #tpu.memory_space<vmem>>) attributes {dimension_semantics = [], scalar_prefetch = 0 : i64, scratch_operands = 0 : i64, tpu.core_type = #tpu.core_type<tc>} {
    %get3A = arith.constant 0 : index
    %get3A_0 = arith.constant 0 : index
    %get3A_1 = arith.constant 0 : index
    %get3A_2 = vector.load %arg2[%get3A, %get3A_0, %get3A_1] : memref<2x10112x8xf32, #tpu.memory_space<vmem>>, vector<1x10000x1xf32>
    %get3A_3 = vector.shape_cast %get3A_2 : vector<1x10000x1xf32> to vector<10000x1xf32>
    %get3A_4 = arith.constant 1 : index
    %get3A_5 = arith.constant 0 : index
    %get3A_6 = arith.constant 0 : index
    %get3A_7 = vector.load %arg2[%get3A_4, %get3A_5, %get3A_6] : memref<2x10112x8xf32, #tpu.memory_space<vmem>>, vector<1x10000x1xf32>
    %get3A_8 = vector.shape_cast %get3A_7 : vector<1x10000x1xf32> to vector<10000x1xf32>
    %add3A = arith.addf %get3A_3, %get3A_8 : vector<10000x1xf32>
    %add3A_9 = arith.constant 1.000000e+00 : f32
    %add3A_10 = vector.broadcast %add3A_9 : f32 to vector<10000x1xf32>
    %add3A_11 = arith.addf %add3A, %add3A_10 : vector<10000x1xf32>
    %rsqrt3A = math.rsqrt %add3A_11 : vector<10000x1xf32>
    %get3A_12 = arith.constant 0 : index
    %get3A_13 = arith.constant 0 : index
    %get3A_14 = arith.constant 0 : index
    %get3A_15 = vector.load %arg0[%get3A_12, %get3A_13, %get3A_14] : memref<2x10112x64xf32, #tpu.memory_space<vmem>>, vector<1x10000x64xf32>
    %get3A_16 = vector.shape_cast %get3A_15 : vector<1x10000x64xf32> to vector<10000x64xf32>
    %get3A_17 = arith.constant 1 : index
    %get3A_18 = arith.constant 0 : index
    %get3A_19 = arith.constant 0 : index
    %get3A_20 = vector.load %arg0[%get3A_17, %get3A_18, %get3A_19] : memref<2x10112x64xf32, #tpu.memory_space<vmem>>, vector<1x10000x64xf32>
    %get3A_21 = vector.shape_cast %get3A_20 : vector<1x10000x64xf32> to vector<10000x64xf32>
    %add3A_22 = arith.addf %get3A_16, %get3A_21 : vector<10000x64xf32>
    %get3A_23 = arith.constant 0 : index
    %get3A_24 = arith.constant 0 : index
    %get3A_25 = vector.load %arg1[%get3A_23, %get3A_24] : memref<10112x64xf32, #tpu.memory_space<vmem>>, vector<10000x64xf32>
    %add3A_26 = arith.addf %add3A_22, %get3A_25 : vector<10000x64xf32>
    %mul3A = vector.broadcast %rsqrt3A : vector<10000x1xf32> to vector<10000x64xf32>
    %mul3A_27 = arith.mulf %mul3A, %add3A_26 : vector<10000x64xf32>
    %get3A_28 = arith.constant 0 : index
    %get3A_29 = arith.constant 0 : index
    %get3A_30 = vector.load %arg3[%get3A_28, %get3A_29] : memref<1x64xf32, #tpu.memory_space<vmem>>, vector<1x64xf32>
    %add3A_31 = vector.broadcast %get3A_30 : vector<1x64xf32> to vector<10000x64xf32>
    %add3A_32 = arith.addf %mul3A_27, %add3A_31 : vector<10000x64xf32>
    %get3A_33 = arith.constant 0 : index
    %get3A_34 = arith.constant 0 : index
    %get3A_35 = vector.load %arg4[%get3A_33, %get3A_34] : memref<1x64xf32, #tpu.memory_space<vmem>>, vector<1x64xf32>
    %mul3A_36 = arith.constant 0.999994993 : f32
    %mul3A_37 = vector.broadcast %mul3A_36 : f32 to vector<1x64xf32>
    %mul3A_38 = arith.mulf %mul3A_37, %get3A_35 : vector<1x64xf32>
    %mul3A_39 = vector.broadcast %mul3A_38 : vector<1x64xf32> to vector<10000x64xf32>
    %mul3A_40 = arith.mulf %add3A_32, %mul3A_39 : vector<10000x64xf32>
    %get3A_41 = arith.constant 0 : index
    %get3A_42 = arith.constant 0 : index
    %get3A_43 = vector.load %arg5[%get3A_41, %get3A_42] : memref<1x64xf32, #tpu.memory_space<vmem>>, vector<1x64xf32>
    %add3A_44 = vector.broadcast %get3A_43 : vector<1x64xf32> to vector<10000x64xf32>
    %add3A_45 = arith.addf %mul3A_40, %add3A_44 : vector<10000x64xf32>
    %ge3A = arith.constant 0.000000e+00 : f32
    %ge3A_46 = vector.broadcast %ge3A : f32 to vector<10000x64xf32>
    %ge3A_47 = arith.cmpf oge, %add3A_45, %ge3A_46 : vector<10000x64xf32>
    %mul3A_48 = arith.constant 2.000000e-02 : f32
    %mul3A_49 = vector.broadcast %mul3A_48 : f32 to vector<10000x64xf32>
    %mul3A_50 = arith.mulf %mul3A_49, %add3A_45 : vector<10000x64xf32>
    %select_n3A = arith.select %ge3A_47, %add3A_45, %mul3A_50 : vector<10000x64xi1>, vector<10000x64xf32>
    %mul3A_51 = vector.broadcast %rsqrt3A : vector<10000x1xf32> to vector<10000x64xf32>
    %mul3A_52 = arith.mulf %select_n3A, %mul3A_51 : vector<10000x64xf32>
    %swap3A = arith.constant 0 : index
    %swap3A_53 = arith.constant 0 : index
    %swap3A_54 = vector.load %arg6[%swap3A, %swap3A_53] : memref<10112x64xf32, #tpu.memory_space<vmem>>, vector<10000x64xf32>
    tpu.vector_store %arg6[%swap3A, %swap3A_53], %mul3A_52 {strides = array<i32>} : memref<10112x64xf32, #tpu.memory_space<vmem>>, vector<10000x64xf32>,
    %broadcast_in_dim3A = arith.constant 0.000000e+00 : f32
    %broadcast_in_dim3A_55 = vector.broadcast %broadcast_in_dim3A : f32 to vector<112x64xf32>
    %swap3A_56 = arith.constant 10000 : index
    %swap3A_57 = arith.constant 0 : index
    %swap3A_58 = vector.load %arg6[%swap3A_56, %swap3A_57] : memref<10112x64xf32, #tpu.memory_space<vmem>>, vector<112x64xf32>
    tpu.vector_store %arg6[%swap3A_56, %swap3A_57], %broadcast_in_dim3A_55 {strides = array<i32>} : memref<10112x64xf32, #tpu.memory_space<vmem>>, vector<112x64xf32>,
    return
  }
}

module attributes {stable_mosaic.version = 14 : i64} {
  func.func @_tc_c(%arg0: memref<2x10112x64xf32, #tpu.memory_space<vmem>>, %arg1: memref<10112x64xf32, #tpu.memory_space<vmem>>, %arg2: memref<2x10112x8xf32, #tpu.memory_space<vmem>>, %arg3: memref<64x128xf32, #tpu.memory_space<vmem>>, %arg4: memref<1x128xf32, #tpu.memory_space<vmem>>, %arg5: memref<1x128xf32, #tpu.memory_space<vmem>>, %arg6: memref<1x128xf32, #tpu.memory_space<vmem>>, %arg7: memref<10000x128xf32, #tpu.memory_space<vmem>>, %arg8: memref<10112x64xf32, #tpu.memory_space<vmem>>, %arg9: memref<10112x64xf32, #tpu.memory_space<vmem>>) attributes {dimension_semantics = [], scalar_prefetch = 0 : i64, scratch_operands = 0 : i64, tpu.core_type = #tpu.core_type<tc>} {
    %get3A = arith.constant 0 : index
    %get3A_0 = arith.constant 0 : index
    %get3A_1 = arith.constant 0 : index
    %get3A_2 = vector.load %arg2[%get3A, %get3A_0, %get3A_1] : memref<2x10112x8xf32, #tpu.memory_space<vmem>>, vector<1x10000x1xf32>
    %get3A_3 = vector.shape_cast %get3A_2 : vector<1x10000x1xf32> to vector<10000x1xf32>
    %get3A_4 = arith.constant 1 : index
    %get3A_5 = arith.constant 0 : index
    %get3A_6 = arith.constant 0 : index
    %get3A_7 = vector.load %arg2[%get3A_4, %get3A_5, %get3A_6] : memref<2x10112x8xf32, #tpu.memory_space<vmem>>, vector<1x10000x1xf32>
    %get3A_8 = vector.shape_cast %get3A_7 : vector<1x10000x1xf32> to vector<10000x1xf32>
    %add3A = arith.addf %get3A_3, %get3A_8 : vector<10000x1xf32>
    %add3A_9 = arith.constant 1.000000e+00 : f32
    %add3A_10 = vector.broadcast %add3A_9 : f32 to vector<10000x1xf32>
    %add3A_11 = arith.addf %add3A, %add3A_10 : vector<10000x1xf32>
    %rsqrt3A = math.rsqrt %add3A_11 : vector<10000x1xf32>
    %get3A_12 = arith.constant 0 : index
    %get3A_13 = arith.constant 0 : index
    %get3A_14 = arith.constant 0 : index
    %get3A_15 = vector.load %arg0[%get3A_12, %get3A_13, %get3A_14] : memref<2x10112x64xf32, #tpu.memory_space<vmem>>, vector<1x10000x64xf32>
    %get3A_16 = vector.shape_cast %get3A_15 : vector<1x10000x64xf32> to vector<10000x64xf32>
    %get3A_17 = arith.constant 1 : index
    %get3A_18 = arith.constant 0 : index
    %get3A_19 = arith.constant 0 : index
    %get3A_20 = vector.load %arg0[%get3A_17, %get3A_18, %get3A_19] : memref<2x10112x64xf32, #tpu.memory_space<vmem>>, vector<1x10000x64xf32>
    %get3A_21 = vector.shape_cast %get3A_20 : vector<1x10000x64xf32> to vector<10000x64xf32>
    %add3A_22 = arith.addf %get3A_16, %get3A_21 : vector<10000x64xf32>
    %get3A_23 = arith.constant 0 : index
    %get3A_24 = arith.constant 0 : index
    %get3A_25 = vector.load %arg1[%get3A_23, %get3A_24] : memref<10112x64xf32, #tpu.memory_space<vmem>>, vector<10000x64xf32>
    %add3A_26 = arith.addf %add3A_22, %get3A_25 : vector<10000x64xf32>
    %mul3A = vector.broadcast %rsqrt3A : vector<10000x1xf32> to vector<10000x64xf32>
    %mul3A_27 = arith.mulf %mul3A, %add3A_26 : vector<10000x64xf32>
    %get3A_28 = arith.constant 0 : index
    %get3A_29 = arith.constant 0 : index
    %get3A_30 = vector.load %arg3[%get3A_28, %get3A_29] : memref<64x128xf32, #tpu.memory_space<vmem>>, vector<64x128xf32>
    %dot_general3A = arith.constant dense<0.000000e+00> : vector<10000x128xf32>
    %dot_general3A_31 = tpu.matmul %mul3A_27, %get3A_30, %dot_general3A {dimension_numbers = #tpu.dot_dimension_numbers<[1], [0], [0], [1], [0, 0, 1, 1], [], []>, transpose_lhs_hint = false} : vector<10000x64xf32>, vector<64x128xf32>, vector<10000x128xf32> -> vector<10000x128xf32>
    %get3A_32 = arith.constant 0 : index
    %get3A_33 = arith.constant 0 : index
    %get3A_34 = vector.load %arg4[%get3A_32, %get3A_33] : memref<1x128xf32, #tpu.memory_space<vmem>>, vector<1x128xf32>
    %add3A_35 = vector.broadcast %get3A_34 : vector<1x128xf32> to vector<10000x128xf32>
    %add3A_36 = arith.addf %dot_general3A_31, %add3A_35 : vector<10000x128xf32>
    %get3A_37 = arith.constant 0 : index
    %get3A_38 = arith.constant 0 : index
    %get3A_39 = vector.load %arg5[%get3A_37, %get3A_38] : memref<1x128xf32, #tpu.memory_space<vmem>>, vector<1x128xf32>
    %mul3A_40 = arith.constant 0.999994993 : f32
    %mul3A_41 = vector.broadcast %mul3A_40 : f32 to vector<1x128xf32>
    %mul3A_42 = arith.mulf %mul3A_41, %get3A_39 : vector<1x128xf32>
    %mul3A_43 = vector.broadcast %mul3A_42 : vector<1x128xf32> to vector<10000x128xf32>
    %mul3A_44 = arith.mulf %add3A_36, %mul3A_43 : vector<10000x128xf32>
    %get3A_45 = arith.constant 0 : index
    %get3A_46 = arith.constant 0 : index
    %get3A_47 = vector.load %arg6[%get3A_45, %get3A_46] : memref<1x128xf32, #tpu.memory_space<vmem>>, vector<1x128xf32>
    %add3A_48 = vector.broadcast %get3A_47 : vector<1x128xf32> to vector<10000x128xf32>
    %add3A_49 = arith.addf %mul3A_44, %add3A_48 : vector<10000x128xf32>
    %swap3A = arith.constant 0 : index
    %swap3A_50 = arith.constant 0 : index
    %swap3A_51 = vector.load %arg7[%swap3A, %swap3A_50] : memref<10000x128xf32, #tpu.memory_space<vmem>>, vector<10000x128xf32>
    tpu.vector_store %arg7[%swap3A, %swap3A_50], %add3A_49 {strides = array<i32>} : memref<10000x128xf32, #tpu.memory_space<vmem>>, vector<10000x128xf32>,
    %mul3A_52 = vector.broadcast %rsqrt3A : vector<10000x1xf32> to vector<10000x128xf32>
    %mul3A_53 = arith.mulf %add3A_49, %mul3A_52 : vector<10000x128xf32>
    %slice3A = vector.extract_strided_slice %mul3A_53 {offsets = [0, 0], sizes = [10000, 64], strides = [1, 1]} : vector<10000x128xf32> to vector<10000x64xf32>
    %swap3A_54 = arith.constant 0 : index
    %swap3A_55 = arith.constant 0 : index
    %swap3A_56 = vector.load %arg8[%swap3A_54, %swap3A_55] : memref<10112x64xf32, #tpu.memory_space<vmem>>, vector<10000x64xf32>
    tpu.vector_store %arg8[%swap3A_54, %swap3A_55], %slice3A {strides = array<i32>} : memref<10112x64xf32, #tpu.memory_space<vmem>>, vector<10000x64xf32>,
    %slice3A_57 = vector.extract_strided_slice %mul3A_53 {offsets = [0, 64], sizes = [10000, 64], strides = [1, 1]} : vector<10000x128xf32> to vector<10000x64xf32>
    %swap3A_58 = arith.constant 0 : index
    %swap3A_59 = arith.constant 0 : index
    %swap3A_60 = vector.load %arg9[%swap3A_58, %swap3A_59] : memref<10112x64xf32, #tpu.memory_space<vmem>>, vector<10000x64xf32>
    tpu.vector_store %arg9[%swap3A_58, %swap3A_59], %slice3A_57 {strides = array<i32>} : memref<10112x64xf32, #tpu.memory_space<vmem>>, vector<10000x64xf32>,
    %broadcast_in_dim3A = arith.constant 0.000000e+00 : f32
    %broadcast_in_dim3A_61 = vector.broadcast %broadcast_in_dim3A : f32 to vector<112x64xf32>
    %swap3A_62 = arith.constant 10000 : index
    %swap3A_63 = arith.constant 0 : index
    %swap3A_64 = vector.load %arg8[%swap3A_62, %swap3A_63] : memref<10112x64xf32, #tpu.memory_space<vmem>>, vector<112x64xf32>
    tpu.vector_store %arg8[%swap3A_62, %swap3A_63], %broadcast_in_dim3A_61 {strides = array<i32>} : memref<10112x64xf32, #tpu.memory_space<vmem>>, vector<112x64xf32>,
    %broadcast_in_dim3A_65 = arith.constant 0.000000e+00 : f32
    %broadcast_in_dim3A_66 = vector.broadcast %broadcast_in_dim3A_65 : f32 to vector<112x64xf32>
    %swap3A_67 = arith.constant 10000 : index
    %swap3A_68 = arith.constant 0 : index
    %swap3A_69 = vector.load %arg9[%swap3A_67, %swap3A_68] : memref<10112x64xf32, #tpu.memory_space<vmem>>, vector<112x64xf32>
    tpu.vector_store %arg9[%swap3A_67, %swap3A_68], %broadcast_in_dim3A_66 {strides = array<i32>} : memref<10112x64xf32, #tpu.memory_space<vmem>>, vector<112x64xf32>,
    return
  }
}

module attributes {stable_mosaic.version = 14 : i64} {
  func.func @body(%arg0: i32, %arg1: memref<2000x1xi32, #tpu.memory_space<vmem>>, %arg2: memref<2000x128xf32, #tpu.memory_space<vmem>>, %arg3: memref<500x128xf32, #tpu.memory_space<vmem>>, %arg4: memref<500x1xf32, #tpu.memory_space<vmem>>) attributes {dimension_semantics = [#tpu.dimension_semantics<arbitrary>], iteration_bounds = array<i64: 5>, scalar_prefetch = 0 : i64, scratch_operands = 1 : i64, tpu.core_type = #tpu.core_type<tc>, window_params = [{transform_indices = @transform_0, window_bounds = array<i64: 2000, 1>}, {transform_indices = @transform_1, window_bounds = array<i64: 2000, 128>}, {pipeline_mode = #tpu.pipeline_mode<synchronous>, transform_indices = @transform_2, window_bounds = array<i64: 500, 128>}]} {
    %iota3A = tpu.iota {dimensions = array<i32: 1>} : vector<1x500xi32>
    %get3A = arith.constant 0 : index
    %get3A_0 = arith.constant 0 : index
    %get3A_1 = vector.load %arg1[%get3A, %get3A_0] : memref<2000x1xi32, #tpu.memory_space<vmem>>, vector<2000x1xi32>
    %eq3A = vector.broadcast %get3A_1 : vector<2000x1xi32> to vector<2000x500xi32>
    %eq3A_2 = vector.broadcast %iota3A : vector<1x500xi32> to vector<2000x500xi32>
    %eq3A_3 = arith.cmpi eq, %eq3A, %eq3A_2 : vector<2000x500xi32>
    %convert_element_type3A = arith.extui %eq3A_3 : vector<2000x500xi1> to vector<2000x500xi32>
    %convert_element_type3A_4 = arith.sitofp %convert_element_type3A : vector<2000x500xi32> to vector<2000x500xf32>
    %get3A_5 = arith.constant 0 : index
    %get3A_6 = arith.constant 0 : index
    %get3A_7 = vector.load %arg2[%get3A_5, %get3A_6] : memref<2000x128xf32, #tpu.memory_space<vmem>>, vector<2000x128xf32>
    %dot_general3A = arith.constant dense<0.000000e+00> : vector<500x128xf32>
    %dot_general3A_8 = tpu.matmul %convert_element_type3A_4, %get3A_7, %dot_general3A {dimension_numbers = #tpu.dot_dimension_numbers<[0], [0], [1], [1], [0, 1, 1, 1], [], []>, transpose_lhs_hint = false} : vector<2000x500xf32>, vector<2000x128xf32>, vector<500x128xf32> -> vector<500x128xf32>
    %reduce_sum3A = arith.constant dense<0.000000e+00> : vector<500xf32>
    %reduce_sum3A_9 = vector.multi_reduction <add>, %convert_element_type3A_4, %reduce_sum3A [0] : vector<2000x500xf32> to vector<500xf32>
    %broadcast_in_dim3A = vector.shape_cast %reduce_sum3A_9 : vector<500xf32> to vector<500x1xf32>
    %eq3A_10 = arith.constant 0 : i32
    %eq3A_11 = arith.cmpi eq, %arg0, %eq3A_10 : i32
    %convert_element_type3A_12 = arith.extui %eq3A_11 : i1 to i32
    %cond3A = arith.constant 0 : i32
    %cond3A_13 = arith.cmpi ne, %convert_element_type3A_12, %cond3A : i32
    scf.if %cond3A_13 {
      %swap3A = arith.constant 0 : index
      %swap3A_23 = arith.constant 0 : index
      %swap3A_24 = vector.load %arg3[%swap3A, %swap3A_23] : memref<500x128xf32, #tpu.memory_space<vmem>>, vector<500x128xf32>
      tpu.vector_store %arg3[%swap3A, %swap3A_23], %dot_general3A_8 {strides = array<i32>} : memref<500x128xf32, #tpu.memory_space<vmem>>, vector<500x128xf32>,
      %swap3A_25 = arith.constant 0 : index
      %swap3A_26 = arith.constant 0 : index
      %swap3A_27 = vector.load %arg4[%swap3A_25, %swap3A_26] : memref<500x1xf32, #tpu.memory_space<vmem>>, vector<500x1xf32>
      tpu.vector_store %arg4[%swap3A_25, %swap3A_26], %broadcast_in_dim3A {strides = array<i32>} : memref<500x1xf32, #tpu.memory_space<vmem>>, vector<500x1xf32>,
    } else {
    }
    %gt3A = arith.constant 0 : i32
    %gt3A_14 = arith.cmpi sgt, %arg0, %gt3A : i32
    %convert_element_type3A_15 = arith.extui %gt3A_14 : i1 to i32
    %cond3A_16 = arith.constant 0 : i32
    %cond3A_17 = arith.cmpi ne, %convert_element_type3A_15, %cond3A_16 : i32
    scf.if %cond3A_17 {
      %get3A_23 = arith.constant 0 : index
      %get3A_24 = arith.constant 0 : index
      %get3A_25 = vector.load %arg3[%get3A_23, %get3A_24] : memref<500x128xf32, #tpu.memory_space<vmem>>, vector<500x128xf32>
      %add3A = arith.addf %get3A_25, %dot_general3A_8 : vector<500x128xf32>
      %swap3A = arith.constant 0 : index
      %swap3A_26 = arith.constant 0 : index
      %swap3A_27 = vector.load %arg3[%swap3A, %swap3A_26] : memref<500x128xf32, #tpu.memory_space<vmem>>, vector<500x128xf32>
      tpu.vector_store %arg3[%swap3A, %swap3A_26], %add3A {strides = array<i32>} : memref<500x128xf32, #tpu.memory_space<vmem>>, vector<500x128xf32>,
      %get3A_28 = arith.constant 0 : index
      %get3A_29 = arith.constant 0 : index
      %get3A_30 = vector.load %arg4[%get3A_28, %get3A_29] : memref<500x1xf32, #tpu.memory_space<vmem>>, vector<500x1xf32>
      %add3A_31 = arith.addf %get3A_30, %broadcast_in_dim3A : vector<500x1xf32>
      %swap3A_32 = arith.constant 0 : index
      %swap3A_33 = arith.constant 0 : index
      %swap3A_34 = vector.load %arg4[%swap3A_32, %swap3A_33] : memref<500x1xf32, #tpu.memory_space<vmem>>, vector<500x1xf32>
      tpu.vector_store %arg4[%swap3A_32, %swap3A_33], %add3A_31 {strides = array<i32>} : memref<500x1xf32, #tpu.memory_space<vmem>>, vector<500x1xf32>,
    } else {
    }
    %eq3A_18 = arith.constant 4 : i32
    %eq3A_19 = arith.cmpi eq, %arg0, %eq3A_18 : i32
    %convert_element_type3A_20 = arith.extui %eq3A_19 : i1 to i32
    %cond3A_21 = arith.constant 0 : i32
    %cond3A_22 = arith.cmpi ne, %convert_element_type3A_20, %cond3A_21 : i32
    scf.if %cond3A_22 {
      %get3A_23 = arith.constant 0 : index
      %get3A_24 = arith.constant 0 : index
      %get3A_25 = vector.load %arg3[%get3A_23, %get3A_24] : memref<500x128xf32, #tpu.memory_space<vmem>>, vector<500x128xf32>
      %get3A_26 = arith.constant 0 : index
      %get3A_27 = arith.constant 0 : index
      %get3A_28 = vector.load %arg4[%get3A_26, %get3A_27] : memref<500x1xf32, #tpu.memory_space<vmem>>, vector<500x1xf32>
      %max3A = arith.constant 1.000000e+00 : f32
      %max3A_29 = vector.broadcast %max3A : f32 to vector<500x1xf32>
      %max3A_30 = arith.maximumf %get3A_28, %max3A_29 : vector<500x1xf32>
      %div3A = vector.broadcast %max3A_30 : vector<500x1xf32> to vector<500x128xf32>
      %div3A_31 = arith.divf %get3A_25, %div3A : vector<500x128xf32>
      %swap3A = arith.constant 0 : index
      %swap3A_32 = arith.constant 0 : index
      %swap3A_33 = vector.load %arg3[%swap3A, %swap3A_32] : memref<500x128xf32, #tpu.memory_space<vmem>>, vector<500x128xf32>
      tpu.vector_store %arg3[%swap3A, %swap3A_32], %div3A_31 {strides = array<i32>} : memref<500x128xf32, #tpu.memory_space<vmem>>, vector<500x128xf32>,
    } else {
    }
    return
  }
  func.func @transform_0(%arg0: i32) -> (i32, i32) {
    %c0_i32 = arith.constant 0 : i32
    %c0_i32_0 = arith.constant 0 : i32
    return %arg0, %c0_i32 : i32, i32
  }
  func.func @transform_1(%arg0: i32) -> (i32, i32) {
    %c0_i32 = arith.constant 0 : i32
    %c0_i32_0 = arith.constant 0 : i32
    return %arg0, %c0_i32 : i32, i32
  }
  func.func @transform_2(%arg0: i32) -> (i32, i32) {
    %c0_i32 = arith.constant 0 : i32
    %c0_i32_0 = arith.constant 0 : i32
    %c0_i32_1 = arith.constant 0 : i32
    return %c0_i32, %c0_i32_0 : i32, i32
  }
}

module attributes {stable_mosaic.version = 14 : i64} {
  func.func @_tc_d(%arg0: i32, %arg1: memref<2x2000x64xf32, #tpu.memory_space<vmem>>, %arg2: memref<2x2000x64xf32, #tpu.memory_space<vmem>>, %arg3: memref<2000x64xf32, #tpu.memory_space<vmem>>, %arg4: memref<2000x64xf32, #tpu.memory_space<vmem>>, %arg5: memref<2x2000x8xf32, #tpu.memory_space<vmem>>, %arg6: memref<128x256xf32, #tpu.memory_space<vmem>>, %arg7: memref<1x256xf32, #tpu.memory_space<vmem>>, %arg8: memref<2000x256xf32, #tpu.memory_space<vmem>>) attributes {dimension_semantics = [#tpu.dimension_semantics<arbitrary>], iteration_bounds = array<i64: 5>, scalar_prefetch = 0 : i64, scratch_operands = 0 : i64, tpu.core_type = #tpu.core_type<tc>, window_params = [{transform_indices = @transform_0, window_bounds = array<i64: 2, 2000, 64>}, {transform_indices = @transform_1, window_bounds = array<i64: 2, 2000, 64>}, {transform_indices = @transform_2, window_bounds = array<i64: 2000, 64>}, {transform_indices = @transform_3, window_bounds = array<i64: 2000, 64>}, {transform_indices = @transform_4, window_bounds = array<i64: 2, 2000, 8>}, {pipeline_mode = #tpu.pipeline_mode<synchronous>, transform_indices = @transform_5, window_bounds = array<i64: 128, 256>}, {pipeline_mode = #tpu.pipeline_mode<synchronous>, transform_indices = @transform_6, window_bounds = array<i64: 1, 256>}, {transform_indices = @transform_7, window_bounds = array<i64: 2000, 256>}]} {
    %get3A = arith.constant 0 : index
    %get3A_0 = arith.constant 0 : index
    %get3A_1 = arith.constant 0 : index
    %get3A_2 = vector.load %arg5[%get3A, %get3A_0, %get3A_1] : memref<2x2000x8xf32, #tpu.memory_space<vmem>>, vector<1x2000x1xf32>
    %get3A_3 = vector.shape_cast %get3A_2 : vector<1x2000x1xf32> to vector<2000x1xf32>
    %get3A_4 = arith.constant 1 : index
    %get3A_5 = arith.constant 0 : index
    %get3A_6 = arith.constant 0 : index
    %get3A_7 = vector.load %arg5[%get3A_4, %get3A_5, %get3A_6] : memref<2x2000x8xf32, #tpu.memory_space<vmem>>, vector<1x2000x1xf32>
    %get3A_8 = vector.shape_cast %get3A_7 : vector<1x2000x1xf32> to vector<2000x1xf32>
    %add3A = arith.addf %get3A_3, %get3A_8 : vector<2000x1xf32>
    %add3A_9 = arith.constant 1.000000e+00 : f32
    %add3A_10 = vector.broadcast %add3A_9 : f32 to vector<2000x1xf32>
    %add3A_11 = arith.addf %add3A, %add3A_10 : vector<2000x1xf32>
    %rsqrt3A = math.rsqrt %add3A_11 : vector<2000x1xf32>
    %get3A_12 = arith.constant 0 : index
    %get3A_13 = arith.constant 0 : index
    %get3A_14 = arith.constant 0 : index
    %get3A_15 = vector.load %arg1[%get3A_12, %get3A_13, %get3A_14] : memref<2x2000x64xf32, #tpu.memory_space<vmem>>, vector<1x2000x64xf32>
    %get3A_16 = vector.shape_cast %get3A_15 : vector<1x2000x64xf32> to vector<2000x64xf32>
    %get3A_17 = arith.constant 1 : index
    %get3A_18 = arith.constant 0 : index
    %get3A_19 = arith.constant 0 : index
    %get3A_20 = vector.load %arg1[%get3A_17, %get3A_18, %get3A_19] : memref<2x2000x64xf32, #tpu.memory_space<vmem>>, vector<1x2000x64xf32>
    %get3A_21 = vector.shape_cast %get3A_20 : vector<1x2000x64xf32> to vector<2000x64xf32>
    %add3A_22 = arith.addf %get3A_16, %get3A_21 : vector<2000x64xf32>
    %get3A_23 = arith.constant 0 : index
    %get3A_24 = arith.constant 0 : index
    %get3A_25 = vector.load %arg3[%get3A_23, %get3A_24] : memref<2000x64xf32, #tpu.memory_space<vmem>>, vector<2000x64xf32>
    %add3A_26 = arith.addf %add3A_22, %get3A_25 : vector<2000x64xf32>
    %get3A_27 = arith.constant 0 : index
    %get3A_28 = arith.constant 0 : index
    %get3A_29 = arith.constant 0 : index
    %get3A_30 = vector.load %arg2[%get3A_27, %get3A_28, %get3A_29] : memref<2x2000x64xf32, #tpu.memory_space<vmem>>, vector<1x2000x64xf32>
    %get3A_31 = vector.shape_cast %get3A_30 : vector<1x2000x64xf32> to vector<2000x64xf32>
    %get3A_32 = arith.constant 1 : index
    %get3A_33 = arith.constant 0 : index
    %get3A_34 = arith.constant 0 : index
    %get3A_35 = vector.load %arg2[%get3A_32, %get3A_33, %get3A_34] : memref<2x2000x64xf32, #tpu.memory_space<vmem>>, vector<1x2000x64xf32>
    %get3A_36 = vector.shape_cast %get3A_35 : vector<1x2000x64xf32> to vector<2000x64xf32>
    %add3A_37 = arith.addf %get3A_31, %get3A_36 : vector<2000x64xf32>
    %get3A_38 = arith.constant 0 : index
    %get3A_39 = arith.constant 0 : index
    %get3A_40 = vector.load %arg4[%get3A_38, %get3A_39] : memref<2000x64xf32, #tpu.memory_space<vmem>>, vector<2000x64xf32>
    %add3A_41 = arith.addf %add3A_37, %get3A_40 : vector<2000x64xf32>
    %concatenate3A = tpu.concatenate %add3A_26, %add3A_41 in 1 : vector<2000x64xf32>, vector<2000x64xf32> -> vector<2000x128xf32>
    %mul3A = vector.broadcast %rsqrt3A : vector<2000x1xf32> to vector<2000x128xf32>
    %mul3A_42 = arith.mulf %mul3A, %concatenate3A : vector<2000x128xf32>
    %get3A_43 = arith.constant 0 : index
    %get3A_44 = arith.constant 0 : index
    %get3A_45 = vector.load %arg6[%get3A_43, %get3A_44] : memref<128x256xf32, #tpu.memory_space<vmem>>, vector<128x256xf32>
    %dot_general3A = arith.constant dense<0.000000e+00> : vector<2000x256xf32>
    %dot_general3A_46 = tpu.matmul %mul3A_42, %get3A_45, %dot_general3A {dimension_numbers = #tpu.dot_dimension_numbers<[1], [0], [0], [1], [0, 0, 1, 1], [], []>, transpose_lhs_hint = false} : vector<2000x128xf32>, vector<128x256xf32>, vector<2000x256xf32> -> vector<2000x256xf32>
    %get3A_47 = arith.constant 0 : index
    %get3A_48 = arith.constant 0 : index
    %get3A_49 = vector.load %arg7[%get3A_47, %get3A_48] : memref<1x256xf32, #tpu.memory_space<vmem>>, vector<1x256xf32>
    %add3A_50 = vector.broadcast %get3A_49 : vector<1x256xf32> to vector<2000x256xf32>
    %add3A_51 = arith.addf %dot_general3A_46, %add3A_50 : vector<2000x256xf32>
    %swap3A = arith.constant 0 : index
    %swap3A_52 = arith.constant 0 : index
    %swap3A_53 = vector.load %arg8[%swap3A, %swap3A_52] : memref<2000x256xf32, #tpu.memory_space<vmem>>, vector<2000x256xf32>
    tpu.vector_store %arg8[%swap3A, %swap3A_52], %add3A_51 {strides = array<i32>} : memref<2000x256xf32, #tpu.memory_space<vmem>>, vector<2000x256xf32>,
    return
  }
  func.func @transform_0(%arg0: i32) -> (i32, i32, i32) {
    %c0_i32 = arith.constant 0 : i32
    %c0_i32_0 = arith.constant 0 : i32
    %c0_i32_1 = arith.constant 0 : i32
    return %c0_i32, %arg0, %c0_i32_0 : i32, i32, i32
  }
  func.func @transform_1(%arg0: i32) -> (i32, i32, i32) {
    %c0_i32 = arith.constant 0 : i32
    %c0_i32_0 = arith.constant 0 : i32
    %c0_i32_1 = arith.constant 0 : i32
    return %c0_i32, %arg0, %c0_i32_0 : i32, i32, i32
  }
  func.func @transform_2(%arg0: i32) -> (i32, i32) {
    %c0_i32 = arith.constant 0 : i32
    %c0_i32_0 = arith.constant 0 : i32
    return %arg0, %c0_i32 : i32, i32
  }
  func.func @transform_3(%arg0: i32) -> (i32, i32) {
    %c0_i32 = arith.constant 0 : i32
    %c0_i32_0 = arith.constant 0 : i32
    return %arg0, %c0_i32 : i32, i32
  }
  func.func @transform_4(%arg0: i32) -> (i32, i32, i32) {
    %c0_i32 = arith.constant 0 : i32
    %c0_i32_0 = arith.constant 0 : i32
    %c0_i32_1 = arith.constant 0 : i32
    return %c0_i32, %arg0, %c0_i32_0 : i32, i32, i32
  }
  func.func @transform_5(%arg0: i32) -> (i32, i32) {
    %c0_i32 = arith.constant 0 : i32
    %c0_i32_0 = arith.constant 0 : i32
    %c0_i32_1 = arith.constant 0 : i32
    return %c0_i32, %c0_i32_0 : i32, i32
  }
  func.func @transform_6(%arg0: i32) -> (i32, i32) {
    %c0_i32 = arith.constant 0 : i32
    %c0_i32_0 = arith.constant 0 : i32
    %c0_i32_1 = arith.constant 0 : i32
    return %c0_i32, %c0_i32_0 : i32, i32
  }
  func.func @transform_7(%arg0: i32) -> (i32, i32) {
    %c0_i32 = arith.constant 0 : i32
    %c0_i32_0 = arith.constant 0 : i32
    return %arg0, %c0_i32 : i32, i32
  }
}

</mosaic_0001>

<sc_bundles>
// kernel: kernel.12.cloned.1.call-start
scs
__scs_entry_jumppad:
0x0: {  	(pc) =	sbr.rel $0x88, $3  }
0x1: {  	(tag) =	ssettag $0x0;
	lr =	simm.s32 $0x1  }
0x2: {  	[smem:$0x3F94] =	sst lr;
	_ =	strace $0xD0000000  }
0x3: {  	_ = 	snop  }
0x4: {  	_ = 	snop  }
0x5: {  	_ = 	snop  }
0x6: {  	_ = 	snop  }
0x7: {  	_ = 	snop  }
__scs_overlays_trampoline_lowered:
0x8: {  	[smem:$0x3FA3] =	sst s0  }
0x9: {  	[smem:$0x3FA4] =	sst s1  }
0xa: {  	[smem:$0x3FA5] =	sst s2  }
0xb: {  	[smem:$0x3FA6] =	sst s3  }
0xc: {  	[smem:$0x3FA7] =	sst s4  }
0xd: {  	[smem:$0x3FA8] =	sst s5  }
0xe: {  	[smem:$0x3FA9] =	sst s6  }
0xf: {  	[smem:$0x3FAA] =	sst s7  }
0x10: {  	[smem:$0x3FAB] =	sst s8  }
0x11: {  	[smem:$0x3FAC] =	sst s9;
	s0 =	simm.s32 @!p0 $0x0  }
0x12: {  	s1 =	sld [smem:$0x3F92];
	s0 =	simm.s32 @p0 $0x1  }
0x13: {  	[smem:$0x3FAD] =	sst s0;
	s0 =	simm.s32 @!p1 $0x0  }
0x14: {  	s2 =	sld [smem:$0x3F91];
	s0 =	simm.s32 @p1 $0x1  }
0x15: {  	[smem:$0x3FAE] =	sst s0;
	s0 =	simm.s32 @!p2 $0x0  }
0x16: {  	s3 =	sld [smem:$0x3FDB];
	s0 =	simm.s32 @p2 $0x1  }
0x17: {  	s4 =	simm.s32 $0x1BF5;
	[smem:$0x3FB0] =	sst s0  }
0x18: {  	s0 =	sld [smem:$0x3F93];
	_ =	swait.ge [sflag:s4], $0x0  }
0x19: {  	s7 =	sld [smem:$0x3F94]  }
0x1a: {  	s8 =	sadd.s32 $0xFFFFE003, lr  }
0x1b: {  	s9 =	sadd.s32 $0xFFFFFEF7, lr;
	s5 =	simm.s32 $0xFFFFFFFF;
	p2 =	slt.u32 s8, $0xFFFFF086  }
0x1c: {  	p1 =	slt.u32 s9, $0xF7A;
	s5 =	simm.s32 @!p2 $0x0  }
0x1d: {  	s5 =	simm.s32 @p1 $0x1;
	p0 =	seq.s32 s7, s2  }
0x1e: {  	s7 =	smul.u32 @!p0 $0xF7A, s2;
	p2 =	seq.s32 @!p0 s5, $0x0  }
0x1f: {  	s9 =	smul.u32 $0xF7A, s1;
	s8 =	simm.s32 @!p0 $0x1BF5;
	p2 =	por !p2, p0  }
0x20: {  	[sflag:s8] =	ssyncset.s32 @!p0 $0xFFFFF086;
	s6 =	sadd.s32 @!p0 s3, s7;
	s7 =	simm.s32 @!p0 $0x108  }
0x21: {  	s3 =	sadd.s32 s3, s9;
	s6 =	sadd.s32 @!p0 $0x88, s6;
	s7 =	simm.s32 @p2 $0x1082  }
0x22: {  	[simem:s7], [sflag:s8] =	dma.local @!p0 [hbm:s6], $0xF7A  }
0x23: {  	s9 =	sor.u32 $0xD0000000, s2;
	s6 =	simm.s32 $0x108;
	_ =	swait.ge @!p0 [sflag:s8], $0x0  }
0x24: {  	s3 =	sadd.s32 $0x88, s3;
	s6 =	simm.s32 @!p1 $0x1082;
	[sflag:s4] =	ssyncset.s32 $0xFFFFF086  }
0x25: {  	[simem:s6], [sflag:s4] =	dma.local [hbm:s3], $0xF7A  }
0x26: {  	[smem:$0x3F94] =	sst s1;
	(tag) =	ssettag s2;
	_ =	strace s9  }
0x27: {  	s1 =	sld [smem:$0x3FA4]  }
0x28: {  	s2 =	sld [smem:$0x3FA5]  }
0x29: {  	s4 =	sld [smem:$0x3FA7]  }
0x2a: {  	p0 =	seq.s32 s5, $0x0;
	s5 =	sld [smem:$0x3FA8]  }
0x2b: {  	s6 =	sld [smem:$0x3FA9]  }
0x2c: {  	s7 =	sld [smem:$0x3FAA]  }
0x2d: {  	s3 =	simm.s32 $0x108;
	s8 =	sld [smem:$0x3FAB]  }
0x2e: {  	s3 =	simm.s32 @!p0 $0x1082;
	s9 =	sld [smem:$0x3FAC]  }
0x2f: {  	lr =	sadd.s32 s0, s3;
	s0 =	sld [smem:$0x3FA3]  }
0x30: {  	s3 =	sld [smem:$0x3FA6]  }
0x31: {  	[smem:$0x3FAF] =	sst s10  }
0x32: {  	s10 =	sld [smem:$0x3FAD];
	_ =	sdelay $0x3  }
0x33: {  	p0 =	seq.s32 s10, $0x1;
	s10 =	sld [smem:$0x3FAF];
	_ =	sdelay $0x3  }
0x34: {  	[smem:$0x3FAF] =	sst s10  }
0x35: {  	s10 =	sld [smem:$0x3FAE];
	_ =	sdelay $0x3  }
0x36: {  	p1 =	seq.s32 s10, $0x1;
	s10 =	sld [smem:$0x3FAF];
	_ =	sdelay $0x3  }
0x37: {  	[smem:$0x3FAF] =	sst s10  }
0x38: {  	s10 =	sld [smem:$0x3FB0]  }
0x39: {  	_ = 	snop;
	(pc) =	sbr.ind lr, $3  }
0x3a: {  	_ = 	snop  }
0x3b: {  	_ = 	snop  }
0x3c: {  	p2 =	seq.s32 s10, $0x1;
	s10 =	sld [smem:$0x3FAF]  }
0x3d: {  	_ =	shalt  }
0x3e: {  	_ =	shalt  }
0x3f: {  	_ =	shalt  }
0x40: {  	_ =	shalt  }
0x41: {  	_ =	shalt  }
0x42: {  	_ =	shalt  }
0x43: {  	_ =	shalt  }
0x44: {  	_ =	shalt  }
0x45: {  	_ =	shalt  }
0x46: {  	_ =	shalt  }
0x47: {  	_ =	shalt  }
0x48: {  	_ =	shalt  }
0x49: {  	_ =	shalt  }
0x4a: {  	_ =	shalt  }
0x4b: {  	_ =	shalt  }
0x4c: {  	_ =	shalt  }
0x4d: {  	_ =	shalt  }
0x4e: {  	_ =	shalt  }
0x4f: {  	_ =	shalt  }
0x50: {  	_ =	shalt  }
0x51: {  	_ =	shalt  }
0x52: {  	_ =	shalt  }
0x53: {  	_ =	shalt  }
0x54: {  	_ =	shalt  }
0x55: {  	_ =	shalt  }
0x56: {  	_ =	shalt  }
0x57: {  	_ =	shalt  }
0x58: {  	_ =	shalt  }
0x59: {  	_ =	shalt  }
0x5a: {  	_ =	shalt  }
0x5b: {  	_ =	shalt  }
0x5c: {  	_ =	shalt  }
0x5d: {  	_ =	shalt  }
0x5e: {  	_ =	shalt  }
0x5f: {  	_ =	shalt  }
0x60: {  	_ =	shalt  }
0x61: {  	_ =	shalt  }
0x62: {  	_ =	shalt  }
0x63: {  	_ =	shalt  }
0x64: {  	_ =	shalt  }
0x65: {  	_ =	shalt  }
0x66: {  	_ =	shalt  }
0x67: {  	_ =	shalt  }
0x68: {  	_ =	shalt  }
0x69: {  	_ =	shalt  }
0x6a: {  	_ =	shalt  }
0x6b: {  	_ =	shalt  }
0x6c: {  	_ =	shalt  }
0x6d: {  	_ =	shalt  }
0x6e: {  	_ =	shalt  }
0x6f: {  	_ =	shalt  }
0x70: {  	_ =	shalt  }
0x71: {  	_ =	shalt  }
0x72: {  	_ =	shalt  }
0x73: {  	_ =	shalt  }
0x74: {  	_ =	shalt  }
0x75: {  	_ =	shalt  }
0x76: {  	_ =	shalt  }
0x77: {  	_ =	shalt  }
0x78: {  	_ =	shalt  }
0x79: {  	_ =	shalt  }
0x7a: {  	_ =	shalt  }
0x7b: {  	_ =	shalt  }
0x7c: {  	_ =	shalt  }
0x7d: {  	_ =	shalt  }
0x7e: {  	_ =	shalt  }
0x7f: {  	_ =	shalt  }
0x80: {  	_ =	shalt  }
0x81: {  	_ =	shalt  }
0x82: {  	_ =	shalt  }
0x83: {  	_ =	shalt  }
0x84: {  	_ =	shalt  }
0x85: {  	_ =	shalt  }
0x86: {  	_ =	shalt  }
0x87: {  	_ =	shalt  }
.Lfunc_end0:
.L_simem_size_0:
called_computation_lowered:
.L_overlay_start_0:
0x88: {  	s2 =	sld [smem:$0x3FD9]  }
0x89: {  	s3 =	sld [smem:$0x3FFE];
	_ =	sdelay $0x1  }
0x8a: {  	s1 =	srdreg.scid  }
0x8b: {  	s0 =	sand.u32 $0x1, s1  }
0x8c: {  	s14 =	sshll.u32 s0, $0xA;
	s2 =	sadd.s32 s3, s2  }
0x8d: {  	s2 =	sadd.s32 s2, s14  }
0x8e: {  	[smem:$0x3FBB] =	sst s2  }
0x8f: {  	_ = 	snop  }
0x90: {  	s2 =	sld [smem:$0x3FD0];
	_ =	sdelay $0x2  }
0x91: {  	s15 =	simm.s32 $0xB;
	s4 =	simm.s32 $0x10  }
0x92: {  	[smem:s4], [sflag:s15] =	dma.local [hbm:s2], $0x1  }
0x93: {  	_ =	swait.eq [sflag:s15], $0x1  }
0x94: {  	[sflag:s15] =	ssyncset.done $0x0  }
0x95: {  	s16 =	sld [smem:$0x10];
	[sflag:s15] =	ssyncadd.s32 $0xFFFFFFFF  }
0x96: {  	s17 =	sld [smem:$0x11];
	(tm) =	ssettm $0x1  }
0x97: {  	s18 =	sld [smem:$0x3FFB];
	_ =	sdelay $0x3  }
0x98: {  	_ =	strace s18  }
0x99: {  	s4 =	sld [smem:$0x3FFC];
	_ =	sdelay $0x3  }
0x9a: {  	_ =	strace s4  }
0x9b: {  	s4 =	sld [smem:$0x3FFD];
	_ =	sdelay $0x3  }
0x9c: {  	_ =	strace s4  }
0x9d: {  	_ =	strace $0x8FFFFFFF  }
0x9e: {  	s19 =	sld [smem:$0x3FDB];
	_ =	sdelay $0x1  }
0x9f: {  	s5 =	simm.s32 $_scs_section_size  }
0xa0: {  	s6 =	simm.s32 $_size__tile_overlayer_lowered;
	s7 =	simm.s32 $_tile_overlayer_lowered  }
0xa1: {  	s22 =	simm.s32 $0x1BFF;
	s21 =	sshll.u32 s7, $0x1;
	s4 =	sadd.s32 s5, s19  }
0xa2: {  	s8 =	simm.s32 $0x0;
	s20 =	sshll.u32 s6, $0x1;
	s6 =	sadd.s32 s21, s4  }
0xa3: {  	[timem:s8], [sflag:s22] =	dma.local [hbm:s6], s20  }
0xa4: {  	_ =	swait.ge [sflag:s22], s20  }
0xa5: {  	s5 =	ssub.s32 $0x0, s20;
	[sflag:s22] =	ssyncset.done $0x0  }
0xa6: {  	[sflag:s22] =	ssyncadd.s32 s5;
	_ =	sdelay $0x1  }
0xa7: {  	s23 =	simm.s32 $0x1B8B  }
0xa8: {  	_ =	swait.ge [sflag:s23], $0x1  }
0xa9: {  	[sflag:s23] =	ssyncset.done $0x0  }
0xaa: {  	s25 =	simm.s32 $0x1B8E;
	s24 =	sld [smem:$0x3FFE];
	[sflag:s23] =	ssyncadd.s32 $0xFFFFFFFF  }
0xab: {  	s26 =	simm.s32 $execute0_lowered;
	[smem:$0x3FD2] =	sst s25  }
0xac: {  	s6 =	sshll.u32 s26, $0x1;
	_ =	strace $0x80000046;
	[dreg:$0x1] =	wrdreg $0xFFFFFFFF  }
0xad: {  	s28 =	simm.s32 $_size_execute0_lowered;
	s4 =	sadd.s32 s4, s6;
	[dreg:$0x0] =	wrdreg $0x0  }
0xae: {  	s6 =	sshll.u32 s28, $0x1;
	[dreg:$0x2] =	wrdreg s4  }
0xaf: {  	[dreg:$0x3] =	wrdreg s6  }
0xb0: {  	[dreg:$0x4] =	wrdreg $0xC0  }
0xb1: {  	_ =	task [dreg:s8], $0x5FFFF  }
0xb2: {  	[dreg:$0x1] =	wrdreg $0xFFFFFFFF  }
0xb3: {  	[dreg:$0x0] =	wrdreg $0x60  }
0xb4: {  	[dreg:$0x2] =	wrdreg s16  }
0xb5: {  	[dreg:$0x3] =	wrdreg s24  }
0xb6: {  	[dreg:$0x4] =	wrdreg s17  }
0xb7: {  	[dreg:$0x5] =	wrdreg $0x2C000  }
0xb8: {  	[dreg:$0x6] =	wrdreg $0x9  }
0xb9: {  	_ =	task.clear_ibuf [dreg:s8], $0x7FFFF;
	_ =	strace $0x90000046  }
0xba: {  	s29 =	simm.s32 $0x9;
	_ =	strace $0x80000048  }
0xbb: {  	_ =	swait.ge [sflag:s29], $0x1  }
0xbc: {  	[sflag:s29] =	ssyncadd.s32 $0xFFFFFFFF  }
0xbd: {  	_ =	strace $0x90000048  }
0xbe: {  	_ =	sfence  }
0xbf: {  	s30 =	sld [smem:$0x0];
	_ =	sdelay $0x2  }
0xc0: {  	s31 =	sshll.u32 s1, $0xD;
	s1 =	sshrl.u32 s1, $0x2  }
0xc1: {  	s3 =	sand.u32 $0x4000, s31;
	s1 =	sadd.s32 s1, s30  }
0xc2: {  	s0 =	sor.u32 s3, s0;
	s1 =	sshll.u32 s1, $0x11  }
0xc3: {  	s0 =	sor.u32 s1, s0  }
0xc4: {  	s0 =	sadd.s32 $0x8F2B, s0  }
0xc5: {  	[sflag:s0] =	ssyncadd.remote.s32 $0x1  }
0xc6: {  	_ =	sfence.sel $0xFFFF  }
0xc7: {  	[dreg:$0x0] =	wrdreg $0xFFFFFFFF;
	(pc) =	sbr.abs _section_cstart, $3  }
0xc8: {  	[dreg:$0x1] =	wrdreg $0xFFFFFFFF  }
0xc9: {  	_ =	task.clear_ibuf [dreg:s8], $0x2FFFF;
	_ =	strace $0x9FFFFFFF  }
0xca: {  	(tm) =	ssettm $0x7FFFFFFF  }
0xcb: {  	_ =	shalt  }
tec
execute0_lowered:
.L_overlay_start_1:
0x0: {  	(tag) =	ssettag $0x1  }
0x1: {  	s1 =	rddreg [dreg:$0x0]  }
0x2: {  	s5 =	rddreg [dreg:$0x1]  }
0x3: {  	s8 =	rddreg [dreg:$0x2]  }
0x4: {  	s3 =	rddreg [dreg:$0x3]  }
0x5: {  	s0 =	rddreg [dreg:$0x4];
	s6 =	srdreg.scid  }
0x6: {  	s2 =	stileid.u32;
	s4 =	simm.s32 $0x0;
	s13 =	simm.s32 $0x80  }
0x7: {  	s14 =	simm.s32 $0x100;
	s15 =	simm.s32 $0x1;
	s16 =	simm.s32 $0x2  }
0x8: {  	s17 =	simm.s32 $0x3;
	s18 =	simm.s32 $0x4;
	s19 =	simm.s32 $0x2780  }
0x9: {  	s20 =	simm.s32 $0x0;
	s6 =	sand.u32 $0x1, s6;
	s7 =	sshll.u32 s2, $0x1  }
0xa: {  	[smem:$0x7FF] =	sst s4;
	s9 =	smul.u32 $0x13C0, s2;
	s31 =	sshll.u32 s2, $0x6  }
0xb: {  	s7 =	sor.u32 s6, s7;
	s11 =	ssub.s32 $0x2, s6;
	s6 =	smul.u32 $0x13C00, s6  }
0xc: {  	_ =	strace $0x80000047;
	s7 =	smul.u32 $0x500, s7;
	s10 =	sshrl.u32 s9, $0x3  }
0xd: {  	s29 =	sshrl.u32 s11, $0x1;
	s30 =	sadd.s32 s9, s3;
	s6 =	sadd.s32 s9, s6  }
0xe: {  	s7 =	sadd.s32 s7, s5;
	s5 =	sadd.s32 s10, s5;
	s10 =	ssub.s32 s11, s29  }
0xf: {  	s12 =	sshrl.u32 s6, $0x3;
	s6 =	sor.u32 $0x1C05, s31;
	s11 =	simm.s32 $0x5  }
0x10: {  	s5 =	sadd.s32 $0xDC00, s5;
	s7 =	sadd.s32 $0x3C00, s7;
	s8 =	sadd.s32 s8, s12  }
0x11: {  	s9 =	smax.u32 s10, $0x1;
	s10 =	sshrl.u32 s30, $0x3;
	s12 =	simm.s32 $0x2800  }
.LBB2_1:
0x12: {  	[spmem:s10], [sflag:s6] =	dma.local [hbm:s5], $0x278  }
0x13: {  	_ =	swait.ge [sflag:s11], $0x278  }
0x14: {  	[sflag:s11] =	ssyncset.done $0x0  }
0x15: {  	[sflag:s11] =	ssyncadd.s32 $0xFFFFFD88  }
0x16: {  	[tilespmem:s4], [sflag:$0x5] =	stream.linear.gather [hbm4b:s7+s4], $0x2800, $0x38;
	[tilespmem:$0x3FC0] =	vst v63  }
0x17: {  	_ =	swait.ge [sflag:s11], $0x2800  }
0x18: {  	[sflag:s11] =	ssyncset.done $0x0  }
0x19: {  	[sflag:s11] =	ssyncadd.s32 $0xFFFFD800  }
0x1a: {  	[tilespmem:s12], [sflag:$0x5] =	stream.linear.gather [hbm4b:s1+s4], $0x400, $0x38;
	[tilespmem:$0x3FC0] =	vst v63  }
0x1b: {  	_ =	swait.ge [sflag:s11], $0x400  }
0x1c: {  	[sflag:s11] =	ssyncset.done $0x0  }
0x1d: {  	[sflag:s11] =	ssyncadd.s32 $0xFFFFFC00  }
0x1e: {  	[bflag:$0x0] =	sbarrier.arrive $0xFFFF  }
0x1f: {  	[spmem:s3] =	stream.indirect.scatter.add.f32 [tilespmem:s12], [sflag:$0x1], $0x8, s4, s13, $0xb8;
	[tilespmem:$0x3FC0] =	vst v63  }
0x20: {  	_ = 	snop  }
0x21: {  	[spmem:s3] =	stream.indirect.scatter.add.f32 [tilespmem:s12], [sflag:$0x2], $0x8, s13, s13, $0xb8;
	[tilespmem:$0x3FC0] =	vst v63  }
0x22: {  	_ = 	snop  }
0x23: {  	[spmem:s3] =	stream.indirect.scatter.add.f32 [tilespmem:s12], [sflag:$0x3], $0x8, s14, s13, $0xb8;
	[tilespmem:$0x3FC0] =	vst v63  }
0x24: {  	s21 =	simm.s32 $0x180  }
0x25: {  	[spmem:s3] =	stream.indirect.scatter.add.f32 [tilespmem:s12], [sflag:$0x4], $0x8, s21, s13, $0xb8;
	[tilespmem:$0x3FC0] =	vst v63  }
0x26: {  	_ =	swait.ge [sflag:s15], $0x400  }
0x27: {  	[sflag:s15] =	ssyncset.done $0x0  }
0x28: {  	s29 =	simm.s32 $0x200;
	[sflag:s15] =	ssyncadd.s32 $0xFFFFFC00  }
0x29: {  	[spmem:s3] =	stream.indirect.scatter.add.f32 [tilespmem:s12], [sflag:$0x1], $0x8, s29, s13, $0xb8;
	[tilespmem:$0x3FC0] =	vst v63  }
0x2a: {  	_ =	swait.ge [sflag:s16], $0x400  }
0x2b: {  	[sflag:s16] =	ssyncset.done $0x0  }
0x2c: {  	s30 =	simm.s32 $0x280;
	[sflag:s16] =	ssyncadd.s32 $0xFFFFFC00  }
0x2d: {  	[spmem:s3] =	stream.indirect.scatter.add.f32 [tilespmem:s12], [sflag:$0x2], $0x8, s30, s13, $0xb8;
	[tilespmem:$0x3FC0] =	vst v63  }
0x2e: {  	_ =	swait.ge [sflag:s17], $0x400  }
0x2f: {  	[sflag:s17] =	ssyncset.done $0x0  }
0x30: {  	s31 =	simm.s32 $0x300;
	[sflag:s17] =	ssyncadd.s32 $0xFFFFFC00  }
0x31: {  	[spmem:s3] =	stream.indirect.scatter.add.f32 [tilespmem:s12], [sflag:$0x3], $0x8, s31, s13, $0xb8;
	[tilespmem:$0x3FC0] =	vst v63  }
0x32: {  	_ =	swait.ge [sflag:s18], $0x400  }
0x33: {  	s22 =	simm.s32 $0xFFFF7800;
	s21 =	simm.s32 $0xFFFFDC00;
	[sflag:s18] =	ssyncset.done $0x0  }
.LBB2_2:
0x34: {  	s23 =	sadd.s32 $0x2780, s21  }
0x35: {  	[sflag:s18] =	ssyncadd.s32 $0xFFFFFC00;
	s24 =	smov.u32 s22;
	s25 =	sadd.s32 $0x800, s22  }
0x36: {  	[spmem:s3] =	stream.indirect.scatter.add.f32 [tilespmem:s12], [sflag:$0x4], $0x8, s23, s13, $0xb8;
	[tilespmem:$0x3FC0] =	vst v63  }
0x37: {  	p0 =	sne.s32 s22, $0xFFFFF800;
	_ =	swait.ge [sflag:s15], $0x400  }
0x38: {  	[sflag:s15] =	ssyncset.done $0x0  }
0x39: {  	s22 =	sadd.s32 $0x2800, s21;
	[sflag:s15] =	ssyncadd.s32 $0xFFFFFC00  }
0x3a: {  	[spmem:s3] =	stream.indirect.scatter.add.f32 [tilespmem:s12], [sflag:$0x1], $0x8, s22, s13, $0xb8;
	[tilespmem:$0x3FC0] =	vst v63  }
0x3b: {  	_ =	swait.ge [sflag:s16], $0x400  }
0x3c: {  	[sflag:s16] =	ssyncset.done $0x0  }
0x3d: {  	s22 =	sadd.s32 $0x2880, s21;
	[sflag:s16] =	ssyncadd.s32 $0xFFFFFC00  }
0x3e: {  	[spmem:s3] =	stream.indirect.scatter.add.f32 [tilespmem:s12], [sflag:$0x2], $0x8, s22, s13, $0xb8;
	[tilespmem:$0x3FC0] =	vst v63  }
0x3f: {  	_ =	swait.ge [sflag:s17], $0x400  }
.Ltmp0:
0x40: {  	[sflag:s17] =	ssyncset.done $0x0;
	(pc) =	sbr.rel @p0 .LBB2_2-.Ltmp0, $4  }
0x41: {  	s21 =	sadd.s32 $0x2900, s21;
	[sflag:s17] =	ssyncadd.s32 $0xFFFFFC00  }
0x42: {  	[spmem:s3] =	stream.indirect.scatter.add.f32 [tilespmem:s12], [sflag:$0x3], $0x8, s21, s13, $0xb8;
	[tilespmem:$0x3FC0] =	vst v63  }
0x43: {  	_ =	swait.ge [sflag:s18], $0x400  }
0x44: {  	s22 =	smov.u32 s25;
	s21 =	sshra.s32 s24, $0x2;
	[sflag:s18] =	ssyncset.done $0x0  }
0x45: {  	s22 =	sadd.s32 $0x2780, s21;
	[sflag:s18] =	ssyncadd.s32 $0xFFFFFC00  }
0x46: {  	[spmem:s3] =	stream.indirect.scatter.add.f32 [tilespmem:s12], [sflag:$0x4], $0x8, s22, s13, $0xb8;
	[tilespmem:$0x3FC0] =	vst v63  }
0x47: {  	_ =	swait.ge [sflag:s15], $0x400  }
0x48: {  	[sflag:s15] =	ssyncset.done $0x0  }
0x49: {  	s29 =	sadd.s32 $0x2800, s21;
	[sflag:s15] =	ssyncadd.s32 $0xFFFFFC00  }
0x4a: {  	[spmem:s3] =	stream.indirect.scatter.add.f32 [tilespmem:s12], [sflag:$0x1], $0x8, s29, s13, $0xb8;
	[tilespmem:$0x3FC0] =	vst v63  }
0x4b: {  	_ =	swait.ge [sflag:s16], $0x400  }
0x4c: {  	[sflag:s16] =	ssyncset.done $0x0  }
0x4d: {  	s30 =	sadd.s32 $0x2880, s21;
	[sflag:s16] =	ssyncadd.s32 $0xFFFFFC00  }
0x4e: {  	[spmem:s3] =	stream.indirect.scatter.add.f32 [tilespmem:s12], [sflag:$0x2], $0x8, s30, s13, $0xb8;
	[tilespmem:$0x3FC0] =	vst v63  }
0x4f: {  	_ =	swait.ge [sflag:s17], $0x400  }
0x50: {  	[sflag:s17] =	ssyncset.done $0x0  }
0x51: {  	s31 =	sadd.s32 $0x2900, s21;
	[sflag:s17] =	ssyncadd.s32 $0xFFFFFC00  }
0x52: {  	[spmem:s3] =	stream.indirect.scatter.add.f32 [tilespmem:s12], [sflag:$0x3], $0x8, s31, s13, $0xb8;
	[tilespmem:$0x3FC0] =	vst v63  }
0x53: {  	_ =	swait.ge [sflag:s18], $0x400  }
0x54: {  	[sflag:s18] =	ssyncset.done $0x0  }
0x55: {  	[sflag:s18] =	ssyncadd.s32 $0xFFFFFC00  }
0x56: {  	[spmem:s3] =	stream.indirect.scatter.add.f32 [tilespmem:s12], [sflag:$0x4], $0x8, s19, s13, $0xb8;
	[tilespmem:$0x3FC0] =	vst v63  }
0x57: {  	_ =	swait.ge [sflag:s15], $0x400  }
0x58: {  	[sflag:s15] =	ssyncset.done $0x0  }
0x59: {  	[sflag:s15] =	ssyncadd.s32 $0xFFFFFC00  }
0x5a: {  	_ =	swait.ge [sflag:s16], $0x400  }
0x5b: {  	[sflag:s16] =	ssyncset.done $0x0  }
0x5c: {  	[sflag:s16] =	ssyncadd.s32 $0xFFFFFC00  }
0x5d: {  	_ =	swait.ge [sflag:s17], $0x400  }
0x5e: {  	[sflag:s17] =	ssyncset.done $0x0  }
0x5f: {  	[sflag:s17] =	ssyncadd.s32 $0xFFFFFC00  }
0x60: {  	_ =	swait.ge [sflag:s18], $0x400  }
0x61: {  	s20 =	sadd.s32 $0x1, s20;
	[sflag:s18] =	ssyncset.done $0x0  }
0x62: {  	p0 =	sne.s32 s20, s9;
	[sflag:s18] =	ssyncadd.s32 $0xFFFFFC00  }
.Ltmp1:
0x63: {  	[bflag:$0x0] =	sbarrier.arrive $0xFFFF;
	(pc) =	sbr.rel @p0 .LBB2_1-.Ltmp1, $4  }
0x64: {  	[hbm:s8], [sflag:s6] =	dma.local [spmem:s10], $0x278  }
0x65: {  	_ =	swait.ge [sflag:s11], $0x278  }
0x66: {  	[sflag:s11] =	ssyncset.done $0x0  }
0x67: {  	[sflag:s11] =	ssyncadd.s32 $0xFFFFFD88  }
0x68: {  	_ =	sfence.sel $0x180000  }
0x69: {  	[bflag:$0x0] =	sbarrier.arrive $0xFFFF  }
0x6a: {  	p0 =	sne.s32 s2, $0x0;
	_ =	strace $0x90000047  }
0x6b: {  	s0 =	sadd.s32 @!p0 $0x100000, s0;
	[bflag:$0x2] =	sbarrier.arrive $0xFFFF  }
0x6c: {  	[sflag:s0] =	ssyncadd.tile.s32 @!p0 $0x1;
	_ =	shalt  }
.Lfunc_end2:
_tile_overlayer_lowered:
.L_overlay_start_2:
0x6d: {  	(tag) =	ssettag $0x2  }
0x6e: {  	s0 =	rddreg [dreg:$0x0];
	s2 =	stileid.u32  }
0x6f: {  	s1 =	rddreg [dreg:$0x1];
	p0 =	sne.s32 s2, $0x0  }
0x70: {  	s3 =	rddreg [dreg:$0x2];
	[bflag:$0x3] =	sbarrier.arrive $0xFFFF;
	s2 =	simm.s32 @!p0 $0x1C05  }
0x71: {  	[timem:s3], [sflag:s2] =	dma.local @!p0 [hbm:s0], s1  }
0x72: {  	s0 =	simm.s32 @!p0 $0x5  }
0x73: {  	_ =	swait.ge @!p0 [sflag:s0], s1  }
0x74: {  	s1 =	ssub.s32 @!p0 $0x0, s1;
	[sflag:s0] =	ssyncset.done @!p0 $0x0  }
0x75: {  	[sflag:s0] =	ssyncadd.s32 @!p0 s1  }
0x76: {  	[bflag:$0x3] =	sbarrier.arrive $0xFFFF  }
0x77: {  	_ =	shalt  }

// kernel: kernel.15.cloned.1.call-start
scs
__scs_entry_jumppad:
0x0: {  	(pc) =	sbr.rel $0x88, $3  }
0x1: {  	(tag) =	ssettag $0x0;
	lr =	simm.s32 $0x1  }
0x2: {  	[smem:$0x3F94] =	sst lr;
	_ =	strace $0xD0000000  }
0x3: {  	_ = 	snop  }
0x4: {  	_ = 	snop  }
0x5: {  	_ = 	snop  }
0x6: {  	_ = 	snop  }
0x7: {  	_ = 	snop  }
__scs_overlays_trampoline_lowered:
0x8: {  	[smem:$0x3FA3] =	sst s0  }
0x9: {  	[smem:$0x3FA4] =	sst s1  }
0xa: {  	[smem:$0x3FA5] =	sst s2  }
0xb: {  	[smem:$0x3FA6] =	sst s3  }
0xc: {  	[smem:$0x3FA7] =	sst s4  }
0xd: {  	[smem:$0x3FA8] =	sst s5  }
0xe: {  	[smem:$0x3FA9] =	sst s6  }
0xf: {  	[smem:$0x3FAA] =	sst s7  }
0x10: {  	[smem:$0x3FAB] =	sst s8  }
0x11: {  	[smem:$0x3FAC] =	sst s9;
	s0 =	simm.s32 @!p0 $0x0  }
0x12: {  	s1 =	sld [smem:$0x3F92];
	s0 =	simm.s32 @p0 $0x1  }
0x13: {  	[smem:$0x3FAD] =	sst s0;
	s0 =	simm.s32 @!p1 $0x0  }
0x14: {  	s2 =	sld [smem:$0x3F91];
	s0 =	simm.s32 @p1 $0x1  }
0x15: {  	[smem:$0x3FAE] =	sst s0;
	s0 =	simm.s32 @!p2 $0x0  }
0x16: {  	s3 =	sld [smem:$0x3FDB];
	s0 =	simm.s32 @p2 $0x1  }
0x17: {  	s4 =	simm.s32 $0x1BF5;
	[smem:$0x3FB0] =	sst s0  }
0x18: {  	s0 =	sld [smem:$0x3F93];
	_ =	swait.ge [sflag:s4], $0x0  }
0x19: {  	s7 =	sld [smem:$0x3F94]  }
0x1a: {  	s8 =	sadd.s32 $0xFFFFE003, lr  }
0x1b: {  	s9 =	sadd.s32 $0xFFFFFEF7, lr;
	s5 =	simm.s32 $0xFFFFFFFF;
	p2 =	slt.u32 s8, $0xFFFFF086  }
0x1c: {  	p1 =	slt.u32 s9, $0xF7A;
	s5 =	simm.s32 @!p2 $0x0  }
0x1d: {  	s5 =	simm.s32 @p1 $0x1;
	p0 =	seq.s32 s7, s2  }
0x1e: {  	s7 =	smul.u32 @!p0 $0xF7A, s2;
	p2 =	seq.s32 @!p0 s5, $0x0  }
0x1f: {  	s9 =	smul.u32 $0xF7A, s1;
	s8 =	simm.s32 @!p0 $0x1BF5;
	p2 =	por !p2, p0  }
0x20: {  	[sflag:s8] =	ssyncset.s32 @!p0 $0xFFFFF086;
	s6 =	sadd.s32 @!p0 s3, s7;
	s7 =	simm.s32 @!p0 $0x108  }
0x21: {  	s3 =	sadd.s32 s3, s9;
	s6 =	sadd.s32 @!p0 $0x88, s6;
	s7 =	simm.s32 @p2 $0x1082  }
0x22: {  	[simem:s7], [sflag:s8] =	dma.local @!p0 [hbm:s6], $0xF7A  }
0x23: {  	s9 =	sor.u32 $0xD0000000, s2;
	s6 =	simm.s32 $0x108;
	_ =	swait.ge @!p0 [sflag:s8], $0x0  }
0x24: {  	s3 =	sadd.s32 $0x88, s3;
	s6 =	simm.s32 @!p1 $0x1082;
	[sflag:s4] =	ssyncset.s32 $0xFFFFF086  }
0x25: {  	[simem:s6], [sflag:s4] =	dma.local [hbm:s3], $0xF7A  }
0x26: {  	[smem:$0x3F94] =	sst s1;
	(tag) =	ssettag s2;
	_ =	strace s9  }
0x27: {  	s1 =	sld [smem:$0x3FA4]  }
0x28: {  	s2 =	sld [smem:$0x3FA5]  }
0x29: {  	s4 =	sld [smem:$0x3FA7]  }
0x2a: {  	p0 =	seq.s32 s5, $0x0;
	s5 =	sld [smem:$0x3FA8]  }
0x2b: {  	s6 =	sld [smem:$0x3FA9]  }
0x2c: {  	s7 =	sld [smem:$0x3FAA]  }
0x2d: {  	s3 =	simm.s32 $0x108;
	s8 =	sld [smem:$0x3FAB]  }
0x2e: {  	s3 =	simm.s32 @!p0 $0x1082;
	s9 =	sld [smem:$0x3FAC]  }
0x2f: {  	lr =	sadd.s32 s0, s3;
	s0 =	sld [smem:$0x3FA3]  }
0x30: {  	s3 =	sld [smem:$0x3FA6]  }
0x31: {  	[smem:$0x3FAF] =	sst s10  }
0x32: {  	s10 =	sld [smem:$0x3FAD];
	_ =	sdelay $0x3  }
0x33: {  	p0 =	seq.s32 s10, $0x1;
	s10 =	sld [smem:$0x3FAF];
	_ =	sdelay $0x3  }
0x34: {  	[smem:$0x3FAF] =	sst s10  }
0x35: {  	s10 =	sld [smem:$0x3FAE];
	_ =	sdelay $0x3  }
0x36: {  	p1 =	seq.s32 s10, $0x1;
	s10 =	sld [smem:$0x3FAF];
	_ =	sdelay $0x3  }
0x37: {  	[smem:$0x3FAF] =	sst s10  }
0x38: {  	s10 =	sld [smem:$0x3FB0]  }
0x39: {  	_ = 	snop;
	(pc) =	sbr.ind lr, $3  }
0x3a: {  	_ = 	snop  }
0x3b: {  	_ = 	snop  }
0x3c: {  	p2 =	seq.s32 s10, $0x1;
	s10 =	sld [smem:$0x3FAF]  }
0x3d: {  	_ =	shalt  }
0x3e: {  	_ =	shalt  }
0x3f: {  	_ =	shalt  }
0x40: {  	_ =	shalt  }
0x41: {  	_ =	shalt  }
0x42: {  	_ =	shalt  }
0x43: {  	_ =	shalt  }
0x44: {  	_ =	shalt  }
0x45: {  	_ =	shalt  }
0x46: {  	_ =	shalt  }
0x47: {  	_ =	shalt  }
0x48: {  	_ =	shalt  }
0x49: {  	_ =	shalt  }
0x4a: {  	_ =	shalt  }
0x4b: {  	_ =	shalt  }
0x4c: {  	_ =	shalt  }
0x4d: {  	_ =	shalt  }
0x4e: {  	_ =	shalt  }
0x4f: {  	_ =	shalt  }
0x50: {  	_ =	shalt  }
0x51: {  	_ =	shalt  }
0x52: {  	_ =	shalt  }
0x53: {  	_ =	shalt  }
0x54: {  	_ =	shalt  }
0x55: {  	_ =	shalt  }
0x56: {  	_ =	shalt  }
0x57: {  	_ =	shalt  }
0x58: {  	_ =	shalt  }
0x59: {  	_ =	shalt  }
0x5a: {  	_ =	shalt  }
0x5b: {  	_ =	shalt  }
0x5c: {  	_ =	shalt  }
0x5d: {  	_ =	shalt  }
0x5e: {  	_ =	shalt  }
0x5f: {  	_ =	shalt  }
0x60: {  	_ =	shalt  }
0x61: {  	_ =	shalt  }
0x62: {  	_ =	shalt  }
0x63: {  	_ =	shalt  }
0x64: {  	_ =	shalt  }
0x65: {  	_ =	shalt  }
0x66: {  	_ =	shalt  }
0x67: {  	_ =	shalt  }
0x68: {  	_ =	shalt  }
0x69: {  	_ =	shalt  }
0x6a: {  	_ =	shalt  }
0x6b: {  	_ =	shalt  }
0x6c: {  	_ =	shalt  }
0x6d: {  	_ =	shalt  }
0x6e: {  	_ =	shalt  }
0x6f: {  	_ =	shalt  }
0x70: {  	_ =	shalt  }
0x71: {  	_ =	shalt  }
0x72: {  	_ =	shalt  }
0x73: {  	_ =	shalt  }
0x74: {  	_ =	shalt  }
0x75: {  	_ =	shalt  }
0x76: {  	_ =	shalt  }
0x77: {  	_ =	shalt  }
0x78: {  	_ =	shalt  }
0x79: {  	_ =	shalt  }
0x7a: {  	_ =	shalt  }
0x7b: {  	_ =	shalt  }
0x7c: {  	_ =	shalt  }
0x7d: {  	_ =	shalt  }
0x7e: {  	_ =	shalt  }
0x7f: {  	_ =	shalt  }
0x80: {  	_ =	shalt  }
0x81: {  	_ =	shalt  }
0x82: {  	_ =	shalt  }
0x83: {  	_ =	shalt  }
0x84: {  	_ =	shalt  }
0x85: {  	_ =	shalt  }
0x86: {  	_ =	shalt  }
0x87: {  	_ =	shalt  }
.Lfunc_end0:
.L_simem_size_0:
called_computation.1_lowered:
.L_overlay_start_0:
0x88: {  	s2 =	sld [smem:$0x3FD9]  }
0x89: {  	s3 =	sld [smem:$0x3FFE];
	_ =	sdelay $0x1  }
0x8a: {  	s1 =	srdreg.scid  }
0x8b: {  	s0 =	sand.u32 $0x1, s1  }
0x8c: {  	s16 =	sshll.u32 s0, $0xA;
	s2 =	sadd.s32 s3, s2  }
0x8d: {  	s2 =	sadd.s32 s2, s16  }
0x8e: {  	[smem:$0x3FBB] =	sst s2  }
0x8f: {  	_ = 	snop  }
0x90: {  	(tm) =	ssettm $0x1  }
0x91: {  	s17 =	sld [smem:$0x3FFB];
	_ =	sdelay $0x3  }
0x92: {  	_ =	strace s17  }
0x93: {  	s2 =	sld [smem:$0x3FFC];
	_ =	sdelay $0x3  }
0x94: {  	_ =	strace s2  }
0x95: {  	s2 =	sld [smem:$0x3FFD];
	_ =	sdelay $0x3  }
0x96: {  	_ =	strace s2  }
0x97: {  	_ =	strace $0x8FFFFFFF  }
0x98: {  	s18 =	sld [smem:$0x3FDB];
	_ =	sdelay $0x1  }
0x99: {  	s19 =	simm.s32 $_scs_section_size  }
0x9a: {  	s4 =	simm.s32 $_size__tile_overlayer_lowered;
	s5 =	simm.s32 $_tile_overlayer_lowered  }
0x9b: {  	s22 =	simm.s32 $0x1BFF;
	s21 =	sshll.u32 s5, $0x1;
	s2 =	sadd.s32 s19, s18  }
0x9c: {  	s6 =	simm.s32 $0x0;
	s20 =	sshll.u32 s4, $0x1;
	s4 =	sadd.s32 s21, s2  }
0x9d: {  	[timem:s6], [sflag:s22] =	dma.local [hbm:s4], s20  }
0x9e: {  	_ =	swait.ge [sflag:s22], s20  }
0x9f: {  	s3 =	ssub.s32 $0x0, s20;
	[sflag:s22] =	ssyncset.done $0x0  }
0xa0: {  	[sflag:s22] =	ssyncadd.s32 s3;
	_ =	sdelay $0x1  }
0xa1: {  	s23 =	simm.s32 $0x1B8B  }
0xa2: {  	_ =	swait.ge [sflag:s23], $0x1  }
0xa3: {  	[sflag:s23] =	ssyncset.done $0x0  }
0xa4: {  	s25 =	simm.s32 $0x1B8E;
	s24 =	sld [smem:$0x3FFE];
	[sflag:s23] =	ssyncadd.s32 $0xFFFFFFFF  }
0xa5: {  	s26 =	simm.s32 $execute0_lowered;
	[smem:$0x3FD2] =	sst s25  }
0xa6: {  	s4 =	sshll.u32 s26, $0x1;
	_ =	strace $0x80000049;
	[dreg:$0x1] =	wrdreg $0xFFFFFFFF  }
0xa7: {  	s28 =	simm.s32 $_size_execute0_lowered;
	s2 =	sadd.s32 s2, s4;
	[dreg:$0x0] =	wrdreg $0x0  }
0xa8: {  	s4 =	sshll.u32 s28, $0x1;
	[dreg:$0x2] =	wrdreg s2  }
0xa9: {  	[dreg:$0x3] =	wrdreg s4  }
0xaa: {  	[dreg:$0x4] =	wrdreg $0xC0  }
0xab: {  	_ =	task [dreg:s6], $0x5FFFF  }
0xac: {  	[dreg:$0x1] =	wrdreg $0xFFFFFFFF  }
0xad: {  	[dreg:$0x0] =	wrdreg $0x60  }
0xae: {  	[dreg:$0x2] =	wrdreg s24  }
0xaf: {  	[dreg:$0x3] =	wrdreg $0xD0000  }
0xb0: {  	[dreg:$0x4] =	wrdreg $0x9  }
0xb1: {  	_ =	task.clear_ibuf [dreg:s6], $0x5FFFF;
	_ =	strace $0x90000049  }
0xb2: {  	s29 =	simm.s32 $0x9;
	_ =	strace $0x8000004B  }
0xb3: {  	_ =	swait.ge [sflag:s29], $0x1  }
0xb4: {  	[sflag:s29] =	ssyncadd.s32 $0xFFFFFFFF  }
0xb5: {  	_ =	strace $0x9000004B  }
0xb6: {  	_ =	sfence  }
0xb7: {  	s30 =	sld [smem:$0x0];
	_ =	sdelay $0x2  }
0xb8: {  	s31 =	sshll.u32 s1, $0xD;
	s1 =	sshrl.u32 s1, $0x2  }
0xb9: {  	s3 =	sand.u32 $0x4000, s31;
	s1 =	sadd.s32 s1, s30  }
0xba: {  	s0 =	sor.u32 s3, s0;
	s1 =	sshll.u32 s1, $0x11  }
0xbb: {  	s0 =	sor.u32 s1, s0  }
0xbc: {  	s0 =	sadd.s32 $0x8F2B, s0  }
0xbd: {  	[sflag:s0] =	ssyncadd.remote.s32 $0x1  }
0xbe: {  	_ =	sfence.sel $0xFFFF  }
0xbf: {  	[dreg:$0x0] =	wrdreg $0xFFFFFFFF;
	(pc) =	sbr.abs _section_cstart, $3  }
0xc0: {  	[dreg:$0x1] =	wrdreg $0xFFFFFFFF  }
0xc1: {  	_ =	task.clear_ibuf [dreg:s6], $0x2FFFF;
	_ =	strace $0x9FFFFFFF  }
0xc2: {  	(tm) =	ssettm $0x7FFFFFFF  }
0xc3: {  	_ =	shalt  }
tec
execute0_lowered:
.L_overlay_start_1:
0x0: {  	(tag) =	ssettag $0x1  }
0x1: {  	s0 =	srdreg.scid;
	s5 =	rddreg [dreg:$0x0]  }
0x2: {  	s10 =	stileid.u32;
	s2 =	rddreg [dreg:$0x1];
	s3 =	simm.s32 $0x0  }
0x3: {  	s12 =	simm.s32 $0x9;
	s13 =	simm.s32 $0x2800;
	s14 =	simm.s32 $0x80  }
0x4: {  	s15 =	simm.s32 $0x5000;
	s16 =	simm.s32 $0x7000;
	s18 =	simm.s32 $0x9000  }
0x5: {  	s19 =	simm.s32 $0x1;
	s21 =	simm.s32 $0xB000;
	s22 =	simm.s32 $0x2  }
0x6: {  	s24 =	simm.s32 $0x5;
	s29 =	simm.s32 $0x6;
	s31 =	simm.s32 $0x4  }
0x7: {  	s17 =	simm.s32 $0x8;
	s30 =	simm.s32 $0x4F00;
	s20 =	simm.s32 $0x0  }
0x8: {  	s0 =	sand.u32 $0x1, s0;
	s1 =	sshll.u32 s10, $0x1;
	s6 =	smul.u32 $0x9E00, s10  }
0x9: {  	[smem:$0x7FF] =	sst s3;
	s4 =	sadd.s32 $0x69400, s5;
	s28 =	sshll.u32 s10, $0x6  }
0xa: {  	s1 =	sor.u32 s0, s1;
	s7 =	smul.u32 $0x9E000, s0;
	_ =	strace $0x8000004A  }
0xb: {  	s0 =	ssub.s32 $0x2, s0;
	s1 =	smul.u32 $0x500, s1;
	s8 =	sshrl.u32 s6, $0x3  }
0xc: {  	s26 =	sshrl.u32 s0, $0x1;
	s11 =	sadd.s32 s6, s2;
	s7 =	sadd.s32 s6, s7  }
0xd: {  	s8 =	sadd.s32 s8, s5;
	s0 =	ssub.s32 s0, s26;
	s6 =	sor.u32 $0x1C09, s28  }
0xe: {  	s11 =	sshrl.u32 s11, $0x3;
	s26 =	simm.s32 $0x3;
	s1 =	sadd.s32 s1, s5  }
0xf: {  	s7 =	sshrl.u32 s7, $0x3;
	s10 =	smax.u32 s0, $0x1;
	s0 =	simm.s32 $0x7  }
0x10: {  	s9 =	sadd.s32 s7, s5;
	s5 =	sadd.s32 $0x7D000, s8;
	s7 =	sadd.s32 $0x10400, s1  }
0x11: {  	s8 =	sadd.s32 $0x3C00, s1;
	s1 =	simm.s32 $0x4F80;
	s9 =	sadd.s32 $0x90C00, s9  }
.LBB2_1:
0x12: {  	[spmem:s11], [sflag:s6] =	dma.local [hbm:s5], $0x13C0  }
0x13: {  	_ =	swait.ge [sflag:s12], $0x13C0  }
0x14: {  	[sflag:s12] =	ssyncset.done $0x0  }
0x15: {  	[sflag:s12] =	ssyncadd.s32 $0xFFFFEC40  }
0x16: {  	[tilespmem:s3], [sflag:$0x9] =	stream.linear.gather [hbm4b:s7+s3], $0x2800, $0x38;
	[tilespmem:$0x16E00] =	vst v63  }
0x17: {  	_ =	swait.ge [sflag:s12], $0x2800  }
0x18: {  	[sflag:s12] =	ssyncset.done $0x0  }
0x19: {  	[sflag:s12] =	ssyncadd.s32 $0xFFFFD800  }
0x1a: {  	[tilespmem:s13], [sflag:$0x9] =	stream.linear.gather [hbm4b:s8+s3], $0x2800, $0x38;
	[tilespmem:$0x16E00] =	vst v63  }
0x1b: {  	_ =	swait.ge [sflag:s12], $0x2800  }
0x1c: {  	[sflag:s12] =	ssyncset.done $0x0  }
0x1d: {  	[sflag:s12] =	ssyncadd.s32 $0xFFFFD800  }
0x1e: {  	[bflag:$0x0] =	sbarrier.arrive $0xFFFF  }
0x1f: {  	[tilespmem:s15], [sflag:$0x1] =	stream.indirect.gather [hbm4b:s4+s14], $0x40, s3, s14, $0xb8;
	[tilespmem:$0x16E00] =	vst v63  }
0x20: {  	_ = 	snop  }
0x21: {  	[tilespmem:s16], [sflag:$0x2] =	stream.indirect.gather [hbm4b:s4+s14], $0x40, s14, s14, $0xb8;
	[tilespmem:$0x16E00] =	vst v63  }
0x22: {  	s23 =	simm.s32 $0x100  }
0x23: {  	[tilespmem:s18], [sflag:$0x3] =	stream.indirect.gather [hbm4b:s4+s14], $0x40, s23, s14, $0xb8;
	[tilespmem:$0x16E00] =	vst v63  }
0x24: {  	_ =	swait.ge [sflag:s19], $0x2000  }
0x25: {  	[sflag:s19] =	ssyncset.done $0x0  }
0x26: {  	[sflag:s19] =	ssyncadd.s32 $0xFFFFE000  }
0x27: {  	[spmem:s2] =	stream.indirect.scatter.add.f32 [tilespmem:s15], [sflag:$0x5], $0x40, s13, s14, $0xb8;
	[tilespmem:$0x16E00] =	vst v63  }
0x28: {  	s28 =	simm.s32 $0x180  }
0x29: {  	[tilespmem:s21], [sflag:$0x4] =	stream.indirect.gather [hbm4b:s4+s14], $0x40, s28, s14, $0xb8;
	[tilespmem:$0x16E00] =	vst v63  }
0x2a: {  	_ =	swait.ge [sflag:s22], $0x2000  }
0x2b: {  	[sflag:s22] =	ssyncset.done $0x0  }
0x2c: {  	s25 =	simm.s32 $0x2880;
	[sflag:s22] =	ssyncadd.s32 $0xFFFFE000  }
0x2d: {  	[spmem:s2] =	stream.indirect.scatter.add.f32 [tilespmem:s16], [sflag:$0x6], $0x40, s25, s14, $0xb8;
	[tilespmem:$0x16E00] =	vst v63  }
0x2e: {  	_ =	swait.ge [sflag:s24], $0x2000  }
0x2f: {  	[sflag:s24] =	ssyncset.done $0x0  }
0x30: {  	s28 =	simm.s32 $0x200;
	[sflag:s24] =	ssyncadd.s32 $0xFFFFE000  }
0x31: {  	[tilespmem:s15], [sflag:$0x1] =	stream.indirect.gather [hbm4b:s4+s14], $0x40, s28, s14, $0xb8;
	[tilespmem:$0x16E00] =	vst v63  }
0x32: {  	_ =	swait.ge [sflag:s26], $0x2000  }
0x33: {  	[sflag:s26] =	ssyncset.done $0x0  }
0x34: {  	s25 =	simm.s32 $0x2900;
	[sflag:s26] =	ssyncadd.s32 $0xFFFFE000  }
0x35: {  	[spmem:s2] =	stream.indirect.scatter.add.f32 [tilespmem:s18], [sflag:$0x7], $0x40, s25, s14, $0xb8;
	[tilespmem:$0x16E00] =	vst v63  }
0x36: {  	_ =	swait.ge [sflag:s29], $0x2000  }
0x37: {  	[sflag:s29] =	ssyncset.done $0x0  }
0x38: {  	s28 =	simm.s32 $0x280;
	[sflag:s29] =	ssyncadd.s32 $0xFFFFE000  }
0x39: {  	[tilespmem:s16], [sflag:$0x2] =	stream.indirect.gather [hbm4b:s4+s14], $0x40, s28, s14, $0xb8;
	[tilespmem:$0x16E00] =	vst v63  }
0x3a: {  	_ =	swait.ge [sflag:s31], $0x2000  }
0x3b: {  	[sflag:s31] =	ssyncset.done $0x0  }
0x3c: {  	s25 =	simm.s32 $0x2980;
	[sflag:s31] =	ssyncadd.s32 $0xFFFFE000  }
0x3d: {  	[spmem:s2] =	stream.indirect.scatter.add.f32 [tilespmem:s21], [sflag:$0x8], $0x40, s25, s14, $0xb8;
	[tilespmem:$0x16E00] =	vst v63  }
0x3e: {  	_ =	swait.ge [sflag:s0], $0x2000  }
0x3f: {  	[sflag:s0] =	ssyncset.done $0x0  }
0x40: {  	s28 =	simm.s32 $0x300;
	[sflag:s0] =	ssyncadd.s32 $0xFFFFE000  }
0x41: {  	[tilespmem:s18], [sflag:$0x3] =	stream.indirect.gather [hbm4b:s4+s14], $0x40, s28, s14, $0xb8;
	[tilespmem:$0x16E00] =	vst v63  }
0x42: {  	_ =	swait.ge [sflag:s19], $0x2000  }
0x43: {  	[sflag:s19] =	ssyncset.done $0x0  }
0x44: {  	s25 =	simm.s32 $0x2A00;
	[sflag:s19] =	ssyncadd.s32 $0xFFFFE000  }
0x45: {  	[spmem:s2] =	stream.indirect.scatter.add.f32 [tilespmem:s15], [sflag:$0x5], $0x40, s25, s14, $0xb8;
	[tilespmem:$0x16E00] =	vst v63  }
0x46: {  	_ =	swait.ge [sflag:s17], $0x2000  }
0x47: {  	[sflag:s17] =	ssyncset.done $0x0  }
0x48: {  	s28 =	simm.s32 $0x380;
	[sflag:s17] =	ssyncadd.s32 $0xFFFFE000  }
0x49: {  	[tilespmem:s21], [sflag:$0x4] =	stream.indirect.gather [hbm4b:s4+s14], $0x40, s28, s14, $0xb8;
	[tilespmem:$0x16E00] =	vst v63  }
0x4a: {  	_ =	swait.ge [sflag:s22], $0x2000  }
0x4b: {  	[sflag:s22] =	ssyncset.done $0x0  }
0x4c: {  	s25 =	simm.s32 $0x2A80;
	[sflag:s22] =	ssyncadd.s32 $0xFFFFE000  }
0x4d: {  	[spmem:s2] =	stream.indirect.scatter.add.f32 [tilespmem:s16], [sflag:$0x6], $0x40, s25, s14, $0xb8;
	[tilespmem:$0x16E00] =	vst v63  }
0x4e: {  	_ =	swait.ge [sflag:s24], $0x2000  }
0x4f: {  	[sflag:s24] =	ssyncset.done $0x0  }
0x50: {  	s28 =	simm.s32 $0x400;
	[sflag:s24] =	ssyncadd.s32 $0xFFFFE000  }
0x51: {  	[tilespmem:s15], [sflag:$0x1] =	stream.indirect.gather [hbm4b:s4+s14], $0x40, s28, s14, $0xb8;
	[tilespmem:$0x16E00] =	vst v63  }
0x52: {  	_ =	swait.ge [sflag:s26], $0x2000  }
0x53: {  	[sflag:s26] =	ssyncset.done $0x0  }
0x54: {  	s25 =	simm.s32 $0x2B00;
	[sflag:s26] =	ssyncadd.s32 $0xFFFFE000  }
0x55: {  	[spmem:s2] =	stream.indirect.scatter.add.f32 [tilespmem:s18], [sflag:$0x7], $0x40, s25, s14, $0xb8;
	[tilespmem:$0x16E00] =	vst v63  }
0x56: {  	_ =	swait.ge [sflag:s29], $0x2000  }
0x57: {  	[sflag:s29] =	ssyncset.done $0x0  }
0x58: {  	s28 =	simm.s32 $0x480;
	[sflag:s29] =	ssyncadd.s32 $0xFFFFE000  }
0x59: {  	[tilespmem:s16], [sflag:$0x2] =	stream.indirect.gather [hbm4b:s4+s14], $0x40, s28, s14, $0xb8;
	[tilespmem:$0x16E00] =	vst v63  }
0x5a: {  	_ =	swait.ge [sflag:s31], $0x2000  }
0x5b: {  	[sflag:s31] =	ssyncset.done $0x0  }
0x5c: {  	s23 =	simm.s32 $0x800;
	s25 =	simm.s32 $0x2B80;
	[sflag:s31] =	ssyncadd.s32 $0xFFFFE000  }
.LBB2_2:
0x5d: {  	[spmem:s2] =	stream.indirect.scatter.add.f32 [tilespmem:s21], [sflag:$0x8], $0x40, s25, s14, $0xb8;
	[tilespmem:$0x16E00] =	vst v63  }
0x5e: {  	s25 =	smov.u32 s23  }
0x5f: {  	p0 =	sne.s32 s23, $0x8800;
	s23 =	sadd.s32 $0x800, s23;
	_ =	swait.ge [sflag:s0], $0x2000  }
0x60: {  	s25 =	sshra.s32 s25, $0x2;
	[sflag:s0] =	ssyncset.done $0x0  }
0x61: {  	s28 =	sadd.s32 $0x300, s25;
	[sflag:s0] =	ssyncadd.s32 $0xFFFFE000  }
0x62: {  	[tilespmem:s18], [sflag:$0x3] =	stream.indirect.gather [hbm4b:s4+s14], $0x40, s28, s14, $0xb8;
	[tilespmem:$0x16E00] =	vst v63  }
0x63: {  	_ =	swait.ge [sflag:s19], $0x2000  }
0x64: {  	[sflag:s19] =	ssyncset.done $0x0  }
0x65: {  	s28 =	sadd.s32 $0x2A00, s25;
	[sflag:s19] =	ssyncadd.s32 $0xFFFFE000  }
0x66: {  	[spmem:s2] =	stream.indirect.scatter.add.f32 [tilespmem:s15], [sflag:$0x5], $0x40, s28, s14, $0xb8;
	[tilespmem:$0x16E00] =	vst v63  }
0x67: {  	_ =	swait.ge [sflag:s17], $0x2000  }
0x68: {  	[sflag:s17] =	ssyncset.done $0x0  }
0x69: {  	s28 =	sadd.s32 $0x380, s25;
	[sflag:s17] =	ssyncadd.s32 $0xFFFFE000  }
0x6a: {  	[tilespmem:s21], [sflag:$0x4] =	stream.indirect.gather [hbm4b:s4+s14], $0x40, s28, s14, $0xb8;
	[tilespmem:$0x16E00] =	vst v63  }
0x6b: {  	_ =	swait.ge [sflag:s22], $0x2000  }
0x6c: {  	[sflag:s22] =	ssyncset.done $0x0  }
0x6d: {  	s28 =	sadd.s32 $0x2A80, s25;
	[sflag:s22] =	ssyncadd.s32 $0xFFFFE000  }
0x6e: {  	[spmem:s2] =	stream.indirect.scatter.add.f32 [tilespmem:s16], [sflag:$0x6], $0x40, s28, s14, $0xb8;
	[tilespmem:$0x16E00] =	vst v63  }
0x6f: {  	_ =	swait.ge [sflag:s24], $0x2000  }
0x70: {  	[sflag:s24] =	ssyncset.done $0x0  }
0x71: {  	s28 =	sadd.s32 $0x400, s25;
	[sflag:s24] =	ssyncadd.s32 $0xFFFFE000  }
0x72: {  	[tilespmem:s15], [sflag:$0x1] =	stream.indirect.gather [hbm4b:s4+s14], $0x40, s28, s14, $0xb8;
	[tilespmem:$0x16E00] =	vst v63  }
0x73: {  	_ =	swait.ge [sflag:s26], $0x2000  }
0x74: {  	[sflag:s26] =	ssyncset.done $0x0  }
0x75: {  	s28 =	sadd.s32 $0x2B00, s25;
	[sflag:s26] =	ssyncadd.s32 $0xFFFFE000  }
0x76: {  	[spmem:s2] =	stream.indirect.scatter.add.f32 [tilespmem:s18], [sflag:$0x7], $0x40, s28, s14, $0xb8;
	[tilespmem:$0x16E00] =	vst v63  }
0x77: {  	_ =	swait.ge [sflag:s29], $0x2000  }
0x78: {  	[sflag:s29] =	ssyncset.done $0x0  }
.Ltmp0:
0x79: {  	s28 =	sadd.s32 $0x480, s25;
	[sflag:s29] =	ssyncadd.s32 $0xFFFFE000;
	(pc) =	sbr.rel @p0 .LBB2_2-.Ltmp0, $4  }
0x7a: {  	[tilespmem:s16], [sflag:$0x2] =	stream.indirect.gather [hbm4b:s4+s14], $0x40, s28, s14, $0xb8;
	[tilespmem:$0x16E00] =	vst v63  }
0x7b: {  	_ =	swait.ge [sflag:s31], $0x2000  }
0x7c: {  	[sflag:s31] =	ssyncset.done $0x0  }
0x7d: {  	s25 =	sadd.s32 $0x2B80, s25;
	[sflag:s31] =	ssyncadd.s32 $0xFFFFE000  }
0x7e: {  	[spmem:s2] =	stream.indirect.scatter.add.f32 [tilespmem:s21], [sflag:$0x8], $0x40, s25, s14, $0xb8;
	[tilespmem:$0x16E00] =	vst v63  }
0x7f: {  	_ =	swait.ge [sflag:s0], $0x2000  }
0x80: {  	[sflag:s0] =	ssyncset.done $0x0  }
0x81: {  	s23 =	simm.s32 $0x2700;
	[sflag:s0] =	ssyncadd.s32 $0xFFFFE000  }
0x82: {  	[tilespmem:s18], [sflag:$0x3] =	stream.indirect.gather [hbm4b:s4+s14], $0x40, s23, s14, $0xb8;
	[tilespmem:$0x16E00] =	vst v63  }
0x83: {  	_ =	swait.ge [sflag:s19], $0x2000  }
0x84: {  	[sflag:s19] =	ssyncset.done $0x0  }
0x85: {  	s28 =	simm.s32 $0x4E00;
	[sflag:s19] =	ssyncadd.s32 $0xFFFFE000  }
0x86: {  	[spmem:s2] =	stream.indirect.scatter.add.f32 [tilespmem:s15], [sflag:$0x5], $0x40, s28, s14, $0xb8;
	[tilespmem:$0x16E00] =	vst v63  }
0x87: {  	_ =	swait.ge [sflag:s17], $0x2000  }
0x88: {  	[sflag:s17] =	ssyncset.done $0x0  }
0x89: {  	s25 =	simm.s32 $0x2780;
	[sflag:s17] =	ssyncadd.s32 $0xFFFFE000  }
0x8a: {  	[tilespmem:s21], [sflag:$0x4] =	stream.indirect.gather [hbm4b:s4+s14], $0x40, s25, s14, $0xb8;
	[tilespmem:$0x16E00] =	vst v63  }
0x8b: {  	_ =	swait.ge [sflag:s22], $0x2000  }
0x8c: {  	[sflag:s22] =	ssyncset.done $0x0  }
0x8d: {  	s28 =	simm.s32 $0x4E80;
	[sflag:s22] =	ssyncadd.s32 $0xFFFFE000  }
0x8e: {  	[spmem:s2] =	stream.indirect.scatter.add.f32 [tilespmem:s16], [sflag:$0x6], $0x40, s28, s14, $0xb8;
	[tilespmem:$0x16E00] =	vst v63  }
0x8f: {  	_ =	swait.ge [sflag:s24], $0x2000  }
0x90: {  	[sflag:s24] =	ssyncset.done $0x0  }
0x91: {  	[sflag:s24] =	ssyncadd.s32 $0xFFFFE000  }
0x92: {  	_ =	swait.ge [sflag:s26], $0x2000  }
0x93: {  	[sflag:s26] =	ssyncset.done $0x0  }
0x94: {  	[sflag:s26] =	ssyncadd.s32 $0xFFFFE000  }
0x95: {  	[spmem:s2] =	stream.indirect.scatter.add.f32 [tilespmem:s18], [sflag:$0x7], $0x40, s30, s14, $0xb8;
	[tilespmem:$0x16E00] =	vst v63  }
0x96: {  	_ =	swait.ge [sflag:s29], $0x2000  }
0x97: {  	[sflag:s29] =	ssyncset.done $0x0  }
0x98: {  	[sflag:s29] =	ssyncadd.s32 $0xFFFFE000  }
0x99: {  	_ =	swait.ge [sflag:s31], $0x2000  }
0x9a: {  	[sflag:s31] =	ssyncset.done $0x0  }
0x9b: {  	[sflag:s31] =	ssyncadd.s32 $0xFFFFE000  }
0x9c: {  	[spmem:s2] =	stream.indirect.scatter.add.f32 [tilespmem:s21], [sflag:$0x8], $0x40, s1, s14, $0xb8;
	[tilespmem:$0x16E00] =	vst v63  }
0x9d: {  	_ =	swait.ge [sflag:s0], $0x2000  }
0x9e: {  	[sflag:s0] =	ssyncset.done $0x0  }
0x9f: {  	[sflag:s0] =	ssyncadd.s32 $0xFFFFE000  }
0xa0: {  	_ =	swait.ge [sflag:s17], $0x2000  }
0xa1: {  	s20 =	sadd.s32 $0x1, s20;
	[sflag:s17] =	ssyncset.done $0x0  }
0xa2: {  	p0 =	sne.s32 s20, s10;
	[sflag:s17] =	ssyncadd.s32 $0xFFFFE000  }
.Ltmp1:
0xa3: {  	[bflag:$0x0] =	sbarrier.arrive $0xFFFF;
	(pc) =	sbr.rel @p0 .LBB2_1-.Ltmp1, $4  }
0xa4: {  	[hbm:s9], [sflag:s6] =	dma.local [spmem:s11], $0x13C0  }
0xa5: {  	_ =	swait.ge [sflag:s12], $0x13C0  }
0xa6: {  	[sflag:s12] =	ssyncset.done $0x0  }
0xa7: {  	[sflag:s12] =	ssyncadd.s32 $0xFFFFEC40  }
0xa8: {  	_ =	sfence.sel $0x180000  }
0xa9: {  	[bflag:$0x0] =	sbarrier.arrive $0xFFFF  }
0xaa: {  	_ =	strace $0x9000004A  }
0xab: {  	s0 =	stileid.u32;
	[bflag:$0x2] =	sbarrier.arrive $0xFFFF  }
0xac: {  	p0 =	sne.s32 s0, $0x0;
	s0 =	rddreg [dreg:$0x2]  }
0xad: {  	s0 =	sadd.s32 @!p0 $0x100000, s0  }
0xae: {  	[sflag:s0] =	ssyncadd.tile.s32 @!p0 $0x1;
	_ =	shalt  }
.Lfunc_end2:
_tile_overlayer_lowered:
.L_overlay_start_2:
0xaf: {  	(tag) =	ssettag $0x2  }
0xb0: {  	s0 =	rddreg [dreg:$0x0];
	s2 =	stileid.u32  }
0xb1: {  	s1 =	rddreg [dreg:$0x1];
	p0 =	sne.s32 s2, $0x0  }
0xb2: {  	s3 =	rddreg [dreg:$0x2];
	[bflag:$0x3] =	sbarrier.arrive $0xFFFF;
	s2 =	simm.s32 @!p0 $0x1C09  }
0xb3: {  	[timem:s3], [sflag:s2] =	dma.local @!p0 [hbm:s0], s1  }
0xb4: {  	s0 =	simm.s32 @!p0 $0x9  }
0xb5: {  	_ =	swait.ge @!p0 [sflag:s0], s1  }
0xb6: {  	s1 =	ssub.s32 @!p0 $0x0, s1;
	[sflag:s0] =	ssyncset.done @!p0 $0x0  }
0xb7: {  	[sflag:s0] =	ssyncadd.s32 @!p0 s1  }
0xb8: {  	[bflag:$0x3] =	sbarrier.arrive $0xFFFF  }
0xb9: {  	_ =	shalt  }

// kernel: kernel.18.cloned.1.call-start
scs
__scs_entry_jumppad:
0x0: {  	(pc) =	sbr.rel $0x88, $3  }
0x1: {  	(tag) =	ssettag $0x0;
	lr =	simm.s32 $0x1  }
0x2: {  	[smem:$0x3F94] =	sst lr;
	_ =	strace $0xD0000000  }
0x3: {  	_ = 	snop  }
0x4: {  	_ = 	snop  }
0x5: {  	_ = 	snop  }
0x6: {  	_ = 	snop  }
0x7: {  	_ = 	snop  }
__scs_overlays_trampoline_lowered:
0x8: {  	[smem:$0x3FA3] =	sst s0  }
0x9: {  	[smem:$0x3FA4] =	sst s1  }
0xa: {  	[smem:$0x3FA5] =	sst s2  }
0xb: {  	[smem:$0x3FA6] =	sst s3  }
0xc: {  	[smem:$0x3FA7] =	sst s4  }
0xd: {  	[smem:$0x3FA8] =	sst s5  }
0xe: {  	[smem:$0x3FA9] =	sst s6  }
0xf: {  	[smem:$0x3FAA] =	sst s7  }
0x10: {  	[smem:$0x3FAB] =	sst s8  }
0x11: {  	[smem:$0x3FAC] =	sst s9;
	s0 =	simm.s32 @!p0 $0x0  }
0x12: {  	s1 =	sld [smem:$0x3F92];
	s0 =	simm.s32 @p0 $0x1  }
0x13: {  	[smem:$0x3FAD] =	sst s0;
	s0 =	simm.s32 @!p1 $0x0  }
0x14: {  	s2 =	sld [smem:$0x3F91];
	s0 =	simm.s32 @p1 $0x1  }
0x15: {  	[smem:$0x3FAE] =	sst s0;
	s0 =	simm.s32 @!p2 $0x0  }
0x16: {  	s3 =	sld [smem:$0x3FDB];
	s0 =	simm.s32 @p2 $0x1  }
0x17: {  	s4 =	simm.s32 $0x1BF5;
	[smem:$0x3FB0] =	sst s0  }
0x18: {  	s0 =	sld [smem:$0x3F93];
	_ =	swait.ge [sflag:s4], $0x0  }
0x19: {  	s7 =	sld [smem:$0x3F94]  }
0x1a: {  	s8 =	sadd.s32 $0xFFFFE003, lr  }
0x1b: {  	s9 =	sadd.s32 $0xFFFFFEF7, lr;
	s5 =	simm.s32 $0xFFFFFFFF;
	p2 =	slt.u32 s8, $0xFFFFF086  }
0x1c: {  	p1 =	slt.u32 s9, $0xF7A;
	s5 =	simm.s32 @!p2 $0x0  }
0x1d: {  	s5 =	simm.s32 @p1 $0x1;
	p0 =	seq.s32 s7, s2  }
0x1e: {  	s7 =	smul.u32 @!p0 $0xF7A, s2;
	p2 =	seq.s32 @!p0 s5, $0x0  }
0x1f: {  	s9 =	smul.u32 $0xF7A, s1;
	s8 =	simm.s32 @!p0 $0x1BF5;
	p2 =	por !p2, p0  }
0x20: {  	[sflag:s8] =	ssyncset.s32 @!p0 $0xFFFFF086;
	s6 =	sadd.s32 @!p0 s3, s7;
	s7 =	simm.s32 @!p0 $0x108  }
0x21: {  	s3 =	sadd.s32 s3, s9;
	s6 =	sadd.s32 @!p0 $0x88, s6;
	s7 =	simm.s32 @p2 $0x1082  }
0x22: {  	[simem:s7], [sflag:s8] =	dma.local @!p0 [hbm:s6], $0xF7A  }
0x23: {  	s9 =	sor.u32 $0xD0000000, s2;
	s6 =	simm.s32 $0x108;
	_ =	swait.ge @!p0 [sflag:s8], $0x0  }
0x24: {  	s3 =	sadd.s32 $0x88, s3;
	s6 =	simm.s32 @!p1 $0x1082;
	[sflag:s4] =	ssyncset.s32 $0xFFFFF086  }
0x25: {  	[simem:s6], [sflag:s4] =	dma.local [hbm:s3], $0xF7A  }
0x26: {  	[smem:$0x3F94] =	sst s1;
	(tag) =	ssettag s2;
	_ =	strace s9  }
0x27: {  	s1 =	sld [smem:$0x3FA4]  }
0x28: {  	s2 =	sld [smem:$0x3FA5]  }
0x29: {  	s4 =	sld [smem:$0x3FA7]  }
0x2a: {  	p0 =	seq.s32 s5, $0x0;
	s5 =	sld [smem:$0x3FA8]  }
0x2b: {  	s6 =	sld [smem:$0x3FA9]  }
0x2c: {  	s7 =	sld [smem:$0x3FAA]  }
0x2d: {  	s3 =	simm.s32 $0x108;
	s8 =	sld [smem:$0x3FAB]  }
0x2e: {  	s3 =	simm.s32 @!p0 $0x1082;
	s9 =	sld [smem:$0x3FAC]  }
0x2f: {  	lr =	sadd.s32 s0, s3;
	s0 =	sld [smem:$0x3FA3]  }
0x30: {  	s3 =	sld [smem:$0x3FA6]  }
0x31: {  	[smem:$0x3FAF] =	sst s10  }
0x32: {  	s10 =	sld [smem:$0x3FAD];
	_ =	sdelay $0x3  }
0x33: {  	p0 =	seq.s32 s10, $0x1;
	s10 =	sld [smem:$0x3FAF];
	_ =	sdelay $0x3  }
0x34: {  	[smem:$0x3FAF] =	sst s10  }
0x35: {  	s10 =	sld [smem:$0x3FAE];
	_ =	sdelay $0x3  }
0x36: {  	p1 =	seq.s32 s10, $0x1;
	s10 =	sld [smem:$0x3FAF];
	_ =	sdelay $0x3  }
0x37: {  	[smem:$0x3FAF] =	sst s10  }
0x38: {  	s10 =	sld [smem:$0x3FB0]  }
0x39: {  	_ = 	snop;
	(pc) =	sbr.ind lr, $3  }
0x3a: {  	_ = 	snop  }
0x3b: {  	_ = 	snop  }
0x3c: {  	p2 =	seq.s32 s10, $0x1;
	s10 =	sld [smem:$0x3FAF]  }
0x3d: {  	_ =	shalt  }
0x3e: {  	_ =	shalt  }
0x3f: {  	_ =	shalt  }
0x40: {  	_ =	shalt  }
0x41: {  	_ =	shalt  }
0x42: {  	_ =	shalt  }
0x43: {  	_ =	shalt  }
0x44: {  	_ =	shalt  }
0x45: {  	_ =	shalt  }
0x46: {  	_ =	shalt  }
0x47: {  	_ =	shalt  }
0x48: {  	_ =	shalt  }
0x49: {  	_ =	shalt  }
0x4a: {  	_ =	shalt  }
0x4b: {  	_ =	shalt  }
0x4c: {  	_ =	shalt  }
0x4d: {  	_ =	shalt  }
0x4e: {  	_ =	shalt  }
0x4f: {  	_ =	shalt  }
0x50: {  	_ =	shalt  }
0x51: {  	_ =	shalt  }
0x52: {  	_ =	shalt  }
0x53: {  	_ =	shalt  }
0x54: {  	_ =	shalt  }
0x55: {  	_ =	shalt  }
0x56: {  	_ =	shalt  }
0x57: {  	_ =	shalt  }
0x58: {  	_ =	shalt  }
0x59: {  	_ =	shalt  }
0x5a: {  	_ =	shalt  }
0x5b: {  	_ =	shalt  }
0x5c: {  	_ =	shalt  }
0x5d: {  	_ =	shalt  }
0x5e: {  	_ =	shalt  }
0x5f: {  	_ =	shalt  }
0x60: {  	_ =	shalt  }
0x61: {  	_ =	shalt  }
0x62: {  	_ =	shalt  }
0x63: {  	_ =	shalt  }
0x64: {  	_ =	shalt  }
0x65: {  	_ =	shalt  }
0x66: {  	_ =	shalt  }
0x67: {  	_ =	shalt  }
0x68: {  	_ =	shalt  }
0x69: {  	_ =	shalt  }
0x6a: {  	_ =	shalt  }
0x6b: {  	_ =	shalt  }
0x6c: {  	_ =	shalt  }
0x6d: {  	_ =	shalt  }
0x6e: {  	_ =	shalt  }
0x6f: {  	_ =	shalt  }
0x70: {  	_ =	shalt  }
0x71: {  	_ =	shalt  }
0x72: {  	_ =	shalt  }
0x73: {  	_ =	shalt  }
0x74: {  	_ =	shalt  }
0x75: {  	_ =	shalt  }
0x76: {  	_ =	shalt  }
0x77: {  	_ =	shalt  }
0x78: {  	_ =	shalt  }
0x79: {  	_ =	shalt  }
0x7a: {  	_ =	shalt  }
0x7b: {  	_ =	shalt  }
0x7c: {  	_ =	shalt  }
0x7d: {  	_ =	shalt  }
0x7e: {  	_ =	shalt  }
0x7f: {  	_ =	shalt  }
0x80: {  	_ =	shalt  }
0x81: {  	_ =	shalt  }
0x82: {  	_ =	shalt  }
0x83: {  	_ =	shalt  }
0x84: {  	_ =	shalt  }
0x85: {  	_ =	shalt  }
0x86: {  	_ =	shalt  }
0x87: {  	_ =	shalt  }
.Lfunc_end0:
.L_simem_size_0:
called_computation.2_lowered:
.L_overlay_start_0:
0x88: {  	s2 =	sld [smem:$0x3FD9]  }
0x89: {  	s3 =	sld [smem:$0x3FFE];
	_ =	sdelay $0x1  }
0x8a: {  	s1 =	srdreg.scid  }
0x8b: {  	s0 =	sand.u32 $0x1, s1  }
0x8c: {  	s14 =	sshll.u32 s0, $0xA;
	s2 =	sadd.s32 s3, s2  }
0x8d: {  	s2 =	sadd.s32 s2, s14  }
0x8e: {  	[smem:$0x3FBB] =	sst s2  }
0x8f: {  	_ = 	snop  }
0x90: {  	s2 =	sld [smem:$0x3FD0];
	_ =	sdelay $0x2  }
0x91: {  	s15 =	simm.s32 $0xB;
	s4 =	simm.s32 $0x10  }
0x92: {  	[smem:s4], [sflag:s15] =	dma.local [hbm:s2], $0x1  }
0x93: {  	_ =	swait.eq [sflag:s15], $0x1  }
0x94: {  	[sflag:s15] =	ssyncset.done $0x0  }
0x95: {  	[sflag:s15] =	ssyncadd.s32 $0xFFFFFFFF  }
0x96: {  	s16 =	sld [smem:$0x11];
	(tm) =	ssettm $0x1  }
0x97: {  	s17 =	sld [smem:$0x3FFB];
	_ =	sdelay $0x3  }
0x98: {  	_ =	strace s17  }
0x99: {  	s3 =	sld [smem:$0x3FFC];
	_ =	sdelay $0x3  }
0x9a: {  	_ =	strace s3  }
0x9b: {  	s3 =	sld [smem:$0x3FFD];
	_ =	sdelay $0x3  }
0x9c: {  	_ =	strace s3  }
0x9d: {  	_ =	strace $0x8FFFFFFF  }
0x9e: {  	s18 =	sld [smem:$0x3FDB];
	_ =	sdelay $0x1  }
0x9f: {  	s19 =	simm.s32 $_scs_section_size  }
0xa0: {  	s5 =	simm.s32 $_size__tile_overlayer_lowered;
	s6 =	simm.s32 $_tile_overlayer_lowered  }
0xa1: {  	s22 =	simm.s32 $0x1BFF;
	s21 =	sshll.u32 s6, $0x1;
	s3 =	sadd.s32 s19, s18  }
0xa2: {  	s7 =	simm.s32 $0x0;
	s20 =	sshll.u32 s5, $0x1;
	s5 =	sadd.s32 s21, s3  }
0xa3: {  	[timem:s7], [sflag:s22] =	dma.local [hbm:s5], s20  }
0xa4: {  	_ =	swait.ge [sflag:s22], s20  }
0xa5: {  	s4 =	ssub.s32 $0x0, s20;
	[sflag:s22] =	ssyncset.done $0x0  }
0xa6: {  	[sflag:s22] =	ssyncadd.s32 s4;
	_ =	sdelay $0x1  }
0xa7: {  	s23 =	simm.s32 $0x1B8B  }
0xa8: {  	_ =	swait.ge [sflag:s23], $0x1  }
0xa9: {  	[sflag:s23] =	ssyncset.done $0x0  }
0xaa: {  	s25 =	simm.s32 $0x1B8E;
	s24 =	sld [smem:$0x3FFE];
	[sflag:s23] =	ssyncadd.s32 $0xFFFFFFFF  }
0xab: {  	s26 =	simm.s32 $execute0_lowered;
	[smem:$0x3FD2] =	sst s25  }
0xac: {  	s5 =	sshll.u32 s26, $0x1;
	_ =	strace $0x8000004C;
	[dreg:$0x1] =	wrdreg $0xFFFFFFFF  }
0xad: {  	s28 =	simm.s32 $_size_execute0_lowered;
	s3 =	sadd.s32 s3, s5;
	[dreg:$0x0] =	wrdreg $0x0  }
0xae: {  	s5 =	sshll.u32 s28, $0x1;
	[dreg:$0x2] =	wrdreg s3  }
0xaf: {  	[dreg:$0x3] =	wrdreg s5  }
0xb0: {  	[dreg:$0x4] =	wrdreg $0xC0  }
0xb1: {  	_ =	task [dreg:s7], $0x5FFFF  }
0xb2: {  	[dreg:$0x1] =	wrdreg $0xFFFFFFFF  }
0xb3: {  	[dreg:$0x0] =	wrdreg $0x60  }
0xb4: {  	[dreg:$0x2] =	wrdreg s24  }
0xb5: {  	[dreg:$0x3] =	wrdreg s16  }
0xb6: {  	[dreg:$0x4] =	wrdreg $0xD0000  }
0xb7: {  	[dreg:$0x5] =	wrdreg $0x9  }
0xb8: {  	_ =	task.clear_ibuf [dreg:s7], $0x6FFFF;
	_ =	strace $0x9000004C  }
0xb9: {  	s29 =	simm.s32 $0x9;
	_ =	strace $0x8000004E  }
0xba: {  	_ =	swait.ge [sflag:s29], $0x1  }
0xbb: {  	[sflag:s29] =	ssyncadd.s32 $0xFFFFFFFF  }
0xbc: {  	_ =	strace $0x9000004E  }
0xbd: {  	_ =	sfence  }
0xbe: {  	s30 =	sld [smem:$0x0];
	_ =	sdelay $0x2  }
0xbf: {  	s31 =	sshll.u32 s1, $0xD;
	s1 =	sshrl.u32 s1, $0x2  }
0xc0: {  	s3 =	sand.u32 $0x4000, s31;
	s1 =	sadd.s32 s1, s30  }
0xc1: {  	s0 =	sor.u32 s3, s0;
	s1 =	sshll.u32 s1, $0x11  }
0xc2: {  	s0 =	sor.u32 s1, s0  }
0xc3: {  	s0 =	sadd.s32 $0x8F2B, s0  }
0xc4: {  	[sflag:s0] =	ssyncadd.remote.s32 $0x1  }
0xc5: {  	_ =	sfence.sel $0xFFFF  }
0xc6: {  	[dreg:$0x0] =	wrdreg $0xFFFFFFFF;
	(pc) =	sbr.abs _section_cstart, $3  }
0xc7: {  	[dreg:$0x1] =	wrdreg $0xFFFFFFFF  }
0xc8: {  	_ =	task.clear_ibuf [dreg:s7], $0x2FFFF;
	_ =	strace $0x9FFFFFFF  }
0xc9: {  	(tm) =	ssettm $0x7FFFFFFF  }
tec
execute0_lowered:
.L_overlay_start_1:
0x0: {  	(tag) =	ssettag $0x1  }
0x1: {  	s0 =	rddreg [dreg:$0x0]  }
0x2: {  	s1 =	rddreg [dreg:$0x1];
	s3 =	srdreg.scid  }
0x3: {  	s13 =	stileid.u32;
	s2 =	rddreg [dreg:$0x2]  }
0x4: {  	s14 =	simm.s32 $0x80;
	s15 =	simm.s32 $0x5000;
	s16 =	simm.s32 $0x7000  }
0x5: {  	s18 =	simm.s32 $0x9000;
	s19 =	simm.s32 $0x1;
	s21 =	simm.s32 $0xB000  }
0x6: {  	s22 =	simm.s32 $0x2;
	s29 =	simm.s32 $0x6;
	s31 =	simm.s32 $0x4  }
0x7: {  	s17 =	simm.s32 $0x8;
	s30 =	simm.s32 $0x4F00;
	s20 =	simm.s32 $0x0  }
0x8: {  	s5 =	sand.u32 $0x1, s3;
	s4 =	sshll.u32 s13, $0x1;
	s3 =	simm.s32 $0x0  }
0x9: {  	s7 =	smul.u32 $0x9E00, s13;
	s25 =	sshll.u32 s13, $0x6;
	s13 =	simm.s32 $0x2800  }
0xa: {  	s4 =	sor.u32 s5, s4;
	[smem:$0x7FF] =	sst s3;
	s11 =	smul.u32 $0x9E000, s5  }
0xb: {  	s24 =	ssub.s32 $0x2, s5;
	s6 =	smul.u32 $0x500, s4;
	_ =	strace $0x8000004D  }
0xc: {  	s4 =	sadd.s32 $0x69400, s0;
	s9 =	sshrl.u32 s7, $0x3;
	s10 =	sshrl.u32 s24, $0x1  }
0xd: {  	s12 =	sadd.s32 s7, s2;
	s10 =	ssub.s32 s24, s10;
	s26 =	sadd.s32 s7, s11  }
0xe: {  	s11 =	sshrl.u32 s12, $0x3;
	s12 =	simm.s32 $0x9;
	s24 =	simm.s32 $0x5  }
0xf: {  	s8 =	sadd.s32 s6, s0;
	s0 =	sadd.s32 s9, s0;
	s6 =	sor.u32 $0x1C09, s25  }
0x10: {  	s28 =	sshrl.u32 s26, $0x3;
	s10 =	smax.u32 s10, $0x1;
	s26 =	simm.s32 $0x3  }
0x11: {  	s5 =	sadd.s32 $0x7D000, s0;
	s7 =	sadd.s32 $0x10400, s8;
	s8 =	sadd.s32 $0x3C00, s8  }
0x12: {  	s9 =	sadd.s32 s1, s28;
	s0 =	simm.s32 $0x7;
	s1 =	simm.s32 $0x4F80  }
.LBB2_1:
0x13: {  	[spmem:s11], [sflag:s6] =	dma.local [hbm:s5], $0x13C0  }
0x14: {  	_ =	swait.ge [sflag:s12], $0x13C0  }
0x15: {  	[sflag:s12] =	ssyncset.done $0x0  }
0x16: {  	[sflag:s12] =	ssyncadd.s32 $0xFFFFEC40  }
0x17: {  	[tilespmem:s3], [sflag:$0x9] =	stream.linear.gather [hbm4b:s7+s3], $0x2800, $0x38;
	[tilespmem:$0x16E00] =	vst v63  }
0x18: {  	_ =	swait.ge [sflag:s12], $0x2800  }
0x19: {  	[sflag:s12] =	ssyncset.done $0x0  }
0x1a: {  	[sflag:s12] =	ssyncadd.s32 $0xFFFFD800  }
0x1b: {  	[tilespmem:s13], [sflag:$0x9] =	stream.linear.gather [hbm4b:s8+s3], $0x2800, $0x38;
	[tilespmem:$0x16E00] =	vst v63  }
0x1c: {  	_ =	swait.ge [sflag:s12], $0x2800  }
0x1d: {  	[sflag:s12] =	ssyncset.done $0x0  }
0x1e: {  	[sflag:s12] =	ssyncadd.s32 $0xFFFFD800  }
0x1f: {  	[bflag:$0x0] =	sbarrier.arrive $0xFFFF  }
0x20: {  	[tilespmem:s15], [sflag:$0x1] =	stream.indirect.gather [hbm4b:s4+s14], $0x40, s3, s14, $0xb8;
	[tilespmem:$0x16E00] =	vst v63  }
0x21: {  	_ = 	snop  }
0x22: {  	[tilespmem:s16], [sflag:$0x2] =	stream.indirect.gather [hbm4b:s4+s14], $0x40, s14, s14, $0xb8;
	[tilespmem:$0x16E00] =	vst v63  }
0x23: {  	s23 =	simm.s32 $0x100  }
0x24: {  	[tilespmem:s18], [sflag:$0x3] =	stream.indirect.gather [hbm4b:s4+s14], $0x40, s23, s14, $0xb8;
	[tilespmem:$0x16E00] =	vst v63  }
0x25: {  	_ =	swait.ge [sflag:s19], $0x2000  }
0x26: {  	[sflag:s19] =	ssyncset.done $0x0  }
0x27: {  	[sflag:s19] =	ssyncadd.s32 $0xFFFFE000  }
0x28: {  	[spmem:s2] =	stream.indirect.scatter.add.f32 [tilespmem:s15], [sflag:$0x5], $0x40, s13, s14, $0xb8;
	[tilespmem:$0x16E00] =	vst v63  }
0x29: {  	s28 =	simm.s32 $0x180  }
0x2a: {  	[tilespmem:s21], [sflag:$0x4] =	stream.indirect.gather [hbm4b:s4+s14], $0x40, s28, s14, $0xb8;
	[tilespmem:$0x16E00] =	vst v63  }
0x2b: {  	_ =	swait.ge [sflag:s22], $0x2000  }
0x2c: {  	[sflag:s22] =	ssyncset.done $0x0  }
0x2d: {  	s25 =	simm.s32 $0x2880;
	[sflag:s22] =	ssyncadd.s32 $0xFFFFE000  }
0x2e: {  	[spmem:s2] =	stream.indirect.scatter.add.f32 [tilespmem:s16], [sflag:$0x6], $0x40, s25, s14, $0xb8;
	[tilespmem:$0x16E00] =	vst v63  }
0x2f: {  	_ =	swait.ge [sflag:s24], $0x2000  }
0x30: {  	[sflag:s24] =	ssyncset.done $0x0  }
0x31: {  	s28 =	simm.s32 $0x200;
	[sflag:s24] =	ssyncadd.s32 $0xFFFFE000  }
0x32: {  	[tilespmem:s15], [sflag:$0x1] =	stream.indirect.gather [hbm4b:s4+s14], $0x40, s28, s14, $0xb8;
	[tilespmem:$0x16E00] =	vst v63  }
0x33: {  	_ =	swait.ge [sflag:s26], $0x2000  }
0x34: {  	[sflag:s26] =	ssyncset.done $0x0  }
0x35: {  	s25 =	simm.s32 $0x2900;
	[sflag:s26] =	ssyncadd.s32 $0xFFFFE000  }
0x36: {  	[spmem:s2] =	stream.indirect.scatter.add.f32 [tilespmem:s18], [sflag:$0x7], $0x40, s25, s14, $0xb8;
	[tilespmem:$0x16E00] =	vst v63  }
0x37: {  	_ =	swait.ge [sflag:s29], $0x2000  }
0x38: {  	[sflag:s29] =	ssyncset.done $0x0  }
0x39: {  	s28 =	simm.s32 $0x280;
	[sflag:s29] =	ssyncadd.s32 $0xFFFFE000  }
0x3a: {  	[tilespmem:s16], [sflag:$0x2] =	stream.indirect.gather [hbm4b:s4+s14], $0x40, s28, s14, $0xb8;
	[tilespmem:$0x16E00] =	vst v63  }
0x3b: {  	_ =	swait.ge [sflag:s31], $0x2000  }
0x3c: {  	[sflag:s31] =	ssyncset.done $0x0  }
0x3d: {  	s25 =	simm.s32 $0x2980;
	[sflag:s31] =	ssyncadd.s32 $0xFFFFE000  }
0x3e: {  	[spmem:s2] =	stream.indirect.scatter.add.f32 [tilespmem:s21], [sflag:$0x8], $0x40, s25, s14, $0xb8;
	[tilespmem:$0x16E00] =	vst v63  }
0x3f: {  	_ =	swait.ge [sflag:s0], $0x2000  }
0x40: {  	[sflag:s0] =	ssyncset.done $0x0  }
0x41: {  	s28 =	simm.s32 $0x300;
	[sflag:s0] =	ssyncadd.s32 $0xFFFFE000  }
0x42: {  	[tilespmem:s18], [sflag:$0x3] =	stream.indirect.gather [hbm4b:s4+s14], $0x40, s28, s14, $0xb8;
	[tilespmem:$0x16E00] =	vst v63  }
0x43: {  	_ =	swait.ge [sflag:s19], $0x2000  }
0x44: {  	[sflag:s19] =	ssyncset.done $0x0  }
0x45: {  	s25 =	simm.s32 $0x2A00;
	[sflag:s19] =	ssyncadd.s32 $0xFFFFE000  }
0x46: {  	[spmem:s2] =	stream.indirect.scatter.add.f32 [tilespmem:s15], [sflag:$0x5], $0x40, s25, s14, $0xb8;
	[tilespmem:$0x16E00] =	vst v63  }
0x47: {  	_ =	swait.ge [sflag:s17], $0x2000  }
0x48: {  	[sflag:s17] =	ssyncset.done $0x0  }
0x49: {  	s28 =	simm.s32 $0x380;
	[sflag:s17] =	ssyncadd.s32 $0xFFFFE000  }
0x4a: {  	[tilespmem:s21], [sflag:$0x4] =	stream.indirect.gather [hbm4b:s4+s14], $0x40, s28, s14, $0xb8;
	[tilespmem:$0x16E00] =	vst v63  }
0x4b: {  	_ =	swait.ge [sflag:s22], $0x2000  }
0x4c: {  	[sflag:s22] =	ssyncset.done $0x0  }
0x4d: {  	s25 =	simm.s32 $0x2A80;
	[sflag:s22] =	ssyncadd.s32 $0xFFFFE000  }
0x4e: {  	[spmem:s2] =	stream.indirect.scatter.add.f32 [tilespmem:s16], [sflag:$0x6], $0x40, s25, s14, $0xb8;
	[tilespmem:$0x16E00] =	vst v63  }
0x4f: {  	_ =	swait.ge [sflag:s24], $0x2000  }
0x50: {  	[sflag:s24] =	ssyncset.done $0x0  }
0x51: {  	s28 =	simm.s32 $0x400;
	[sflag:s24] =	ssyncadd.s32 $0xFFFFE000  }
0x52: {  	[tilespmem:s15], [sflag:$0x1] =	stream.indirect.gather [hbm4b:s4+s14], $0x40, s28, s14, $0xb8;
	[tilespmem:$0x16E00] =	vst v63  }
0x53: {  	_ =	swait.ge [sflag:s26], $0x2000  }
0x54: {  	[sflag:s26] =	ssyncset.done $0x0  }
0x55: {  	s25 =	simm.s32 $0x2B00;
	[sflag:s26] =	ssyncadd.s32 $0xFFFFE000  }
0x56: {  	[spmem:s2] =	stream.indirect.scatter.add.f32 [tilespmem:s18], [sflag:$0x7], $0x40, s25, s14, $0xb8;
	[tilespmem:$0x16E00] =	vst v63  }
0x57: {  	_ =	swait.ge [sflag:s29], $0x2000  }
0x58: {  	[sflag:s29] =	ssyncset.done $0x0  }
0x59: {  	s28 =	simm.s32 $0x480;
	[sflag:s29] =	ssyncadd.s32 $0xFFFFE000  }
0x5a: {  	[tilespmem:s16], [sflag:$0x2] =	stream.indirect.gather [hbm4b:s4+s14], $0x40, s28, s14, $0xb8;
	[tilespmem:$0x16E00] =	vst v63  }
0x5b: {  	_ =	swait.ge [sflag:s31], $0x2000  }
0x5c: {  	[sflag:s31] =	ssyncset.done $0x0  }
0x5d: {  	s23 =	simm.s32 $0x800;
	s25 =	simm.s32 $0x2B80;
	[sflag:s31] =	ssyncadd.s32 $0xFFFFE000  }
.LBB2_2:
0x5e: {  	[spmem:s2] =	stream.indirect.scatter.add.f32 [tilespmem:s21], [sflag:$0x8], $0x40, s25, s14, $0xb8;
	[tilespmem:$0x16E00] =	vst v63  }
0x5f: {  	s25 =	smov.u32 s23  }
0x60: {  	p0 =	sne.s32 s23, $0x8800;
	s23 =	sadd.s32 $0x800, s23;
	_ =	swait.ge [sflag:s0], $0x2000  }
0x61: {  	s25 =	sshra.s32 s25, $0x2;
	[sflag:s0] =	ssyncset.done $0x0  }
0x62: {  	s28 =	sadd.s32 $0x300, s25;
	[sflag:s0] =	ssyncadd.s32 $0xFFFFE000  }
0x63: {  	[tilespmem:s18], [sflag:$0x3] =	stream.indirect.gather [hbm4b:s4+s14], $0x40, s28, s14, $0xb8;
	[tilespmem:$0x16E00] =	vst v63  }
0x64: {  	_ =	swait.ge [sflag:s19], $0x2000  }
0x65: {  	[sflag:s19] =	ssyncset.done $0x0  }
0x66: {  	s28 =	sadd.s32 $0x2A00, s25;
	[sflag:s19] =	ssyncadd.s32 $0xFFFFE000  }
0x67: {  	[spmem:s2] =	stream.indirect.scatter.add.f32 [tilespmem:s15], [sflag:$0x5], $0x40, s28, s14, $0xb8;
	[tilespmem:$0x16E00] =	vst v63  }
0x68: {  	_ =	swait.ge [sflag:s17], $0x2000  }
0x69: {  	[sflag:s17] =	ssyncset.done $0x0  }
0x6a: {  	s28 =	sadd.s32 $0x380, s25;
	[sflag:s17] =	ssyncadd.s32 $0xFFFFE000  }
0x6b: {  	[tilespmem:s21], [sflag:$0x4] =	stream.indirect.gather [hbm4b:s4+s14], $0x40, s28, s14, $0xb8;
	[tilespmem:$0x16E00] =	vst v63  }
0x6c: {  	_ =	swait.ge [sflag:s22], $0x2000  }
0x6d: {  	[sflag:s22] =	ssyncset.done $0x0  }
0x6e: {  	s28 =	sadd.s32 $0x2A80, s25;
	[sflag:s22] =	ssyncadd.s32 $0xFFFFE000  }
0x6f: {  	[spmem:s2] =	stream.indirect.scatter.add.f32 [tilespmem:s16], [sflag:$0x6], $0x40, s28, s14, $0xb8;
	[tilespmem:$0x16E00] =	vst v63  }
0x70: {  	_ =	swait.ge [sflag:s24], $0x2000  }
0x71: {  	[sflag:s24] =	ssyncset.done $0x0  }
0x72: {  	s28 =	sadd.s32 $0x400, s25;
	[sflag:s24] =	ssyncadd.s32 $0xFFFFE000  }
0x73: {  	[tilespmem:s15], [sflag:$0x1] =	stream.indirect.gather [hbm4b:s4+s14], $0x40, s28, s14, $0xb8;
	[tilespmem:$0x16E00] =	vst v63  }
0x74: {  	_ =	swait.ge [sflag:s26], $0x2000  }
0x75: {  	[sflag:s26] =	ssyncset.done $0x0  }
0x76: {  	s28 =	sadd.s32 $0x2B00, s25;
	[sflag:s26] =	ssyncadd.s32 $0xFFFFE000  }
0x77: {  	[spmem:s2] =	stream.indirect.scatter.add.f32 [tilespmem:s18], [sflag:$0x7], $0x40, s28, s14, $0xb8;
	[tilespmem:$0x16E00] =	vst v63  }
0x78: {  	_ =	swait.ge [sflag:s29], $0x2000  }
0x79: {  	[sflag:s29] =	ssyncset.done $0x0  }
.Ltmp0:
0x7a: {  	s28 =	sadd.s32 $0x480, s25;
	[sflag:s29] =	ssyncadd.s32 $0xFFFFE000;
	(pc) =	sbr.rel @p0 .LBB2_2-.Ltmp0, $4  }
0x7b: {  	[tilespmem:s16], [sflag:$0x2] =	stream.indirect.gather [hbm4b:s4+s14], $0x40, s28, s14, $0xb8;
	[tilespmem:$0x16E00] =	vst v63  }
0x7c: {  	_ =	swait.ge [sflag:s31], $0x2000  }
0x7d: {  	[sflag:s31] =	ssyncset.done $0x0  }
0x7e: {  	s25 =	sadd.s32 $0x2B80, s25;
	[sflag:s31] =	ssyncadd.s32 $0xFFFFE000  }
0x7f: {  	[spmem:s2] =	stream.indirect.scatter.add.f32 [tilespmem:s21], [sflag:$0x8], $0x40, s25, s14, $0xb8;
	[tilespmem:$0x16E00] =	vst v63  }
0x80: {  	_ =	swait.ge [sflag:s0], $0x2000  }
0x81: {  	[sflag:s0] =	ssyncset.done $0x0  }
0x82: {  	s23 =	simm.s32 $0x2700;
	[sflag:s0] =	ssyncadd.s32 $0xFFFFE000  }
0x83: {  	[tilespmem:s18], [sflag:$0x3] =	stream.indirect.gather [hbm4b:s4+s14], $0x40, s23, s14, $0xb8;
	[tilespmem:$0x16E00] =	vst v63  }
0x84: {  	_ =	swait.ge [sflag:s19], $0x2000  }
0x85: {  	[sflag:s19] =	ssyncset.done $0x0  }
0x86: {  	s28 =	simm.s32 $0x4E00;
	[sflag:s19] =	ssyncadd.s32 $0xFFFFE000  }
0x87: {  	[spmem:s2] =	stream.indirect.scatter.add.f32 [tilespmem:s15], [sflag:$0x5], $0x40, s28, s14, $0xb8;
	[tilespmem:$0x16E00] =	vst v63  }
0x88: {  	_ =	swait.ge [sflag:s17], $0x2000  }
0x89: {  	[sflag:s17] =	ssyncset.done $0x0  }
0x8a: {  	s25 =	simm.s32 $0x2780;
	[sflag:s17] =	ssyncadd.s32 $0xFFFFE000  }
0x8b: {  	[tilespmem:s21], [sflag:$0x4] =	stream.indirect.gather [hbm4b:s4+s14], $0x40, s25, s14, $0xb8;
	[tilespmem:$0x16E00] =	vst v63  }
0x8c: {  	_ =	swait.ge [sflag:s22], $0x2000  }
0x8d: {  	[sflag:s22] =	ssyncset.done $0x0  }
0x8e: {  	s28 =	simm.s32 $0x4E80;
	[sflag:s22] =	ssyncadd.s32 $0xFFFFE000  }
0x8f: {  	[spmem:s2] =	stream.indirect.scatter.add.f32 [tilespmem:s16], [sflag:$0x6], $0x40, s28, s14, $0xb8;
	[tilespmem:$0x16E00] =	vst v63  }
0x90: {  	_ =	swait.ge [sflag:s24], $0x2000  }
0x91: {  	[sflag:s24] =	ssyncset.done $0x0  }
0x92: {  	[sflag:s24] =	ssyncadd.s32 $0xFFFFE000  }
0x93: {  	_ =	swait.ge [sflag:s26], $0x2000  }
0x94: {  	[sflag:s26] =	ssyncset.done $0x0  }
0x95: {  	[sflag:s26] =	ssyncadd.s32 $0xFFFFE000  }
0x96: {  	[spmem:s2] =	stream.indirect.scatter.add.f32 [tilespmem:s18], [sflag:$0x7], $0x40, s30, s14, $0xb8;
	[tilespmem:$0x16E00] =	vst v63  }
0x97: {  	_ =	swait.ge [sflag:s29], $0x2000  }
0x98: {  	[sflag:s29] =	ssyncset.done $0x0  }
0x99: {  	[sflag:s29] =	ssyncadd.s32 $0xFFFFE000  }
0x9a: {  	_ =	swait.ge [sflag:s31], $0x2000  }
0x9b: {  	[sflag:s31] =	ssyncset.done $0x0  }
0x9c: {  	[sflag:s31] =	ssyncadd.s32 $0xFFFFE000  }
0x9d: {  	[spmem:s2] =	stream.indirect.scatter.add.f32 [tilespmem:s21], [sflag:$0x8], $0x40, s1, s14, $0xb8;
	[tilespmem:$0x16E00] =	vst v63  }
0x9e: {  	_ =	swait.ge [sflag:s0], $0x2000  }
0x9f: {  	[sflag:s0] =	ssyncset.done $0x0  }
0xa0: {  	[sflag:s0] =	ssyncadd.s32 $0xFFFFE000  }
0xa1: {  	_ =	swait.ge [sflag:s17], $0x2000  }
0xa2: {  	s20 =	sadd.s32 $0x1, s20;
	[sflag:s17] =	ssyncset.done $0x0  }
0xa3: {  	p0 =	sne.s32 s20, s10;
	[sflag:s17] =	ssyncadd.s32 $0xFFFFE000  }
.Ltmp1:
0xa4: {  	[bflag:$0x0] =	sbarrier.arrive $0xFFFF;
	(pc) =	sbr.rel @p0 .LBB2_1-.Ltmp1, $4  }
0xa5: {  	[hbm:s9], [sflag:s6] =	dma.local [spmem:s11], $0x13C0  }
0xa6: {  	_ =	swait.ge [sflag:s12], $0x13C0  }
0xa7: {  	[sflag:s12] =	ssyncset.done $0x0  }
0xa8: {  	[sflag:s12] =	ssyncadd.s32 $0xFFFFEC40  }
0xa9: {  	_ =	sfence.sel $0x180000  }
0xaa: {  	[bflag:$0x0] =	sbarrier.arrive $0xFFFF  }
0xab: {  	_ =	strace $0x9000004D  }
0xac: {  	s0 =	stileid.u32;
	[bflag:$0x2] =	sbarrier.arrive $0xFFFF  }
0xad: {  	p0 =	sne.s32 s0, $0x0;
	s0 =	rddreg [dreg:$0x3]  }
0xae: {  	s0 =	sadd.s32 @!p0 $0x100000, s0  }
0xaf: {  	[sflag:s0] =	ssyncadd.tile.s32 @!p0 $0x1;
	_ =	shalt  }
.Lfunc_end2:
_tile_overlayer_lowered:
.L_overlay_start_2:
0xb0: {  	(tag) =	ssettag $0x2  }
0xb1: {  	s0 =	rddreg [dreg:$0x0];
	s2 =	stileid.u32  }
0xb2: {  	s1 =	rddreg [dreg:$0x1];
	p0 =	sne.s32 s2, $0x0  }
0xb3: {  	s3 =	rddreg [dreg:$0x2];
	[bflag:$0x3] =	sbarrier.arrive $0xFFFF;
	s2 =	simm.s32 @!p0 $0x1C09  }
0xb4: {  	[timem:s3], [sflag:s2] =	dma.local @!p0 [hbm:s0], s1  }
0xb5: {  	s0 =	simm.s32 @!p0 $0x9  }
0xb6: {  	_ =	swait.ge @!p0 [sflag:s0], s1  }
0xb7: {  	s1 =	ssub.s32 @!p0 $0x0, s1;
	[sflag:s0] =	ssyncset.done @!p0 $0x0  }
0xb8: {  	[sflag:s0] =	ssyncadd.s32 @!p0 s1  }
0xb9: {  	[bflag:$0x3] =	sbarrier.arrive $0xFFFF  }
0xba: {  	_ =	shalt  }

// kernel: kernel.21.cloned.1.call-start
scs
__scs_entry_jumppad:
0x0: {  	(pc) =	sbr.rel $0x88, $3  }
0x1: {  	(tag) =	ssettag $0x0;
	lr =	simm.s32 $0x1  }
0x2: {  	[smem:$0x3F94] =	sst lr;
	_ =	strace $0xD0000000  }
0x3: {  	_ = 	snop  }
0x4: {  	_ = 	snop  }
0x5: {  	_ = 	snop  }
0x6: {  	_ = 	snop  }
0x7: {  	_ = 	snop  }
__scs_overlays_trampoline_lowered:
0x8: {  	[smem:$0x3FA3] =	sst s0  }
0x9: {  	[smem:$0x3FA4] =	sst s1  }
0xa: {  	[smem:$0x3FA5] =	sst s2  }
0xb: {  	[smem:$0x3FA6] =	sst s3  }
0xc: {  	[smem:$0x3FA7] =	sst s4  }
0xd: {  	[smem:$0x3FA8] =	sst s5  }
0xe: {  	[smem:$0x3FA9] =	sst s6  }
0xf: {  	[smem:$0x3FAA] =	sst s7  }
0x10: {  	[smem:$0x3FAB] =	sst s8  }
0x11: {  	[smem:$0x3FAC] =	sst s9;
	s0 =	simm.s32 @!p0 $0x0  }
0x12: {  	s1 =	sld [smem:$0x3F92];
	s0 =	simm.s32 @p0 $0x1  }
0x13: {  	[smem:$0x3FAD] =	sst s0;
	s0 =	simm.s32 @!p1 $0x0  }
0x14: {  	s2 =	sld [smem:$0x3F91];
	s0 =	simm.s32 @p1 $0x1  }
0x15: {  	[smem:$0x3FAE] =	sst s0;
	s0 =	simm.s32 @!p2 $0x0  }
0x16: {  	s3 =	sld [smem:$0x3FDB];
	s0 =	simm.s32 @p2 $0x1  }
0x17: {  	s4 =	simm.s32 $0x1BF5;
	[smem:$0x3FB0] =	sst s0  }
0x18: {  	s0 =	sld [smem:$0x3F93];
	_ =	swait.ge [sflag:s4], $0x0  }
0x19: {  	s7 =	sld [smem:$0x3F94]  }
0x1a: {  	s8 =	sadd.s32 $0xFFFFE003, lr  }
0x1b: {  	s9 =	sadd.s32 $0xFFFFFEF7, lr;
	s5 =	simm.s32 $0xFFFFFFFF;
	p2 =	slt.u32 s8, $0xFFFFF086  }
0x1c: {  	p1 =	slt.u32 s9, $0xF7A;
	s5 =	simm.s32 @!p2 $0x0  }
0x1d: {  	s5 =	simm.s32 @p1 $0x1;
	p0 =	seq.s32 s7, s2  }
0x1e: {  	s7 =	smul.u32 @!p0 $0xF7A, s2;
	p2 =	seq.s32 @!p0 s5, $0x0  }
0x1f: {  	s9 =	smul.u32 $0xF7A, s1;
	s8 =	simm.s32 @!p0 $0x1BF5;
	p2 =	por !p2, p0  }
0x20: {  	[sflag:s8] =	ssyncset.s32 @!p0 $0xFFFFF086;
	s6 =	sadd.s32 @!p0 s3, s7;
	s7 =	simm.s32 @!p0 $0x108  }
0x21: {  	s3 =	sadd.s32 s3, s9;
	s6 =	sadd.s32 @!p0 $0x88, s6;
	s7 =	simm.s32 @p2 $0x1082  }
0x22: {  	[simem:s7], [sflag:s8] =	dma.local @!p0 [hbm:s6], $0xF7A  }
0x23: {  	s9 =	sor.u32 $0xD0000000, s2;
	s6 =	simm.s32 $0x108;
	_ =	swait.ge @!p0 [sflag:s8], $0x0  }
0x24: {  	s3 =	sadd.s32 $0x88, s3;
	s6 =	simm.s32 @!p1 $0x1082;
	[sflag:s4] =	ssyncset.s32 $0xFFFFF086  }
0x25: {  	[simem:s6], [sflag:s4] =	dma.local [hbm:s3], $0xF7A  }
0x26: {  	[smem:$0x3F94] =	sst s1;
	(tag) =	ssettag s2;
	_ =	strace s9  }
0x27: {  	s1 =	sld [smem:$0x3FA4]  }
0x28: {  	s2 =	sld [smem:$0x3FA5]  }
0x29: {  	s4 =	sld [smem:$0x3FA7]  }
0x2a: {  	p0 =	seq.s32 s5, $0x0;
	s5 =	sld [smem:$0x3FA8]  }
0x2b: {  	s6 =	sld [smem:$0x3FA9]  }
0x2c: {  	s7 =	sld [smem:$0x3FAA]  }
0x2d: {  	s3 =	simm.s32 $0x108;
	s8 =	sld [smem:$0x3FAB]  }
0x2e: {  	s3 =	simm.s32 @!p0 $0x1082;
	s9 =	sld [smem:$0x3FAC]  }
0x2f: {  	lr =	sadd.s32 s0, s3;
	s0 =	sld [smem:$0x3FA3]  }
0x30: {  	s3 =	sld [smem:$0x3FA6]  }
0x31: {  	[smem:$0x3FAF] =	sst s10  }
0x32: {  	s10 =	sld [smem:$0x3FAD];
	_ =	sdelay $0x3  }
0x33: {  	p0 =	seq.s32 s10, $0x1;
	s10 =	sld [smem:$0x3FAF];
	_ =	sdelay $0x3  }
0x34: {  	[smem:$0x3FAF] =	sst s10  }
0x35: {  	s10 =	sld [smem:$0x3FAE];
	_ =	sdelay $0x3  }
0x36: {  	p1 =	seq.s32 s10, $0x1;
	s10 =	sld [smem:$0x3FAF];
	_ =	sdelay $0x3  }
0x37: {  	[smem:$0x3FAF] =	sst s10  }
0x38: {  	s10 =	sld [smem:$0x3FB0]  }
0x39: {  	_ = 	snop;
	(pc) =	sbr.ind lr, $3  }
0x3a: {  	_ = 	snop  }
0x3b: {  	_ = 	snop  }
0x3c: {  	p2 =	seq.s32 s10, $0x1;
	s10 =	sld [smem:$0x3FAF]  }
0x3d: {  	_ =	shalt  }
0x3e: {  	_ =	shalt  }
0x3f: {  	_ =	shalt  }
0x40: {  	_ =	shalt  }
0x41: {  	_ =	shalt  }
0x42: {  	_ =	shalt  }
0x43: {  	_ =	shalt  }
0x44: {  	_ =	shalt  }
0x45: {  	_ =	shalt  }
0x46: {  	_ =	shalt  }
0x47: {  	_ =	shalt  }
0x48: {  	_ =	shalt  }
0x49: {  	_ =	shalt  }
0x4a: {  	_ =	shalt  }
0x4b: {  	_ =	shalt  }
0x4c: {  	_ =	shalt  }
0x4d: {  	_ =	shalt  }
0x4e: {  	_ =	shalt  }
0x4f: {  	_ =	shalt  }
0x50: {  	_ =	shalt  }
0x51: {  	_ =	shalt  }
0x52: {  	_ =	shalt  }
0x53: {  	_ =	shalt  }
0x54: {  	_ =	shalt  }
0x55: {  	_ =	shalt  }
0x56: {  	_ =	shalt  }
0x57: {  	_ =	shalt  }
0x58: {  	_ =	shalt  }
0x59: {  	_ =	shalt  }
0x5a: {  	_ =	shalt  }
0x5b: {  	_ =	shalt  }
0x5c: {  	_ =	shalt  }
0x5d: {  	_ =	shalt  }
0x5e: {  	_ =	shalt  }
0x5f: {  	_ =	shalt  }
0x60: {  	_ =	shalt  }
0x61: {  	_ =	shalt  }
0x62: {  	_ =	shalt  }
0x63: {  	_ =	shalt  }
0x64: {  	_ =	shalt  }
0x65: {  	_ =	shalt  }
0x66: {  	_ =	shalt  }
0x67: {  	_ =	shalt  }
0x68: {  	_ =	shalt  }
0x69: {  	_ =	shalt  }
0x6a: {  	_ =	shalt  }
0x6b: {  	_ =	shalt  }
0x6c: {  	_ =	shalt  }
0x6d: {  	_ =	shalt  }
0x6e: {  	_ =	shalt  }
0x6f: {  	_ =	shalt  }
0x70: {  	_ =	shalt  }
0x71: {  	_ =	shalt  }
0x72: {  	_ =	shalt  }
0x73: {  	_ =	shalt  }
0x74: {  	_ =	shalt  }
0x75: {  	_ =	shalt  }
0x76: {  	_ =	shalt  }
0x77: {  	_ =	shalt  }
0x78: {  	_ =	shalt  }
0x79: {  	_ =	shalt  }
0x7a: {  	_ =	shalt  }
0x7b: {  	_ =	shalt  }
0x7c: {  	_ =	shalt  }
0x7d: {  	_ =	shalt  }
0x7e: {  	_ =	shalt  }
0x7f: {  	_ =	shalt  }
0x80: {  	_ =	shalt  }
0x81: {  	_ =	shalt  }
0x82: {  	_ =	shalt  }
0x83: {  	_ =	shalt  }
0x84: {  	_ =	shalt  }
0x85: {  	_ =	shalt  }
0x86: {  	_ =	shalt  }
0x87: {  	_ =	shalt  }
.Lfunc_end0:
.L_simem_size_0:
called_computation.3_lowered:
.L_overlay_start_0:
0x88: {  	s2 =	sld [smem:$0x3FD9]  }
0x89: {  	s3 =	sld [smem:$0x3FFE];
	_ =	sdelay $0x1  }
0x8a: {  	s1 =	srdreg.scid  }
0x8b: {  	s0 =	sand.u32 $0x1, s1  }
0x8c: {  	s17 =	sshll.u32 s0, $0xA;
	s2 =	sadd.s32 s3, s2  }
0x8d: {  	s2 =	sadd.s32 s2, s17  }
0x8e: {  	[smem:$0x3FBB] =	sst s2  }
0x8f: {  	_ = 	snop  }
0x90: {  	(tm) =	ssettm $0x1  }
0x91: {  	s18 =	sld [smem:$0x3FFB];
	_ =	sdelay $0x3  }
0x92: {  	_ =	strace s18  }
0x93: {  	s2 =	sld [smem:$0x3FFC];
	_ =	sdelay $0x3  }
0x94: {  	_ =	strace s2  }
0x95: {  	s2 =	sld [smem:$0x3FFD];
	_ =	sdelay $0x3  }
0x96: {  	_ =	strace s2  }
0x97: {  	_ =	strace $0x8FFFFFFF  }
0x98: {  	s19 =	sld [smem:$0x3FDB];
	_ =	sdelay $0x1  }
0x99: {  	s20 =	simm.s32 $_scs_section_size  }
0x9a: {  	s4 =	simm.s32 $_size__tile_overlayer_lowered;
	s5 =	simm.s32 $_tile_overlayer_lowered  }
0x9b: {  	s6 =	simm.s32 $0x1BFF;
	s21 =	sshll.u32 s5, $0x1;
	s3 =	sadd.s32 s20, s19  }
0x9c: {  	s22 =	simm.s32 $0x0;
	s4 =	sshll.u32 s4, $0x1;
	s5 =	sadd.s32 s21, s3  }
0x9d: {  	[timem:s22], [sflag:s6] =	dma.local [hbm:s5], s4  }
0x9e: {  	_ =	swait.ge [sflag:s6], s4  }
0x9f: {  	s4 =	ssub.s32 $0x0, s4;
	[sflag:s6] =	ssyncset.done $0x0  }
0xa0: {  	[sflag:s6] =	ssyncadd.s32 s4;
	_ =	sdelay $0x1  }
0xa1: {  	s23 =	simm.s32 $0x1B8B  }
0xa2: {  	_ =	swait.ge [sflag:s23], $0x1  }
0xa3: {  	[sflag:s23] =	ssyncset.done $0x0  }
0xa4: {  	[sflag:s23] =	ssyncadd.s32 $0xFFFFFFFF  }
0xa5: {  	s4 =	sld [smem:$0x0]  }
0xa6: {  	s5 =	sand.u32 $0xFFFFFFFE, s1  }
0xa7: {  	p0 =	sne.s32 s1, s5  }
0xa8: {  	s5 =	sshll.u32 @p0 s5, $0xE  }
0xa9: {  	s5 =	sadd.s32 @p0 $0x11B8D, s5;
	s6 =	sshll.u32 @p0 s4, $0x11  }
0xaa: {  	s5 =	sor.u32 @p0 s6, s5  }
0xab: {  	[sflag:s5] =	ssyncadd.remote.s32 @p0 $0x1;
	_ =	sdelay $0x1  }
0xac: {  	s5 =	simm.s32 @p0 $0x1B8D  }
0xad: {  	_ =	swait.eq @p0 [sflag:s5], $0x1  }
0xae: {  	[sflag:s5] =	ssyncadd.s32 @p0 $0xFFFFFFFF  }
0xaf: {  	s6 =	sshll.u32 @!p0 s1, $0xE  }
0xb0: {  	s6 =	sor.u32 @!p0 $0x4000, s6;
	s5 =	simm.s32 @!p0 $0x1B8D  }
0xb1: {  	s4 =	sshll.u32 @!p0 s4, $0x11;
	s6 =	sadd.s32 @!p0 $0x11B8D, s6;
	_ =	swait.eq @!p0 [sflag:s5], $0x1  }
0xb2: {  	s4 =	sor.u32 @!p0 s4, s6;
	[sflag:s5] =	ssyncadd.s32 @!p0 $0xFFFFFFFF  }
0xb3: {  	s25 =	simm.s32 $0x1B8E;
	s24 =	sld [smem:$0x3FFE];
	[sflag:s4] =	ssyncadd.remote.s32 @!p0 $0x1  }
0xb4: {  	s26 =	simm.s32 $execute0_lowered;
	[smem:$0x3FD2] =	sst s25  }
0xb5: {  	s5 =	sshll.u32 s26, $0x1;
	_ =	strace $0x80000052;
	[dreg:$0x1] =	wrdreg $0xFFFFFFFF  }
0xb6: {  	s28 =	simm.s32 $_size_execute0_lowered;
	s3 =	sadd.s32 s3, s5;
	[dreg:$0x0] =	wrdreg $0x0  }
0xb7: {  	s5 =	sshll.u32 s28, $0x1;
	[dreg:$0x2] =	wrdreg s3  }
0xb8: {  	[dreg:$0x3] =	wrdreg s5  }
0xb9: {  	[dreg:$0x4] =	wrdreg $0xC0  }
0xba: {  	_ =	task [dreg:s22], $0x5FFFF  }
0xbb: {  	[dreg:$0x1] =	wrdreg $0xFFFFFFFF  }
0xbc: {  	[dreg:$0x0] =	wrdreg $0x60  }
0xbd: {  	[dreg:$0x2] =	wrdreg s24  }
0xbe: {  	[dreg:$0x3] =	wrdreg $0xD0000  }
0xbf: {  	[dreg:$0x4] =	wrdreg $0x9  }
0xc0: {  	_ =	task.clear_ibuf [dreg:s22], $0x5FFFF;
	_ =	strace $0x90000052  }
0xc1: {  	s29 =	simm.s32 $0x9;
	_ =	strace $0x80000054  }
0xc2: {  	_ =	swait.ge [sflag:s29], $0x1  }
0xc3: {  	[sflag:s29] =	ssyncadd.s32 $0xFFFFFFFF  }
0xc4: {  	_ =	strace $0x90000054  }
0xc5: {  	_ =	sfence  }
0xc6: {  	s30 =	sld [smem:$0x0];
	_ =	sdelay $0x2  }
0xc7: {  	s31 =	sshll.u32 s1, $0xD;
	s1 =	sshrl.u32 s1, $0x2  }
0xc8: {  	s4 =	sand.u32 $0x4000, s31;
	s1 =	sadd.s32 s1, s30  }
0xc9: {  	s0 =	sor.u32 s4, s0;
	s1 =	sshll.u32 s1, $0x11  }
0xca: {  	s0 =	sor.u32 s1, s0  }
0xcb: {  	s0 =	sadd.s32 $0x8F2B, s0  }
0xcc: {  	[sflag:s0] =	ssyncadd.remote.s32 $0x1  }
0xcd: {  	_ =	sfence.sel $0xFFFF  }
0xce: {  	[dreg:$0x0] =	wrdreg $0xFFFFFFFF;
	(pc) =	sbr.abs _section_cstart, $3  }
0xcf: {  	[dreg:$0x1] =	wrdreg $0xFFFFFFFF  }
0xd0: {  	_ =	task.clear_ibuf [dreg:s22], $0x2FFFF;
	_ =	strace $0x9FFFFFFF  }
0xd1: {  	(tm) =	ssettm $0x7FFFFFFF  }
tec
execute0_lowered:
.L_overlay_start_1:
0x0: {  	(tag) =	ssettag $0x1  }
0x1: {  	s0 =	srdreg.scid;
	s5 =	rddreg [dreg:$0x0]  }
0x2: {  	s10 =	stileid.u32;
	s2 =	rddreg [dreg:$0x1];
	s3 =	simm.s32 $0x0  }
0x3: {  	s12 =	simm.s32 $0x9;
	s13 =	simm.s32 $0x2800;
	s14 =	simm.s32 $0x80  }
0x4: {  	s15 =	simm.s32 $0x5000;
	s16 =	simm.s32 $0x7000;
	s18 =	simm.s32 $0x9000  }
0x5: {  	s19 =	simm.s32 $0x1;
	s21 =	simm.s32 $0xB000;
	s22 =	simm.s32 $0x2  }
0x6: {  	s24 =	simm.s32 $0x5;
	s29 =	simm.s32 $0x6;
	s31 =	simm.s32 $0x4  }
0x7: {  	s17 =	simm.s32 $0x8;
	s30 =	simm.s32 $0x4F00;
	s20 =	simm.s32 $0x0  }
0x8: {  	s0 =	sand.u32 $0x1, s0;
	s1 =	sshll.u32 s10, $0x1;
	s6 =	smul.u32 $0x9E00, s10  }
0x9: {  	[smem:$0x7FF] =	sst s3;
	s4 =	sadd.s32 $0xB8400, s5;
	s28 =	sshll.u32 s10, $0x6  }
0xa: {  	s1 =	sor.u32 s0, s1;
	s7 =	smul.u32 $0x9E000, s0;
	_ =	strace $0x80000053  }
0xb: {  	s0 =	ssub.s32 $0x2, s0;
	s1 =	smul.u32 $0x500, s1;
	s8 =	sshrl.u32 s6, $0x3  }
0xc: {  	s26 =	sshrl.u32 s0, $0x1;
	s11 =	sadd.s32 s6, s2;
	s7 =	sadd.s32 s6, s7  }
0xd: {  	s8 =	sadd.s32 s8, s5;
	s0 =	ssub.s32 s0, s26;
	s6 =	sor.u32 $0x1C09, s28  }
0xe: {  	s11 =	sshrl.u32 s11, $0x3;
	s26 =	simm.s32 $0x3;
	s1 =	sadd.s32 s1, s5  }
0xf: {  	s7 =	sshrl.u32 s7, $0x3;
	s10 =	smax.u32 s0, $0x1;
	s0 =	simm.s32 $0x7  }
0x10: {  	s9 =	sadd.s32 s7, s5;
	s5 =	sadd.s32 $0x7D000, s8;
	s7 =	sadd.s32 $0x10400, s1  }
0x11: {  	s8 =	sadd.s32 $0x3C00, s1;
	s1 =	simm.s32 $0x4F80;
	s9 =	sadd.s32 $0xCC000, s9  }
.LBB2_1:
0x12: {  	[spmem:s11], [sflag:s6] =	dma.local [hbm:s5], $0x13C0  }
0x13: {  	_ =	swait.ge [sflag:s12], $0x13C0  }
0x14: {  	[sflag:s12] =	ssyncset.done $0x0  }
0x15: {  	[sflag:s12] =	ssyncadd.s32 $0xFFFFEC40  }
0x16: {  	[tilespmem:s3], [sflag:$0x9] =	stream.linear.gather [hbm4b:s7+s3], $0x2800, $0x38;
	[tilespmem:$0x16E00] =	vst v63  }
0x17: {  	_ =	swait.ge [sflag:s12], $0x2800  }
0x18: {  	[sflag:s12] =	ssyncset.done $0x0  }
0x19: {  	[sflag:s12] =	ssyncadd.s32 $0xFFFFD800  }
0x1a: {  	[tilespmem:s13], [sflag:$0x9] =	stream.linear.gather [hbm4b:s8+s3], $0x2800, $0x38;
	[tilespmem:$0x16E00] =	vst v63  }
0x1b: {  	_ =	swait.ge [sflag:s12], $0x2800  }
0x1c: {  	[sflag:s12] =	ssyncset.done $0x0  }
0x1d: {  	[sflag:s12] =	ssyncadd.s32 $0xFFFFD800  }
0x1e: {  	[bflag:$0x0] =	sbarrier.arrive $0xFFFF  }
0x1f: {  	[tilespmem:s15], [sflag:$0x1] =	stream.indirect.gather [hbm4b:s4+s14], $0x40, s3, s14, $0xb8;
	[tilespmem:$0x16E00] =	vst v63  }
0x20: {  	_ = 	snop  }
0x21: {  	[tilespmem:s16], [sflag:$0x2] =	stream.indirect.gather [hbm4b:s4+s14], $0x40, s14, s14, $0xb8;
	[tilespmem:$0x16E00] =	vst v63  }
0x22: {  	s23 =	simm.s32 $0x100  }
0x23: {  	[tilespmem:s18], [sflag:$0x3] =	stream.indirect.gather [hbm4b:s4+s14], $0x40, s23, s14, $0xb8;
	[tilespmem:$0x16E00] =	vst v63  }
0x24: {  	_ =	swait.ge [sflag:s19], $0x2000  }
0x25: {  	[sflag:s19] =	ssyncset.done $0x0  }
0x26: {  	[sflag:s19] =	ssyncadd.s32 $0xFFFFE000  }
0x27: {  	[spmem:s2] =	stream.indirect.scatter.add.f32 [tilespmem:s15], [sflag:$0x5], $0x40, s13, s14, $0xb8;
	[tilespmem:$0x16E00] =	vst v63  }
0x28: {  	s28 =	simm.s32 $0x180  }
0x29: {  	[tilespmem:s21], [sflag:$0x4] =	stream.indirect.gather [hbm4b:s4+s14], $0x40, s28, s14, $0xb8;
	[tilespmem:$0x16E00] =	vst v63  }
0x2a: {  	_ =	swait.ge [sflag:s22], $0x2000  }
0x2b: {  	[sflag:s22] =	ssyncset.done $0x0  }
0x2c: {  	s25 =	simm.s32 $0x2880;
	[sflag:s22] =	ssyncadd.s32 $0xFFFFE000  }
0x2d: {  	[spmem:s2] =	stream.indirect.scatter.add.f32 [tilespmem:s16], [sflag:$0x6], $0x40, s25, s14, $0xb8;
	[tilespmem:$0x16E00] =	vst v63  }
0x2e: {  	_ =	swait.ge [sflag:s24], $0x2000  }
0x2f: {  	[sflag:s24] =	ssyncset.done $0x0  }
0x30: {  	s28 =	simm.s32 $0x200;
	[sflag:s24] =	ssyncadd.s32 $0xFFFFE000  }
0x31: {  	[tilespmem:s15], [sflag:$0x1] =	stream.indirect.gather [hbm4b:s4+s14], $0x40, s28, s14, $0xb8;
	[tilespmem:$0x16E00] =	vst v63  }
0x32: {  	_ =	swait.ge [sflag:s26], $0x2000  }
0x33: {  	[sflag:s26] =	ssyncset.done $0x0  }
0x34: {  	s25 =	simm.s32 $0x2900;
	[sflag:s26] =	ssyncadd.s32 $0xFFFFE000  }
0x35: {  	[spmem:s2] =	stream.indirect.scatter.add.f32 [tilespmem:s18], [sflag:$0x7], $0x40, s25, s14, $0xb8;
	[tilespmem:$0x16E00] =	vst v63  }
0x36: {  	_ =	swait.ge [sflag:s29], $0x2000  }
0x37: {  	[sflag:s29] =	ssyncset.done $0x0  }
0x38: {  	s28 =	simm.s32 $0x280;
	[sflag:s29] =	ssyncadd.s32 $0xFFFFE000  }
0x39: {  	[tilespmem:s16], [sflag:$0x2] =	stream.indirect.gather [hbm4b:s4+s14], $0x40, s28, s14, $0xb8;
	[tilespmem:$0x16E00] =	vst v63  }
0x3a: {  	_ =	swait.ge [sflag:s31], $0x2000  }
0x3b: {  	[sflag:s31] =	ssyncset.done $0x0  }
0x3c: {  	s25 =	simm.s32 $0x2980;
	[sflag:s31] =	ssyncadd.s32 $0xFFFFE000  }
0x3d: {  	[spmem:s2] =	stream.indirect.scatter.add.f32 [tilespmem:s21], [sflag:$0x8], $0x40, s25, s14, $0xb8;
	[tilespmem:$0x16E00] =	vst v63  }
0x3e: {  	_ =	swait.ge [sflag:s0], $0x2000  }
0x3f: {  	[sflag:s0] =	ssyncset.done $0x0  }
0x40: {  	s28 =	simm.s32 $0x300;
	[sflag:s0] =	ssyncadd.s32 $0xFFFFE000  }
0x41: {  	[tilespmem:s18], [sflag:$0x3] =	stream.indirect.gather [hbm4b:s4+s14], $0x40, s28, s14, $0xb8;
	[tilespmem:$0x16E00] =	vst v63  }
0x42: {  	_ =	swait.ge [sflag:s19], $0x2000  }
0x43: {  	[sflag:s19] =	ssyncset.done $0x0  }
0x44: {  	s25 =	simm.s32 $0x2A00;
	[sflag:s19] =	ssyncadd.s32 $0xFFFFE000  }
0x45: {  	[spmem:s2] =	stream.indirect.scatter.add.f32 [tilespmem:s15], [sflag:$0x5], $0x40, s25, s14, $0xb8;
	[tilespmem:$0x16E00] =	vst v63  }
0x46: {  	_ =	swait.ge [sflag:s17], $0x2000  }
0x47: {  	[sflag:s17] =	ssyncset.done $0x0  }
0x48: {  	s28 =	simm.s32 $0x380;
	[sflag:s17] =	ssyncadd.s32 $0xFFFFE000  }
0x49: {  	[tilespmem:s21], [sflag:$0x4] =	stream.indirect.gather [hbm4b:s4+s14], $0x40, s28, s14, $0xb8;
	[tilespmem:$0x16E00] =	vst v63  }
0x4a: {  	_ =	swait.ge [sflag:s22], $0x2000  }
0x4b: {  	[sflag:s22] =	ssyncset.done $0x0  }
0x4c: {  	s25 =	simm.s32 $0x2A80;
	[sflag:s22] =	ssyncadd.s32 $0xFFFFE000  }
0x4d: {  	[spmem:s2] =	stream.indirect.scatter.add.f32 [tilespmem:s16], [sflag:$0x6], $0x40, s25, s14, $0xb8;
	[tilespmem:$0x16E00] =	vst v63  }
0x4e: {  	_ =	swait.ge [sflag:s24], $0x2000  }
0x4f: {  	[sflag:s24] =	ssyncset.done $0x0  }
0x50: {  	s28 =	simm.s32 $0x400;
	[sflag:s24] =	ssyncadd.s32 $0xFFFFE000  }
0x51: {  	[tilespmem:s15], [sflag:$0x1] =	stream.indirect.gather [hbm4b:s4+s14], $0x40, s28, s14, $0xb8;
	[tilespmem:$0x16E00] =	vst v63  }
0x52: {  	_ =	swait.ge [sflag:s26], $0x2000  }
0x53: {  	[sflag:s26] =	ssyncset.done $0x0  }
0x54: {  	s25 =	simm.s32 $0x2B00;
	[sflag:s26] =	ssyncadd.s32 $0xFFFFE000  }
0x55: {  	[spmem:s2] =	stream.indirect.scatter.add.f32 [tilespmem:s18], [sflag:$0x7], $0x40, s25, s14, $0xb8;
	[tilespmem:$0x16E00] =	vst v63  }
0x56: {  	_ =	swait.ge [sflag:s29], $0x2000  }
0x57: {  	[sflag:s29] =	ssyncset.done $0x0  }
0x58: {  	s28 =	simm.s32 $0x480;
	[sflag:s29] =	ssyncadd.s32 $0xFFFFE000  }
0x59: {  	[tilespmem:s16], [sflag:$0x2] =	stream.indirect.gather [hbm4b:s4+s14], $0x40, s28, s14, $0xb8;
	[tilespmem:$0x16E00] =	vst v63  }
0x5a: {  	_ =	swait.ge [sflag:s31], $0x2000  }
0x5b: {  	[sflag:s31] =	ssyncset.done $0x0  }
0x5c: {  	s23 =	simm.s32 $0x800;
	s25 =	simm.s32 $0x2B80;
	[sflag:s31] =	ssyncadd.s32 $0xFFFFE000  }
.LBB2_2:
0x5d: {  	[spmem:s2] =	stream.indirect.scatter.add.f32 [tilespmem:s21], [sflag:$0x8], $0x40, s25, s14, $0xb8;
	[tilespmem:$0x16E00] =	vst v63  }
0x5e: {  	s25 =	smov.u32 s23  }
0x5f: {  	p0 =	sne.s32 s23, $0x8800;
	s23 =	sadd.s32 $0x800, s23;
	_ =	swait.ge [sflag:s0], $0x2000  }
0x60: {  	s25 =	sshra.s32 s25, $0x2;
	[sflag:s0] =	ssyncset.done $0x0  }
0x61: {  	s28 =	sadd.s32 $0x300, s25;
	[sflag:s0] =	ssyncadd.s32 $0xFFFFE000  }
0x62: {  	[tilespmem:s18], [sflag:$0x3] =	stream.indirect.gather [hbm4b:s4+s14], $0x40, s28, s14, $0xb8;
	[tilespmem:$0x16E00] =	vst v63  }
0x63: {  	_ =	swait.ge [sflag:s19], $0x2000  }
0x64: {  	[sflag:s19] =	ssyncset.done $0x0  }
0x65: {  	s28 =	sadd.s32 $0x2A00, s25;
	[sflag:s19] =	ssyncadd.s32 $0xFFFFE000  }
0x66: {  	[spmem:s2] =	stream.indirect.scatter.add.f32 [tilespmem:s15], [sflag:$0x5], $0x40, s28, s14, $0xb8;
	[tilespmem:$0x16E00] =	vst v63  }
0x67: {  	_ =	swait.ge [sflag:s17], $0x2000  }
0x68: {  	[sflag:s17] =	ssyncset.done $0x0  }
0x69: {  	s28 =	sadd.s32 $0x380, s25;
	[sflag:s17] =	ssyncadd.s32 $0xFFFFE000  }
0x6a: {  	[tilespmem:s21], [sflag:$0x4] =	stream.indirect.gather [hbm4b:s4+s14], $0x40, s28, s14, $0xb8;
	[tilespmem:$0x16E00] =	vst v63  }
0x6b: {  	_ =	swait.ge [sflag:s22], $0x2000  }
0x6c: {  	[sflag:s22] =	ssyncset.done $0x0  }
0x6d: {  	s28 =	sadd.s32 $0x2A80, s25;
	[sflag:s22] =	ssyncadd.s32 $0xFFFFE000  }
0x6e: {  	[spmem:s2] =	stream.indirect.scatter.add.f32 [tilespmem:s16], [sflag:$0x6], $0x40, s28, s14, $0xb8;
	[tilespmem:$0x16E00] =	vst v63  }
0x6f: {  	_ =	swait.ge [sflag:s24], $0x2000  }
0x70: {  	[sflag:s24] =	ssyncset.done $0x0  }
0x71: {  	s28 =	sadd.s32 $0x400, s25;
	[sflag:s24] =	ssyncadd.s32 $0xFFFFE000  }
0x72: {  	[tilespmem:s15], [sflag:$0x1] =	stream.indirect.gather [hbm4b:s4+s14], $0x40, s28, s14, $0xb8;
	[tilespmem:$0x16E00] =	vst v63  }
0x73: {  	_ =	swait.ge [sflag:s26], $0x2000  }
0x74: {  	[sflag:s26] =	ssyncset.done $0x0  }
0x75: {  	s28 =	sadd.s32 $0x2B00, s25;
	[sflag:s26] =	ssyncadd.s32 $0xFFFFE000  }
0x76: {  	[spmem:s2] =	stream.indirect.scatter.add.f32 [tilespmem:s18], [sflag:$0x7], $0x40, s28, s14, $0xb8;
	[tilespmem:$0x16E00] =	vst v63  }
0x77: {  	_ =	swait.ge [sflag:s29], $0x2000  }
0x78: {  	[sflag:s29] =	ssyncset.done $0x0  }
.Ltmp0:
0x79: {  	s28 =	sadd.s32 $0x480, s25;
	[sflag:s29] =	ssyncadd.s32 $0xFFFFE000;
	(pc) =	sbr.rel @p0 .LBB2_2-.Ltmp0, $4  }
0x7a: {  	[tilespmem:s16], [sflag:$0x2] =	stream.indirect.gather [hbm4b:s4+s14], $0x40, s28, s14, $0xb8;
	[tilespmem:$0x16E00] =	vst v63  }
0x7b: {  	_ =	swait.ge [sflag:s31], $0x2000  }
0x7c: {  	[sflag:s31] =	ssyncset.done $0x0  }
0x7d: {  	s25 =	sadd.s32 $0x2B80, s25;
	[sflag:s31] =	ssyncadd.s32 $0xFFFFE000  }
0x7e: {  	[spmem:s2] =	stream.indirect.scatter.add.f32 [tilespmem:s21], [sflag:$0x8], $0x40, s25, s14, $0xb8;
	[tilespmem:$0x16E00] =	vst v63  }
0x7f: {  	_ =	swait.ge [sflag:s0], $0x2000  }
0x80: {  	[sflag:s0] =	ssyncset.done $0x0  }
0x81: {  	s23 =	simm.s32 $0x2700;
	[sflag:s0] =	ssyncadd.s32 $0xFFFFE000  }
0x82: {  	[tilespmem:s18], [sflag:$0x3] =	stream.indirect.gather [hbm4b:s4+s14], $0x40, s23, s14, $0xb8;
	[tilespmem:$0x16E00] =	vst v63  }
0x83: {  	_ =	swait.ge [sflag:s19], $0x2000  }
0x84: {  	[sflag:s19] =	ssyncset.done $0x0  }
0x85: {  	s28 =	simm.s32 $0x4E00;
	[sflag:s19] =	ssyncadd.s32 $0xFFFFE000  }
0x86: {  	[spmem:s2] =	stream.indirect.scatter.add.f32 [tilespmem:s15], [sflag:$0x5], $0x40, s28, s14, $0xb8;
	[tilespmem:$0x16E00] =	vst v63  }
0x87: {  	_ =	swait.ge [sflag:s17], $0x2000  }
0x88: {  	[sflag:s17] =	ssyncset.done $0x0  }
0x89: {  	s25 =	simm.s32 $0x2780;
	[sflag:s17] =	ssyncadd.s32 $0xFFFFE000  }
0x8a: {  	[tilespmem:s21], [sflag:$0x4] =	stream.indirect.gather [hbm4b:s4+s14], $0x40, s25, s14, $0xb8;
	[tilespmem:$0x16E00] =	vst v63  }
0x8b: {  	_ =	swait.ge [sflag:s22], $0x2000  }
0x8c: {  	[sflag:s22] =	ssyncset.done $0x0  }
0x8d: {  	s28 =	simm.s32 $0x4E80;
	[sflag:s22] =	ssyncadd.s32 $0xFFFFE000  }
0x8e: {  	[spmem:s2] =	stream.indirect.scatter.add.f32 [tilespmem:s16], [sflag:$0x6], $0x40, s28, s14, $0xb8;
	[tilespmem:$0x16E00] =	vst v63  }
0x8f: {  	_ =	swait.ge [sflag:s24], $0x2000  }
0x90: {  	[sflag:s24] =	ssyncset.done $0x0  }
0x91: {  	[sflag:s24] =	ssyncadd.s32 $0xFFFFE000  }
0x92: {  	_ =	swait.ge [sflag:s26], $0x2000  }
0x93: {  	[sflag:s26] =	ssyncset.done $0x0  }
0x94: {  	[sflag:s26] =	ssyncadd.s32 $0xFFFFE000  }
0x95: {  	[spmem:s2] =	stream.indirect.scatter.add.f32 [tilespmem:s18], [sflag:$0x7], $0x40, s30, s14, $0xb8;
	[tilespmem:$0x16E00] =	vst v63  }
0x96: {  	_ =	swait.ge [sflag:s29], $0x2000  }
0x97: {  	[sflag:s29] =	ssyncset.done $0x0  }
0x98: {  	[sflag:s29] =	ssyncadd.s32 $0xFFFFE000  }
0x99: {  	_ =	swait.ge [sflag:s31], $0x2000  }
0x9a: {  	[sflag:s31] =	ssyncset.done $0x0  }
0x9b: {  	[sflag:s31] =	ssyncadd.s32 $0xFFFFE000  }
0x9c: {  	[spmem:s2] =	stream.indirect.scatter.add.f32 [tilespmem:s21], [sflag:$0x8], $0x40, s1, s14, $0xb8;
	[tilespmem:$0x16E00] =	vst v63  }
0x9d: {  	_ =	swait.ge [sflag:s0], $0x2000  }
0x9e: {  	[sflag:s0] =	ssyncset.done $0x0  }
0x9f: {  	[sflag:s0] =	ssyncadd.s32 $0xFFFFE000  }
0xa0: {  	_ =	swait.ge [sflag:s17], $0x2000  }
0xa1: {  	s20 =	sadd.s32 $0x1, s20;
	[sflag:s17] =	ssyncset.done $0x0  }
0xa2: {  	p0 =	sne.s32 s20, s10;
	[sflag:s17] =	ssyncadd.s32 $0xFFFFE000  }
.Ltmp1:
0xa3: {  	[bflag:$0x0] =	sbarrier.arrive $0xFFFF;
	(pc) =	sbr.rel @p0 .LBB2_1-.Ltmp1, $4  }
0xa4: {  	[hbm:s9], [sflag:s6] =	dma.local [spmem:s11], $0x13C0  }
0xa5: {  	_ =	swait.ge [sflag:s12], $0x13C0  }
0xa6: {  	[sflag:s12] =	ssyncset.done $0x0  }
0xa7: {  	[sflag:s12] =	ssyncadd.s32 $0xFFFFEC40  }
0xa8: {  	_ =	sfence.sel $0x180000  }
0xa9: {  	[bflag:$0x0] =	sbarrier.arrive $0xFFFF  }
0xaa: {  	_ =	strace $0x90000053  }
0xab: {  	s0 =	stileid.u32;
	[bflag:$0x2] =	sbarrier.arrive $0xFFFF  }
0xac: {  	p0 =	sne.s32 s0, $0x0;
	s0 =	rddreg [dreg:$0x2]  }
0xad: {  	s0 =	sadd.s32 @!p0 $0x100000, s0  }
0xae: {  	[sflag:s0] =	ssyncadd.tile.s32 @!p0 $0x1;
	_ =	shalt  }
.Lfunc_end2:
_tile_overlayer_lowered:
.L_overlay_start_2:
0xaf: {  	(tag) =	ssettag $0x2  }
0xb0: {  	s0 =	rddreg [dreg:$0x0];
	s2 =	stileid.u32  }
0xb1: {  	s1 =	rddreg [dreg:$0x1];
	p0 =	sne.s32 s2, $0x0  }
0xb2: {  	s3 =	rddreg [dreg:$0x2];
	[bflag:$0x3] =	sbarrier.arrive $0xFFFF;
	s2 =	simm.s32 @!p0 $0x1C09  }
0xb3: {  	[timem:s3], [sflag:s2] =	dma.local @!p0 [hbm:s0], s1  }
0xb4: {  	s0 =	simm.s32 @!p0 $0x9  }
0xb5: {  	_ =	swait.ge @!p0 [sflag:s0], s1  }
0xb6: {  	s1 =	ssub.s32 @!p0 $0x0, s1;
	[sflag:s0] =	ssyncset.done @!p0 $0x0  }
0xb7: {  	[sflag:s0] =	ssyncadd.s32 @!p0 s1  }
0xb8: {  	[bflag:$0x3] =	sbarrier.arrive $0xFFFF  }
0xb9: {  	_ =	shalt  }

// kernel: kernel.24.cloned.1.call-start
scs
__scs_entry_jumppad:
0x0: {  	(pc) =	sbr.rel $0x88, $3  }
0x1: {  	(tag) =	ssettag $0x0;
	lr =	simm.s32 $0x1  }
0x2: {  	[smem:$0x3F94] =	sst lr;
	_ =	strace $0xD0000000  }
0x3: {  	_ = 	snop  }
0x4: {  	_ = 	snop  }
0x5: {  	_ = 	snop  }
0x6: {  	_ = 	snop  }
0x7: {  	_ = 	snop  }
__scs_overlays_trampoline_lowered:
0x8: {  	[smem:$0x3FA3] =	sst s0  }
0x9: {  	[smem:$0x3FA4] =	sst s1  }
0xa: {  	[smem:$0x3FA5] =	sst s2  }
0xb: {  	[smem:$0x3FA6] =	sst s3  }
0xc: {  	[smem:$0x3FA7] =	sst s4  }
0xd: {  	[smem:$0x3FA8] =	sst s5  }
0xe: {  	[smem:$0x3FA9] =	sst s6  }
0xf: {  	[smem:$0x3FAA] =	sst s7  }
0x10: {  	[smem:$0x3FAB] =	sst s8  }
0x11: {  	[smem:$0x3FAC] =	sst s9;
	s0 =	simm.s32 @!p0 $0x0  }
0x12: {  	s1 =	sld [smem:$0x3F92];
	s0 =	simm.s32 @p0 $0x1  }
0x13: {  	[smem:$0x3FAD] =	sst s0;
	s0 =	simm.s32 @!p1 $0x0  }
0x14: {  	s2 =	sld [smem:$0x3F91];
	s0 =	simm.s32 @p1 $0x1  }
0x15: {  	[smem:$0x3FAE] =	sst s0;
	s0 =	simm.s32 @!p2 $0x0  }
0x16: {  	s3 =	sld [smem:$0x3FDB];
	s0 =	simm.s32 @p2 $0x1  }
0x17: {  	s4 =	simm.s32 $0x1BF5;
	[smem:$0x3FB0] =	sst s0  }
0x18: {  	s0 =	sld [smem:$0x3F93];
	_ =	swait.ge [sflag:s4], $0x0  }
0x19: {  	s7 =	sld [smem:$0x3F94]  }
0x1a: {  	s8 =	sadd.s32 $0xFFFFE003, lr  }
0x1b: {  	s9 =	sadd.s32 $0xFFFFFEF7, lr;
	s5 =	simm.s32 $0xFFFFFFFF;
	p2 =	slt.u32 s8, $0xFFFFF086  }
0x1c: {  	p1 =	slt.u32 s9, $0xF7A;
	s5 =	simm.s32 @!p2 $0x0  }
0x1d: {  	s5 =	simm.s32 @p1 $0x1;
	p0 =	seq.s32 s7, s2  }
0x1e: {  	s7 =	smul.u32 @!p0 $0xF7A, s2;
	p2 =	seq.s32 @!p0 s5, $0x0  }
0x1f: {  	s9 =	smul.u32 $0xF7A, s1;
	s8 =	simm.s32 @!p0 $0x1BF5;
	p2 =	por !p2, p0  }
0x20: {  	[sflag:s8] =	ssyncset.s32 @!p0 $0xFFFFF086;
	s6 =	sadd.s32 @!p0 s3, s7;
	s7 =	simm.s32 @!p0 $0x108  }
0x21: {  	s3 =	sadd.s32 s3, s9;
	s6 =	sadd.s32 @!p0 $0x88, s6;
	s7 =	simm.s32 @p2 $0x1082  }
0x22: {  	[simem:s7], [sflag:s8] =	dma.local @!p0 [hbm:s6], $0xF7A  }
0x23: {  	s9 =	sor.u32 $0xD0000000, s2;
	s6 =	simm.s32 $0x108;
	_ =	swait.ge @!p0 [sflag:s8], $0x0  }
0x24: {  	s3 =	sadd.s32 $0x88, s3;
	s6 =	simm.s32 @!p1 $0x1082;
	[sflag:s4] =	ssyncset.s32 $0xFFFFF086  }
0x25: {  	[simem:s6], [sflag:s4] =	dma.local [hbm:s3], $0xF7A  }
0x26: {  	[smem:$0x3F94] =	sst s1;
	(tag) =	ssettag s2;
	_ =	strace s9  }
0x27: {  	s1 =	sld [smem:$0x3FA4]  }
0x28: {  	s2 =	sld [smem:$0x3FA5]  }
0x29: {  	s4 =	sld [smem:$0x3FA7]  }
0x2a: {  	p0 =	seq.s32 s5, $0x0;
	s5 =	sld [smem:$0x3FA8]  }
0x2b: {  	s6 =	sld [smem:$0x3FA9]  }
0x2c: {  	s7 =	sld [smem:$0x3FAA]  }
0x2d: {  	s3 =	simm.s32 $0x108;
	s8 =	sld [smem:$0x3FAB]  }
0x2e: {  	s3 =	simm.s32 @!p0 $0x1082;
	s9 =	sld [smem:$0x3FAC]  }
0x2f: {  	lr =	sadd.s32 s0, s3;
	s0 =	sld [smem:$0x3FA3]  }
0x30: {  	s3 =	sld [smem:$0x3FA6]  }
0x31: {  	[smem:$0x3FAF] =	sst s10  }
0x32: {  	s10 =	sld [smem:$0x3FAD];
	_ =	sdelay $0x3  }
0x33: {  	p0 =	seq.s32 s10, $0x1;
	s10 =	sld [smem:$0x3FAF];
	_ =	sdelay $0x3  }
0x34: {  	[smem:$0x3FAF] =	sst s10  }
0x35: {  	s10 =	sld [smem:$0x3FAE];
	_ =	sdelay $0x3  }
0x36: {  	p1 =	seq.s32 s10, $0x1;
	s10 =	sld [smem:$0x3FAF];
	_ =	sdelay $0x3  }
0x37: {  	[smem:$0x3FAF] =	sst s10  }
0x38: {  	s10 =	sld [smem:$0x3FB0]  }
0x39: {  	_ = 	snop;
	(pc) =	sbr.ind lr, $3  }
0x3a: {  	_ = 	snop  }
0x3b: {  	_ = 	snop  }
0x3c: {  	p2 =	seq.s32 s10, $0x1;
	s10 =	sld [smem:$0x3FAF]  }
0x3d: {  	_ =	shalt  }
0x3e: {  	_ =	shalt  }
0x3f: {  	_ =	shalt  }
0x40: {  	_ =	shalt  }
0x41: {  	_ =	shalt  }
0x42: {  	_ =	shalt  }
0x43: {  	_ =	shalt  }
0x44: {  	_ =	shalt  }
0x45: {  	_ =	shalt  }
0x46: {  	_ =	shalt  }
0x47: {  	_ =	shalt  }
0x48: {  	_ =	shalt  }
0x49: {  	_ =	shalt  }
0x4a: {  	_ =	shalt  }
0x4b: {  	_ =	shalt  }
0x4c: {  	_ =	shalt  }
0x4d: {  	_ =	shalt  }
0x4e: {  	_ =	shalt  }
0x4f: {  	_ =	shalt  }
0x50: {  	_ =	shalt  }
0x51: {  	_ =	shalt  }
0x52: {  	_ =	shalt  }
0x53: {  	_ =	shalt  }
0x54: {  	_ =	shalt  }
0x55: {  	_ =	shalt  }
0x56: {  	_ =	shalt  }
0x57: {  	_ =	shalt  }
0x58: {  	_ =	shalt  }
0x59: {  	_ =	shalt  }
0x5a: {  	_ =	shalt  }
0x5b: {  	_ =	shalt  }
0x5c: {  	_ =	shalt  }
0x5d: {  	_ =	shalt  }
0x5e: {  	_ =	shalt  }
0x5f: {  	_ =	shalt  }
0x60: {  	_ =	shalt  }
0x61: {  	_ =	shalt  }
0x62: {  	_ =	shalt  }
0x63: {  	_ =	shalt  }
0x64: {  	_ =	shalt  }
0x65: {  	_ =	shalt  }
0x66: {  	_ =	shalt  }
0x67: {  	_ =	shalt  }
0x68: {  	_ =	shalt  }
0x69: {  	_ =	shalt  }
0x6a: {  	_ =	shalt  }
0x6b: {  	_ =	shalt  }
0x6c: {  	_ =	shalt  }
0x6d: {  	_ =	shalt  }
0x6e: {  	_ =	shalt  }
0x6f: {  	_ =	shalt  }
0x70: {  	_ =	shalt  }
0x71: {  	_ =	shalt  }
0x72: {  	_ =	shalt  }
0x73: {  	_ =	shalt  }
0x74: {  	_ =	shalt  }
0x75: {  	_ =	shalt  }
0x76: {  	_ =	shalt  }
0x77: {  	_ =	shalt  }
0x78: {  	_ =	shalt  }
0x79: {  	_ =	shalt  }
0x7a: {  	_ =	shalt  }
0x7b: {  	_ =	shalt  }
0x7c: {  	_ =	shalt  }
0x7d: {  	_ =	shalt  }
0x7e: {  	_ =	shalt  }
0x7f: {  	_ =	shalt  }
0x80: {  	_ =	shalt  }
0x81: {  	_ =	shalt  }
0x82: {  	_ =	shalt  }
0x83: {  	_ =	shalt  }
0x84: {  	_ =	shalt  }
0x85: {  	_ =	shalt  }
0x86: {  	_ =	shalt  }
0x87: {  	_ =	shalt  }
.Lfunc_end0:
.L_simem_size_0:
called_computation.4_lowered:
.L_overlay_start_0:
0x88: {  	s2 =	sld [smem:$0x3FD9]  }
0x89: {  	s3 =	sld [smem:$0x3FFE];
	_ =	sdelay $0x1  }
0x8a: {  	s1 =	srdreg.scid  }
0x8b: {  	s0 =	sand.u32 $0x1, s1  }
0x8c: {  	s16 =	sshll.u32 s0, $0xA;
	s2 =	sadd.s32 s3, s2  }
0x8d: {  	s2 =	sadd.s32 s2, s16  }
0x8e: {  	[smem:$0x3FBB] =	sst s2  }
0x8f: {  	_ = 	snop  }
0x90: {  	(tm) =	ssettm $0x1  }
0x91: {  	s17 =	sld [smem:$0x3FFB];
	_ =	sdelay $0x3  }
0x92: {  	_ =	strace s17  }
0x93: {  	s2 =	sld [smem:$0x3FFC];
	_ =	sdelay $0x3  }
0x94: {  	_ =	strace s2  }
0x95: {  	s2 =	sld [smem:$0x3FFD];
	_ =	sdelay $0x3  }
0x96: {  	_ =	strace s2  }
0x97: {  	_ =	strace $0x8FFFFFFF  }
0x98: {  	s18 =	sld [smem:$0x3FDB];
	_ =	sdelay $0x1  }
0x99: {  	s19 =	simm.s32 $_scs_section_size  }
0x9a: {  	s4 =	simm.s32 $_size__tile_overlayer_lowered;
	s5 =	simm.s32 $_tile_overlayer_lowered  }
0x9b: {  	s22 =	simm.s32 $0x1BFF;
	s21 =	sshll.u32 s5, $0x1;
	s2 =	sadd.s32 s19, s18  }
0x9c: {  	s6 =	simm.s32 $0x0;
	s20 =	sshll.u32 s4, $0x1;
	s4 =	sadd.s32 s21, s2  }
0x9d: {  	[timem:s6], [sflag:s22] =	dma.local [hbm:s4], s20  }
0x9e: {  	_ =	swait.ge [sflag:s22], s20  }
0x9f: {  	s3 =	ssub.s32 $0x0, s20;
	[sflag:s22] =	ssyncset.done $0x0  }
0xa0: {  	[sflag:s22] =	ssyncadd.s32 s3;
	_ =	sdelay $0x1  }
0xa1: {  	s23 =	simm.s32 $0x1B8B  }
0xa2: {  	_ =	swait.ge [sflag:s23], $0x1  }
0xa3: {  	[sflag:s23] =	ssyncset.done $0x0  }
0xa4: {  	s25 =	simm.s32 $0x1B8E;
	s24 =	sld [smem:$0x3FFE];
	[sflag:s23] =	ssyncadd.s32 $0xFFFFFFFF  }
0xa5: {  	s26 =	simm.s32 $execute0_lowered;
	[smem:$0x3FD2] =	sst s25  }
0xa6: {  	s4 =	sshll.u32 s26, $0x1;
	_ =	strace $0x8000004F;
	[dreg:$0x1] =	wrdreg $0xFFFFFFFF  }
0xa7: {  	s28 =	simm.s32 $_size_execute0_lowered;
	s2 =	sadd.s32 s2, s4;
	[dreg:$0x0] =	wrdreg $0x0  }
0xa8: {  	s4 =	sshll.u32 s28, $0x1;
	[dreg:$0x2] =	wrdreg s2  }
0xa9: {  	[dreg:$0x3] =	wrdreg s4  }
0xaa: {  	[dreg:$0x4] =	wrdreg $0xC0  }
0xab: {  	_ =	task [dreg:s6], $0x5FFFF  }
0xac: {  	[dreg:$0x1] =	wrdreg $0xFFFFFFFF  }
0xad: {  	[dreg:$0x0] =	wrdreg $0x60  }
0xae: {  	[dreg:$0x2] =	wrdreg s24  }
0xaf: {  	[dreg:$0x3] =	wrdreg $0xD0000  }
0xb0: {  	[dreg:$0x4] =	wrdreg $0xA  }
0xb1: {  	_ =	task.clear_ibuf [dreg:s6], $0x5FFFF;
	_ =	strace $0x9000004F  }
0xb2: {  	s29 =	simm.s32 $0xA;
	_ =	strace $0x80000051  }
0xb3: {  	_ =	swait.ge [sflag:s29], $0x1  }
0xb4: {  	[sflag:s29] =	ssyncadd.s32 $0xFFFFFFFF  }
0xb5: {  	_ =	strace $0x90000051  }
0xb6: {  	_ =	sfence  }
0xb7: {  	s30 =	sld [smem:$0x0];
	_ =	sdelay $0x2  }
0xb8: {  	s31 =	sshll.u32 s1, $0xD;
	s1 =	sshrl.u32 s1, $0x2  }
0xb9: {  	s3 =	sand.u32 $0x4000, s31;
	s1 =	sadd.s32 s1, s30  }
0xba: {  	s0 =	sor.u32 s3, s0;
	s1 =	sshll.u32 s1, $0x11  }
0xbb: {  	s0 =	sor.u32 s1, s0  }
0xbc: {  	s0 =	sadd.s32 $0x8F2B, s0  }
0xbd: {  	[sflag:s0] =	ssyncadd.remote.s32 $0x1  }
0xbe: {  	_ =	sfence.sel $0xFFFF  }
0xbf: {  	[dreg:$0x0] =	wrdreg $0xFFFFFFFF;
	(pc) =	sbr.abs _section_cstart, $3  }
0xc0: {  	[dreg:$0x1] =	wrdreg $0xFFFFFFFF  }
0xc1: {  	_ =	task.clear_ibuf [dreg:s6], $0x2FFFF;
	_ =	strace $0x9FFFFFFF  }
0xc2: {  	(tm) =	ssettm $0x7FFFFFFF  }
0xc3: {  	_ =	shalt  }
tec
execute0_lowered:
.L_overlay_start_1:
0x0: {  	(tag) =	ssettag $0x1  }
0x1: {  	s0 =	srdreg.scid;
	s5 =	rddreg [dreg:$0x0]  }
0x2: {  	s10 =	stileid.u32;
	s2 =	rddreg [dreg:$0x1];
	s3 =	simm.s32 $0x0  }
0x3: {  	s12 =	simm.s32 $0x9;
	s13 =	simm.s32 $0x2800;
	s14 =	simm.s32 $0x80  }
0x4: {  	s15 =	simm.s32 $0x5000;
	s16 =	simm.s32 $0x7000;
	s18 =	simm.s32 $0x9000  }
0x5: {  	s19 =	simm.s32 $0x1;
	s21 =	simm.s32 $0xB000;
	s22 =	simm.s32 $0x2  }
0x6: {  	s24 =	simm.s32 $0x5;
	s29 =	simm.s32 $0x6;
	s31 =	simm.s32 $0x4  }
0x7: {  	s17 =	simm.s32 $0x8;
	s30 =	simm.s32 $0x4F00;
	s20 =	simm.s32 $0x0  }
0x8: {  	s0 =	sand.u32 $0x1, s0;
	s1 =	sshll.u32 s10, $0x1;
	s6 =	smul.u32 $0x9E00, s10  }
0x9: {  	[smem:$0x7FF] =	sst s3;
	s4 =	sadd.s32 $0x69400, s5;
	s28 =	sshll.u32 s10, $0x6  }
0xa: {  	s1 =	sor.u32 s0, s1;
	s7 =	smul.u32 $0x9E000, s0;
	_ =	strace $0x80000050  }
0xb: {  	s0 =	ssub.s32 $0x2, s0;
	s1 =	smul.u32 $0x500, s1;
	s8 =	sshrl.u32 s6, $0x3  }
0xc: {  	s26 =	sshrl.u32 s0, $0x1;
	s11 =	sadd.s32 s6, s2;
	s7 =	sadd.s32 s6, s7  }
0xd: {  	s8 =	sadd.s32 s8, s5;
	s0 =	ssub.s32 s0, s26;
	s6 =	sor.u32 $0x1C09, s28  }
0xe: {  	s11 =	sshrl.u32 s11, $0x3;
	s26 =	simm.s32 $0x3;
	s1 =	sadd.s32 s1, s5  }
0xf: {  	s7 =	sshrl.u32 s7, $0x3;
	s10 =	smax.u32 s0, $0x1;
	s0 =	simm.s32 $0x7  }
0x10: {  	s9 =	sadd.s32 s7, s5;
	s5 =	sadd.s32 $0x7D000, s8;
	s7 =	sadd.s32 $0x10400, s1  }
0x11: {  	s8 =	sadd.s32 $0x3C00, s1;
	s1 =	simm.s32 $0x4F80;
	s9 =	sadd.s32 $0x90C00, s9  }
.LBB2_1:
0x12: {  	[spmem:s11], [sflag:s6] =	dma.local [hbm:s5], $0x13C0  }
0x13: {  	_ =	swait.ge [sflag:s12], $0x13C0  }
0x14: {  	[sflag:s12] =	ssyncset.done $0x0  }
0x15: {  	[sflag:s12] =	ssyncadd.s32 $0xFFFFEC40  }
0x16: {  	[tilespmem:s3], [sflag:$0x9] =	stream.linear.gather [hbm4b:s7+s3], $0x2800, $0x38;
	[tilespmem:$0x16E00] =	vst v63  }
0x17: {  	_ =	swait.ge [sflag:s12], $0x2800  }
0x18: {  	[sflag:s12] =	ssyncset.done $0x0  }
0x19: {  	[sflag:s12] =	ssyncadd.s32 $0xFFFFD800  }
0x1a: {  	[tilespmem:s13], [sflag:$0x9] =	stream.linear.gather [hbm4b:s8+s3], $0x2800, $0x38;
	[tilespmem:$0x16E00] =	vst v63  }
0x1b: {  	_ =	swait.ge [sflag:s12], $0x2800  }
0x1c: {  	[sflag:s12] =	ssyncset.done $0x0  }
0x1d: {  	[sflag:s12] =	ssyncadd.s32 $0xFFFFD800  }
0x1e: {  	[bflag:$0x0] =	sbarrier.arrive $0xFFFF  }
0x1f: {  	[tilespmem:s15], [sflag:$0x1] =	stream.indirect.gather [hbm4b:s4+s14], $0x40, s3, s14, $0xb8;
	[tilespmem:$0x16E00] =	vst v63  }
0x20: {  	_ = 	snop  }
0x21: {  	[tilespmem:s16], [sflag:$0x2] =	stream.indirect.gather [hbm4b:s4+s14], $0x40, s14, s14, $0xb8;
	[tilespmem:$0x16E00] =	vst v63  }
0x22: {  	s23 =	simm.s32 $0x100  }
0x23: {  	[tilespmem:s18], [sflag:$0x3] =	stream.indirect.gather [hbm4b:s4+s14], $0x40, s23, s14, $0xb8;
	[tilespmem:$0x16E00] =	vst v63  }
0x24: {  	_ =	swait.ge [sflag:s19], $0x2000  }
0x25: {  	[sflag:s19] =	ssyncset.done $0x0  }
0x26: {  	[sflag:s19] =	ssyncadd.s32 $0xFFFFE000  }
0x27: {  	[spmem:s2] =	stream.indirect.scatter.add.f32 [tilespmem:s15], [sflag:$0x5], $0x40, s13, s14, $0xb8;
	[tilespmem:$0x16E00] =	vst v63  }
0x28: {  	s28 =	simm.s32 $0x180  }
0x29: {  	[tilespmem:s21], [sflag:$0x4] =	stream.indirect.gather [hbm4b:s4+s14], $0x40, s28, s14, $0xb8;
	[tilespmem:$0x16E00] =	vst v63  }
0x2a: {  	_ =	swait.ge [sflag:s22], $0x2000  }
0x2b: {  	[sflag:s22] =	ssyncset.done $0x0  }
0x2c: {  	s25 =	simm.s32 $0x2880;
	[sflag:s22] =	ssyncadd.s32 $0xFFFFE000  }
0x2d: {  	[spmem:s2] =	stream.indirect.scatter.add.f32 [tilespmem:s16], [sflag:$0x6], $0x40, s25, s14, $0xb8;
	[tilespmem:$0x16E00] =	vst v63  }
0x2e: {  	_ =	swait.ge [sflag:s24], $0x2000  }
0x2f: {  	[sflag:s24] =	ssyncset.done $0x0  }
0x30: {  	s28 =	simm.s32 $0x200;
	[sflag:s24] =	ssyncadd.s32 $0xFFFFE000  }
0x31: {  	[tilespmem:s15], [sflag:$0x1] =	stream.indirect.gather [hbm4b:s4+s14], $0x40, s28, s14, $0xb8;
	[tilespmem:$0x16E00] =	vst v63  }
0x32: {  	_ =	swait.ge [sflag:s26], $0x2000  }
0x33: {  	[sflag:s26] =	ssyncset.done $0x0  }
0x34: {  	s25 =	simm.s32 $0x2900;
	[sflag:s26] =	ssyncadd.s32 $0xFFFFE000  }
0x35: {  	[spmem:s2] =	stream.indirect.scatter.add.f32 [tilespmem:s18], [sflag:$0x7], $0x40, s25, s14, $0xb8;
	[tilespmem:$0x16E00] =	vst v63  }
0x36: {  	_ =	swait.ge [sflag:s29], $0x2000  }
0x37: {  	[sflag:s29] =	ssyncset.done $0x0  }
0x38: {  	s28 =	simm.s32 $0x280;
	[sflag:s29] =	ssyncadd.s32 $0xFFFFE000  }
0x39: {  	[tilespmem:s16], [sflag:$0x2] =	stream.indirect.gather [hbm4b:s4+s14], $0x40, s28, s14, $0xb8;
	[tilespmem:$0x16E00] =	vst v63  }
0x3a: {  	_ =	swait.ge [sflag:s31], $0x2000  }
0x3b: {  	[sflag:s31] =	ssyncset.done $0x0  }
0x3c: {  	s25 =	simm.s32 $0x2980;
	[sflag:s31] =	ssyncadd.s32 $0xFFFFE000  }
0x3d: {  	[spmem:s2] =	stream.indirect.scatter.add.f32 [tilespmem:s21], [sflag:$0x8], $0x40, s25, s14, $0xb8;
	[tilespmem:$0x16E00] =	vst v63  }
0x3e: {  	_ =	swait.ge [sflag:s0], $0x2000  }
0x3f: {  	[sflag:s0] =	ssyncset.done $0x0  }
0x40: {  	s28 =	simm.s32 $0x300;
	[sflag:s0] =	ssyncadd.s32 $0xFFFFE000  }
0x41: {  	[tilespmem:s18], [sflag:$0x3] =	stream.indirect.gather [hbm4b:s4+s14], $0x40, s28, s14, $0xb8;
	[tilespmem:$0x16E00] =	vst v63  }
0x42: {  	_ =	swait.ge [sflag:s19], $0x2000  }
0x43: {  	[sflag:s19] =	ssyncset.done $0x0  }
0x44: {  	s25 =	simm.s32 $0x2A00;
	[sflag:s19] =	ssyncadd.s32 $0xFFFFE000  }
0x45: {  	[spmem:s2] =	stream.indirect.scatter.add.f32 [tilespmem:s15], [sflag:$0x5], $0x40, s25, s14, $0xb8;
	[tilespmem:$0x16E00] =	vst v63  }
0x46: {  	_ =	swait.ge [sflag:s17], $0x2000  }
0x47: {  	[sflag:s17] =	ssyncset.done $0x0  }
0x48: {  	s28 =	simm.s32 $0x380;
	[sflag:s17] =	ssyncadd.s32 $0xFFFFE000  }
0x49: {  	[tilespmem:s21], [sflag:$0x4] =	stream.indirect.gather [hbm4b:s4+s14], $0x40, s28, s14, $0xb8;
	[tilespmem:$0x16E00] =	vst v63  }
0x4a: {  	_ =	swait.ge [sflag:s22], $0x2000  }
0x4b: {  	[sflag:s22] =	ssyncset.done $0x0  }
0x4c: {  	s25 =	simm.s32 $0x2A80;
	[sflag:s22] =	ssyncadd.s32 $0xFFFFE000  }
0x4d: {  	[spmem:s2] =	stream.indirect.scatter.add.f32 [tilespmem:s16], [sflag:$0x6], $0x40, s25, s14, $0xb8;
	[tilespmem:$0x16E00] =	vst v63  }
0x4e: {  	_ =	swait.ge [sflag:s24], $0x2000  }
0x4f: {  	[sflag:s24] =	ssyncset.done $0x0  }
0x50: {  	s28 =	simm.s32 $0x400;
	[sflag:s24] =	ssyncadd.s32 $0xFFFFE000  }
0x51: {  	[tilespmem:s15], [sflag:$0x1] =	stream.indirect.gather [hbm4b:s4+s14], $0x40, s28, s14, $0xb8;
	[tilespmem:$0x16E00] =	vst v63  }
0x52: {  	_ =	swait.ge [sflag:s26], $0x2000  }
0x53: {  	[sflag:s26] =	ssyncset.done $0x0  }
0x54: {  	s25 =	simm.s32 $0x2B00;
	[sflag:s26] =	ssyncadd.s32 $0xFFFFE000  }
0x55: {  	[spmem:s2] =	stream.indirect.scatter.add.f32 [tilespmem:s18], [sflag:$0x7], $0x40, s25, s14, $0xb8;
	[tilespmem:$0x16E00] =	vst v63  }
0x56: {  	_ =	swait.ge [sflag:s29], $0x2000  }
0x57: {  	[sflag:s29] =	ssyncset.done $0x0  }
0x58: {  	s28 =	simm.s32 $0x480;
	[sflag:s29] =	ssyncadd.s32 $0xFFFFE000  }
0x59: {  	[tilespmem:s16], [sflag:$0x2] =	stream.indirect.gather [hbm4b:s4+s14], $0x40, s28, s14, $0xb8;
	[tilespmem:$0x16E00] =	vst v63  }
0x5a: {  	_ =	swait.ge [sflag:s31], $0x2000  }
0x5b: {  	[sflag:s31] =	ssyncset.done $0x0  }
0x5c: {  	s23 =	simm.s32 $0x800;
	s25 =	simm.s32 $0x2B80;
	[sflag:s31] =	ssyncadd.s32 $0xFFFFE000  }
.LBB2_2:
0x5d: {  	[spmem:s2] =	stream.indirect.scatter.add.f32 [tilespmem:s21], [sflag:$0x8], $0x40, s25, s14, $0xb8;
	[tilespmem:$0x16E00] =	vst v63  }
0x5e: {  	s25 =	smov.u32 s23  }
0x5f: {  	p0 =	sne.s32 s23, $0x8800;
	s23 =	sadd.s32 $0x800, s23;
	_ =	swait.ge [sflag:s0], $0x2000  }
0x60: {  	s25 =	sshra.s32 s25, $0x2;
	[sflag:s0] =	ssyncset.done $0x0  }
0x61: {  	s28 =	sadd.s32 $0x300, s25;
	[sflag:s0] =	ssyncadd.s32 $0xFFFFE000  }
0x62: {  	[tilespmem:s18], [sflag:$0x3] =	stream.indirect.gather [hbm4b:s4+s14], $0x40, s28, s14, $0xb8;
	[tilespmem:$0x16E00] =	vst v63  }
0x63: {  	_ =	swait.ge [sflag:s19], $0x2000  }
0x64: {  	[sflag:s19] =	ssyncset.done $0x0  }
0x65: {  	s28 =	sadd.s32 $0x2A00, s25;
	[sflag:s19] =	ssyncadd.s32 $0xFFFFE000  }
0x66: {  	[spmem:s2] =	stream.indirect.scatter.add.f32 [tilespmem:s15], [sflag:$0x5], $0x40, s28, s14, $0xb8;
	[tilespmem:$0x16E00] =	vst v63  }
0x67: {  	_ =	swait.ge [sflag:s17], $0x2000  }
0x68: {  	[sflag:s17] =	ssyncset.done $0x0  }
0x69: {  	s28 =	sadd.s32 $0x380, s25;
	[sflag:s17] =	ssyncadd.s32 $0xFFFFE000  }
0x6a: {  	[tilespmem:s21], [sflag:$0x4] =	stream.indirect.gather [hbm4b:s4+s14], $0x40, s28, s14, $0xb8;
	[tilespmem:$0x16E00] =	vst v63  }
0x6b: {  	_ =	swait.ge [sflag:s22], $0x2000  }
0x6c: {  	[sflag:s22] =	ssyncset.done $0x0  }
0x6d: {  	s28 =	sadd.s32 $0x2A80, s25;
	[sflag:s22] =	ssyncadd.s32 $0xFFFFE000  }
0x6e: {  	[spmem:s2] =	stream.indirect.scatter.add.f32 [tilespmem:s16], [sflag:$0x6], $0x40, s28, s14, $0xb8;
	[tilespmem:$0x16E00] =	vst v63  }
0x6f: {  	_ =	swait.ge [sflag:s24], $0x2000  }
0x70: {  	[sflag:s24] =	ssyncset.done $0x0  }
0x71: {  	s28 =	sadd.s32 $0x400, s25;
	[sflag:s24] =	ssyncadd.s32 $0xFFFFE000  }
0x72: {  	[tilespmem:s15], [sflag:$0x1] =	stream.indirect.gather [hbm4b:s4+s14], $0x40, s28, s14, $0xb8;
	[tilespmem:$0x16E00] =	vst v63  }
0x73: {  	_ =	swait.ge [sflag:s26], $0x2000  }
0x74: {  	[sflag:s26] =	ssyncset.done $0x0  }
0x75: {  	s28 =	sadd.s32 $0x2B00, s25;
	[sflag:s26] =	ssyncadd.s32 $0xFFFFE000  }
0x76: {  	[spmem:s2] =	stream.indirect.scatter.add.f32 [tilespmem:s18], [sflag:$0x7], $0x40, s28, s14, $0xb8;
	[tilespmem:$0x16E00] =	vst v63  }
0x77: {  	_ =	swait.ge [sflag:s29], $0x2000  }
0x78: {  	[sflag:s29] =	ssyncset.done $0x0  }
.Ltmp0:
0x79: {  	s28 =	sadd.s32 $0x480, s25;
	[sflag:s29] =	ssyncadd.s32 $0xFFFFE000;
	(pc) =	sbr.rel @p0 .LBB2_2-.Ltmp0, $4  }
0x7a: {  	[tilespmem:s16], [sflag:$0x2] =	stream.indirect.gather [hbm4b:s4+s14], $0x40, s28, s14, $0xb8;
	[tilespmem:$0x16E00] =	vst v63  }
0x7b: {  	_ =	swait.ge [sflag:s31], $0x2000  }
0x7c: {  	[sflag:s31] =	ssyncset.done $0x0  }
0x7d: {  	s25 =	sadd.s32 $0x2B80, s25;
	[sflag:s31] =	ssyncadd.s32 $0xFFFFE000  }
0x7e: {  	[spmem:s2] =	stream.indirect.scatter.add.f32 [tilespmem:s21], [sflag:$0x8], $0x40, s25, s14, $0xb8;
	[tilespmem:$0x16E00] =	vst v63  }
0x7f: {  	_ =	swait.ge [sflag:s0], $0x2000  }
0x80: {  	[sflag:s0] =	ssyncset.done $0x0  }
0x81: {  	s23 =	simm.s32 $0x2700;
	[sflag:s0] =	ssyncadd.s32 $0xFFFFE000  }
0x82: {  	[tilespmem:s18], [sflag:$0x3] =	stream.indirect.gather [hbm4b:s4+s14], $0x40, s23, s14, $0xb8;
	[tilespmem:$0x16E00] =	vst v63  }
0x83: {  	_ =	swait.ge [sflag:s19], $0x2000  }
0x84: {  	[sflag:s19] =	ssyncset.done $0x0  }
0x85: {  	s28 =	simm.s32 $0x4E00;
	[sflag:s19] =	ssyncadd.s32 $0xFFFFE000  }
0x86: {  	[spmem:s2] =	stream.indirect.scatter.add.f32 [tilespmem:s15], [sflag:$0x5], $0x40, s28, s14, $0xb8;
	[tilespmem:$0x16E00] =	vst v63  }
0x87: {  	_ =	swait.ge [sflag:s17], $0x2000  }
0x88: {  	[sflag:s17] =	ssyncset.done $0x0  }
0x89: {  	s25 =	simm.s32 $0x2780;
	[sflag:s17] =	ssyncadd.s32 $0xFFFFE000  }
0x8a: {  	[tilespmem:s21], [sflag:$0x4] =	stream.indirect.gather [hbm4b:s4+s14], $0x40, s25, s14, $0xb8;
	[tilespmem:$0x16E00] =	vst v63  }
0x8b: {  	_ =	swait.ge [sflag:s22], $0x2000  }
0x8c: {  	[sflag:s22] =	ssyncset.done $0x0  }
0x8d: {  	s28 =	simm.s32 $0x4E80;
	[sflag:s22] =	ssyncadd.s32 $0xFFFFE000  }
0x8e: {  	[spmem:s2] =	stream.indirect.scatter.add.f32 [tilespmem:s16], [sflag:$0x6], $0x40, s28, s14, $0xb8;
	[tilespmem:$0x16E00] =	vst v63  }
0x8f: {  	_ =	swait.ge [sflag:s24], $0x2000  }
0x90: {  	[sflag:s24] =	ssyncset.done $0x0  }
0x91: {  	[sflag:s24] =	ssyncadd.s32 $0xFFFFE000  }
0x92: {  	_ =	swait.ge [sflag:s26], $0x2000  }
0x93: {  	[sflag:s26] =	ssyncset.done $0x0  }
0x94: {  	[sflag:s26] =	ssyncadd.s32 $0xFFFFE000  }
0x95: {  	[spmem:s2] =	stream.indirect.scatter.add.f32 [tilespmem:s18], [sflag:$0x7], $0x40, s30, s14, $0xb8;
	[tilespmem:$0x16E00] =	vst v63  }
0x96: {  	_ =	swait.ge [sflag:s29], $0x2000  }
0x97: {  	[sflag:s29] =	ssyncset.done $0x0  }
0x98: {  	[sflag:s29] =	ssyncadd.s32 $0xFFFFE000  }
0x99: {  	_ =	swait.ge [sflag:s31], $0x2000  }
0x9a: {  	[sflag:s31] =	ssyncset.done $0x0  }
0x9b: {  	[sflag:s31] =	ssyncadd.s32 $0xFFFFE000  }
0x9c: {  	[spmem:s2] =	stream.indirect.scatter.add.f32 [tilespmem:s21], [sflag:$0x8], $0x40, s1, s14, $0xb8;
	[tilespmem:$0x16E00] =	vst v63  }
0x9d: {  	_ =	swait.ge [sflag:s0], $0x2000  }
0x9e: {  	[sflag:s0] =	ssyncset.done $0x0  }
0x9f: {  	[sflag:s0] =	ssyncadd.s32 $0xFFFFE000  }
0xa0: {  	_ =	swait.ge [sflag:s17], $0x2000  }
0xa1: {  	s20 =	sadd.s32 $0x1, s20;
	[sflag:s17] =	ssyncset.done $0x0  }
0xa2: {  	p0 =	sne.s32 s20, s10;
	[sflag:s17] =	ssyncadd.s32 $0xFFFFE000  }
.Ltmp1:
0xa3: {  	[bflag:$0x0] =	sbarrier.arrive $0xFFFF;
	(pc) =	sbr.rel @p0 .LBB2_1-.Ltmp1, $4  }
0xa4: {  	[hbm:s9], [sflag:s6] =	dma.local [spmem:s11], $0x13C0  }
0xa5: {  	_ =	swait.ge [sflag:s12], $0x13C0  }
0xa6: {  	[sflag:s12] =	ssyncset.done $0x0  }
0xa7: {  	[sflag:s12] =	ssyncadd.s32 $0xFFFFEC40  }
0xa8: {  	_ =	sfence.sel $0x180000  }
0xa9: {  	[bflag:$0x0] =	sbarrier.arrive $0xFFFF  }
0xaa: {  	_ =	strace $0x90000050  }
0xab: {  	s0 =	stileid.u32;
	[bflag:$0x2] =	sbarrier.arrive $0xFFFF  }
0xac: {  	p0 =	sne.s32 s0, $0x0;
	s0 =	rddreg [dreg:$0x2]  }
0xad: {  	s0 =	sadd.s32 @!p0 $0x100000, s0  }
0xae: {  	[sflag:s0] =	ssyncadd.tile.s32 @!p0 $0x1;
	_ =	shalt  }
.Lfunc_end2:
_tile_overlayer_lowered:
.L_overlay_start_2:
0xaf: {  	(tag) =	ssettag $0x2  }
0xb0: {  	s0 =	rddreg [dreg:$0x0];
	s2 =	stileid.u32  }
0xb1: {  	s1 =	rddreg [dreg:$0x1];
	p0 =	sne.s32 s2, $0x0  }
0xb2: {  	s3 =	rddreg [dreg:$0x2];
	[bflag:$0x3] =	sbarrier.arrive $0xFFFF;
	s2 =	simm.s32 @!p0 $0x1C09  }
0xb3: {  	[timem:s3], [sflag:s2] =	dma.local @!p0 [hbm:s0], s1  }
0xb4: {  	s0 =	simm.s32 @!p0 $0x9  }
0xb5: {  	_ =	swait.ge @!p0 [sflag:s0], s1  }
0xb6: {  	s1 =	ssub.s32 @!p0 $0x0, s1;
	[sflag:s0] =	ssyncset.done @!p0 $0x0  }
0xb7: {  	[sflag:s0] =	ssyncadd.s32 @!p0 s1  }
0xb8: {  	[bflag:$0x3] =	sbarrier.arrive $0xFFFF  }
0xb9: {  	_ =	shalt  }

</sc_bundles>
